<compile_context>
chip_gen: v7x
topology: tpu7x:2x2x1
jax: 0.10.2.dev20260603
libtpu: 0.0.44.dev20260713+nightly
codegen_flags: <defaults>
</compile_context>

<pallas_src>
import functools

import jax
import jax.numpy as jnp
from jax import lax
from jax.experimental import pallas as pl
from jax.experimental.pallas import tpu as pltpu
from jax.experimental.pallas import tpu_sc as plsc

N = 10000
E = 320000
D_IN = 128
D_HID = 16
D_OUT = 128

NC = 2
NS = 16
NW = NC * NS
EPW = E // NW
CH = 80
NCH = EPW // CH
K = 25
SB = K * CH
NSB = NCH // K
RPT = N // NS
DPT = 640
NP = NS * DPT

_mesh = plsc.VectorSubcoreMesh(core_axis_name="c", subcore_axis_name="s")
_sc_params = pltpu.CompilerParams(use_tc_tiling_on_sc=False)


def _fill_rows(buf, nrows, value):
    vec = jnp.full((16,), value, jnp.float32)

    def body(i, _):
        buf[i] = vec
        return 0

    lax.fori_loop(0, nrows, body, 0)


def _fill_flat(buf, n, value):
    vec = jnp.full((16,), value, jnp.float32)
    for j in range(n // 16):
        buf[pl.ds(j * 16, 16)] = vec


@functools.partial(
    pl.kernel,
    mesh=_mesh,
    compiler_params=_sc_params,
    out_type=jax.ShapeDtypeStruct((NC, NP), jnp.float32),
    scratch_types=[
        pltpu.VMEM((NCH, CH), jnp.int32),
        pltpu.VMEM((CH,), jnp.float32),
        pltpu.VMEM((DPT,), jnp.float32),
        pltpu.VMEM_SHARED((NP,), jnp.float32),
        pltpu.SemaphoreType.DMA,
    ],
)
def _sc_hist_src(src_hbm, out_hbm, idx_v, ones_v, stage_v, acc_sh, sem_s):
    c = lax.axis_index("c")
    s = lax.axis_index("s")
    wid = s * NC + c
    _fill_flat(stage_v, DPT, 0.0)
    _fill_flat(ones_v, CH, 1.0)
    pltpu.sync_copy(stage_v, acc_sh.at[pl.ds(s * DPT, DPT)])
    plsc.subcore_barrier()
    pltpu.sync_copy(src_hbm.at[pl.ds(wid * NCH, NCH)], idx_v)

    def fire(j, _):
        pltpu.async_copy(ones_v, acc_sh.at[idx_v.at[j]], sem_s, add=True)
        return 0

    lax.fori_loop(0, NCH, fire, 0)
    for _ in range(EPW // DPT):
        pltpu.make_async_copy(src_hbm.at[pl.ds(0, DPT // CH)], stage_v,
                              sem_s).wait()
    pltpu.make_async_copy(src_hbm.at[pl.ds(0, (EPW % DPT) // CH)],
                          stage_v.at[pl.ds(0, EPW % DPT)], sem_s).wait()
    plsc.subcore_barrier()
    pltpu.sync_copy(acc_sh.at[pl.ds(s * DPT, DPT)], stage_v)
    pltpu.sync_copy(stage_v, out_hbm.at[c, pl.ds(s * DPT, DPT)])


def _make_sc_seg(with_hist):
    out_type = [jax.ShapeDtypeStruct((NC, N, 16), jnp.float32)]
    scratch = [
        pltpu.VMEM((NCH, CH), jnp.int32),
        pltpu.VMEM((NCH, CH), jnp.int32),
        pltpu.VMEM((SB, 16), jnp.float32),
        pltpu.VMEM((SB, 16), jnp.float32),
        pltpu.VMEM((RPT, 16), jnp.float32),
        pltpu.VMEM_SHARED((N, 16), jnp.float32),
        pltpu.SemaphoreType.DMA,
        pltpu.SemaphoreType.DMA,
        pltpu.SemaphoreType.DMA,
        pltpu.SemaphoreType.DMA,
    ]
    if with_hist:
        out_type = out_type + [jax.ShapeDtypeStruct((NC, NP), jnp.float32)]
        scratch = scratch + [
            pltpu.VMEM((CH,), jnp.float32),
            pltpu.VMEM((DPT,), jnp.float32),
            pltpu.VMEM_SHARED((NP,), jnp.float32),
            pltpu.SemaphoreType.DMA,
        ]

    @functools.partial(
        pl.kernel,
        mesh=_mesh,
        compiler_params=_sc_params,
        out_type=out_type,
        scratch_types=scratch,
    )
    def _seg(table_hbm, src_hbm, dst_hbm, *refs):
        if with_hist:
            (out_hbm, hist_hbm, sidx, didx, rows_a, rows_b, stage_v, acc_sh,
             sem_ga, sem_gb, sem_sa, sem_sb, ones_v, hstage_v, hacc_sh,
             sem_h) = refs
        else:
            (out_hbm, sidx, didx, rows_a, rows_b, stage_v, acc_sh,
             sem_ga, sem_gb, sem_sa, sem_sb) = refs
        c = lax.axis_index("c")
        s = lax.axis_index("s")
        wid = s * NC + c
        _fill_rows(stage_v, RPT, 0.0)
        pltpu.sync_copy(stage_v, acc_sh.at[pl.ds(s * RPT, RPT)])
        if with_hist:
            _fill_flat(ones_v, CH, 1.0)
            _fill_flat(hstage_v, DPT, 0.0)
            pltpu.sync_copy(hstage_v, hacc_sh.at[pl.ds(s * DPT, DPT)])
        plsc.subcore_barrier()
        pltpu.sync_copy(src_hbm.at[pl.ds(wid * NCH, NCH)], sidx)
        pltpu.sync_copy(dst_hbm.at[pl.ds(wid * NCH, NCH)], didx)

        def fire_g(sb, rows_buf, sem):
            def f(k, _):
                pltpu.async_copy(table_hbm.at[sidx.at[sb * K + k]],
                                 rows_buf.at[pl.ds(k * CH, CH)], sem)
                return 0
            lax.fori_loop(0, K, f, 0)

        def fire_s(sb, rows_buf, sem):
            def f(k, _):
                pltpu.async_copy(rows_buf.at[pl.ds(k * CH, CH)],
                                 acc_sh.at[didx.at[sb * K + k]], sem,
                                 add=True)
                if with_hist:
                    pltpu.async_copy(ones_v, hacc_sh.at[didx.at[sb * K + k]],
                                     sem_h, add=True)
                return 0
            lax.fori_loop(0, K, f, 0)

        def drain(sem):
            for _ in range(SB // RPT):
                pltpu.make_async_copy(table_hbm.at[pl.ds(0, RPT)], stage_v,
                                      sem).wait()
            pltpu.make_async_copy(table_hbm.at[pl.ds(0, SB % RPT)],
                                  stage_v.at[pl.ds(0, SB % RPT)], sem).wait()

        bufs = (rows_a, rows_b)
        sems_g = (sem_ga, sem_gb)
        sems_s = (sem_sa, sem_sb)

        fire_g(0, bufs[0], sems_g[0])
        for sb in range(NSB):
            p, q = sb % 2, (sb + 1) % 2
            if sb >= 1:
                drain(sems_s[q])
            if sb < NSB - 1:
                fire_g(sb + 1, bufs[q], sems_g[q])
            drain(sems_g[p])
            fire_s(sb, bufs[p], sems_s[p])
        drain(sems_s[(NSB - 1) % 2])
        if with_hist:
            for _ in range(EPW // DPT):
                pltpu.make_async_copy(src_hbm.at[pl.ds(0, DPT // CH)],
                                      hstage_v, sem_h).wait()
            pltpu.make_async_copy(src_hbm.at[pl.ds(0, (EPW % DPT) // CH)],
                                  hstage_v.at[pl.ds(0, EPW % DPT)],
                                  sem_h).wait()

        plsc.subcore_barrier()
        pltpu.sync_copy(acc_sh.at[pl.ds(s * RPT, RPT)], stage_v)
        pltpu.sync_copy(stage_v, out_hbm.at[c, pl.ds(s * RPT, RPT)])
        if with_hist:
            pltpu.sync_copy(hacc_sh.at[pl.ds(s * DPT, DPT)], hstage_v)
            pltpu.sync_copy(hstage_v, hist_hbm.at[c, pl.ds(s * DPT, DPT)])

    return _seg


_sc_seg_hist = _make_sc_seg(True)
_sc_seg = _make_sc_seg(False)


def _norm(deg_parts):
    deg = (deg_parts[0, :N] + deg_parts[1, :N]).reshape(N, 1)
    return lax.rsqrt(jnp.maximum(deg, 1.0))


def _tca_body(ds_ref, feat_ref, w1_ref, out_ref):
    nrm = _norm(ds_ref[...])
    out_ref[...] = jnp.dot(feat_ref[...] * nrm, w1_ref[...],
                           preferred_element_type=jnp.float32)


def _tcb_body(a_ref, dd_ref, ds_ref, b1_ref, out_ref):
    agg = (a_ref[0] + a_ref[1]) * _norm(dd_ref[...])
    z = jnp.maximum(agg + b1_ref[...], 0.0)
    out_ref[...] = z * _norm(ds_ref[...])


def _tcc_body(a_ref, dd_ref, w2_ref, b2_ref, out_ref):
    agg = (a_ref[0] + a_ref[1]) * _norm(dd_ref[...])
    out_ref[...] = jnp.dot(agg, w2_ref[...],
                           preferred_element_type=jnp.float32) + b2_ref[...]


_tca = pl.pallas_call(
    _tca_body,
    out_shape=jax.ShapeDtypeStruct((N, D_HID), jnp.float32),
)

_tcb = pl.pallas_call(
    _tcb_body,
    out_shape=jax.ShapeDtypeStruct((N, D_HID), jnp.float32),
)

_tcc = pl.pallas_call(
    _tcc_body,
    out_shape=jax.ShapeDtypeStruct((N, D_OUT), jnp.float32),
)


@jax.jit
def kernel(feat, edge_index, W1, b1, W2, b2):
    src = edge_index[0].reshape(NW * NCH, CH)
    dst = edge_index[1].reshape(NW * NCH, CH)
    deg_src = _sc_hist_src(src)
    h1 = _tca(deg_src, feat, W1)
    agg1, deg_dst = _sc_seg_hist(h1, src, dst)
    z = _tcb(agg1, deg_dst, deg_src, b1.reshape(1, D_HID))
    (agg2,) = _sc_seg(z, src, dst)
    out = _tcc(agg2, deg_dst, W2, b2.reshape(1, D_OUT))
    return out

# --- scband reference (transcript-rebuilt; emitter-appended) ---
"""Pipeline reference for scband-gcn-64063732187466 (READ-ONLY COPY).

The authoritative reference and input builder live on the scoring server;
editing this copy changes nothing except your own understanding.
"""

import jax, jax.numpy as jnp
import numpy as np

N = 10000
E = 320000
D_IN = 128
D_HID = 16
D_OUT = 128


def setup_inputs(seed: int = 0) -> dict:
    key = jax.random.key(seed)
    k1, k2, k3, k4, k5, k6 = jax.random.split(key, 6)
    feat = jax.random.normal(k1, (N, D_IN), dtype=jnp.float32)
    edge_index = jax.random.randint(k2, (2, E), 0, N, dtype=jnp.int32)
    # glorot-uniform style init for GraphConv weights
    lim1 = float(np.sqrt(6.0 / (D_IN + D_HID)))
    W1 = jax.random.uniform(k3, (D_IN, D_HID), dtype=jnp.float32, minval=-lim1, maxval=lim1)
    b1 = jnp.zeros((D_HID,), dtype=jnp.float32)
    lim2 = float(np.sqrt(6.0 / (D_HID + D_OUT)))
    W2 = jax.random.uniform(k4, (D_HID, D_OUT), dtype=jnp.float32, minval=-lim2, maxval=lim2)
    b2 = jnp.zeros((D_OUT,), dtype=jnp.float32)
    return {"feat": feat, "edge_index": edge_index, "W1": W1, "b1": b1, "W2": W2, "b2": b2}


def _graph_conv(feat, src, dst, W, b, activation):
    # DGL GraphConv with norm='both':
    #   scale src messages by 1/sqrt(out_deg(src)), aggregate (sum),
    #   then scale by 1/sqrt(in_deg(dst)).
    ones = jnp.ones((src.shape[0],), dtype=jnp.float32)
    out_deg = jax.ops.segment_sum(ones, src, num_segments=N)
    in_deg = jax.ops.segment_sum(ones, dst, num_segments=N)
    out_deg = jnp.clip(out_deg, 1.0, None)
    in_deg = jnp.clip(in_deg, 1.0, None)
    norm_src = jax.lax.rsqrt(out_deg)
    norm_dst = jax.lax.rsqrt(in_deg)
    h = feat * norm_src[:, None]
    h = h @ W
    msg = jnp.take(h, src, axis=0)
    agg = jax.ops.segment_sum(msg, dst, num_segments=N)
    agg = agg * norm_dst[:, None]
    agg = agg + b
    if activation is not None:
        agg = activation(agg)
    return agg


def reference(feat, edge_index, W1, b1, W2, b2):
    # GCN forward in eval mode (dropout is identity).
    src = edge_index[0]
    dst = edge_index[1]
    h = _graph_conv(feat, src, dst, W1, b1, jax.nn.relu)
    out = _graph_conv(h, src, dst, W2, b2, None)
    return out

if __name__ == "__main__":
    import jax
    _d = setup_inputs()
    print(jax.jit(kernel)(*tuple(_d.values())))

</pallas_src>

<mosaic_0001>
#map = affine_map<(d0, d1) -> (0, 0)>
#map1 = affine_map<(d0, d1) -> (0, 0, 0)>
module attributes {stable_mosaic.version = 14 : i64} {
  func.func @_seg(%arg0: i32, %arg1: i32, %arg2: memref<10000x16xf32, #tpu.memory_space<hbm>>, %arg3: memref<4000x80xi32, #tpu.memory_space<hbm>>, %arg4: memref<4000x80xi32, #tpu.memory_space<hbm>>, %arg5: memref<2x10000x16xf32, #tpu.memory_space<hbm>>, %arg6: memref<2x10240xf32, #tpu.memory_space<hbm>>, %arg7: memref<125x80xi32, #tpu.memory_space<vmem>>, %arg8: memref<125x80xi32, #tpu.memory_space<vmem>>, %arg9: memref<2000x16xf32, #tpu.memory_space<vmem>>, %arg10: memref<2000x16xf32, #tpu.memory_space<vmem>>, %arg11: memref<625x16xf32, #tpu.memory_space<vmem>>, %arg12: memref<10000x16xf32, #tpu.memory_space<vmem_shared>>, %arg13: memref<!tpu.dma_semaphore, #tpu.memory_space<semaphore_mem>>, %arg14: memref<!tpu.dma_semaphore, #tpu.memory_space<semaphore_mem>>, %arg15: memref<!tpu.dma_semaphore, #tpu.memory_space<semaphore_mem>>, %arg16: memref<!tpu.dma_semaphore, #tpu.memory_space<semaphore_mem>>, %arg17: memref<80xf32, #tpu.memory_space<vmem>>, %arg18: memref<640xf32, #tpu.memory_space<vmem>>, %arg19: memref<10240xf32, #tpu.memory_space<vmem_shared>>, %arg20: memref<!tpu.dma_semaphore, #tpu.memory_space<semaphore_mem>>) attributes {dimension_semantics = [#tpu.dimension_semantics<core_parallel>, #tpu.dimension_semantics<subcore_parallel>], iteration_bounds = array<i64: 2, 16>, scalar_prefetch = 0 : i64, scratch_operands = 14 : i64, tpu.core_type = #tpu.core_type<sc_vector_subcore>, window_params = [{transform_indices = #map}, {transform_indices = #map}, {transform_indices = #map}, {transform_indices = #map1}, {transform_indices = #map}]} {
    %mul3A = arith.constant 2 : i32
    %mul3A_0 = arith.muli %arg1, %mul3A : i32
    %add3A = arith.addi %mul3A_0, %arg0 : i32
    %broadcast_in_dim3A = arith.constant 0.000000e+00 : f32
    %broadcast_in_dim3A_1 = vector.broadcast %broadcast_in_dim3A : f32 to vector<16xf32>
    %scan3A = arith.constant 0 : i32
    %scan3A_2 = arith.constant 0 : i32
    %scan3A_3 = arith.constant 625 : i32
    %scan3A_4 = arith.addi %scan3A_2, %scan3A_3 : i32
    %scan3A_5 = arith.constant 1 : i32
    %scan3A_6 = scf.for %scan3A_677 = %scan3A_2 to %scan3A_4 step %scan3A_5 iter_args(%scan3A_678 = %scan3A) -> (i32)  : i32 {
      %swap3A_679 = arith.index_cast %scan3A_677 : i32 to index
      %swap3A_680 = arith.constant 0 : index
      %swap3A_681 = tpu.vector_load %arg11[%swap3A_679, %swap3A_680] {strides = array<i32>} : memref<625x16xf32, #tpu.memory_space<vmem>>, vector<1x16xf32>,
      %swap3A_682 = vector.shape_cast %swap3A_681 : vector<1x16xf32> to vector<16xf32>
      %swap3A_683 = vector.shape_cast %broadcast_in_dim3A_1 : vector<16xf32> to vector<1x16xf32>
      tpu.vector_store %arg11[%swap3A_679, %swap3A_680], %swap3A_683 {strides = array<i32>} : memref<625x16xf32, #tpu.memory_space<vmem>>, vector<1x16xf32>,
      %scan3A_684 = arith.constant 0 : i32
      scf.yield %scan3A_684 : i32
    }
    %scan3A_7 = arith.constant 625 : i32
    %mul3A_8 = arith.constant 625 : i32
    %mul3A_9 = arith.muli %arg1, %mul3A_8 : i32
    "tpu.region"() ({
      %run_scoped3A = tpu.sem_alloc : memref<!tpu.dma_semaphore, #tpu.memory_space<semaphore_mem>>
      %dma_start3A = arith.constant 0 : i32
      %dma_start3A_677 = tpu.memref_slice %arg12[%mul3A_9, %dma_start3A] : memref<10000x16xf32, #tpu.memory_space<vmem_shared>> -> memref<625x16xf32, #tpu.memory_space<vmem_shared>>
      %dma_start3A_678 = arith.constant 0 : i32
      %dma_start3A_679 = tpu.memref_slice %arg12[%mul3A_9, %dma_start3A_678] : memref<10000x16xf32, #tpu.memory_space<vmem_shared>> -> memref<625x16xf32, #tpu.memory_space<vmem_shared>>
      tpu.enqueue_dma source(%arg11 : memref<625x16xf32, #tpu.memory_space<vmem>>) target(%dma_start3A_679 : memref<625x16xf32, #tpu.memory_space<vmem_shared>>) target_semaphore(%run_scoped3A : memref<!tpu.dma_semaphore, #tpu.memory_space<semaphore_mem>>)
      %dma_wait3A_680 = arith.constant 0 : i32
      %dma_wait3A_681 = tpu.memref_slice %arg12[%mul3A_9, %dma_wait3A_680] : memref<10000x16xf32, #tpu.memory_space<vmem_shared>> -> memref<625x16xf32, #tpu.memory_space<vmem_shared>>
      %dma_wait3A_682 = arith.constant 0 : i32
      %dma_wait3A_683 = tpu.memref_slice %arg12[%mul3A_9, %dma_wait3A_682] : memref<10000x16xf32, #tpu.memory_space<vmem_shared>> -> memref<625x16xf32, #tpu.memory_space<vmem_shared>>
      tpu.wait_dma2 semaphore(%run_scoped3A : memref<!tpu.dma_semaphore, #tpu.memory_space<semaphore_mem>>) src(%arg11 : memref<625x16xf32, #tpu.memory_space<vmem>>) dst(%dma_wait3A_683 : memref<625x16xf32, #tpu.memory_space<vmem_shared>>)
      tpu.yield
    }) : () -> ()
    %broadcast_in_dim3A_10 = arith.constant 1.000000e+00 : f32
    %broadcast_in_dim3A_11 = vector.broadcast %broadcast_in_dim3A_10 : f32 to vector<16xf32>
    %swap3A = arith.constant 0 : index
    %swap3A_12 = tpu.vector_load %arg17[%swap3A] {strides = array<i32>} : memref<80xf32, #tpu.memory_space<vmem>>, vector<16xf32>,
    %swap3A_13 = vector.shape_cast %swap3A_12 : vector<16xf32> to vector<16xf32>
    %swap3A_14 = vector.shape_cast %broadcast_in_dim3A_11 : vector<16xf32> to vector<16xf32>
    tpu.vector_store %arg17[%swap3A], %swap3A_14 {strides = array<i32>} : memref<80xf32, #tpu.memory_space<vmem>>, vector<16xf32>,
    %swap3A_15 = arith.constant 16 : index
    %swap3A_16 = tpu.vector_load %arg17[%swap3A_15] {strides = array<i32>} : memref<80xf32, #tpu.memory_space<vmem>>, vector<16xf32>,
    %swap3A_17 = vector.shape_cast %swap3A_16 : vector<16xf32> to vector<16xf32>
    %swap3A_18 = vector.shape_cast %broadcast_in_dim3A_11 : vector<16xf32> to vector<16xf32>
    tpu.vector_store %arg17[%swap3A_15], %swap3A_18 {strides = array<i32>} : memref<80xf32, #tpu.memory_space<vmem>>, vector<16xf32>,
    %swap3A_19 = arith.constant 32 : index
    %swap3A_20 = tpu.vector_load %arg17[%swap3A_19] {strides = array<i32>} : memref<80xf32, #tpu.memory_space<vmem>>, vector<16xf32>,
    %swap3A_21 = vector.shape_cast %swap3A_20 : vector<16xf32> to vector<16xf32>
    %swap3A_22 = vector.shape_cast %broadcast_in_dim3A_11 : vector<16xf32> to vector<16xf32>
    tpu.vector_store %arg17[%swap3A_19], %swap3A_22 {strides = array<i32>} : memref<80xf32, #tpu.memory_space<vmem>>, vector<16xf32>,
    %swap3A_23 = arith.constant 48 : index
    %swap3A_24 = tpu.vector_load %arg17[%swap3A_23] {strides = array<i32>} : memref<80xf32, #tpu.memory_space<vmem>>, vector<16xf32>,
    %swap3A_25 = vector.shape_cast %swap3A_24 : vector<16xf32> to vector<16xf32>
    %swap3A_26 = vector.shape_cast %broadcast_in_dim3A_11 : vector<16xf32> to vector<16xf32>
    tpu.vector_store %arg17[%swap3A_23], %swap3A_26 {strides = array<i32>} : memref<80xf32, #tpu.memory_space<vmem>>, vector<16xf32>,
    %swap3A_27 = arith.constant 64 : index
    %swap3A_28 = tpu.vector_load %arg17[%swap3A_27] {strides = array<i32>} : memref<80xf32, #tpu.memory_space<vmem>>, vector<16xf32>,
    %swap3A_29 = vector.shape_cast %swap3A_28 : vector<16xf32> to vector<16xf32>
    %swap3A_30 = vector.shape_cast %broadcast_in_dim3A_11 : vector<16xf32> to vector<16xf32>
    tpu.vector_store %arg17[%swap3A_27], %swap3A_30 {strides = array<i32>} : memref<80xf32, #tpu.memory_space<vmem>>, vector<16xf32>,
    %broadcast_in_dim3A_31 = arith.constant 0.000000e+00 : f32
    %broadcast_in_dim3A_32 = vector.broadcast %broadcast_in_dim3A_31 : f32 to vector<16xf32>
    %swap3A_33 = arith.constant 0 : index
    %swap3A_34 = tpu.vector_load %arg18[%swap3A_33] {strides = array<i32>} : memref<640xf32, #tpu.memory_space<vmem>>, vector<16xf32>,
    %swap3A_35 = vector.shape_cast %swap3A_34 : vector<16xf32> to vector<16xf32>
    %swap3A_36 = vector.shape_cast %broadcast_in_dim3A_32 : vector<16xf32> to vector<16xf32>
    tpu.vector_store %arg18[%swap3A_33], %swap3A_36 {strides = array<i32>} : memref<640xf32, #tpu.memory_space<vmem>>, vector<16xf32>,
    %swap3A_37 = arith.constant 16 : index
    %swap3A_38 = tpu.vector_load %arg18[%swap3A_37] {strides = array<i32>} : memref<640xf32, #tpu.memory_space<vmem>>, vector<16xf32>,
    %swap3A_39 = vector.shape_cast %swap3A_38 : vector<16xf32> to vector<16xf32>
    %swap3A_40 = vector.shape_cast %broadcast_in_dim3A_32 : vector<16xf32> to vector<16xf32>
    tpu.vector_store %arg18[%swap3A_37], %swap3A_40 {strides = array<i32>} : memref<640xf32, #tpu.memory_space<vmem>>, vector<16xf32>,
    %swap3A_41 = arith.constant 32 : index
    %swap3A_42 = tpu.vector_load %arg18[%swap3A_41] {strides = array<i32>} : memref<640xf32, #tpu.memory_space<vmem>>, vector<16xf32>,
    %swap3A_43 = vector.shape_cast %swap3A_42 : vector<16xf32> to vector<16xf32>
    %swap3A_44 = vector.shape_cast %broadcast_in_dim3A_32 : vector<16xf32> to vector<16xf32>
    tpu.vector_store %arg18[%swap3A_41], %swap3A_44 {strides = array<i32>} : memref<640xf32, #tpu.memory_space<vmem>>, vector<16xf32>,
    %swap3A_45 = arith.constant 48 : index
    %swap3A_46 = tpu.vector_load %arg18[%swap3A_45] {strides = array<i32>} : memref<640xf32, #tpu.memory_space<vmem>>, vector<16xf32>,
    %swap3A_47 = vector.shape_cast %swap3A_46 : vector<16xf32> to vector<16xf32>
    %swap3A_48 = vector.shape_cast %broadcast_in_dim3A_32 : vector<16xf32> to vector<16xf32>
    tpu.vector_store %arg18[%swap3A_45], %swap3A_48 {strides = array<i32>} : memref<640xf32, #tpu.memory_space<vmem>>, vector<16xf32>,
    %swap3A_49 = arith.constant 64 : index
    %swap3A_50 = tpu.vector_load %arg18[%swap3A_49] {strides = array<i32>} : memref<640xf32, #tpu.memory_space<vmem>>, vector<16xf32>,
    %swap3A_51 = vector.shape_cast %swap3A_50 : vector<16xf32> to vector<16xf32>
    %swap3A_52 = vector.shape_cast %broadcast_in_dim3A_32 : vector<16xf32> to vector<16xf32>
    tpu.vector_store %arg18[%swap3A_49], %swap3A_52 {strides = array<i32>} : memref<640xf32, #tpu.memory_space<vmem>>, vector<16xf32>,
    %swap3A_53 = arith.constant 80 : index
    %swap3A_54 = tpu.vector_load %arg18[%swap3A_53] {strides = array<i32>} : memref<640xf32, #tpu.memory_space<vmem>>, vector<16xf32>,
    %swap3A_55 = vector.shape_cast %swap3A_54 : vector<16xf32> to vector<16xf32>
    %swap3A_56 = vector.shape_cast %broadcast_in_dim3A_32 : vector<16xf32> to vector<16xf32>
    tpu.vector_store %arg18[%swap3A_53], %swap3A_56 {strides = array<i32>} : memref<640xf32, #tpu.memory_space<vmem>>, vector<16xf32>,
    %swap3A_57 = arith.constant 96 : index
    %swap3A_58 = tpu.vector_load %arg18[%swap3A_57] {strides = array<i32>} : memref<640xf32, #tpu.memory_space<vmem>>, vector<16xf32>,
    %swap3A_59 = vector.shape_cast %swap3A_58 : vector<16xf32> to vector<16xf32>
    %swap3A_60 = vector.shape_cast %broadcast_in_dim3A_32 : vector<16xf32> to vector<16xf32>
    tpu.vector_store %arg18[%swap3A_57], %swap3A_60 {strides = array<i32>} : memref<640xf32, #tpu.memory_space<vmem>>, vector<16xf32>,
    %swap3A_61 = arith.constant 112 : index
    %swap3A_62 = tpu.vector_load %arg18[%swap3A_61] {strides = array<i32>} : memref<640xf32, #tpu.memory_space<vmem>>, vector<16xf32>,
    %swap3A_63 = vector.shape_cast %swap3A_62 : vector<16xf32> to vector<16xf32>
    %swap3A_64 = vector.shape_cast %broadcast_in_dim3A_32 : vector<16xf32> to vector<16xf32>
    tpu.vector_store %arg18[%swap3A_61], %swap3A_64 {strides = array<i32>} : memref<640xf32, #tpu.memory_space<vmem>>, vector<16xf32>,
    %swap3A_65 = arith.constant 128 : index
    %swap3A_66 = tpu.vector_load %arg18[%swap3A_65] {strides = array<i32>} : memref<640xf32, #tpu.memory_space<vmem>>, vector<16xf32>,
    %swap3A_67 = vector.shape_cast %swap3A_66 : vector<16xf32> to vector<16xf32>
    %swap3A_68 = vector.shape_cast %broadcast_in_dim3A_32 : vector<16xf32> to vector<16xf32>
    tpu.vector_store %arg18[%swap3A_65], %swap3A_68 {strides = array<i32>} : memref<640xf32, #tpu.memory_space<vmem>>, vector<16xf32>,
    %swap3A_69 = arith.constant 144 : index
    %swap3A_70 = tpu.vector_load %arg18[%swap3A_69] {strides = array<i32>} : memref<640xf32, #tpu.memory_space<vmem>>, vector<16xf32>,
    %swap3A_71 = vector.shape_cast %swap3A_70 : vector<16xf32> to vector<16xf32>
    %swap3A_72 = vector.shape_cast %broadcast_in_dim3A_32 : vector<16xf32> to vector<16xf32>
    tpu.vector_store %arg18[%swap3A_69], %swap3A_72 {strides = array<i32>} : memref<640xf32, #tpu.memory_space<vmem>>, vector<16xf32>,
    %swap3A_73 = arith.constant 160 : index
    %swap3A_74 = tpu.vector_load %arg18[%swap3A_73] {strides = array<i32>} : memref<640xf32, #tpu.memory_space<vmem>>, vector<16xf32>,
    %swap3A_75 = vector.shape_cast %swap3A_74 : vector<16xf32> to vector<16xf32>
    %swap3A_76 = vector.shape_cast %broadcast_in_dim3A_32 : vector<16xf32> to vector<16xf32>
    tpu.vector_store %arg18[%swap3A_73], %swap3A_76 {strides = array<i32>} : memref<640xf32, #tpu.memory_space<vmem>>, vector<16xf32>,
    %swap3A_77 = arith.constant 176 : index
    %swap3A_78 = tpu.vector_load %arg18[%swap3A_77] {strides = array<i32>} : memref<640xf32, #tpu.memory_space<vmem>>, vector<16xf32>,
    %swap3A_79 = vector.shape_cast %swap3A_78 : vector<16xf32> to vector<16xf32>
    %swap3A_80 = vector.shape_cast %broadcast_in_dim3A_32 : vector<16xf32> to vector<16xf32>
    tpu.vector_store %arg18[%swap3A_77], %swap3A_80 {strides = array<i32>} : memref<640xf32, #tpu.memory_space<vmem>>, vector<16xf32>,
    %swap3A_81 = arith.constant 192 : index
    %swap3A_82 = tpu.vector_load %arg18[%swap3A_81] {strides = array<i32>} : memref<640xf32, #tpu.memory_space<vmem>>, vector<16xf32>,
    %swap3A_83 = vector.shape_cast %swap3A_82 : vector<16xf32> to vector<16xf32>
    %swap3A_84 = vector.shape_cast %broadcast_in_dim3A_32 : vector<16xf32> to vector<16xf32>
    tpu.vector_store %arg18[%swap3A_81], %swap3A_84 {strides = array<i32>} : memref<640xf32, #tpu.memory_space<vmem>>, vector<16xf32>,
    %swap3A_85 = arith.constant 208 : index
    %swap3A_86 = tpu.vector_load %arg18[%swap3A_85] {strides = array<i32>} : memref<640xf32, #tpu.memory_space<vmem>>, vector<16xf32>,
    %swap3A_87 = vector.shape_cast %swap3A_86 : vector<16xf32> to vector<16xf32>
    %swap3A_88 = vector.shape_cast %broadcast_in_dim3A_32 : vector<16xf32> to vector<16xf32>
    tpu.vector_store %arg18[%swap3A_85], %swap3A_88 {strides = array<i32>} : memref<640xf32, #tpu.memory_space<vmem>>, vector<16xf32>,
    %swap3A_89 = arith.constant 224 : index
    %swap3A_90 = tpu.vector_load %arg18[%swap3A_89] {strides = array<i32>} : memref<640xf32, #tpu.memory_space<vmem>>, vector<16xf32>,
    %swap3A_91 = vector.shape_cast %swap3A_90 : vector<16xf32> to vector<16xf32>
    %swap3A_92 = vector.shape_cast %broadcast_in_dim3A_32 : vector<16xf32> to vector<16xf32>
    tpu.vector_store %arg18[%swap3A_89], %swap3A_92 {strides = array<i32>} : memref<640xf32, #tpu.memory_space<vmem>>, vector<16xf32>,
    %swap3A_93 = arith.constant 240 : index
    %swap3A_94 = tpu.vector_load %arg18[%swap3A_93] {strides = array<i32>} : memref<640xf32, #tpu.memory_space<vmem>>, vector<16xf32>,
    %swap3A_95 = vector.shape_cast %swap3A_94 : vector<16xf32> to vector<16xf32>
    %swap3A_96 = vector.shape_cast %broadcast_in_dim3A_32 : vector<16xf32> to vector<16xf32>
    tpu.vector_store %arg18[%swap3A_93], %swap3A_96 {strides = array<i32>} : memref<640xf32, #tpu.memory_space<vmem>>, vector<16xf32>,
    %swap3A_97 = arith.constant 256 : index
    %swap3A_98 = tpu.vector_load %arg18[%swap3A_97] {strides = array<i32>} : memref<640xf32, #tpu.memory_space<vmem>>, vector<16xf32>,
    %swap3A_99 = vector.shape_cast %swap3A_98 : vector<16xf32> to vector<16xf32>
    %swap3A_100 = vector.shape_cast %broadcast_in_dim3A_32 : vector<16xf32> to vector<16xf32>
    tpu.vector_store %arg18[%swap3A_97], %swap3A_100 {strides = array<i32>} : memref<640xf32, #tpu.memory_space<vmem>>, vector<16xf32>,
    %swap3A_101 = arith.constant 272 : index
    %swap3A_102 = tpu.vector_load %arg18[%swap3A_101] {strides = array<i32>} : memref<640xf32, #tpu.memory_space<vmem>>, vector<16xf32>,
    %swap3A_103 = vector.shape_cast %swap3A_102 : vector<16xf32> to vector<16xf32>
    %swap3A_104 = vector.shape_cast %broadcast_in_dim3A_32 : vector<16xf32> to vector<16xf32>
    tpu.vector_store %arg18[%swap3A_101], %swap3A_104 {strides = array<i32>} : memref<640xf32, #tpu.memory_space<vmem>>, vector<16xf32>,
    %swap3A_105 = arith.constant 288 : index
    %swap3A_106 = tpu.vector_load %arg18[%swap3A_105] {strides = array<i32>} : memref<640xf32, #tpu.memory_space<vmem>>, vector<16xf32>,
    %swap3A_107 = vector.shape_cast %swap3A_106 : vector<16xf32> to vector<16xf32>
    %swap3A_108 = vector.shape_cast %broadcast_in_dim3A_32 : vector<16xf32> to vector<16xf32>
    tpu.vector_store %arg18[%swap3A_105], %swap3A_108 {strides = array<i32>} : memref<640xf32, #tpu.memory_space<vmem>>, vector<16xf32>,
    %swap3A_109 = arith.constant 304 : index
    %swap3A_110 = tpu.vector_load %arg18[%swap3A_109] {strides = array<i32>} : memref<640xf32, #tpu.memory_space<vmem>>, vector<16xf32>,
    %swap3A_111 = vector.shape_cast %swap3A_110 : vector<16xf32> to vector<16xf32>
    %swap3A_112 = vector.shape_cast %broadcast_in_dim3A_32 : vector<16xf32> to vector<16xf32>
    tpu.vector_store %arg18[%swap3A_109], %swap3A_112 {strides = array<i32>} : memref<640xf32, #tpu.memory_space<vmem>>, vector<16xf32>,
    %swap3A_113 = arith.constant 320 : index
    %swap3A_114 = tpu.vector_load %arg18[%swap3A_113] {strides = array<i32>} : memref<640xf32, #tpu.memory_space<vmem>>, vector<16xf32>,
    %swap3A_115 = vector.shape_cast %swap3A_114 : vector<16xf32> to vector<16xf32>
    %swap3A_116 = vector.shape_cast %broadcast_in_dim3A_32 : vector<16xf32> to vector<16xf32>
    tpu.vector_store %arg18[%swap3A_113], %swap3A_116 {strides = array<i32>} : memref<640xf32, #tpu.memory_space<vmem>>, vector<16xf32>,
    %swap3A_117 = arith.constant 336 : index
    %swap3A_118 = tpu.vector_load %arg18[%swap3A_117] {strides = array<i32>} : memref<640xf32, #tpu.memory_space<vmem>>, vector<16xf32>,
    %swap3A_119 = vector.shape_cast %swap3A_118 : vector<16xf32> to vector<16xf32>
    %swap3A_120 = vector.shape_cast %broadcast_in_dim3A_32 : vector<16xf32> to vector<16xf32>
    tpu.vector_store %arg18[%swap3A_117], %swap3A_120 {strides = array<i32>} : memref<640xf32, #tpu.memory_space<vmem>>, vector<16xf32>,
    %swap3A_121 = arith.constant 352 : index
    %swap3A_122 = tpu.vector_load %arg18[%swap3A_121] {strides = array<i32>} : memref<640xf32, #tpu.memory_space<vmem>>, vector<16xf32>,
    %swap3A_123 = vector.shape_cast %swap3A_122 : vector<16xf32> to vector<16xf32>
    %swap3A_124 = vector.shape_cast %broadcast_in_dim3A_32 : vector<16xf32> to vector<16xf32>
    tpu.vector_store %arg18[%swap3A_121], %swap3A_124 {strides = array<i32>} : memref<640xf32, #tpu.memory_space<vmem>>, vector<16xf32>,
    %swap3A_125 = arith.constant 368 : index
    %swap3A_126 = tpu.vector_load %arg18[%swap3A_125] {strides = array<i32>} : memref<640xf32, #tpu.memory_space<vmem>>, vector<16xf32>,
    %swap3A_127 = vector.shape_cast %swap3A_126 : vector<16xf32> to vector<16xf32>
    %swap3A_128 = vector.shape_cast %broadcast_in_dim3A_32 : vector<16xf32> to vector<16xf32>
    tpu.vector_store %arg18[%swap3A_125], %swap3A_128 {strides = array<i32>} : memref<640xf32, #tpu.memory_space<vmem>>, vector<16xf32>,
    %swap3A_129 = arith.constant 384 : index
    %swap3A_130 = tpu.vector_load %arg18[%swap3A_129] {strides = array<i32>} : memref<640xf32, #tpu.memory_space<vmem>>, vector<16xf32>,
    %swap3A_131 = vector.shape_cast %swap3A_130 : vector<16xf32> to vector<16xf32>
    %swap3A_132 = vector.shape_cast %broadcast_in_dim3A_32 : vector<16xf32> to vector<16xf32>
    tpu.vector_store %arg18[%swap3A_129], %swap3A_132 {strides = array<i32>} : memref<640xf32, #tpu.memory_space<vmem>>, vector<16xf32>,
    %swap3A_133 = arith.constant 400 : index
    %swap3A_134 = tpu.vector_load %arg18[%swap3A_133] {strides = array<i32>} : memref<640xf32, #tpu.memory_space<vmem>>, vector<16xf32>,
    %swap3A_135 = vector.shape_cast %swap3A_134 : vector<16xf32> to vector<16xf32>
    %swap3A_136 = vector.shape_cast %broadcast_in_dim3A_32 : vector<16xf32> to vector<16xf32>
    tpu.vector_store %arg18[%swap3A_133], %swap3A_136 {strides = array<i32>} : memref<640xf32, #tpu.memory_space<vmem>>, vector<16xf32>,
    %swap3A_137 = arith.constant 416 : index
    %swap3A_138 = tpu.vector_load %arg18[%swap3A_137] {strides = array<i32>} : memref<640xf32, #tpu.memory_space<vmem>>, vector<16xf32>,
    %swap3A_139 = vector.shape_cast %swap3A_138 : vector<16xf32> to vector<16xf32>
    %swap3A_140 = vector.shape_cast %broadcast_in_dim3A_32 : vector<16xf32> to vector<16xf32>
    tpu.vector_store %arg18[%swap3A_137], %swap3A_140 {strides = array<i32>} : memref<640xf32, #tpu.memory_space<vmem>>, vector<16xf32>,
    %swap3A_141 = arith.constant 432 : index
    %swap3A_142 = tpu.vector_load %arg18[%swap3A_141] {strides = array<i32>} : memref<640xf32, #tpu.memory_space<vmem>>, vector<16xf32>,
    %swap3A_143 = vector.shape_cast %swap3A_142 : vector<16xf32> to vector<16xf32>
    %swap3A_144 = vector.shape_cast %broadcast_in_dim3A_32 : vector<16xf32> to vector<16xf32>
    tpu.vector_store %arg18[%swap3A_141], %swap3A_144 {strides = array<i32>} : memref<640xf32, #tpu.memory_space<vmem>>, vector<16xf32>,
    %swap3A_145 = arith.constant 448 : index
    %swap3A_146 = tpu.vector_load %arg18[%swap3A_145] {strides = array<i32>} : memref<640xf32, #tpu.memory_space<vmem>>, vector<16xf32>,
    %swap3A_147 = vector.shape_cast %swap3A_146 : vector<16xf32> to vector<16xf32>
    %swap3A_148 = vector.shape_cast %broadcast_in_dim3A_32 : vector<16xf32> to vector<16xf32>
    tpu.vector_store %arg18[%swap3A_145], %swap3A_148 {strides = array<i32>} : memref<640xf32, #tpu.memory_space<vmem>>, vector<16xf32>,
    %swap3A_149 = arith.constant 464 : index
    %swap3A_150 = tpu.vector_load %arg18[%swap3A_149] {strides = array<i32>} : memref<640xf32, #tpu.memory_space<vmem>>, vector<16xf32>,
    %swap3A_151 = vector.shape_cast %swap3A_150 : vector<16xf32> to vector<16xf32>
    %swap3A_152 = vector.shape_cast %broadcast_in_dim3A_32 : vector<16xf32> to vector<16xf32>
    tpu.vector_store %arg18[%swap3A_149], %swap3A_152 {strides = array<i32>} : memref<640xf32, #tpu.memory_space<vmem>>, vector<16xf32>,
    %swap3A_153 = arith.constant 480 : index
    %swap3A_154 = tpu.vector_load %arg18[%swap3A_153] {strides = array<i32>} : memref<640xf32, #tpu.memory_space<vmem>>, vector<16xf32>,
    %swap3A_155 = vector.shape_cast %swap3A_154 : vector<16xf32> to vector<16xf32>
    %swap3A_156 = vector.shape_cast %broadcast_in_dim3A_32 : vector<16xf32> to vector<16xf32>
    tpu.vector_store %arg18[%swap3A_153], %swap3A_156 {strides = array<i32>} : memref<640xf32, #tpu.memory_space<vmem>>, vector<16xf32>,
    %swap3A_157 = arith.constant 496 : index
    %swap3A_158 = tpu.vector_load %arg18[%swap3A_157] {strides = array<i32>} : memref<640xf32, #tpu.memory_space<vmem>>, vector<16xf32>,
    %swap3A_159 = vector.shape_cast %swap3A_158 : vector<16xf32> to vector<16xf32>
    %swap3A_160 = vector.shape_cast %broadcast_in_dim3A_32 : vector<16xf32> to vector<16xf32>
    tpu.vector_store %arg18[%swap3A_157], %swap3A_160 {strides = array<i32>} : memref<640xf32, #tpu.memory_space<vmem>>, vector<16xf32>,
    %swap3A_161 = arith.constant 512 : index
    %swap3A_162 = tpu.vector_load %arg18[%swap3A_161] {strides = array<i32>} : memref<640xf32, #tpu.memory_space<vmem>>, vector<16xf32>,
    %swap3A_163 = vector.shape_cast %swap3A_162 : vector<16xf32> to vector<16xf32>
    %swap3A_164 = vector.shape_cast %broadcast_in_dim3A_32 : vector<16xf32> to vector<16xf32>
    tpu.vector_store %arg18[%swap3A_161], %swap3A_164 {strides = array<i32>} : memref<640xf32, #tpu.memory_space<vmem>>, vector<16xf32>,
    %swap3A_165 = arith.constant 528 : index
    %swap3A_166 = tpu.vector_load %arg18[%swap3A_165] {strides = array<i32>} : memref<640xf32, #tpu.memory_space<vmem>>, vector<16xf32>,
    %swap3A_167 = vector.shape_cast %swap3A_166 : vector<16xf32> to vector<16xf32>
    %swap3A_168 = vector.shape_cast %broadcast_in_dim3A_32 : vector<16xf32> to vector<16xf32>
    tpu.vector_store %arg18[%swap3A_165], %swap3A_168 {strides = array<i32>} : memref<640xf32, #tpu.memory_space<vmem>>, vector<16xf32>,
    %swap3A_169 = arith.constant 544 : index
    %swap3A_170 = tpu.vector_load %arg18[%swap3A_169] {strides = array<i32>} : memref<640xf32, #tpu.memory_space<vmem>>, vector<16xf32>,
    %swap3A_171 = vector.shape_cast %swap3A_170 : vector<16xf32> to vector<16xf32>
    %swap3A_172 = vector.shape_cast %broadcast_in_dim3A_32 : vector<16xf32> to vector<16xf32>
    tpu.vector_store %arg18[%swap3A_169], %swap3A_172 {strides = array<i32>} : memref<640xf32, #tpu.memory_space<vmem>>, vector<16xf32>,
    %swap3A_173 = arith.constant 560 : index
    %swap3A_174 = tpu.vector_load %arg18[%swap3A_173] {strides = array<i32>} : memref<640xf32, #tpu.memory_space<vmem>>, vector<16xf32>,
    %swap3A_175 = vector.shape_cast %swap3A_174 : vector<16xf32> to vector<16xf32>
    %swap3A_176 = vector.shape_cast %broadcast_in_dim3A_32 : vector<16xf32> to vector<16xf32>
    tpu.vector_store %arg18[%swap3A_173], %swap3A_176 {strides = array<i32>} : memref<640xf32, #tpu.memory_space<vmem>>, vector<16xf32>,
    %swap3A_177 = arith.constant 576 : index
    %swap3A_178 = tpu.vector_load %arg18[%swap3A_177] {strides = array<i32>} : memref<640xf32, #tpu.memory_space<vmem>>, vector<16xf32>,
    %swap3A_179 = vector.shape_cast %swap3A_178 : vector<16xf32> to vector<16xf32>
    %swap3A_180 = vector.shape_cast %broadcast_in_dim3A_32 : vector<16xf32> to vector<16xf32>
    tpu.vector_store %arg18[%swap3A_177], %swap3A_180 {strides = array<i32>} : memref<640xf32, #tpu.memory_space<vmem>>, vector<16xf32>,
    %swap3A_181 = arith.constant 592 : index
    %swap3A_182 = tpu.vector_load %arg18[%swap3A_181] {strides = array<i32>} : memref<640xf32, #tpu.memory_space<vmem>>, vector<16xf32>,
    %swap3A_183 = vector.shape_cast %swap3A_182 : vector<16xf32> to vector<16xf32>
    %swap3A_184 = vector.shape_cast %broadcast_in_dim3A_32 : vector<16xf32> to vector<16xf32>
    tpu.vector_store %arg18[%swap3A_181], %swap3A_184 {strides = array<i32>} : memref<640xf32, #tpu.memory_space<vmem>>, vector<16xf32>,
    %swap3A_185 = arith.constant 608 : index
    %swap3A_186 = tpu.vector_load %arg18[%swap3A_185] {strides = array<i32>} : memref<640xf32, #tpu.memory_space<vmem>>, vector<16xf32>,
    %swap3A_187 = vector.shape_cast %swap3A_186 : vector<16xf32> to vector<16xf32>
    %swap3A_188 = vector.shape_cast %broadcast_in_dim3A_32 : vector<16xf32> to vector<16xf32>
    tpu.vector_store %arg18[%swap3A_185], %swap3A_188 {strides = array<i32>} : memref<640xf32, #tpu.memory_space<vmem>>, vector<16xf32>,
    %swap3A_189 = arith.constant 624 : index
    %swap3A_190 = tpu.vector_load %arg18[%swap3A_189] {strides = array<i32>} : memref<640xf32, #tpu.memory_space<vmem>>, vector<16xf32>,
    %swap3A_191 = vector.shape_cast %swap3A_190 : vector<16xf32> to vector<16xf32>
    %swap3A_192 = vector.shape_cast %broadcast_in_dim3A_32 : vector<16xf32> to vector<16xf32>
    tpu.vector_store %arg18[%swap3A_189], %swap3A_192 {strides = array<i32>} : memref<640xf32, #tpu.memory_space<vmem>>, vector<16xf32>,
    %mul3A_193 = arith.constant 640 : i32
    %mul3A_194 = arith.muli %arg1, %mul3A_193 : i32
    "tpu.region"() ({
      %run_scoped3A = tpu.sem_alloc : memref<!tpu.dma_semaphore, #tpu.memory_space<semaphore_mem>>
      %dma_start3A = tpu.memref_slice %arg19[%mul3A_194] : memref<10240xf32, #tpu.memory_space<vmem_shared>> -> memref<640xf32, #tpu.memory_space<vmem_shared>>
      %dma_start3A_677 = tpu.memref_slice %arg19[%mul3A_194] : memref<10240xf32, #tpu.memory_space<vmem_shared>> -> memref<640xf32, #tpu.memory_space<vmem_shared>>
      tpu.enqueue_dma source(%arg18 : memref<640xf32, #tpu.memory_space<vmem>>) target(%dma_start3A_677 : memref<640xf32, #tpu.memory_space<vmem_shared>>) target_semaphore(%run_scoped3A : memref<!tpu.dma_semaphore, #tpu.memory_space<semaphore_mem>>)
      %dma_wait3A_678 = tpu.memref_slice %arg19[%mul3A_194] : memref<10240xf32, #tpu.memory_space<vmem_shared>> -> memref<640xf32, #tpu.memory_space<vmem_shared>>
      %dma_wait3A_679 = tpu.memref_slice %arg19[%mul3A_194] : memref<10240xf32, #tpu.memory_space<vmem_shared>> -> memref<640xf32, #tpu.memory_space<vmem_shared>>
      tpu.wait_dma2 semaphore(%run_scoped3A : memref<!tpu.dma_semaphore, #tpu.memory_space<semaphore_mem>>) src(%arg18 : memref<640xf32, #tpu.memory_space<vmem>>) dst(%dma_wait3A_679 : memref<640xf32, #tpu.memory_space<vmem_shared>>)
      tpu.yield
    }) : () -> ()
    %barrier3A = arith.constant 0 : index
    tpu.barrier barrier_id(%barrier3A)
    %mul3A_195 = arith.constant 125 : i32
    %mul3A_196 = arith.muli %add3A, %mul3A_195 : i32
    "tpu.region"() ({
      %run_scoped3A = tpu.sem_alloc : memref<!tpu.dma_semaphore, #tpu.memory_space<semaphore_mem>>
      %dma_start3A = arith.constant 0 : i32
      %dma_start3A_677 = tpu.memref_slice %arg3[%mul3A_196, %dma_start3A] : memref<4000x80xi32, #tpu.memory_space<hbm>> -> memref<125x80xi32, #tpu.memory_space<hbm>>
      %dma_start3A_678 = arith.constant 0 : i32
      %dma_start3A_679 = tpu.memref_slice %arg3[%mul3A_196, %dma_start3A_678] : memref<4000x80xi32, #tpu.memory_space<hbm>> -> memref<125x80xi32, #tpu.memory_space<hbm>>
      tpu.enqueue_dma source(%dma_start3A_679 : memref<125x80xi32, #tpu.memory_space<hbm>>) target(%arg7 : memref<125x80xi32, #tpu.memory_space<vmem>>) target_semaphore(%run_scoped3A : memref<!tpu.dma_semaphore, #tpu.memory_space<semaphore_mem>>)
      %dma_wait3A_680 = arith.constant 0 : i32
      %dma_wait3A_681 = tpu.memref_slice %arg3[%mul3A_196, %dma_wait3A_680] : memref<4000x80xi32, #tpu.memory_space<hbm>> -> memref<125x80xi32, #tpu.memory_space<hbm>>
      %dma_wait3A_682 = arith.constant 0 : i32
      %dma_wait3A_683 = tpu.memref_slice %arg3[%mul3A_196, %dma_wait3A_682] : memref<4000x80xi32, #tpu.memory_space<hbm>> -> memref<125x80xi32, #tpu.memory_space<hbm>>
      tpu.wait_dma2 semaphore(%run_scoped3A : memref<!tpu.dma_semaphore, #tpu.memory_space<semaphore_mem>>) src(%dma_wait3A_683 : memref<125x80xi32, #tpu.memory_space<hbm>>) dst(%arg7 : memref<125x80xi32, #tpu.memory_space<vmem>>)
      tpu.yield
    }) : () -> ()
    %mul3A_197 = arith.constant 125 : i32
    %mul3A_198 = arith.muli %add3A, %mul3A_197 : i32
    "tpu.region"() ({
      %run_scoped3A = tpu.sem_alloc : memref<!tpu.dma_semaphore, #tpu.memory_space<semaphore_mem>>
      %dma_start3A = arith.constant 0 : i32
      %dma_start3A_677 = tpu.memref_slice %arg4[%mul3A_198, %dma_start3A] : memref<4000x80xi32, #tpu.memory_space<hbm>> -> memref<125x80xi32, #tpu.memory_space<hbm>>
      %dma_start3A_678 = arith.constant 0 : i32
      %dma_start3A_679 = tpu.memref_slice %arg4[%mul3A_198, %dma_start3A_678] : memref<4000x80xi32, #tpu.memory_space<hbm>> -> memref<125x80xi32, #tpu.memory_space<hbm>>
      tpu.enqueue_dma source(%dma_start3A_679 : memref<125x80xi32, #tpu.memory_space<hbm>>) target(%arg8 : memref<125x80xi32, #tpu.memory_space<vmem>>) target_semaphore(%run_scoped3A : memref<!tpu.dma_semaphore, #tpu.memory_space<semaphore_mem>>)
      %dma_wait3A_680 = arith.constant 0 : i32
      %dma_wait3A_681 = tpu.memref_slice %arg4[%mul3A_198, %dma_wait3A_680] : memref<4000x80xi32, #tpu.memory_space<hbm>> -> memref<125x80xi32, #tpu.memory_space<hbm>>
      %dma_wait3A_682 = arith.constant 0 : i32
      %dma_wait3A_683 = tpu.memref_slice %arg4[%mul3A_198, %dma_wait3A_682] : memref<4000x80xi32, #tpu.memory_space<hbm>> -> memref<125x80xi32, #tpu.memory_space<hbm>>
      tpu.wait_dma2 semaphore(%run_scoped3A : memref<!tpu.dma_semaphore, #tpu.memory_space<semaphore_mem>>) src(%dma_wait3A_683 : memref<125x80xi32, #tpu.memory_space<hbm>>) dst(%arg8 : memref<125x80xi32, #tpu.memory_space<vmem>>)
      tpu.yield
    }) : () -> ()
    %scan3A_199 = arith.constant 0 : i32
    %scan3A_200 = arith.constant 0 : i32
    %scan3A_201 = arith.constant 25 : i32
    %scan3A_202 = arith.addi %scan3A_200, %scan3A_201 : i32
    %scan3A_203 = arith.constant 1 : i32
    %scan3A_204 = scf.for %scan3A_677 = %scan3A_200 to %scan3A_202 step %scan3A_203 iter_args(%scan3A_678 = %scan3A_199) -> (i32)  : i32 {
      %add3A_679 = arith.constant 0 : i32
      %add3A_680 = arith.addi %add3A_679, %scan3A_677 : i32
      %mul3A_681 = arith.constant 80 : i32
      %mul3A_682 = arith.muli %scan3A_677, %mul3A_681 : i32
      %dma_start3A = arith.constant 0 : i32
      %dma_start3A_683 = tpu.memref_slice %arg9[%mul3A_682, %dma_start3A] : memref<2000x16xf32, #tpu.memory_space<vmem>> -> memref<80x16xf32, #tpu.memory_space<vmem>>
      %dma_start3A_684 = arith.constant 0 : i32
      %dma_start3A_685 = tpu.memref_slice %arg7[%add3A_680, %dma_start3A_684] : memref<125x80xi32, #tpu.memory_space<vmem>> -> memref<1x80xi32, #tpu.memory_space<vmem>>
      %dma_start3A_686 = tpu.memref_squeeze %dma_start3A_685 : memref<1x80xi32, #tpu.memory_space<vmem>> -> memref<80xi32, #tpu.memory_space<vmem>>
      %dma_start3A_687 = arith.constant 0 : i32
      %dma_start3A_688 = arith.constant 0 : i32
      %dma_start3A_689 = tpu.memref_slice %arg2[%dma_start3A_687, %dma_start3A_688] : memref<10000x16xf32, #tpu.memory_space<hbm>> -> memref<10000x16xf32, #tpu.memory_space<hbm>>
      tpu.enqueue_indirect_dma source(%dma_start3A_689 : memref<10000x16xf32, #tpu.memory_space<hbm>>) target(%dma_start3A_683 : memref<80x16xf32, #tpu.memory_space<vmem>>) offsets(%dma_start3A_686 : memref<80xi32, #tpu.memory_space<vmem>>) semaphore(%arg13 : memref<!tpu.dma_semaphore, #tpu.memory_space<semaphore_mem>>)
      %scan3A_690 = arith.constant 0 : i32
      scf.yield %scan3A_690 : i32
    }
    %scan3A_205 = arith.constant 25 : i32
    %scan3A_206 = arith.constant 0 : i32
    %scan3A_207 = arith.constant 0 : i32
    %scan3A_208 = arith.constant 25 : i32
    %scan3A_209 = arith.addi %scan3A_207, %scan3A_208 : i32
    %scan3A_210 = arith.constant 1 : i32
    %scan3A_211 = scf.for %scan3A_677 = %scan3A_207 to %scan3A_209 step %scan3A_210 iter_args(%scan3A_678 = %scan3A_206) -> (i32)  : i32 {
      %add3A_679 = arith.constant 25 : i32
      %add3A_680 = arith.addi %add3A_679, %scan3A_677 : i32
      %mul3A_681 = arith.constant 80 : i32
      %mul3A_682 = arith.muli %scan3A_677, %mul3A_681 : i32
      %dma_start3A = arith.constant 0 : i32
      %dma_start3A_683 = tpu.memref_slice %arg10[%mul3A_682, %dma_start3A] : memref<2000x16xf32, #tpu.memory_space<vmem>> -> memref<80x16xf32, #tpu.memory_space<vmem>>
      %dma_start3A_684 = arith.constant 0 : i32
      %dma_start3A_685 = tpu.memref_slice %arg7[%add3A_680, %dma_start3A_684] : memref<125x80xi32, #tpu.memory_space<vmem>> -> memref<1x80xi32, #tpu.memory_space<vmem>>
      %dma_start3A_686 = tpu.memref_squeeze %dma_start3A_685 : memref<1x80xi32, #tpu.memory_space<vmem>> -> memref<80xi32, #tpu.memory_space<vmem>>
      %dma_start3A_687 = arith.constant 0 : i32
      %dma_start3A_688 = arith.constant 0 : i32
      %dma_start3A_689 = tpu.memref_slice %arg2[%dma_start3A_687, %dma_start3A_688] : memref<10000x16xf32, #tpu.memory_space<hbm>> -> memref<10000x16xf32, #tpu.memory_space<hbm>>
      tpu.enqueue_indirect_dma source(%dma_start3A_689 : memref<10000x16xf32, #tpu.memory_space<hbm>>) target(%dma_start3A_683 : memref<80x16xf32, #tpu.memory_space<vmem>>) offsets(%dma_start3A_686 : memref<80xi32, #tpu.memory_space<vmem>>) semaphore(%arg14 : memref<!tpu.dma_semaphore, #tpu.memory_space<semaphore_mem>>)
      %scan3A_690 = arith.constant 0 : i32
      scf.yield %scan3A_690 : i32
    }
    %scan3A_212 = arith.constant 25 : i32
    %dma_wait3A = arith.constant 0 : i32
    %dma_wait3A_213 = arith.constant 0 : i32
    %dma_wait3A_214 = tpu.memref_slice %arg2[%dma_wait3A, %dma_wait3A_213] : memref<10000x16xf32, #tpu.memory_space<hbm>> -> memref<625x16xf32, #tpu.memory_space<hbm>>
    %dma_wait3A_215 = arith.constant 0 : i32
    %dma_wait3A_216 = arith.constant 0 : i32
    %dma_wait3A_217 = tpu.memref_slice %arg2[%dma_wait3A_215, %dma_wait3A_216] : memref<10000x16xf32, #tpu.memory_space<hbm>> -> memref<625x16xf32, #tpu.memory_space<hbm>>
    tpu.wait_dma2 semaphore(%arg13 : memref<!tpu.dma_semaphore, #tpu.memory_space<semaphore_mem>>) src(%dma_wait3A_217 : memref<625x16xf32, #tpu.memory_space<hbm>>) dst(%arg11 : memref<625x16xf32, #tpu.memory_space<vmem>>)
    %dma_wait3A_218 = arith.constant 0 : i32
    %dma_wait3A_219 = arith.constant 0 : i32
    %dma_wait3A_220 = tpu.memref_slice %arg2[%dma_wait3A_218, %dma_wait3A_219] : memref<10000x16xf32, #tpu.memory_space<hbm>> -> memref<625x16xf32, #tpu.memory_space<hbm>>
    %dma_wait3A_221 = arith.constant 0 : i32
    %dma_wait3A_222 = arith.constant 0 : i32
    %dma_wait3A_223 = tpu.memref_slice %arg2[%dma_wait3A_221, %dma_wait3A_222] : memref<10000x16xf32, #tpu.memory_space<hbm>> -> memref<625x16xf32, #tpu.memory_space<hbm>>
    tpu.wait_dma2 semaphore(%arg13 : memref<!tpu.dma_semaphore, #tpu.memory_space<semaphore_mem>>) src(%dma_wait3A_223 : memref<625x16xf32, #tpu.memory_space<hbm>>) dst(%arg11 : memref<625x16xf32, #tpu.memory_space<vmem>>)
    %dma_wait3A_224 = arith.constant 0 : i32
    %dma_wait3A_225 = arith.constant 0 : i32
    %dma_wait3A_226 = tpu.memref_slice %arg2[%dma_wait3A_224, %dma_wait3A_225] : memref<10000x16xf32, #tpu.memory_space<hbm>> -> memref<625x16xf32, #tpu.memory_space<hbm>>
    %dma_wait3A_227 = arith.constant 0 : i32
    %dma_wait3A_228 = arith.constant 0 : i32
    %dma_wait3A_229 = tpu.memref_slice %arg2[%dma_wait3A_227, %dma_wait3A_228] : memref<10000x16xf32, #tpu.memory_space<hbm>> -> memref<625x16xf32, #tpu.memory_space<hbm>>
    tpu.wait_dma2 semaphore(%arg13 : memref<!tpu.dma_semaphore, #tpu.memory_space<semaphore_mem>>) src(%dma_wait3A_229 : memref<625x16xf32, #tpu.memory_space<hbm>>) dst(%arg11 : memref<625x16xf32, #tpu.memory_space<vmem>>)
    %dma_wait3A_230 = arith.constant 0 : i32
    %dma_wait3A_231 = arith.constant 0 : i32
    %dma_wait3A_232 = tpu.memref_slice %arg11[%dma_wait3A_230, %dma_wait3A_231] : memref<625x16xf32, #tpu.memory_space<vmem>> -> memref<125x16xf32, #tpu.memory_space<vmem>>
    %dma_wait3A_233 = arith.constant 0 : i32
    %dma_wait3A_234 = arith.constant 0 : i32
    %dma_wait3A_235 = tpu.memref_slice %arg2[%dma_wait3A_233, %dma_wait3A_234] : memref<10000x16xf32, #tpu.memory_space<hbm>> -> memref<125x16xf32, #tpu.memory_space<hbm>>
    %dma_wait3A_236 = arith.constant 0 : i32
    %dma_wait3A_237 = arith.constant 0 : i32
    %dma_wait3A_238 = tpu.memref_slice %arg11[%dma_wait3A_236, %dma_wait3A_237] : memref<625x16xf32, #tpu.memory_space<vmem>> -> memref<125x16xf32, #tpu.memory_space<vmem>>
    %dma_wait3A_239 = arith.constant 0 : i32
    %dma_wait3A_240 = arith.constant 0 : i32
    %dma_wait3A_241 = tpu.memref_slice %arg2[%dma_wait3A_239, %dma_wait3A_240] : memref<10000x16xf32, #tpu.memory_space<hbm>> -> memref<125x16xf32, #tpu.memory_space<hbm>>
    tpu.wait_dma2 semaphore(%arg13 : memref<!tpu.dma_semaphore, #tpu.memory_space<semaphore_mem>>) src(%dma_wait3A_241 : memref<125x16xf32, #tpu.memory_space<hbm>>) dst(%dma_wait3A_238 : memref<125x16xf32, #tpu.memory_space<vmem>>)
    %scan3A_242 = arith.constant 0 : i32
    %scan3A_243 = arith.constant 0 : i32
    %scan3A_244 = arith.constant 25 : i32
    %scan3A_245 = arith.addi %scan3A_243, %scan3A_244 : i32
    %scan3A_246 = arith.constant 1 : i32
    %scan3A_247 = scf.for %scan3A_677 = %scan3A_243 to %scan3A_245 step %scan3A_246 iter_args(%scan3A_678 = %scan3A_242) -> (i32)  : i32 {
      %mul3A_679 = arith.constant 80 : i32
      %mul3A_680 = arith.muli %scan3A_677, %mul3A_679 : i32
      %add3A_681 = arith.constant 0 : i32
      %add3A_682 = arith.addi %add3A_681, %scan3A_677 : i32
      %dma_start3A = arith.constant 0 : i32
      %dma_start3A_683 = tpu.memref_slice %arg9[%mul3A_680, %dma_start3A] : memref<2000x16xf32, #tpu.memory_space<vmem>> -> memref<80x16xf32, #tpu.memory_space<vmem>>
      %dma_start3A_684 = arith.constant 0 : i32
      %dma_start3A_685 = tpu.memref_slice %arg8[%add3A_682, %dma_start3A_684] : memref<125x80xi32, #tpu.memory_space<vmem>> -> memref<1x80xi32, #tpu.memory_space<vmem>>
      %dma_start3A_686 = tpu.memref_squeeze %dma_start3A_685 : memref<1x80xi32, #tpu.memory_space<vmem>> -> memref<80xi32, #tpu.memory_space<vmem>>
      %dma_start3A_687 = arith.constant 0 : i32
      %dma_start3A_688 = arith.constant 0 : i32
      %dma_start3A_689 = tpu.memref_slice %arg12[%dma_start3A_687, %dma_start3A_688] : memref<10000x16xf32, #tpu.memory_space<vmem_shared>> -> memref<10000x16xf32, #tpu.memory_space<vmem_shared>>
      tpu.enqueue_indirect_dma source(%dma_start3A_683 : memref<80x16xf32, #tpu.memory_space<vmem>>) target(%dma_start3A_689 : memref<10000x16xf32, #tpu.memory_space<vmem_shared>>) offsets(%dma_start3A_686 : memref<80xi32, #tpu.memory_space<vmem>>) semaphore(%arg15 : memref<!tpu.dma_semaphore, #tpu.memory_space<semaphore_mem>>) {add = true}
      %add3A_690 = arith.constant 0 : i32
      %add3A_691 = arith.addi %add3A_690, %scan3A_677 : i32
      %dma_start3A_692 = arith.constant 0 : i32
      %dma_start3A_693 = tpu.memref_slice %arg8[%add3A_691, %dma_start3A_692] : memref<125x80xi32, #tpu.memory_space<vmem>> -> memref<1x80xi32, #tpu.memory_space<vmem>>
      %dma_start3A_694 = tpu.memref_squeeze %dma_start3A_693 : memref<1x80xi32, #tpu.memory_space<vmem>> -> memref<80xi32, #tpu.memory_space<vmem>>
      %dma_start3A_695 = arith.constant 0 : i32
      %dma_start3A_696 = tpu.memref_slice %arg19[%dma_start3A_695] : memref<10240xf32, #tpu.memory_space<vmem_shared>> -> memref<10240xf32, #tpu.memory_space<vmem_shared>>
      tpu.enqueue_indirect_dma source(%arg17 : memref<80xf32, #tpu.memory_space<vmem>>) target(%dma_start3A_696 : memref<10240xf32, #tpu.memory_space<vmem_shared>>) offsets(%dma_start3A_694 : memref<80xi32, #tpu.memory_space<vmem>>) semaphore(%arg20 : memref<!tpu.dma_semaphore, #tpu.memory_space<semaphore_mem>>) {add = true}
      %scan3A_697 = arith.constant 0 : i32
      scf.yield %scan3A_697 : i32
    }
    %scan3A_248 = arith.constant 25 : i32
    %dma_wait3A_249 = arith.constant 0 : i32
    %dma_wait3A_250 = arith.constant 0 : i32
    %dma_wait3A_251 = tpu.memref_slice %arg2[%dma_wait3A_249, %dma_wait3A_250] : memref<10000x16xf32, #tpu.memory_space<hbm>> -> memref<625x16xf32, #tpu.memory_space<hbm>>
    %dma_wait3A_252 = arith.constant 0 : i32
    %dma_wait3A_253 = arith.constant 0 : i32
    %dma_wait3A_254 = tpu.memref_slice %arg2[%dma_wait3A_252, %dma_wait3A_253] : memref<10000x16xf32, #tpu.memory_space<hbm>> -> memref<625x16xf32, #tpu.memory_space<hbm>>
    tpu.wait_dma2 semaphore(%arg15 : memref<!tpu.dma_semaphore, #tpu.memory_space<semaphore_mem>>) src(%dma_wait3A_254 : memref<625x16xf32, #tpu.memory_space<hbm>>) dst(%arg11 : memref<625x16xf32, #tpu.memory_space<vmem>>)
    %dma_wait3A_255 = arith.constant 0 : i32
    %dma_wait3A_256 = arith.constant 0 : i32
    %dma_wait3A_257 = tpu.memref_slice %arg2[%dma_wait3A_255, %dma_wait3A_256] : memref<10000x16xf32, #tpu.memory_space<hbm>> -> memref<625x16xf32, #tpu.memory_space<hbm>>
    %dma_wait3A_258 = arith.constant 0 : i32
    %dma_wait3A_259 = arith.constant 0 : i32
    %dma_wait3A_260 = tpu.memref_slice %arg2[%dma_wait3A_258, %dma_wait3A_259] : memref<10000x16xf32, #tpu.memory_space<hbm>> -> memref<625x16xf32, #tpu.memory_space<hbm>>
    tpu.wait_dma2 semaphore(%arg15 : memref<!tpu.dma_semaphore, #tpu.memory_space<semaphore_mem>>) src(%dma_wait3A_260 : memref<625x16xf32, #tpu.memory_space<hbm>>) dst(%arg11 : memref<625x16xf32, #tpu.memory_space<vmem>>)
    %dma_wait3A_261 = arith.constant 0 : i32
    %dma_wait3A_262 = arith.constant 0 : i32
    %dma_wait3A_263 = tpu.memref_slice %arg2[%dma_wait3A_261, %dma_wait3A_262] : memref<10000x16xf32, #tpu.memory_space<hbm>> -> memref<625x16xf32, #tpu.memory_space<hbm>>
    %dma_wait3A_264 = arith.constant 0 : i32
    %dma_wait3A_265 = arith.constant 0 : i32
    %dma_wait3A_266 = tpu.memref_slice %arg2[%dma_wait3A_264, %dma_wait3A_265] : memref<10000x16xf32, #tpu.memory_space<hbm>> -> memref<625x16xf32, #tpu.memory_space<hbm>>
    tpu.wait_dma2 semaphore(%arg15 : memref<!tpu.dma_semaphore, #tpu.memory_space<semaphore_mem>>) src(%dma_wait3A_266 : memref<625x16xf32, #tpu.memory_space<hbm>>) dst(%arg11 : memref<625x16xf32, #tpu.memory_space<vmem>>)
    %dma_wait3A_267 = arith.constant 0 : i32
    %dma_wait3A_268 = arith.constant 0 : i32
    %dma_wait3A_269 = tpu.memref_slice %arg11[%dma_wait3A_267, %dma_wait3A_268] : memref<625x16xf32, #tpu.memory_space<vmem>> -> memref<125x16xf32, #tpu.memory_space<vmem>>
    %dma_wait3A_270 = arith.constant 0 : i32
    %dma_wait3A_271 = arith.constant 0 : i32
    %dma_wait3A_272 = tpu.memref_slice %arg2[%dma_wait3A_270, %dma_wait3A_271] : memref<10000x16xf32, #tpu.memory_space<hbm>> -> memref<125x16xf32, #tpu.memory_space<hbm>>
    %dma_wait3A_273 = arith.constant 0 : i32
    %dma_wait3A_274 = arith.constant 0 : i32
    %dma_wait3A_275 = tpu.memref_slice %arg11[%dma_wait3A_273, %dma_wait3A_274] : memref<625x16xf32, #tpu.memory_space<vmem>> -> memref<125x16xf32, #tpu.memory_space<vmem>>
    %dma_wait3A_276 = arith.constant 0 : i32
    %dma_wait3A_277 = arith.constant 0 : i32
    %dma_wait3A_278 = tpu.memref_slice %arg2[%dma_wait3A_276, %dma_wait3A_277] : memref<10000x16xf32, #tpu.memory_space<hbm>> -> memref<125x16xf32, #tpu.memory_space<hbm>>
    tpu.wait_dma2 semaphore(%arg15 : memref<!tpu.dma_semaphore, #tpu.memory_space<semaphore_mem>>) src(%dma_wait3A_278 : memref<125x16xf32, #tpu.memory_space<hbm>>) dst(%dma_wait3A_275 : memref<125x16xf32, #tpu.memory_space<vmem>>)
    %scan3A_279 = arith.constant 0 : i32
    %scan3A_280 = arith.constant 0 : i32
    %scan3A_281 = arith.constant 25 : i32
    %scan3A_282 = arith.addi %scan3A_280, %scan3A_281 : i32
    %scan3A_283 = arith.constant 1 : i32
    %scan3A_284 = scf.for %scan3A_677 = %scan3A_280 to %scan3A_282 step %scan3A_283 iter_args(%scan3A_678 = %scan3A_279) -> (i32)  : i32 {
      %add3A_679 = arith.constant 50 : i32
      %add3A_680 = arith.addi %add3A_679, %scan3A_677 : i32
      %mul3A_681 = arith.constant 80 : i32
      %mul3A_682 = arith.muli %scan3A_677, %mul3A_681 : i32
      %dma_start3A = arith.constant 0 : i32
      %dma_start3A_683 = tpu.memref_slice %arg9[%mul3A_682, %dma_start3A] : memref<2000x16xf32, #tpu.memory_space<vmem>> -> memref<80x16xf32, #tpu.memory_space<vmem>>
      %dma_start3A_684 = arith.constant 0 : i32
      %dma_start3A_685 = tpu.memref_slice %arg7[%add3A_680, %dma_start3A_684] : memref<125x80xi32, #tpu.memory_space<vmem>> -> memref<1x80xi32, #tpu.memory_space<vmem>>
      %dma_start3A_686 = tpu.memref_squeeze %dma_start3A_685 : memref<1x80xi32, #tpu.memory_space<vmem>> -> memref<80xi32, #tpu.memory_space<vmem>>
      %dma_start3A_687 = arith.constant 0 : i32
      %dma_start3A_688 = arith.constant 0 : i32
      %dma_start3A_689 = tpu.memref_slice %arg2[%dma_start3A_687, %dma_start3A_688] : memref<10000x16xf32, #tpu.memory_space<hbm>> -> memref<10000x16xf32, #tpu.memory_space<hbm>>
      tpu.enqueue_indirect_dma source(%dma_start3A_689 : memref<10000x16xf32, #tpu.memory_space<hbm>>) target(%dma_start3A_683 : memref<80x16xf32, #tpu.memory_space<vmem>>) offsets(%dma_start3A_686 : memref<80xi32, #tpu.memory_space<vmem>>) semaphore(%arg13 : memref<!tpu.dma_semaphore, #tpu.memory_space<semaphore_mem>>)
      %scan3A_690 = arith.constant 0 : i32
      scf.yield %scan3A_690 : i32
    }
    %scan3A_285 = arith.constant 25 : i32
    %dma_wait3A_286 = arith.constant 0 : i32
    %dma_wait3A_287 = arith.constant 0 : i32
    %dma_wait3A_288 = tpu.memref_slice %arg2[%dma_wait3A_286, %dma_wait3A_287] : memref<10000x16xf32, #tpu.memory_space<hbm>> -> memref<625x16xf32, #tpu.memory_space<hbm>>
    %dma_wait3A_289 = arith.constant 0 : i32
    %dma_wait3A_290 = arith.constant 0 : i32
    %dma_wait3A_291 = tpu.memref_slice %arg2[%dma_wait3A_289, %dma_wait3A_290] : memref<10000x16xf32, #tpu.memory_space<hbm>> -> memref<625x16xf32, #tpu.memory_space<hbm>>
    tpu.wait_dma2 semaphore(%arg14 : memref<!tpu.dma_semaphore, #tpu.memory_space<semaphore_mem>>) src(%dma_wait3A_291 : memref<625x16xf32, #tpu.memory_space<hbm>>) dst(%arg11 : memref<625x16xf32, #tpu.memory_space<vmem>>)
    %dma_wait3A_292 = arith.constant 0 : i32
    %dma_wait3A_293 = arith.constant 0 : i32
    %dma_wait3A_294 = tpu.memref_slice %arg2[%dma_wait3A_292, %dma_wait3A_293] : memref<10000x16xf32, #tpu.memory_space<hbm>> -> memref<625x16xf32, #tpu.memory_space<hbm>>
    %dma_wait3A_295 = arith.constant 0 : i32
    %dma_wait3A_296 = arith.constant 0 : i32
    %dma_wait3A_297 = tpu.memref_slice %arg2[%dma_wait3A_295, %dma_wait3A_296] : memref<10000x16xf32, #tpu.memory_space<hbm>> -> memref<625x16xf32, #tpu.memory_space<hbm>>
    tpu.wait_dma2 semaphore(%arg14 : memref<!tpu.dma_semaphore, #tpu.memory_space<semaphore_mem>>) src(%dma_wait3A_297 : memref<625x16xf32, #tpu.memory_space<hbm>>) dst(%arg11 : memref<625x16xf32, #tpu.memory_space<vmem>>)
    %dma_wait3A_298 = arith.constant 0 : i32
    %dma_wait3A_299 = arith.constant 0 : i32
    %dma_wait3A_300 = tpu.memref_slice %arg2[%dma_wait3A_298, %dma_wait3A_299] : memref<10000x16xf32, #tpu.memory_space<hbm>> -> memref<625x16xf32, #tpu.memory_space<hbm>>
    %dma_wait3A_301 = arith.constant 0 : i32
    %dma_wait3A_302 = arith.constant 0 : i32
    %dma_wait3A_303 = tpu.memref_slice %arg2[%dma_wait3A_301, %dma_wait3A_302] : memref<10000x16xf32, #tpu.memory_space<hbm>> -> memref<625x16xf32, #tpu.memory_space<hbm>>
    tpu.wait_dma2 semaphore(%arg14 : memref<!tpu.dma_semaphore, #tpu.memory_space<semaphore_mem>>) src(%dma_wait3A_303 : memref<625x16xf32, #tpu.memory_space<hbm>>) dst(%arg11 : memref<625x16xf32, #tpu.memory_space<vmem>>)
    %dma_wait3A_304 = arith.constant 0 : i32
    %dma_wait3A_305 = arith.constant 0 : i32
    %dma_wait3A_306 = tpu.memref_slice %arg11[%dma_wait3A_304, %dma_wait3A_305] : memref<625x16xf32, #tpu.memory_space<vmem>> -> memref<125x16xf32, #tpu.memory_space<vmem>>
    %dma_wait3A_307 = arith.constant 0 : i32
    %dma_wait3A_308 = arith.constant 0 : i32
    %dma_wait3A_309 = tpu.memref_slice %arg2[%dma_wait3A_307, %dma_wait3A_308] : memref<10000x16xf32, #tpu.memory_space<hbm>> -> memref<125x16xf32, #tpu.memory_space<hbm>>
    %dma_wait3A_310 = arith.constant 0 : i32
    %dma_wait3A_311 = arith.constant 0 : i32
    %dma_wait3A_312 = tpu.memref_slice %arg11[%dma_wait3A_310, %dma_wait3A_311] : memref<625x16xf32, #tpu.memory_space<vmem>> -> memref<125x16xf32, #tpu.memory_space<vmem>>
    %dma_wait3A_313 = arith.constant 0 : i32
    %dma_wait3A_314 = arith.constant 0 : i32
    %dma_wait3A_315 = tpu.memref_slice %arg2[%dma_wait3A_313, %dma_wait3A_314] : memref<10000x16xf32, #tpu.memory_space<hbm>> -> memref<125x16xf32, #tpu.memory_space<hbm>>
    tpu.wait_dma2 semaphore(%arg14 : memref<!tpu.dma_semaphore, #tpu.memory_space<semaphore_mem>>) src(%dma_wait3A_315 : memref<125x16xf32, #tpu.memory_space<hbm>>) dst(%dma_wait3A_312 : memref<125x16xf32, #tpu.memory_space<vmem>>)
    %scan3A_316 = arith.constant 0 : i32
    %scan3A_317 = arith.constant 0 : i32
    %scan3A_318 = arith.constant 25 : i32
    %scan3A_319 = arith.addi %scan3A_317, %scan3A_318 : i32
    %scan3A_320 = arith.constant 1 : i32
    %scan3A_321 = scf.for %scan3A_677 = %scan3A_317 to %scan3A_319 step %scan3A_320 iter_args(%scan3A_678 = %scan3A_316) -> (i32)  : i32 {
      %mul3A_679 = arith.constant 80 : i32
      %mul3A_680 = arith.muli %scan3A_677, %mul3A_679 : i32
      %add3A_681 = arith.constant 25 : i32
      %add3A_682 = arith.addi %add3A_681, %scan3A_677 : i32
      %dma_start3A = arith.constant 0 : i32
      %dma_start3A_683 = tpu.memref_slice %arg10[%mul3A_680, %dma_start3A] : memref<2000x16xf32, #tpu.memory_space<vmem>> -> memref<80x16xf32, #tpu.memory_space<vmem>>
      %dma_start3A_684 = arith.constant 0 : i32
      %dma_start3A_685 = tpu.memref_slice %arg8[%add3A_682, %dma_start3A_684] : memref<125x80xi32, #tpu.memory_space<vmem>> -> memref<1x80xi32, #tpu.memory_space<vmem>>
      %dma_start3A_686 = tpu.memref_squeeze %dma_start3A_685 : memref<1x80xi32, #tpu.memory_space<vmem>> -> memref<80xi32, #tpu.memory_space<vmem>>
      %dma_start3A_687 = arith.constant 0 : i32
      %dma_start3A_688 = arith.constant 0 : i32
      %dma_start3A_689 = tpu.memref_slice %arg12[%dma_start3A_687, %dma_start3A_688] : memref<10000x16xf32, #tpu.memory_space<vmem_shared>> -> memref<10000x16xf32, #tpu.memory_space<vmem_shared>>
      tpu.enqueue_indirect_dma source(%dma_start3A_683 : memref<80x16xf32, #tpu.memory_space<vmem>>) target(%dma_start3A_689 : memref<10000x16xf32, #tpu.memory_space<vmem_shared>>) offsets(%dma_start3A_686 : memref<80xi32, #tpu.memory_space<vmem>>) semaphore(%arg16 : memref<!tpu.dma_semaphore, #tpu.memory_space<semaphore_mem>>) {add = true}
      %add3A_690 = arith.constant 25 : i32
      %add3A_691 = arith.addi %add3A_690, %scan3A_677 : i32
      %dma_start3A_692 = arith.constant 0 : i32
      %dma_start3A_693 = tpu.memref_slice %arg8[%add3A_691, %dma_start3A_692] : memref<125x80xi32, #tpu.memory_space<vmem>> -> memref<1x80xi32, #tpu.memory_space<vmem>>
      %dma_start3A_694 = tpu.memref_squeeze %dma_start3A_693 : memref<1x80xi32, #tpu.memory_space<vmem>> -> memref<80xi32, #tpu.memory_space<vmem>>
      %dma_start3A_695 = arith.constant 0 : i32
      %dma_start3A_696 = tpu.memref_slice %arg19[%dma_start3A_695] : memref<10240xf32, #tpu.memory_space<vmem_shared>> -> memref<10240xf32, #tpu.memory_space<vmem_shared>>
      tpu.enqueue_indirect_dma source(%arg17 : memref<80xf32, #tpu.memory_space<vmem>>) target(%dma_start3A_696 : memref<10240xf32, #tpu.memory_space<vmem_shared>>) offsets(%dma_start3A_694 : memref<80xi32, #tpu.memory_space<vmem>>) semaphore(%arg20 : memref<!tpu.dma_semaphore, #tpu.memory_space<semaphore_mem>>) {add = true}
      %scan3A_697 = arith.constant 0 : i32
      scf.yield %scan3A_697 : i32
    }
    %scan3A_322 = arith.constant 25 : i32
    %dma_wait3A_323 = arith.constant 0 : i32
    %dma_wait3A_324 = arith.constant 0 : i32
    %dma_wait3A_325 = tpu.memref_slice %arg2[%dma_wait3A_323, %dma_wait3A_324] : memref<10000x16xf32, #tpu.memory_space<hbm>> -> memref<625x16xf32, #tpu.memory_space<hbm>>
    %dma_wait3A_326 = arith.constant 0 : i32
    %dma_wait3A_327 = arith.constant 0 : i32
    %dma_wait3A_328 = tpu.memref_slice %arg2[%dma_wait3A_326, %dma_wait3A_327] : memref<10000x16xf32, #tpu.memory_space<hbm>> -> memref<625x16xf32, #tpu.memory_space<hbm>>
    tpu.wait_dma2 semaphore(%arg16 : memref<!tpu.dma_semaphore, #tpu.memory_space<semaphore_mem>>) src(%dma_wait3A_328 : memref<625x16xf32, #tpu.memory_space<hbm>>) dst(%arg11 : memref<625x16xf32, #tpu.memory_space<vmem>>)
    %dma_wait3A_329 = arith.constant 0 : i32
    %dma_wait3A_330 = arith.constant 0 : i32
    %dma_wait3A_331 = tpu.memref_slice %arg2[%dma_wait3A_329, %dma_wait3A_330] : memref<10000x16xf32, #tpu.memory_space<hbm>> -> memref<625x16xf32, #tpu.memory_space<hbm>>
    %dma_wait3A_332 = arith.constant 0 : i32
    %dma_wait3A_333 = arith.constant 0 : i32
    %dma_wait3A_334 = tpu.memref_slice %arg2[%dma_wait3A_332, %dma_wait3A_333] : memref<10000x16xf32, #tpu.memory_space<hbm>> -> memref<625x16xf32, #tpu.memory_space<hbm>>
    tpu.wait_dma2 semaphore(%arg16 : memref<!tpu.dma_semaphore, #tpu.memory_space<semaphore_mem>>) src(%dma_wait3A_334 : memref<625x16xf32, #tpu.memory_space<hbm>>) dst(%arg11 : memref<625x16xf32, #tpu.memory_space<vmem>>)
    %dma_wait3A_335 = arith.constant 0 : i32
    %dma_wait3A_336 = arith.constant 0 : i32
    %dma_wait3A_337 = tpu.memref_slice %arg2[%dma_wait3A_335, %dma_wait3A_336] : memref<10000x16xf32, #tpu.memory_space<hbm>> -> memref<625x16xf32, #tpu.memory_space<hbm>>
    %dma_wait3A_338 = arith.constant 0 : i32
    %dma_wait3A_339 = arith.constant 0 : i32
    %dma_wait3A_340 = tpu.memref_slice %arg2[%dma_wait3A_338, %dma_wait3A_339] : memref<10000x16xf32, #tpu.memory_space<hbm>> -> memref<625x16xf32, #tpu.memory_space<hbm>>
    tpu.wait_dma2 semaphore(%arg16 : memref<!tpu.dma_semaphore, #tpu.memory_space<semaphore_mem>>) src(%dma_wait3A_340 : memref<625x16xf32, #tpu.memory_space<hbm>>) dst(%arg11 : memref<625x16xf32, #tpu.memory_space<vmem>>)
    %dma_wait3A_341 = arith.constant 0 : i32
    %dma_wait3A_342 = arith.constant 0 : i32
    %dma_wait3A_343 = tpu.memref_slice %arg11[%dma_wait3A_341, %dma_wait3A_342] : memref<625x16xf32, #tpu.memory_space<vmem>> -> memref<125x16xf32, #tpu.memory_space<vmem>>
    %dma_wait3A_344 = arith.constant 0 : i32
    %dma_wait3A_345 = arith.constant 0 : i32
    %dma_wait3A_346 = tpu.memref_slice %arg2[%dma_wait3A_344, %dma_wait3A_345] : memref<10000x16xf32, #tpu.memory_space<hbm>> -> memref<125x16xf32, #tpu.memory_space<hbm>>
    %dma_wait3A_347 = arith.constant 0 : i32
    %dma_wait3A_348 = arith.constant 0 : i32
    %dma_wait3A_349 = tpu.memref_slice %arg11[%dma_wait3A_347, %dma_wait3A_348] : memref<625x16xf32, #tpu.memory_space<vmem>> -> memref<125x16xf32, #tpu.memory_space<vmem>>
    %dma_wait3A_350 = arith.constant 0 : i32
    %dma_wait3A_351 = arith.constant 0 : i32
    %dma_wait3A_352 = tpu.memref_slice %arg2[%dma_wait3A_350, %dma_wait3A_351] : memref<10000x16xf32, #tpu.memory_space<hbm>> -> memref<125x16xf32, #tpu.memory_space<hbm>>
    tpu.wait_dma2 semaphore(%arg16 : memref<!tpu.dma_semaphore, #tpu.memory_space<semaphore_mem>>) src(%dma_wait3A_352 : memref<125x16xf32, #tpu.memory_space<hbm>>) dst(%dma_wait3A_349 : memref<125x16xf32, #tpu.memory_space<vmem>>)
    %scan3A_353 = arith.constant 0 : i32
    %scan3A_354 = arith.constant 0 : i32
    %scan3A_355 = arith.constant 25 : i32
    %scan3A_356 = arith.addi %scan3A_354, %scan3A_355 : i32
    %scan3A_357 = arith.constant 1 : i32
    %scan3A_358 = scf.for %scan3A_677 = %scan3A_354 to %scan3A_356 step %scan3A_357 iter_args(%scan3A_678 = %scan3A_353) -> (i32)  : i32 {
      %add3A_679 = arith.constant 75 : i32
      %add3A_680 = arith.addi %add3A_679, %scan3A_677 : i32
      %mul3A_681 = arith.constant 80 : i32
      %mul3A_682 = arith.muli %scan3A_677, %mul3A_681 : i32
      %dma_start3A = arith.constant 0 : i32
      %dma_start3A_683 = tpu.memref_slice %arg10[%mul3A_682, %dma_start3A] : memref<2000x16xf32, #tpu.memory_space<vmem>> -> memref<80x16xf32, #tpu.memory_space<vmem>>
      %dma_start3A_684 = arith.constant 0 : i32
      %dma_start3A_685 = tpu.memref_slice %arg7[%add3A_680, %dma_start3A_684] : memref<125x80xi32, #tpu.memory_space<vmem>> -> memref<1x80xi32, #tpu.memory_space<vmem>>
      %dma_start3A_686 = tpu.memref_squeeze %dma_start3A_685 : memref<1x80xi32, #tpu.memory_space<vmem>> -> memref<80xi32, #tpu.memory_space<vmem>>
      %dma_start3A_687 = arith.constant 0 : i32
      %dma_start3A_688 = arith.constant 0 : i32
      %dma_start3A_689 = tpu.memref_slice %arg2[%dma_start3A_687, %dma_start3A_688] : memref<10000x16xf32, #tpu.memory_space<hbm>> -> memref<10000x16xf32, #tpu.memory_space<hbm>>
      tpu.enqueue_indirect_dma source(%dma_start3A_689 : memref<10000x16xf32, #tpu.memory_space<hbm>>) target(%dma_start3A_683 : memref<80x16xf32, #tpu.memory_space<vmem>>) offsets(%dma_start3A_686 : memref<80xi32, #tpu.memory_space<vmem>>) semaphore(%arg14 : memref<!tpu.dma_semaphore, #tpu.memory_space<semaphore_mem>>)
      %scan3A_690 = arith.constant 0 : i32
      scf.yield %scan3A_690 : i32
    }
    %scan3A_359 = arith.constant 25 : i32
    %dma_wait3A_360 = arith.constant 0 : i32
    %dma_wait3A_361 = arith.constant 0 : i32
    %dma_wait3A_362 = tpu.memref_slice %arg2[%dma_wait3A_360, %dma_wait3A_361] : memref<10000x16xf32, #tpu.memory_space<hbm>> -> memref<625x16xf32, #tpu.memory_space<hbm>>
    %dma_wait3A_363 = arith.constant 0 : i32
    %dma_wait3A_364 = arith.constant 0 : i32
    %dma_wait3A_365 = tpu.memref_slice %arg2[%dma_wait3A_363, %dma_wait3A_364] : memref<10000x16xf32, #tpu.memory_space<hbm>> -> memref<625x16xf32, #tpu.memory_space<hbm>>
    tpu.wait_dma2 semaphore(%arg13 : memref<!tpu.dma_semaphore, #tpu.memory_space<semaphore_mem>>) src(%dma_wait3A_365 : memref<625x16xf32, #tpu.memory_space<hbm>>) dst(%arg11 : memref<625x16xf32, #tpu.memory_space<vmem>>)
    %dma_wait3A_366 = arith.constant 0 : i32
    %dma_wait3A_367 = arith.constant 0 : i32
    %dma_wait3A_368 = tpu.memref_slice %arg2[%dma_wait3A_366, %dma_wait3A_367] : memref<10000x16xf32, #tpu.memory_space<hbm>> -> memref<625x16xf32, #tpu.memory_space<hbm>>
    %dma_wait3A_369 = arith.constant 0 : i32
    %dma_wait3A_370 = arith.constant 0 : i32
    %dma_wait3A_371 = tpu.memref_slice %arg2[%dma_wait3A_369, %dma_wait3A_370] : memref<10000x16xf32, #tpu.memory_space<hbm>> -> memref<625x16xf32, #tpu.memory_space<hbm>>
    tpu.wait_dma2 semaphore(%arg13 : memref<!tpu.dma_semaphore, #tpu.memory_space<semaphore_mem>>) src(%dma_wait3A_371 : memref<625x16xf32, #tpu.memory_space<hbm>>) dst(%arg11 : memref<625x16xf32, #tpu.memory_space<vmem>>)
    %dma_wait3A_372 = arith.constant 0 : i32
    %dma_wait3A_373 = arith.constant 0 : i32
    %dma_wait3A_374 = tpu.memref_slice %arg2[%dma_wait3A_372, %dma_wait3A_373] : memref<10000x16xf32, #tpu.memory_space<hbm>> -> memref<625x16xf32, #tpu.memory_space<hbm>>
    %dma_wait3A_375 = arith.constant 0 : i32
    %dma_wait3A_376 = arith.constant 0 : i32
    %dma_wait3A_377 = tpu.memref_slice %arg2[%dma_wait3A_375, %dma_wait3A_376] : memref<10000x16xf32, #tpu.memory_space<hbm>> -> memref<625x16xf32, #tpu.memory_space<hbm>>
    tpu.wait_dma2 semaphore(%arg13 : memref<!tpu.dma_semaphore, #tpu.memory_space<semaphore_mem>>) src(%dma_wait3A_377 : memref<625x16xf32, #tpu.memory_space<hbm>>) dst(%arg11 : memref<625x16xf32, #tpu.memory_space<vmem>>)
    %dma_wait3A_378 = arith.constant 0 : i32
    %dma_wait3A_379 = arith.constant 0 : i32
    %dma_wait3A_380 = tpu.memref_slice %arg11[%dma_wait3A_378, %dma_wait3A_379] : memref<625x16xf32, #tpu.memory_space<vmem>> -> memref<125x16xf32, #tpu.memory_space<vmem>>
    %dma_wait3A_381 = arith.constant 0 : i32
    %dma_wait3A_382 = arith.constant 0 : i32
    %dma_wait3A_383 = tpu.memref_slice %arg2[%dma_wait3A_381, %dma_wait3A_382] : memref<10000x16xf32, #tpu.memory_space<hbm>> -> memref<125x16xf32, #tpu.memory_space<hbm>>
    %dma_wait3A_384 = arith.constant 0 : i32
    %dma_wait3A_385 = arith.constant 0 : i32
    %dma_wait3A_386 = tpu.memref_slice %arg11[%dma_wait3A_384, %dma_wait3A_385] : memref<625x16xf32, #tpu.memory_space<vmem>> -> memref<125x16xf32, #tpu.memory_space<vmem>>
    %dma_wait3A_387 = arith.constant 0 : i32
    %dma_wait3A_388 = arith.constant 0 : i32
    %dma_wait3A_389 = tpu.memref_slice %arg2[%dma_wait3A_387, %dma_wait3A_388] : memref<10000x16xf32, #tpu.memory_space<hbm>> -> memref<125x16xf32, #tpu.memory_space<hbm>>
    tpu.wait_dma2 semaphore(%arg13 : memref<!tpu.dma_semaphore, #tpu.memory_space<semaphore_mem>>) src(%dma_wait3A_389 : memref<125x16xf32, #tpu.memory_space<hbm>>) dst(%dma_wait3A_386 : memref<125x16xf32, #tpu.memory_space<vmem>>)
    %scan3A_390 = arith.constant 0 : i32
    %scan3A_391 = arith.constant 0 : i32
    %scan3A_392 = arith.constant 25 : i32
    %scan3A_393 = arith.addi %scan3A_391, %scan3A_392 : i32
    %scan3A_394 = arith.constant 1 : i32
    %scan3A_395 = scf.for %scan3A_677 = %scan3A_391 to %scan3A_393 step %scan3A_394 iter_args(%scan3A_678 = %scan3A_390) -> (i32)  : i32 {
      %mul3A_679 = arith.constant 80 : i32
      %mul3A_680 = arith.muli %scan3A_677, %mul3A_679 : i32
      %add3A_681 = arith.constant 50 : i32
      %add3A_682 = arith.addi %add3A_681, %scan3A_677 : i32
      %dma_start3A = arith.constant 0 : i32
      %dma_start3A_683 = tpu.memref_slice %arg9[%mul3A_680, %dma_start3A] : memref<2000x16xf32, #tpu.memory_space<vmem>> -> memref<80x16xf32, #tpu.memory_space<vmem>>
      %dma_start3A_684 = arith.constant 0 : i32
      %dma_start3A_685 = tpu.memref_slice %arg8[%add3A_682, %dma_start3A_684] : memref<125x80xi32, #tpu.memory_space<vmem>> -> memref<1x80xi32, #tpu.memory_space<vmem>>
      %dma_start3A_686 = tpu.memref_squeeze %dma_start3A_685 : memref<1x80xi32, #tpu.memory_space<vmem>> -> memref<80xi32, #tpu.memory_space<vmem>>
      %dma_start3A_687 = arith.constant 0 : i32
      %dma_start3A_688 = arith.constant 0 : i32
      %dma_start3A_689 = tpu.memref_slice %arg12[%dma_start3A_687, %dma_start3A_688] : memref<10000x16xf32, #tpu.memory_space<vmem_shared>> -> memref<10000x16xf32, #tpu.memory_space<vmem_shared>>
      tpu.enqueue_indirect_dma source(%dma_start3A_683 : memref<80x16xf32, #tpu.memory_space<vmem>>) target(%dma_start3A_689 : memref<10000x16xf32, #tpu.memory_space<vmem_shared>>) offsets(%dma_start3A_686 : memref<80xi32, #tpu.memory_space<vmem>>) semaphore(%arg15 : memref<!tpu.dma_semaphore, #tpu.memory_space<semaphore_mem>>) {add = true}
      %add3A_690 = arith.constant 50 : i32
      %add3A_691 = arith.addi %add3A_690, %scan3A_677 : i32
      %dma_start3A_692 = arith.constant 0 : i32
      %dma_start3A_693 = tpu.memref_slice %arg8[%add3A_691, %dma_start3A_692] : memref<125x80xi32, #tpu.memory_space<vmem>> -> memref<1x80xi32, #tpu.memory_space<vmem>>
      %dma_start3A_694 = tpu.memref_squeeze %dma_start3A_693 : memref<1x80xi32, #tpu.memory_space<vmem>> -> memref<80xi32, #tpu.memory_space<vmem>>
      %dma_start3A_695 = arith.constant 0 : i32
      %dma_start3A_696 = tpu.memref_slice %arg19[%dma_start3A_695] : memref<10240xf32, #tpu.memory_space<vmem_shared>> -> memref<10240xf32, #tpu.memory_space<vmem_shared>>
      tpu.enqueue_indirect_dma source(%arg17 : memref<80xf32, #tpu.memory_space<vmem>>) target(%dma_start3A_696 : memref<10240xf32, #tpu.memory_space<vmem_shared>>) offsets(%dma_start3A_694 : memref<80xi32, #tpu.memory_space<vmem>>) semaphore(%arg20 : memref<!tpu.dma_semaphore, #tpu.memory_space<semaphore_mem>>) {add = true}
      %scan3A_697 = arith.constant 0 : i32
      scf.yield %scan3A_697 : i32
    }
    %scan3A_396 = arith.constant 25 : i32
    %dma_wait3A_397 = arith.constant 0 : i32
    %dma_wait3A_398 = arith.constant 0 : i32
    %dma_wait3A_399 = tpu.memref_slice %arg2[%dma_wait3A_397, %dma_wait3A_398] : memref<10000x16xf32, #tpu.memory_space<hbm>> -> memref<625x16xf32, #tpu.memory_space<hbm>>
    %dma_wait3A_400 = arith.constant 0 : i32
    %dma_wait3A_401 = arith.constant 0 : i32
    %dma_wait3A_402 = tpu.memref_slice %arg2[%dma_wait3A_400, %dma_wait3A_401] : memref<10000x16xf32, #tpu.memory_space<hbm>> -> memref<625x16xf32, #tpu.memory_space<hbm>>
    tpu.wait_dma2 semaphore(%arg15 : memref<!tpu.dma_semaphore, #tpu.memory_space<semaphore_mem>>) src(%dma_wait3A_402 : memref<625x16xf32, #tpu.memory_space<hbm>>) dst(%arg11 : memref<625x16xf32, #tpu.memory_space<vmem>>)
    %dma_wait3A_403 = arith.constant 0 : i32
    %dma_wait3A_404 = arith.constant 0 : i32
    %dma_wait3A_405 = tpu.memref_slice %arg2[%dma_wait3A_403, %dma_wait3A_404] : memref<10000x16xf32, #tpu.memory_space<hbm>> -> memref<625x16xf32, #tpu.memory_space<hbm>>
    %dma_wait3A_406 = arith.constant 0 : i32
    %dma_wait3A_407 = arith.constant 0 : i32
    %dma_wait3A_408 = tpu.memref_slice %arg2[%dma_wait3A_406, %dma_wait3A_407] : memref<10000x16xf32, #tpu.memory_space<hbm>> -> memref<625x16xf32, #tpu.memory_space<hbm>>
    tpu.wait_dma2 semaphore(%arg15 : memref<!tpu.dma_semaphore, #tpu.memory_space<semaphore_mem>>) src(%dma_wait3A_408 : memref<625x16xf32, #tpu.memory_space<hbm>>) dst(%arg11 : memref<625x16xf32, #tpu.memory_space<vmem>>)
    %dma_wait3A_409 = arith.constant 0 : i32
    %dma_wait3A_410 = arith.constant 0 : i32
    %dma_wait3A_411 = tpu.memref_slice %arg2[%dma_wait3A_409, %dma_wait3A_410] : memref<10000x16xf32, #tpu.memory_space<hbm>> -> memref<625x16xf32, #tpu.memory_space<hbm>>
    %dma_wait3A_412 = arith.constant 0 : i32
    %dma_wait3A_413 = arith.constant 0 : i32
    %dma_wait3A_414 = tpu.memref_slice %arg2[%dma_wait3A_412, %dma_wait3A_413] : memref<10000x16xf32, #tpu.memory_space<hbm>> -> memref<625x16xf32, #tpu.memory_space<hbm>>
    tpu.wait_dma2 semaphore(%arg15 : memref<!tpu.dma_semaphore, #tpu.memory_space<semaphore_mem>>) src(%dma_wait3A_414 : memref<625x16xf32, #tpu.memory_space<hbm>>) dst(%arg11 : memref<625x16xf32, #tpu.memory_space<vmem>>)
    %dma_wait3A_415 = arith.constant 0 : i32
    %dma_wait3A_416 = arith.constant 0 : i32
    %dma_wait3A_417 = tpu.memref_slice %arg11[%dma_wait3A_415, %dma_wait3A_416] : memref<625x16xf32, #tpu.memory_space<vmem>> -> memref<125x16xf32, #tpu.memory_space<vmem>>
    %dma_wait3A_418 = arith.constant 0 : i32
    %dma_wait3A_419 = arith.constant 0 : i32
    %dma_wait3A_420 = tpu.memref_slice %arg2[%dma_wait3A_418, %dma_wait3A_419] : memref<10000x16xf32, #tpu.memory_space<hbm>> -> memref<125x16xf32, #tpu.memory_space<hbm>>
    %dma_wait3A_421 = arith.constant 0 : i32
    %dma_wait3A_422 = arith.constant 0 : i32
    %dma_wait3A_423 = tpu.memref_slice %arg11[%dma_wait3A_421, %dma_wait3A_422] : memref<625x16xf32, #tpu.memory_space<vmem>> -> memref<125x16xf32, #tpu.memory_space<vmem>>
    %dma_wait3A_424 = arith.constant 0 : i32
    %dma_wait3A_425 = arith.constant 0 : i32
    %dma_wait3A_426 = tpu.memref_slice %arg2[%dma_wait3A_424, %dma_wait3A_425] : memref<10000x16xf32, #tpu.memory_space<hbm>> -> memref<125x16xf32, #tpu.memory_space<hbm>>
    tpu.wait_dma2 semaphore(%arg15 : memref<!tpu.dma_semaphore, #tpu.memory_space<semaphore_mem>>) src(%dma_wait3A_426 : memref<125x16xf32, #tpu.memory_space<hbm>>) dst(%dma_wait3A_423 : memref<125x16xf32, #tpu.memory_space<vmem>>)
    %scan3A_427 = arith.constant 0 : i32
    %scan3A_428 = arith.constant 0 : i32
    %scan3A_429 = arith.constant 25 : i32
    %scan3A_430 = arith.addi %scan3A_428, %scan3A_429 : i32
    %scan3A_431 = arith.constant 1 : i32
    %scan3A_432 = scf.for %scan3A_677 = %scan3A_428 to %scan3A_430 step %scan3A_431 iter_args(%scan3A_678 = %scan3A_427) -> (i32)  : i32 {
      %add3A_679 = arith.constant 100 : i32
      %add3A_680 = arith.addi %add3A_679, %scan3A_677 : i32
      %mul3A_681 = arith.constant 80 : i32
      %mul3A_682 = arith.muli %scan3A_677, %mul3A_681 : i32
      %dma_start3A = arith.constant 0 : i32
      %dma_start3A_683 = tpu.memref_slice %arg9[%mul3A_682, %dma_start3A] : memref<2000x16xf32, #tpu.memory_space<vmem>> -> memref<80x16xf32, #tpu.memory_space<vmem>>
      %dma_start3A_684 = arith.constant 0 : i32
      %dma_start3A_685 = tpu.memref_slice %arg7[%add3A_680, %dma_start3A_684] : memref<125x80xi32, #tpu.memory_space<vmem>> -> memref<1x80xi32, #tpu.memory_space<vmem>>
      %dma_start3A_686 = tpu.memref_squeeze %dma_start3A_685 : memref<1x80xi32, #tpu.memory_space<vmem>> -> memref<80xi32, #tpu.memory_space<vmem>>
      %dma_start3A_687 = arith.constant 0 : i32
      %dma_start3A_688 = arith.constant 0 : i32
      %dma_start3A_689 = tpu.memref_slice %arg2[%dma_start3A_687, %dma_start3A_688] : memref<10000x16xf32, #tpu.memory_space<hbm>> -> memref<10000x16xf32, #tpu.memory_space<hbm>>
      tpu.enqueue_indirect_dma source(%dma_start3A_689 : memref<10000x16xf32, #tpu.memory_space<hbm>>) target(%dma_start3A_683 : memref<80x16xf32, #tpu.memory_space<vmem>>) offsets(%dma_start3A_686 : memref<80xi32, #tpu.memory_space<vmem>>) semaphore(%arg13 : memref<!tpu.dma_semaphore, #tpu.memory_space<semaphore_mem>>)
      %scan3A_690 = arith.constant 0 : i32
      scf.yield %scan3A_690 : i32
    }
    %scan3A_433 = arith.constant 25 : i32
    %dma_wait3A_434 = arith.constant 0 : i32
    %dma_wait3A_435 = arith.constant 0 : i32
    %dma_wait3A_436 = tpu.memref_slice %arg2[%dma_wait3A_434, %dma_wait3A_435] : memref<10000x16xf32, #tpu.memory_space<hbm>> -> memref<625x16xf32, #tpu.memory_space<hbm>>
    %dma_wait3A_437 = arith.constant 0 : i32
    %dma_wait3A_438 = arith.constant 0 : i32
    %dma_wait3A_439 = tpu.memref_slice %arg2[%dma_wait3A_437, %dma_wait3A_438] : memref<10000x16xf32, #tpu.memory_space<hbm>> -> memref<625x16xf32, #tpu.memory_space<hbm>>
    tpu.wait_dma2 semaphore(%arg14 : memref<!tpu.dma_semaphore, #tpu.memory_space<semaphore_mem>>) src(%dma_wait3A_439 : memref<625x16xf32, #tpu.memory_space<hbm>>) dst(%arg11 : memref<625x16xf32, #tpu.memory_space<vmem>>)
    %dma_wait3A_440 = arith.constant 0 : i32
    %dma_wait3A_441 = arith.constant 0 : i32
    %dma_wait3A_442 = tpu.memref_slice %arg2[%dma_wait3A_440, %dma_wait3A_441] : memref<10000x16xf32, #tpu.memory_space<hbm>> -> memref<625x16xf32, #tpu.memory_space<hbm>>
    %dma_wait3A_443 = arith.constant 0 : i32
    %dma_wait3A_444 = arith.constant 0 : i32
    %dma_wait3A_445 = tpu.memref_slice %arg2[%dma_wait3A_443, %dma_wait3A_444] : memref<10000x16xf32, #tpu.memory_space<hbm>> -> memref<625x16xf32, #tpu.memory_space<hbm>>
    tpu.wait_dma2 semaphore(%arg14 : memref<!tpu.dma_semaphore, #tpu.memory_space<semaphore_mem>>) src(%dma_wait3A_445 : memref<625x16xf32, #tpu.memory_space<hbm>>) dst(%arg11 : memref<625x16xf32, #tpu.memory_space<vmem>>)
    %dma_wait3A_446 = arith.constant 0 : i32
    %dma_wait3A_447 = arith.constant 0 : i32
    %dma_wait3A_448 = tpu.memref_slice %arg2[%dma_wait3A_446, %dma_wait3A_447] : memref<10000x16xf32, #tpu.memory_space<hbm>> -> memref<625x16xf32, #tpu.memory_space<hbm>>
    %dma_wait3A_449 = arith.constant 0 : i32
    %dma_wait3A_450 = arith.constant 0 : i32
    %dma_wait3A_451 = tpu.memref_slice %arg2[%dma_wait3A_449, %dma_wait3A_450] : memref<10000x16xf32, #tpu.memory_space<hbm>> -> memref<625x16xf32, #tpu.memory_space<hbm>>
    tpu.wait_dma2 semaphore(%arg14 : memref<!tpu.dma_semaphore, #tpu.memory_space<semaphore_mem>>) src(%dma_wait3A_451 : memref<625x16xf32, #tpu.memory_space<hbm>>) dst(%arg11 : memref<625x16xf32, #tpu.memory_space<vmem>>)
    %dma_wait3A_452 = arith.constant 0 : i32
    %dma_wait3A_453 = arith.constant 0 : i32
    %dma_wait3A_454 = tpu.memref_slice %arg11[%dma_wait3A_452, %dma_wait3A_453] : memref<625x16xf32, #tpu.memory_space<vmem>> -> memref<125x16xf32, #tpu.memory_space<vmem>>
    %dma_wait3A_455 = arith.constant 0 : i32
    %dma_wait3A_456 = arith.constant 0 : i32
    %dma_wait3A_457 = tpu.memref_slice %arg2[%dma_wait3A_455, %dma_wait3A_456] : memref<10000x16xf32, #tpu.memory_space<hbm>> -> memref<125x16xf32, #tpu.memory_space<hbm>>
    %dma_wait3A_458 = arith.constant 0 : i32
    %dma_wait3A_459 = arith.constant 0 : i32
    %dma_wait3A_460 = tpu.memref_slice %arg11[%dma_wait3A_458, %dma_wait3A_459] : memref<625x16xf32, #tpu.memory_space<vmem>> -> memref<125x16xf32, #tpu.memory_space<vmem>>
    %dma_wait3A_461 = arith.constant 0 : i32
    %dma_wait3A_462 = arith.constant 0 : i32
    %dma_wait3A_463 = tpu.memref_slice %arg2[%dma_wait3A_461, %dma_wait3A_462] : memref<10000x16xf32, #tpu.memory_space<hbm>> -> memref<125x16xf32, #tpu.memory_space<hbm>>
    tpu.wait_dma2 semaphore(%arg14 : memref<!tpu.dma_semaphore, #tpu.memory_space<semaphore_mem>>) src(%dma_wait3A_463 : memref<125x16xf32, #tpu.memory_space<hbm>>) dst(%dma_wait3A_460 : memref<125x16xf32, #tpu.memory_space<vmem>>)
    %scan3A_464 = arith.constant 0 : i32
    %scan3A_465 = arith.constant 0 : i32
    %scan3A_466 = arith.constant 25 : i32
    %scan3A_467 = arith.addi %scan3A_465, %scan3A_466 : i32
    %scan3A_468 = arith.constant 1 : i32
    %scan3A_469 = scf.for %scan3A_677 = %scan3A_465 to %scan3A_467 step %scan3A_468 iter_args(%scan3A_678 = %scan3A_464) -> (i32)  : i32 {
      %mul3A_679 = arith.constant 80 : i32
      %mul3A_680 = arith.muli %scan3A_677, %mul3A_679 : i32
      %add3A_681 = arith.constant 75 : i32
      %add3A_682 = arith.addi %add3A_681, %scan3A_677 : i32
      %dma_start3A = arith.constant 0 : i32
      %dma_start3A_683 = tpu.memref_slice %arg10[%mul3A_680, %dma_start3A] : memref<2000x16xf32, #tpu.memory_space<vmem>> -> memref<80x16xf32, #tpu.memory_space<vmem>>
      %dma_start3A_684 = arith.constant 0 : i32
      %dma_start3A_685 = tpu.memref_slice %arg8[%add3A_682, %dma_start3A_684] : memref<125x80xi32, #tpu.memory_space<vmem>> -> memref<1x80xi32, #tpu.memory_space<vmem>>
      %dma_start3A_686 = tpu.memref_squeeze %dma_start3A_685 : memref<1x80xi32, #tpu.memory_space<vmem>> -> memref<80xi32, #tpu.memory_space<vmem>>
      %dma_start3A_687 = arith.constant 0 : i32
      %dma_start3A_688 = arith.constant 0 : i32
      %dma_start3A_689 = tpu.memref_slice %arg12[%dma_start3A_687, %dma_start3A_688] : memref<10000x16xf32, #tpu.memory_space<vmem_shared>> -> memref<10000x16xf32, #tpu.memory_space<vmem_shared>>
      tpu.enqueue_indirect_dma source(%dma_start3A_683 : memref<80x16xf32, #tpu.memory_space<vmem>>) target(%dma_start3A_689 : memref<10000x16xf32, #tpu.memory_space<vmem_shared>>) offsets(%dma_start3A_686 : memref<80xi32, #tpu.memory_space<vmem>>) semaphore(%arg16 : memref<!tpu.dma_semaphore, #tpu.memory_space<semaphore_mem>>) {add = true}
      %add3A_690 = arith.constant 75 : i32
      %add3A_691 = arith.addi %add3A_690, %scan3A_677 : i32
      %dma_start3A_692 = arith.constant 0 : i32
      %dma_start3A_693 = tpu.memref_slice %arg8[%add3A_691, %dma_start3A_692] : memref<125x80xi32, #tpu.memory_space<vmem>> -> memref<1x80xi32, #tpu.memory_space<vmem>>
      %dma_start3A_694 = tpu.memref_squeeze %dma_start3A_693 : memref<1x80xi32, #tpu.memory_space<vmem>> -> memref<80xi32, #tpu.memory_space<vmem>>
      %dma_start3A_695 = arith.constant 0 : i32
      %dma_start3A_696 = tpu.memref_slice %arg19[%dma_start3A_695] : memref<10240xf32, #tpu.memory_space<vmem_shared>> -> memref<10240xf32, #tpu.memory_space<vmem_shared>>
      tpu.enqueue_indirect_dma source(%arg17 : memref<80xf32, #tpu.memory_space<vmem>>) target(%dma_start3A_696 : memref<10240xf32, #tpu.memory_space<vmem_shared>>) offsets(%dma_start3A_694 : memref<80xi32, #tpu.memory_space<vmem>>) semaphore(%arg20 : memref<!tpu.dma_semaphore, #tpu.memory_space<semaphore_mem>>) {add = true}
      %scan3A_697 = arith.constant 0 : i32
      scf.yield %scan3A_697 : i32
    }
    %scan3A_470 = arith.constant 25 : i32
    %dma_wait3A_471 = arith.constant 0 : i32
    %dma_wait3A_472 = arith.constant 0 : i32
    %dma_wait3A_473 = tpu.memref_slice %arg2[%dma_wait3A_471, %dma_wait3A_472] : memref<10000x16xf32, #tpu.memory_space<hbm>> -> memref<625x16xf32, #tpu.memory_space<hbm>>
    %dma_wait3A_474 = arith.constant 0 : i32
    %dma_wait3A_475 = arith.constant 0 : i32
    %dma_wait3A_476 = tpu.memref_slice %arg2[%dma_wait3A_474, %dma_wait3A_475] : memref<10000x16xf32, #tpu.memory_space<hbm>> -> memref<625x16xf32, #tpu.memory_space<hbm>>
    tpu.wait_dma2 semaphore(%arg16 : memref<!tpu.dma_semaphore, #tpu.memory_space<semaphore_mem>>) src(%dma_wait3A_476 : memref<625x16xf32, #tpu.memory_space<hbm>>) dst(%arg11 : memref<625x16xf32, #tpu.memory_space<vmem>>)
    %dma_wait3A_477 = arith.constant 0 : i32
    %dma_wait3A_478 = arith.constant 0 : i32
    %dma_wait3A_479 = tpu.memref_slice %arg2[%dma_wait3A_477, %dma_wait3A_478] : memref<10000x16xf32, #tpu.memory_space<hbm>> -> memref<625x16xf32, #tpu.memory_space<hbm>>
    %dma_wait3A_480 = arith.constant 0 : i32
    %dma_wait3A_481 = arith.constant 0 : i32
    %dma_wait3A_482 = tpu.memref_slice %arg2[%dma_wait3A_480, %dma_wait3A_481] : memref<10000x16xf32, #tpu.memory_space<hbm>> -> memref<625x16xf32, #tpu.memory_space<hbm>>
    tpu.wait_dma2 semaphore(%arg16 : memref<!tpu.dma_semaphore, #tpu.memory_space<semaphore_mem>>) src(%dma_wait3A_482 : memref<625x16xf32, #tpu.memory_space<hbm>>) dst(%arg11 : memref<625x16xf32, #tpu.memory_space<vmem>>)
    %dma_wait3A_483 = arith.constant 0 : i32
    %dma_wait3A_484 = arith.constant 0 : i32
    %dma_wait3A_485 = tpu.memref_slice %arg2[%dma_wait3A_483, %dma_wait3A_484] : memref<10000x16xf32, #tpu.memory_space<hbm>> -> memref<625x16xf32, #tpu.memory_space<hbm>>
    %dma_wait3A_486 = arith.constant 0 : i32
    %dma_wait3A_487 = arith.constant 0 : i32
    %dma_wait3A_488 = tpu.memref_slice %arg2[%dma_wait3A_486, %dma_wait3A_487] : memref<10000x16xf32, #tpu.memory_space<hbm>> -> memref<625x16xf32, #tpu.memory_space<hbm>>
    tpu.wait_dma2 semaphore(%arg16 : memref<!tpu.dma_semaphore, #tpu.memory_space<semaphore_mem>>) src(%dma_wait3A_488 : memref<625x16xf32, #tpu.memory_space<hbm>>) dst(%arg11 : memref<625x16xf32, #tpu.memory_space<vmem>>)
    %dma_wait3A_489 = arith.constant 0 : i32
    %dma_wait3A_490 = arith.constant 0 : i32
    %dma_wait3A_491 = tpu.memref_slice %arg11[%dma_wait3A_489, %dma_wait3A_490] : memref<625x16xf32, #tpu.memory_space<vmem>> -> memref<125x16xf32, #tpu.memory_space<vmem>>
    %dma_wait3A_492 = arith.constant 0 : i32
    %dma_wait3A_493 = arith.constant 0 : i32
    %dma_wait3A_494 = tpu.memref_slice %arg2[%dma_wait3A_492, %dma_wait3A_493] : memref<10000x16xf32, #tpu.memory_space<hbm>> -> memref<125x16xf32, #tpu.memory_space<hbm>>
    %dma_wait3A_495 = arith.constant 0 : i32
    %dma_wait3A_496 = arith.constant 0 : i32
    %dma_wait3A_497 = tpu.memref_slice %arg11[%dma_wait3A_495, %dma_wait3A_496] : memref<625x16xf32, #tpu.memory_space<vmem>> -> memref<125x16xf32, #tpu.memory_space<vmem>>
    %dma_wait3A_498 = arith.constant 0 : i32
    %dma_wait3A_499 = arith.constant 0 : i32
    %dma_wait3A_500 = tpu.memref_slice %arg2[%dma_wait3A_498, %dma_wait3A_499] : memref<10000x16xf32, #tpu.memory_space<hbm>> -> memref<125x16xf32, #tpu.memory_space<hbm>>
    tpu.wait_dma2 semaphore(%arg16 : memref<!tpu.dma_semaphore, #tpu.memory_space<semaphore_mem>>) src(%dma_wait3A_500 : memref<125x16xf32, #tpu.memory_space<hbm>>) dst(%dma_wait3A_497 : memref<125x16xf32, #tpu.memory_space<vmem>>)
    %dma_wait3A_501 = arith.constant 0 : i32
    %dma_wait3A_502 = arith.constant 0 : i32
    %dma_wait3A_503 = tpu.memref_slice %arg2[%dma_wait3A_501, %dma_wait3A_502] : memref<10000x16xf32, #tpu.memory_space<hbm>> -> memref<625x16xf32, #tpu.memory_space<hbm>>
    %dma_wait3A_504 = arith.constant 0 : i32
    %dma_wait3A_505 = arith.constant 0 : i32
    %dma_wait3A_506 = tpu.memref_slice %arg2[%dma_wait3A_504, %dma_wait3A_505] : memref<10000x16xf32, #tpu.memory_space<hbm>> -> memref<625x16xf32, #tpu.memory_space<hbm>>
    tpu.wait_dma2 semaphore(%arg13 : memref<!tpu.dma_semaphore, #tpu.memory_space<semaphore_mem>>) src(%dma_wait3A_506 : memref<625x16xf32, #tpu.memory_space<hbm>>) dst(%arg11 : memref<625x16xf32, #tpu.memory_space<vmem>>)
    %dma_wait3A_507 = arith.constant 0 : i32
    %dma_wait3A_508 = arith.constant 0 : i32
    %dma_wait3A_509 = tpu.memref_slice %arg2[%dma_wait3A_507, %dma_wait3A_508] : memref<10000x16xf32, #tpu.memory_space<hbm>> -> memref<625x16xf32, #tpu.memory_space<hbm>>
    %dma_wait3A_510 = arith.constant 0 : i32
    %dma_wait3A_511 = arith.constant 0 : i32
    %dma_wait3A_512 = tpu.memref_slice %arg2[%dma_wait3A_510, %dma_wait3A_511] : memref<10000x16xf32, #tpu.memory_space<hbm>> -> memref<625x16xf32, #tpu.memory_space<hbm>>
    tpu.wait_dma2 semaphore(%arg13 : memref<!tpu.dma_semaphore, #tpu.memory_space<semaphore_mem>>) src(%dma_wait3A_512 : memref<625x16xf32, #tpu.memory_space<hbm>>) dst(%arg11 : memref<625x16xf32, #tpu.memory_space<vmem>>)
    %dma_wait3A_513 = arith.constant 0 : i32
    %dma_wait3A_514 = arith.constant 0 : i32
    %dma_wait3A_515 = tpu.memref_slice %arg2[%dma_wait3A_513, %dma_wait3A_514] : memref<10000x16xf32, #tpu.memory_space<hbm>> -> memref<625x16xf32, #tpu.memory_space<hbm>>
    %dma_wait3A_516 = arith.constant 0 : i32
    %dma_wait3A_517 = arith.constant 0 : i32
    %dma_wait3A_518 = tpu.memref_slice %arg2[%dma_wait3A_516, %dma_wait3A_517] : memref<10000x16xf32, #tpu.memory_space<hbm>> -> memref<625x16xf32, #tpu.memory_space<hbm>>
    tpu.wait_dma2 semaphore(%arg13 : memref<!tpu.dma_semaphore, #tpu.memory_space<semaphore_mem>>) src(%dma_wait3A_518 : memref<625x16xf32, #tpu.memory_space<hbm>>) dst(%arg11 : memref<625x16xf32, #tpu.memory_space<vmem>>)
    %dma_wait3A_519 = arith.constant 0 : i32
    %dma_wait3A_520 = arith.constant 0 : i32
    %dma_wait3A_521 = tpu.memref_slice %arg11[%dma_wait3A_519, %dma_wait3A_520] : memref<625x16xf32, #tpu.memory_space<vmem>> -> memref<125x16xf32, #tpu.memory_space<vmem>>
    %dma_wait3A_522 = arith.constant 0 : i32
    %dma_wait3A_523 = arith.constant 0 : i32
    %dma_wait3A_524 = tpu.memref_slice %arg2[%dma_wait3A_522, %dma_wait3A_523] : memref<10000x16xf32, #tpu.memory_space<hbm>> -> memref<125x16xf32, #tpu.memory_space<hbm>>
    %dma_wait3A_525 = arith.constant 0 : i32
    %dma_wait3A_526 = arith.constant 0 : i32
    %dma_wait3A_527 = tpu.memref_slice %arg11[%dma_wait3A_525, %dma_wait3A_526] : memref<625x16xf32, #tpu.memory_space<vmem>> -> memref<125x16xf32, #tpu.memory_space<vmem>>
    %dma_wait3A_528 = arith.constant 0 : i32
    %dma_wait3A_529 = arith.constant 0 : i32
    %dma_wait3A_530 = tpu.memref_slice %arg2[%dma_wait3A_528, %dma_wait3A_529] : memref<10000x16xf32, #tpu.memory_space<hbm>> -> memref<125x16xf32, #tpu.memory_space<hbm>>
    tpu.wait_dma2 semaphore(%arg13 : memref<!tpu.dma_semaphore, #tpu.memory_space<semaphore_mem>>) src(%dma_wait3A_530 : memref<125x16xf32, #tpu.memory_space<hbm>>) dst(%dma_wait3A_527 : memref<125x16xf32, #tpu.memory_space<vmem>>)
    %scan3A_531 = arith.constant 0 : i32
    %scan3A_532 = arith.constant 0 : i32
    %scan3A_533 = arith.constant 25 : i32
    %scan3A_534 = arith.addi %scan3A_532, %scan3A_533 : i32
    %scan3A_535 = arith.constant 1 : i32
    %scan3A_536 = scf.for %scan3A_677 = %scan3A_532 to %scan3A_534 step %scan3A_535 iter_args(%scan3A_678 = %scan3A_531) -> (i32)  : i32 {
      %mul3A_679 = arith.constant 80 : i32
      %mul3A_680 = arith.muli %scan3A_677, %mul3A_679 : i32
      %add3A_681 = arith.constant 100 : i32
      %add3A_682 = arith.addi %add3A_681, %scan3A_677 : i32
      %dma_start3A = arith.constant 0 : i32
      %dma_start3A_683 = tpu.memref_slice %arg9[%mul3A_680, %dma_start3A] : memref<2000x16xf32, #tpu.memory_space<vmem>> -> memref<80x16xf32, #tpu.memory_space<vmem>>
      %dma_start3A_684 = arith.constant 0 : i32
      %dma_start3A_685 = tpu.memref_slice %arg8[%add3A_682, %dma_start3A_684] : memref<125x80xi32, #tpu.memory_space<vmem>> -> memref<1x80xi32, #tpu.memory_space<vmem>>
      %dma_start3A_686 = tpu.memref_squeeze %dma_start3A_685 : memref<1x80xi32, #tpu.memory_space<vmem>> -> memref<80xi32, #tpu.memory_space<vmem>>
      %dma_start3A_687 = arith.constant 0 : i32
      %dma_start3A_688 = arith.constant 0 : i32
      %dma_start3A_689 = tpu.memref_slice %arg12[%dma_start3A_687, %dma_start3A_688] : memref<10000x16xf32, #tpu.memory_space<vmem_shared>> -> memref<10000x16xf32, #tpu.memory_space<vmem_shared>>
      tpu.enqueue_indirect_dma source(%dma_start3A_683 : memref<80x16xf32, #tpu.memory_space<vmem>>) target(%dma_start3A_689 : memref<10000x16xf32, #tpu.memory_space<vmem_shared>>) offsets(%dma_start3A_686 : memref<80xi32, #tpu.memory_space<vmem>>) semaphore(%arg15 : memref<!tpu.dma_semaphore, #tpu.memory_space<semaphore_mem>>) {add = true}
      %add3A_690 = arith.constant 100 : i32
      %add3A_691 = arith.addi %add3A_690, %scan3A_677 : i32
      %dma_start3A_692 = arith.constant 0 : i32
      %dma_start3A_693 = tpu.memref_slice %arg8[%add3A_691, %dma_start3A_692] : memref<125x80xi32, #tpu.memory_space<vmem>> -> memref<1x80xi32, #tpu.memory_space<vmem>>
      %dma_start3A_694 = tpu.memref_squeeze %dma_start3A_693 : memref<1x80xi32, #tpu.memory_space<vmem>> -> memref<80xi32, #tpu.memory_space<vmem>>
      %dma_start3A_695 = arith.constant 0 : i32
      %dma_start3A_696 = tpu.memref_slice %arg19[%dma_start3A_695] : memref<10240xf32, #tpu.memory_space<vmem_shared>> -> memref<10240xf32, #tpu.memory_space<vmem_shared>>
      tpu.enqueue_indirect_dma source(%arg17 : memref<80xf32, #tpu.memory_space<vmem>>) target(%dma_start3A_696 : memref<10240xf32, #tpu.memory_space<vmem_shared>>) offsets(%dma_start3A_694 : memref<80xi32, #tpu.memory_space<vmem>>) semaphore(%arg20 : memref<!tpu.dma_semaphore, #tpu.memory_space<semaphore_mem>>) {add = true}
      %scan3A_697 = arith.constant 0 : i32
      scf.yield %scan3A_697 : i32
    }
    %scan3A_537 = arith.constant 25 : i32
    %dma_wait3A_538 = arith.constant 0 : i32
    %dma_wait3A_539 = arith.constant 0 : i32
    %dma_wait3A_540 = tpu.memref_slice %arg2[%dma_wait3A_538, %dma_wait3A_539] : memref<10000x16xf32, #tpu.memory_space<hbm>> -> memref<625x16xf32, #tpu.memory_space<hbm>>
    %dma_wait3A_541 = arith.constant 0 : i32
    %dma_wait3A_542 = arith.constant 0 : i32
    %dma_wait3A_543 = tpu.memref_slice %arg2[%dma_wait3A_541, %dma_wait3A_542] : memref<10000x16xf32, #tpu.memory_space<hbm>> -> memref<625x16xf32, #tpu.memory_space<hbm>>
    tpu.wait_dma2 semaphore(%arg15 : memref<!tpu.dma_semaphore, #tpu.memory_space<semaphore_mem>>) src(%dma_wait3A_543 : memref<625x16xf32, #tpu.memory_space<hbm>>) dst(%arg11 : memref<625x16xf32, #tpu.memory_space<vmem>>)
    %dma_wait3A_544 = arith.constant 0 : i32
    %dma_wait3A_545 = arith.constant 0 : i32
    %dma_wait3A_546 = tpu.memref_slice %arg2[%dma_wait3A_544, %dma_wait3A_545] : memref<10000x16xf32, #tpu.memory_space<hbm>> -> memref<625x16xf32, #tpu.memory_space<hbm>>
    %dma_wait3A_547 = arith.constant 0 : i32
    %dma_wait3A_548 = arith.constant 0 : i32
    %dma_wait3A_549 = tpu.memref_slice %arg2[%dma_wait3A_547, %dma_wait3A_548] : memref<10000x16xf32, #tpu.memory_space<hbm>> -> memref<625x16xf32, #tpu.memory_space<hbm>>
    tpu.wait_dma2 semaphore(%arg15 : memref<!tpu.dma_semaphore, #tpu.memory_space<semaphore_mem>>) src(%dma_wait3A_549 : memref<625x16xf32, #tpu.memory_space<hbm>>) dst(%arg11 : memref<625x16xf32, #tpu.memory_space<vmem>>)
    %dma_wait3A_550 = arith.constant 0 : i32
    %dma_wait3A_551 = arith.constant 0 : i32
    %dma_wait3A_552 = tpu.memref_slice %arg2[%dma_wait3A_550, %dma_wait3A_551] : memref<10000x16xf32, #tpu.memory_space<hbm>> -> memref<625x16xf32, #tpu.memory_space<hbm>>
    %dma_wait3A_553 = arith.constant 0 : i32
    %dma_wait3A_554 = arith.constant 0 : i32
    %dma_wait3A_555 = tpu.memref_slice %arg2[%dma_wait3A_553, %dma_wait3A_554] : memref<10000x16xf32, #tpu.memory_space<hbm>> -> memref<625x16xf32, #tpu.memory_space<hbm>>
    tpu.wait_dma2 semaphore(%arg15 : memref<!tpu.dma_semaphore, #tpu.memory_space<semaphore_mem>>) src(%dma_wait3A_555 : memref<625x16xf32, #tpu.memory_space<hbm>>) dst(%arg11 : memref<625x16xf32, #tpu.memory_space<vmem>>)
    %dma_wait3A_556 = arith.constant 0 : i32
    %dma_wait3A_557 = arith.constant 0 : i32
    %dma_wait3A_558 = tpu.memref_slice %arg11[%dma_wait3A_556, %dma_wait3A_557] : memref<625x16xf32, #tpu.memory_space<vmem>> -> memref<125x16xf32, #tpu.memory_space<vmem>>
    %dma_wait3A_559 = arith.constant 0 : i32
    %dma_wait3A_560 = arith.constant 0 : i32
    %dma_wait3A_561 = tpu.memref_slice %arg2[%dma_wait3A_559, %dma_wait3A_560] : memref<10000x16xf32, #tpu.memory_space<hbm>> -> memref<125x16xf32, #tpu.memory_space<hbm>>
    %dma_wait3A_562 = arith.constant 0 : i32
    %dma_wait3A_563 = arith.constant 0 : i32
    %dma_wait3A_564 = tpu.memref_slice %arg11[%dma_wait3A_562, %dma_wait3A_563] : memref<625x16xf32, #tpu.memory_space<vmem>> -> memref<125x16xf32, #tpu.memory_space<vmem>>
    %dma_wait3A_565 = arith.constant 0 : i32
    %dma_wait3A_566 = arith.constant 0 : i32
    %dma_wait3A_567 = tpu.memref_slice %arg2[%dma_wait3A_565, %dma_wait3A_566] : memref<10000x16xf32, #tpu.memory_space<hbm>> -> memref<125x16xf32, #tpu.memory_space<hbm>>
    tpu.wait_dma2 semaphore(%arg15 : memref<!tpu.dma_semaphore, #tpu.memory_space<semaphore_mem>>) src(%dma_wait3A_567 : memref<125x16xf32, #tpu.memory_space<hbm>>) dst(%dma_wait3A_564 : memref<125x16xf32, #tpu.memory_space<vmem>>)
    %dma_wait3A_568 = arith.constant 0 : i32
    %dma_wait3A_569 = arith.constant 0 : i32
    %dma_wait3A_570 = tpu.memref_slice %arg3[%dma_wait3A_568, %dma_wait3A_569] : memref<4000x80xi32, #tpu.memory_space<hbm>> -> memref<8x80xi32, #tpu.memory_space<hbm>>
    %dma_wait3A_571 = arith.constant 0 : i32
    %dma_wait3A_572 = arith.constant 0 : i32
    %dma_wait3A_573 = tpu.memref_slice %arg3[%dma_wait3A_571, %dma_wait3A_572] : memref<4000x80xi32, #tpu.memory_space<hbm>> -> memref<8x80xi32, #tpu.memory_space<hbm>>
    tpu.wait_dma2 semaphore(%arg20 : memref<!tpu.dma_semaphore, #tpu.memory_space<semaphore_mem>>) src(%dma_wait3A_573 : memref<8x80xi32, #tpu.memory_space<hbm>>) dst(%arg18 : memref<640xf32, #tpu.memory_space<vmem>>)
    %dma_wait3A_574 = arith.constant 0 : i32
    %dma_wait3A_575 = arith.constant 0 : i32
    %dma_wait3A_576 = tpu.memref_slice %arg3[%dma_wait3A_574, %dma_wait3A_575] : memref<4000x80xi32, #tpu.memory_space<hbm>> -> memref<8x80xi32, #tpu.memory_space<hbm>>
    %dma_wait3A_577 = arith.constant 0 : i32
    %dma_wait3A_578 = arith.constant 0 : i32
    %dma_wait3A_579 = tpu.memref_slice %arg3[%dma_wait3A_577, %dma_wait3A_578] : memref<4000x80xi32, #tpu.memory_space<hbm>> -> memref<8x80xi32, #tpu.memory_space<hbm>>
    tpu.wait_dma2 semaphore(%arg20 : memref<!tpu.dma_semaphore, #tpu.memory_space<semaphore_mem>>) src(%dma_wait3A_579 : memref<8x80xi32, #tpu.memory_space<hbm>>) dst(%arg18 : memref<640xf32, #tpu.memory_space<vmem>>)
    %dma_wait3A_580 = arith.constant 0 : i32
    %dma_wait3A_581 = arith.constant 0 : i32
    %dma_wait3A_582 = tpu.memref_slice %arg3[%dma_wait3A_580, %dma_wait3A_581] : memref<4000x80xi32, #tpu.memory_space<hbm>> -> memref<8x80xi32, #tpu.memory_space<hbm>>
    %dma_wait3A_583 = arith.constant 0 : i32
    %dma_wait3A_584 = arith.constant 0 : i32
    %dma_wait3A_585 = tpu.memref_slice %arg3[%dma_wait3A_583, %dma_wait3A_584] : memref<4000x80xi32, #tpu.memory_space<hbm>> -> memref<8x80xi32, #tpu.memory_space<hbm>>
    tpu.wait_dma2 semaphore(%arg20 : memref<!tpu.dma_semaphore, #tpu.memory_space<semaphore_mem>>) src(%dma_wait3A_585 : memref<8x80xi32, #tpu.memory_space<hbm>>) dst(%arg18 : memref<640xf32, #tpu.memory_space<vmem>>)
    %dma_wait3A_586 = arith.constant 0 : i32
    %dma_wait3A_587 = arith.constant 0 : i32
    %dma_wait3A_588 = tpu.memref_slice %arg3[%dma_wait3A_586, %dma_wait3A_587] : memref<4000x80xi32, #tpu.memory_space<hbm>> -> memref<8x80xi32, #tpu.memory_space<hbm>>
    %dma_wait3A_589 = arith.constant 0 : i32
    %dma_wait3A_590 = arith.constant 0 : i32
    %dma_wait3A_591 = tpu.memref_slice %arg3[%dma_wait3A_589, %dma_wait3A_590] : memref<4000x80xi32, #tpu.memory_space<hbm>> -> memref<8x80xi32, #tpu.memory_space<hbm>>
    tpu.wait_dma2 semaphore(%arg20 : memref<!tpu.dma_semaphore, #tpu.memory_space<semaphore_mem>>) src(%dma_wait3A_591 : memref<8x80xi32, #tpu.memory_space<hbm>>) dst(%arg18 : memref<640xf32, #tpu.memory_space<vmem>>)
    %dma_wait3A_592 = arith.constant 0 : i32
    %dma_wait3A_593 = arith.constant 0 : i32
    %dma_wait3A_594 = tpu.memref_slice %arg3[%dma_wait3A_592, %dma_wait3A_593] : memref<4000x80xi32, #tpu.memory_space<hbm>> -> memref<8x80xi32, #tpu.memory_space<hbm>>
    %dma_wait3A_595 = arith.constant 0 : i32
    %dma_wait3A_596 = arith.constant 0 : i32
    %dma_wait3A_597 = tpu.memref_slice %arg3[%dma_wait3A_595, %dma_wait3A_596] : memref<4000x80xi32, #tpu.memory_space<hbm>> -> memref<8x80xi32, #tpu.memory_space<hbm>>
    tpu.wait_dma2 semaphore(%arg20 : memref<!tpu.dma_semaphore, #tpu.memory_space<semaphore_mem>>) src(%dma_wait3A_597 : memref<8x80xi32, #tpu.memory_space<hbm>>) dst(%arg18 : memref<640xf32, #tpu.memory_space<vmem>>)
    %dma_wait3A_598 = arith.constant 0 : i32
    %dma_wait3A_599 = arith.constant 0 : i32
    %dma_wait3A_600 = tpu.memref_slice %arg3[%dma_wait3A_598, %dma_wait3A_599] : memref<4000x80xi32, #tpu.memory_space<hbm>> -> memref<8x80xi32, #tpu.memory_space<hbm>>
    %dma_wait3A_601 = arith.constant 0 : i32
    %dma_wait3A_602 = arith.constant 0 : i32
    %dma_wait3A_603 = tpu.memref_slice %arg3[%dma_wait3A_601, %dma_wait3A_602] : memref<4000x80xi32, #tpu.memory_space<hbm>> -> memref<8x80xi32, #tpu.memory_space<hbm>>
    tpu.wait_dma2 semaphore(%arg20 : memref<!tpu.dma_semaphore, #tpu.memory_space<semaphore_mem>>) src(%dma_wait3A_603 : memref<8x80xi32, #tpu.memory_space<hbm>>) dst(%arg18 : memref<640xf32, #tpu.memory_space<vmem>>)
    %dma_wait3A_604 = arith.constant 0 : i32
    %dma_wait3A_605 = arith.constant 0 : i32
    %dma_wait3A_606 = tpu.memref_slice %arg3[%dma_wait3A_604, %dma_wait3A_605] : memref<4000x80xi32, #tpu.memory_space<hbm>> -> memref<8x80xi32, #tpu.memory_space<hbm>>
    %dma_wait3A_607 = arith.constant 0 : i32
    %dma_wait3A_608 = arith.constant 0 : i32
    %dma_wait3A_609 = tpu.memref_slice %arg3[%dma_wait3A_607, %dma_wait3A_608] : memref<4000x80xi32, #tpu.memory_space<hbm>> -> memref<8x80xi32, #tpu.memory_space<hbm>>
    tpu.wait_dma2 semaphore(%arg20 : memref<!tpu.dma_semaphore, #tpu.memory_space<semaphore_mem>>) src(%dma_wait3A_609 : memref<8x80xi32, #tpu.memory_space<hbm>>) dst(%arg18 : memref<640xf32, #tpu.memory_space<vmem>>)
    %dma_wait3A_610 = arith.constant 0 : i32
    %dma_wait3A_611 = arith.constant 0 : i32
    %dma_wait3A_612 = tpu.memref_slice %arg3[%dma_wait3A_610, %dma_wait3A_611] : memref<4000x80xi32, #tpu.memory_space<hbm>> -> memref<8x80xi32, #tpu.memory_space<hbm>>
    %dma_wait3A_613 = arith.constant 0 : i32
    %dma_wait3A_614 = arith.constant 0 : i32
    %dma_wait3A_615 = tpu.memref_slice %arg3[%dma_wait3A_613, %dma_wait3A_614] : memref<4000x80xi32, #tpu.memory_space<hbm>> -> memref<8x80xi32, #tpu.memory_space<hbm>>
    tpu.wait_dma2 semaphore(%arg20 : memref<!tpu.dma_semaphore, #tpu.memory_space<semaphore_mem>>) src(%dma_wait3A_615 : memref<8x80xi32, #tpu.memory_space<hbm>>) dst(%arg18 : memref<640xf32, #tpu.memory_space<vmem>>)
    %dma_wait3A_616 = arith.constant 0 : i32
    %dma_wait3A_617 = arith.constant 0 : i32
    %dma_wait3A_618 = tpu.memref_slice %arg3[%dma_wait3A_616, %dma_wait3A_617] : memref<4000x80xi32, #tpu.memory_space<hbm>> -> memref<8x80xi32, #tpu.memory_space<hbm>>
    %dma_wait3A_619 = arith.constant 0 : i32
    %dma_wait3A_620 = arith.constant 0 : i32
    %dma_wait3A_621 = tpu.memref_slice %arg3[%dma_wait3A_619, %dma_wait3A_620] : memref<4000x80xi32, #tpu.memory_space<hbm>> -> memref<8x80xi32, #tpu.memory_space<hbm>>
    tpu.wait_dma2 semaphore(%arg20 : memref<!tpu.dma_semaphore, #tpu.memory_space<semaphore_mem>>) src(%dma_wait3A_621 : memref<8x80xi32, #tpu.memory_space<hbm>>) dst(%arg18 : memref<640xf32, #tpu.memory_space<vmem>>)
    %dma_wait3A_622 = arith.constant 0 : i32
    %dma_wait3A_623 = arith.constant 0 : i32
    %dma_wait3A_624 = tpu.memref_slice %arg3[%dma_wait3A_622, %dma_wait3A_623] : memref<4000x80xi32, #tpu.memory_space<hbm>> -> memref<8x80xi32, #tpu.memory_space<hbm>>
    %dma_wait3A_625 = arith.constant 0 : i32
    %dma_wait3A_626 = arith.constant 0 : i32
    %dma_wait3A_627 = tpu.memref_slice %arg3[%dma_wait3A_625, %dma_wait3A_626] : memref<4000x80xi32, #tpu.memory_space<hbm>> -> memref<8x80xi32, #tpu.memory_space<hbm>>
    tpu.wait_dma2 semaphore(%arg20 : memref<!tpu.dma_semaphore, #tpu.memory_space<semaphore_mem>>) src(%dma_wait3A_627 : memref<8x80xi32, #tpu.memory_space<hbm>>) dst(%arg18 : memref<640xf32, #tpu.memory_space<vmem>>)
    %dma_wait3A_628 = arith.constant 0 : i32
    %dma_wait3A_629 = arith.constant 0 : i32
    %dma_wait3A_630 = tpu.memref_slice %arg3[%dma_wait3A_628, %dma_wait3A_629] : memref<4000x80xi32, #tpu.memory_space<hbm>> -> memref<8x80xi32, #tpu.memory_space<hbm>>
    %dma_wait3A_631 = arith.constant 0 : i32
    %dma_wait3A_632 = arith.constant 0 : i32
    %dma_wait3A_633 = tpu.memref_slice %arg3[%dma_wait3A_631, %dma_wait3A_632] : memref<4000x80xi32, #tpu.memory_space<hbm>> -> memref<8x80xi32, #tpu.memory_space<hbm>>
    tpu.wait_dma2 semaphore(%arg20 : memref<!tpu.dma_semaphore, #tpu.memory_space<semaphore_mem>>) src(%dma_wait3A_633 : memref<8x80xi32, #tpu.memory_space<hbm>>) dst(%arg18 : memref<640xf32, #tpu.memory_space<vmem>>)
    %dma_wait3A_634 = arith.constant 0 : i32
    %dma_wait3A_635 = arith.constant 0 : i32
    %dma_wait3A_636 = tpu.memref_slice %arg3[%dma_wait3A_634, %dma_wait3A_635] : memref<4000x80xi32, #tpu.memory_space<hbm>> -> memref<8x80xi32, #tpu.memory_space<hbm>>
    %dma_wait3A_637 = arith.constant 0 : i32
    %dma_wait3A_638 = arith.constant 0 : i32
    %dma_wait3A_639 = tpu.memref_slice %arg3[%dma_wait3A_637, %dma_wait3A_638] : memref<4000x80xi32, #tpu.memory_space<hbm>> -> memref<8x80xi32, #tpu.memory_space<hbm>>
    tpu.wait_dma2 semaphore(%arg20 : memref<!tpu.dma_semaphore, #tpu.memory_space<semaphore_mem>>) src(%dma_wait3A_639 : memref<8x80xi32, #tpu.memory_space<hbm>>) dst(%arg18 : memref<640xf32, #tpu.memory_space<vmem>>)
    %dma_wait3A_640 = arith.constant 0 : i32
    %dma_wait3A_641 = arith.constant 0 : i32
    %dma_wait3A_642 = tpu.memref_slice %arg3[%dma_wait3A_640, %dma_wait3A_641] : memref<4000x80xi32, #tpu.memory_space<hbm>> -> memref<8x80xi32, #tpu.memory_space<hbm>>
    %dma_wait3A_643 = arith.constant 0 : i32
    %dma_wait3A_644 = arith.constant 0 : i32
    %dma_wait3A_645 = tpu.memref_slice %arg3[%dma_wait3A_643, %dma_wait3A_644] : memref<4000x80xi32, #tpu.memory_space<hbm>> -> memref<8x80xi32, #tpu.memory_space<hbm>>
    tpu.wait_dma2 semaphore(%arg20 : memref<!tpu.dma_semaphore, #tpu.memory_space<semaphore_mem>>) src(%dma_wait3A_645 : memref<8x80xi32, #tpu.memory_space<hbm>>) dst(%arg18 : memref<640xf32, #tpu.memory_space<vmem>>)
    %dma_wait3A_646 = arith.constant 0 : i32
    %dma_wait3A_647 = arith.constant 0 : i32
    %dma_wait3A_648 = tpu.memref_slice %arg3[%dma_wait3A_646, %dma_wait3A_647] : memref<4000x80xi32, #tpu.memory_space<hbm>> -> memref<8x80xi32, #tpu.memory_space<hbm>>
    %dma_wait3A_649 = arith.constant 0 : i32
    %dma_wait3A_650 = arith.constant 0 : i32
    %dma_wait3A_651 = tpu.memref_slice %arg3[%dma_wait3A_649, %dma_wait3A_650] : memref<4000x80xi32, #tpu.memory_space<hbm>> -> memref<8x80xi32, #tpu.memory_space<hbm>>
    tpu.wait_dma2 semaphore(%arg20 : memref<!tpu.dma_semaphore, #tpu.memory_space<semaphore_mem>>) src(%dma_wait3A_651 : memref<8x80xi32, #tpu.memory_space<hbm>>) dst(%arg18 : memref<640xf32, #tpu.memory_space<vmem>>)
    %dma_wait3A_652 = arith.constant 0 : i32
    %dma_wait3A_653 = arith.constant 0 : i32
    %dma_wait3A_654 = tpu.memref_slice %arg3[%dma_wait3A_652, %dma_wait3A_653] : memref<4000x80xi32, #tpu.memory_space<hbm>> -> memref<8x80xi32, #tpu.memory_space<hbm>>
    %dma_wait3A_655 = arith.constant 0 : i32
    %dma_wait3A_656 = arith.constant 0 : i32
    %dma_wait3A_657 = tpu.memref_slice %arg3[%dma_wait3A_655, %dma_wait3A_656] : memref<4000x80xi32, #tpu.memory_space<hbm>> -> memref<8x80xi32, #tpu.memory_space<hbm>>
    tpu.wait_dma2 semaphore(%arg20 : memref<!tpu.dma_semaphore, #tpu.memory_space<semaphore_mem>>) src(%dma_wait3A_657 : memref<8x80xi32, #tpu.memory_space<hbm>>) dst(%arg18 : memref<640xf32, #tpu.memory_space<vmem>>)
    %dma_wait3A_658 = arith.constant 0 : i32
    %dma_wait3A_659 = tpu.memref_slice %arg18[%dma_wait3A_658] : memref<640xf32, #tpu.memory_space<vmem>> -> memref<400xf32, #tpu.memory_space<vmem>>
    %dma_wait3A_660 = arith.constant 0 : i32
    %dma_wait3A_661 = arith.constant 0 : i32
    %dma_wait3A_662 = tpu.memref_slice %arg3[%dma_wait3A_660, %dma_wait3A_661] : memref<4000x80xi32, #tpu.memory_space<hbm>> -> memref<5x80xi32, #tpu.memory_space<hbm>>
    %dma_wait3A_663 = arith.constant 0 : i32
    %dma_wait3A_664 = tpu.memref_slice %arg18[%dma_wait3A_663] : memref<640xf32, #tpu.memory_space<vmem>> -> memref<400xf32, #tpu.memory_space<vmem>>
    %dma_wait3A_665 = arith.constant 0 : i32
    %dma_wait3A_666 = arith.constant 0 : i32
    %dma_wait3A_667 = tpu.memref_slice %arg3[%dma_wait3A_665, %dma_wait3A_666] : memref<4000x80xi32, #tpu.memory_space<hbm>> -> memref<5x80xi32, #tpu.memory_space<hbm>>
    tpu.wait_dma2 semaphore(%arg20 : memref<!tpu.dma_semaphore, #tpu.memory_space<semaphore_mem>>) src(%dma_wait3A_667 : memref<5x80xi32, #tpu.memory_space<hbm>>) dst(%dma_wait3A_664 : memref<400xf32, #tpu.memory_space<vmem>>)
    %barrier3A_668 = arith.constant 0 : index
    tpu.barrier barrier_id(%barrier3A_668)
    %mul3A_669 = arith.constant 625 : i32
    %mul3A_670 = arith.muli %arg1, %mul3A_669 : i32
    "tpu.region"() ({
      %run_scoped3A = tpu.sem_alloc : memref<!tpu.dma_semaphore, #tpu.memory_space<semaphore_mem>>
      %dma_start3A = arith.constant 0 : i32
      %dma_start3A_677 = tpu.memref_slice %arg12[%mul3A_670, %dma_start3A] : memref<10000x16xf32, #tpu.memory_space<vmem_shared>> -> memref<625x16xf32, #tpu.memory_space<vmem_shared>>
      %dma_start3A_678 = arith.constant 0 : i32
      %dma_start3A_679 = tpu.memref_slice %arg12[%mul3A_670, %dma_start3A_678] : memref<10000x16xf32, #tpu.memory_space<vmem_shared>> -> memref<625x16xf32, #tpu.memory_space<vmem_shared>>
      tpu.enqueue_dma source(%dma_start3A_679 : memref<625x16xf32, #tpu.memory_space<vmem_shared>>) target(%arg11 : memref<625x16xf32, #tpu.memory_space<vmem>>) target_semaphore(%run_scoped3A : memref<!tpu.dma_semaphore, #tpu.memory_space<semaphore_mem>>)
      %dma_wait3A_680 = arith.constant 0 : i32
      %dma_wait3A_681 = tpu.memref_slice %arg12[%mul3A_670, %dma_wait3A_680] : memref<10000x16xf32, #tpu.memory_space<vmem_shared>> -> memref<625x16xf32, #tpu.memory_space<vmem_shared>>
      %dma_wait3A_682 = arith.constant 0 : i32
      %dma_wait3A_683 = tpu.memref_slice %arg12[%mul3A_670, %dma_wait3A_682] : memref<10000x16xf32, #tpu.memory_space<vmem_shared>> -> memref<625x16xf32, #tpu.memory_space<vmem_shared>>
      tpu.wait_dma2 semaphore(%run_scoped3A : memref<!tpu.dma_semaphore, #tpu.memory_space<semaphore_mem>>) src(%dma_wait3A_683 : memref<625x16xf32, #tpu.memory_space<vmem_shared>>) dst(%arg11 : memref<625x16xf32, #tpu.memory_space<vmem>>)
      tpu.yield
    }) : () -> ()
    %mul3A_671 = arith.constant 625 : i32
    %mul3A_672 = arith.muli %arg1, %mul3A_671 : i32
    "tpu.region"() ({
      %run_scoped3A = tpu.sem_alloc : memref<!tpu.dma_semaphore, #tpu.memory_space<semaphore_mem>>
      %dma_start3A = arith.constant 0 : i32
      %dma_start3A_677 = tpu.memref_slice %arg5[%arg0, %mul3A_672, %dma_start3A] : memref<2x10000x16xf32, #tpu.memory_space<hbm>> -> memref<1x625x16xf32, #tpu.memory_space<hbm>>
      %dma_start3A_678 = tpu.memref_squeeze %dma_start3A_677 : memref<1x625x16xf32, #tpu.memory_space<hbm>> -> memref<625x16xf32, #tpu.memory_space<hbm>>
      %dma_start3A_679 = arith.constant 0 : i32
      %dma_start3A_680 = tpu.memref_slice %arg5[%arg0, %mul3A_672, %dma_start3A_679] : memref<2x10000x16xf32, #tpu.memory_space<hbm>> -> memref<1x625x16xf32, #tpu.memory_space<hbm>>
      %dma_start3A_681 = tpu.memref_squeeze %dma_start3A_680 : memref<1x625x16xf32, #tpu.memory_space<hbm>> -> memref<625x16xf32, #tpu.memory_space<hbm>>
      tpu.enqueue_dma source(%arg11 : memref<625x16xf32, #tpu.memory_space<vmem>>) target(%dma_start3A_681 : memref<625x16xf32, #tpu.memory_space<hbm>>) target_semaphore(%run_scoped3A : memref<!tpu.dma_semaphore, #tpu.memory_space<semaphore_mem>>)
      %dma_wait3A_682 = arith.constant 0 : i32
      %dma_wait3A_683 = tpu.memref_slice %arg5[%arg0, %mul3A_672, %dma_wait3A_682] : memref<2x10000x16xf32, #tpu.memory_space<hbm>> -> memref<1x625x16xf32, #tpu.memory_space<hbm>>
      %dma_wait3A_684 = tpu.memref_squeeze %dma_wait3A_683 : memref<1x625x16xf32, #tpu.memory_space<hbm>> -> memref<625x16xf32, #tpu.memory_space<hbm>>
      %dma_wait3A_685 = arith.constant 0 : i32
      %dma_wait3A_686 = tpu.memref_slice %arg5[%arg0, %mul3A_672, %dma_wait3A_685] : memref<2x10000x16xf32, #tpu.memory_space<hbm>> -> memref<1x625x16xf32, #tpu.memory_space<hbm>>
      %dma_wait3A_687 = tpu.memref_squeeze %dma_wait3A_686 : memref<1x625x16xf32, #tpu.memory_space<hbm>> -> memref<625x16xf32, #tpu.memory_space<hbm>>
      tpu.wait_dma2 semaphore(%run_scoped3A : memref<!tpu.dma_semaphore, #tpu.memory_space<semaphore_mem>>) src(%arg11 : memref<625x16xf32, #tpu.memory_space<vmem>>) dst(%dma_wait3A_687 : memref<625x16xf32, #tpu.memory_space<hbm>>)
      tpu.yield
    }) : () -> ()
    %mul3A_673 = arith.constant 640 : i32
    %mul3A_674 = arith.muli %arg1, %mul3A_673 : i32
    "tpu.region"() ({
      %run_scoped3A = tpu.sem_alloc : memref<!tpu.dma_semaphore, #tpu.memory_space<semaphore_mem>>
      %dma_start3A = tpu.memref_slice %arg19[%mul3A_674] : memref<10240xf32, #tpu.memory_space<vmem_shared>> -> memref<640xf32, #tpu.memory_space<vmem_shared>>
      %dma_start3A_677 = tpu.memref_slice %arg19[%mul3A_674] : memref<10240xf32, #tpu.memory_space<vmem_shared>> -> memref<640xf32, #tpu.memory_space<vmem_shared>>
      tpu.enqueue_dma source(%dma_start3A_677 : memref<640xf32, #tpu.memory_space<vmem_shared>>) target(%arg18 : memref<640xf32, #tpu.memory_space<vmem>>) target_semaphore(%run_scoped3A : memref<!tpu.dma_semaphore, #tpu.memory_space<semaphore_mem>>)
      %dma_wait3A_678 = tpu.memref_slice %arg19[%mul3A_674] : memref<10240xf32, #tpu.memory_space<vmem_shared>> -> memref<640xf32, #tpu.memory_space<vmem_shared>>
      %dma_wait3A_679 = tpu.memref_slice %arg19[%mul3A_674] : memref<10240xf32, #tpu.memory_space<vmem_shared>> -> memref<640xf32, #tpu.memory_space<vmem_shared>>
      tpu.wait_dma2 semaphore(%run_scoped3A : memref<!tpu.dma_semaphore, #tpu.memory_space<semaphore_mem>>) src(%dma_wait3A_679 : memref<640xf32, #tpu.memory_space<vmem_shared>>) dst(%arg18 : memref<640xf32, #tpu.memory_space<vmem>>)
      tpu.yield
    }) : () -> ()
    %mul3A_675 = arith.constant 640 : i32
    %mul3A_676 = arith.muli %arg1, %mul3A_675 : i32
    "tpu.region"() ({
      %run_scoped3A = tpu.sem_alloc : memref<!tpu.dma_semaphore, #tpu.memory_space<semaphore_mem>>
      %dma_start3A = tpu.memref_slice %arg6[%arg0, %mul3A_676] : memref<2x10240xf32, #tpu.memory_space<hbm>> -> memref<1x640xf32, #tpu.memory_space<hbm>>
      %dma_start3A_677 = tpu.memref_squeeze %dma_start3A : memref<1x640xf32, #tpu.memory_space<hbm>> -> memref<640xf32, #tpu.memory_space<hbm>>
      %dma_start3A_678 = tpu.memref_slice %arg6[%arg0, %mul3A_676] : memref<2x10240xf32, #tpu.memory_space<hbm>> -> memref<1x640xf32, #tpu.memory_space<hbm>>
      %dma_start3A_679 = tpu.memref_squeeze %dma_start3A_678 : memref<1x640xf32, #tpu.memory_space<hbm>> -> memref<640xf32, #tpu.memory_space<hbm>>
      tpu.enqueue_dma source(%arg18 : memref<640xf32, #tpu.memory_space<vmem>>) target(%dma_start3A_679 : memref<640xf32, #tpu.memory_space<hbm>>) target_semaphore(%run_scoped3A : memref<!tpu.dma_semaphore, #tpu.memory_space<semaphore_mem>>)
      %dma_wait3A_680 = tpu.memref_slice %arg6[%arg0, %mul3A_676] : memref<2x10240xf32, #tpu.memory_space<hbm>> -> memref<1x640xf32, #tpu.memory_space<hbm>>
      %dma_wait3A_681 = tpu.memref_squeeze %dma_wait3A_680 : memref<1x640xf32, #tpu.memory_space<hbm>> -> memref<640xf32, #tpu.memory_space<hbm>>
      %dma_wait3A_682 = tpu.memref_slice %arg6[%arg0, %mul3A_676] : memref<2x10240xf32, #tpu.memory_space<hbm>> -> memref<1x640xf32, #tpu.memory_space<hbm>>
      %dma_wait3A_683 = tpu.memref_squeeze %dma_wait3A_682 : memref<1x640xf32, #tpu.memory_space<hbm>> -> memref<640xf32, #tpu.memory_space<hbm>>
      tpu.wait_dma2 semaphore(%run_scoped3A : memref<!tpu.dma_semaphore, #tpu.memory_space<semaphore_mem>>) src(%arg18 : memref<640xf32, #tpu.memory_space<vmem>>) dst(%dma_wait3A_683 : memref<640xf32, #tpu.memory_space<hbm>>)
      tpu.yield
    }) : () -> ()
    return
  }
}

#map = affine_map<(d0, d1) -> (0, 0)>
module attributes {stable_mosaic.version = 14 : i64} {
  func.func @_sc_hist_src(%arg0: i32, %arg1: i32, %arg2: memref<4000x80xi32, #tpu.memory_space<hbm>>, %arg3: memref<2x10240xf32, #tpu.memory_space<hbm>>, %arg4: memref<125x80xi32, #tpu.memory_space<vmem>>, %arg5: memref<80xf32, #tpu.memory_space<vmem>>, %arg6: memref<640xf32, #tpu.memory_space<vmem>>, %arg7: memref<10240xf32, #tpu.memory_space<vmem_shared>>, %arg8: memref<!tpu.dma_semaphore, #tpu.memory_space<semaphore_mem>>) attributes {dimension_semantics = [#tpu.dimension_semantics<core_parallel>, #tpu.dimension_semantics<subcore_parallel>], iteration_bounds = array<i64: 2, 16>, scalar_prefetch = 0 : i64, scratch_operands = 5 : i64, tpu.core_type = #tpu.core_type<sc_vector_subcore>, window_params = [{transform_indices = #map}, {transform_indices = #map}]} {
    %mul3A = arith.constant 2 : i32
    %mul3A_0 = arith.muli %arg1, %mul3A : i32
    %add3A = arith.addi %mul3A_0, %arg0 : i32
    %broadcast_in_dim3A = arith.constant 0.000000e+00 : f32
    %broadcast_in_dim3A_1 = vector.broadcast %broadcast_in_dim3A : f32 to vector<16xf32>
    %swap3A = arith.constant 0 : index
    %swap3A_2 = tpu.vector_load %arg6[%swap3A] {strides = array<i32>} : memref<640xf32, #tpu.memory_space<vmem>>, vector<16xf32>,
    %swap3A_3 = vector.shape_cast %swap3A_2 : vector<16xf32> to vector<16xf32>
    %swap3A_4 = vector.shape_cast %broadcast_in_dim3A_1 : vector<16xf32> to vector<16xf32>
    tpu.vector_store %arg6[%swap3A], %swap3A_4 {strides = array<i32>} : memref<640xf32, #tpu.memory_space<vmem>>, vector<16xf32>,
    %swap3A_5 = arith.constant 16 : index
    %swap3A_6 = tpu.vector_load %arg6[%swap3A_5] {strides = array<i32>} : memref<640xf32, #tpu.memory_space<vmem>>, vector<16xf32>,
    %swap3A_7 = vector.shape_cast %swap3A_6 : vector<16xf32> to vector<16xf32>
    %swap3A_8 = vector.shape_cast %broadcast_in_dim3A_1 : vector<16xf32> to vector<16xf32>
    tpu.vector_store %arg6[%swap3A_5], %swap3A_8 {strides = array<i32>} : memref<640xf32, #tpu.memory_space<vmem>>, vector<16xf32>,
    %swap3A_9 = arith.constant 32 : index
    %swap3A_10 = tpu.vector_load %arg6[%swap3A_9] {strides = array<i32>} : memref<640xf32, #tpu.memory_space<vmem>>, vector<16xf32>,
    %swap3A_11 = vector.shape_cast %swap3A_10 : vector<16xf32> to vector<16xf32>
    %swap3A_12 = vector.shape_cast %broadcast_in_dim3A_1 : vector<16xf32> to vector<16xf32>
    tpu.vector_store %arg6[%swap3A_9], %swap3A_12 {strides = array<i32>} : memref<640xf32, #tpu.memory_space<vmem>>, vector<16xf32>,
    %swap3A_13 = arith.constant 48 : index
    %swap3A_14 = tpu.vector_load %arg6[%swap3A_13] {strides = array<i32>} : memref<640xf32, #tpu.memory_space<vmem>>, vector<16xf32>,
    %swap3A_15 = vector.shape_cast %swap3A_14 : vector<16xf32> to vector<16xf32>
    %swap3A_16 = vector.shape_cast %broadcast_in_dim3A_1 : vector<16xf32> to vector<16xf32>
    tpu.vector_store %arg6[%swap3A_13], %swap3A_16 {strides = array<i32>} : memref<640xf32, #tpu.memory_space<vmem>>, vector<16xf32>,
    %swap3A_17 = arith.constant 64 : index
    %swap3A_18 = tpu.vector_load %arg6[%swap3A_17] {strides = array<i32>} : memref<640xf32, #tpu.memory_space<vmem>>, vector<16xf32>,
    %swap3A_19 = vector.shape_cast %swap3A_18 : vector<16xf32> to vector<16xf32>
    %swap3A_20 = vector.shape_cast %broadcast_in_dim3A_1 : vector<16xf32> to vector<16xf32>
    tpu.vector_store %arg6[%swap3A_17], %swap3A_20 {strides = array<i32>} : memref<640xf32, #tpu.memory_space<vmem>>, vector<16xf32>,
    %swap3A_21 = arith.constant 80 : index
    %swap3A_22 = tpu.vector_load %arg6[%swap3A_21] {strides = array<i32>} : memref<640xf32, #tpu.memory_space<vmem>>, vector<16xf32>,
    %swap3A_23 = vector.shape_cast %swap3A_22 : vector<16xf32> to vector<16xf32>
    %swap3A_24 = vector.shape_cast %broadcast_in_dim3A_1 : vector<16xf32> to vector<16xf32>
    tpu.vector_store %arg6[%swap3A_21], %swap3A_24 {strides = array<i32>} : memref<640xf32, #tpu.memory_space<vmem>>, vector<16xf32>,
    %swap3A_25 = arith.constant 96 : index
    %swap3A_26 = tpu.vector_load %arg6[%swap3A_25] {strides = array<i32>} : memref<640xf32, #tpu.memory_space<vmem>>, vector<16xf32>,
    %swap3A_27 = vector.shape_cast %swap3A_26 : vector<16xf32> to vector<16xf32>
    %swap3A_28 = vector.shape_cast %broadcast_in_dim3A_1 : vector<16xf32> to vector<16xf32>
    tpu.vector_store %arg6[%swap3A_25], %swap3A_28 {strides = array<i32>} : memref<640xf32, #tpu.memory_space<vmem>>, vector<16xf32>,
    %swap3A_29 = arith.constant 112 : index
    %swap3A_30 = tpu.vector_load %arg6[%swap3A_29] {strides = array<i32>} : memref<640xf32, #tpu.memory_space<vmem>>, vector<16xf32>,
    %swap3A_31 = vector.shape_cast %swap3A_30 : vector<16xf32> to vector<16xf32>
    %swap3A_32 = vector.shape_cast %broadcast_in_dim3A_1 : vector<16xf32> to vector<16xf32>
    tpu.vector_store %arg6[%swap3A_29], %swap3A_32 {strides = array<i32>} : memref<640xf32, #tpu.memory_space<vmem>>, vector<16xf32>,
    %swap3A_33 = arith.constant 128 : index
    %swap3A_34 = tpu.vector_load %arg6[%swap3A_33] {strides = array<i32>} : memref<640xf32, #tpu.memory_space<vmem>>, vector<16xf32>,
    %swap3A_35 = vector.shape_cast %swap3A_34 : vector<16xf32> to vector<16xf32>
    %swap3A_36 = vector.shape_cast %broadcast_in_dim3A_1 : vector<16xf32> to vector<16xf32>
    tpu.vector_store %arg6[%swap3A_33], %swap3A_36 {strides = array<i32>} : memref<640xf32, #tpu.memory_space<vmem>>, vector<16xf32>,
    %swap3A_37 = arith.constant 144 : index
    %swap3A_38 = tpu.vector_load %arg6[%swap3A_37] {strides = array<i32>} : memref<640xf32, #tpu.memory_space<vmem>>, vector<16xf32>,
    %swap3A_39 = vector.shape_cast %swap3A_38 : vector<16xf32> to vector<16xf32>
    %swap3A_40 = vector.shape_cast %broadcast_in_dim3A_1 : vector<16xf32> to vector<16xf32>
    tpu.vector_store %arg6[%swap3A_37], %swap3A_40 {strides = array<i32>} : memref<640xf32, #tpu.memory_space<vmem>>, vector<16xf32>,
    %swap3A_41 = arith.constant 160 : index
    %swap3A_42 = tpu.vector_load %arg6[%swap3A_41] {strides = array<i32>} : memref<640xf32, #tpu.memory_space<vmem>>, vector<16xf32>,
    %swap3A_43 = vector.shape_cast %swap3A_42 : vector<16xf32> to vector<16xf32>
    %swap3A_44 = vector.shape_cast %broadcast_in_dim3A_1 : vector<16xf32> to vector<16xf32>
    tpu.vector_store %arg6[%swap3A_41], %swap3A_44 {strides = array<i32>} : memref<640xf32, #tpu.memory_space<vmem>>, vector<16xf32>,
    %swap3A_45 = arith.constant 176 : index
    %swap3A_46 = tpu.vector_load %arg6[%swap3A_45] {strides = array<i32>} : memref<640xf32, #tpu.memory_space<vmem>>, vector<16xf32>,
    %swap3A_47 = vector.shape_cast %swap3A_46 : vector<16xf32> to vector<16xf32>
    %swap3A_48 = vector.shape_cast %broadcast_in_dim3A_1 : vector<16xf32> to vector<16xf32>
    tpu.vector_store %arg6[%swap3A_45], %swap3A_48 {strides = array<i32>} : memref<640xf32, #tpu.memory_space<vmem>>, vector<16xf32>,
    %swap3A_49 = arith.constant 192 : index
    %swap3A_50 = tpu.vector_load %arg6[%swap3A_49] {strides = array<i32>} : memref<640xf32, #tpu.memory_space<vmem>>, vector<16xf32>,
    %swap3A_51 = vector.shape_cast %swap3A_50 : vector<16xf32> to vector<16xf32>
    %swap3A_52 = vector.shape_cast %broadcast_in_dim3A_1 : vector<16xf32> to vector<16xf32>
    tpu.vector_store %arg6[%swap3A_49], %swap3A_52 {strides = array<i32>} : memref<640xf32, #tpu.memory_space<vmem>>, vector<16xf32>,
    %swap3A_53 = arith.constant 208 : index
    %swap3A_54 = tpu.vector_load %arg6[%swap3A_53] {strides = array<i32>} : memref<640xf32, #tpu.memory_space<vmem>>, vector<16xf32>,
    %swap3A_55 = vector.shape_cast %swap3A_54 : vector<16xf32> to vector<16xf32>
    %swap3A_56 = vector.shape_cast %broadcast_in_dim3A_1 : vector<16xf32> to vector<16xf32>
    tpu.vector_store %arg6[%swap3A_53], %swap3A_56 {strides = array<i32>} : memref<640xf32, #tpu.memory_space<vmem>>, vector<16xf32>,
    %swap3A_57 = arith.constant 224 : index
    %swap3A_58 = tpu.vector_load %arg6[%swap3A_57] {strides = array<i32>} : memref<640xf32, #tpu.memory_space<vmem>>, vector<16xf32>,
    %swap3A_59 = vector.shape_cast %swap3A_58 : vector<16xf32> to vector<16xf32>
    %swap3A_60 = vector.shape_cast %broadcast_in_dim3A_1 : vector<16xf32> to vector<16xf32>
    tpu.vector_store %arg6[%swap3A_57], %swap3A_60 {strides = array<i32>} : memref<640xf32, #tpu.memory_space<vmem>>, vector<16xf32>,
    %swap3A_61 = arith.constant 240 : index
    %swap3A_62 = tpu.vector_load %arg6[%swap3A_61] {strides = array<i32>} : memref<640xf32, #tpu.memory_space<vmem>>, vector<16xf32>,
    %swap3A_63 = vector.shape_cast %swap3A_62 : vector<16xf32> to vector<16xf32>
    %swap3A_64 = vector.shape_cast %broadcast_in_dim3A_1 : vector<16xf32> to vector<16xf32>
    tpu.vector_store %arg6[%swap3A_61], %swap3A_64 {strides = array<i32>} : memref<640xf32, #tpu.memory_space<vmem>>, vector<16xf32>,
    %swap3A_65 = arith.constant 256 : index
    %swap3A_66 = tpu.vector_load %arg6[%swap3A_65] {strides = array<i32>} : memref<640xf32, #tpu.memory_space<vmem>>, vector<16xf32>,
    %swap3A_67 = vector.shape_cast %swap3A_66 : vector<16xf32> to vector<16xf32>
    %swap3A_68 = vector.shape_cast %broadcast_in_dim3A_1 : vector<16xf32> to vector<16xf32>
    tpu.vector_store %arg6[%swap3A_65], %swap3A_68 {strides = array<i32>} : memref<640xf32, #tpu.memory_space<vmem>>, vector<16xf32>,
    %swap3A_69 = arith.constant 272 : index
    %swap3A_70 = tpu.vector_load %arg6[%swap3A_69] {strides = array<i32>} : memref<640xf32, #tpu.memory_space<vmem>>, vector<16xf32>,
    %swap3A_71 = vector.shape_cast %swap3A_70 : vector<16xf32> to vector<16xf32>
    %swap3A_72 = vector.shape_cast %broadcast_in_dim3A_1 : vector<16xf32> to vector<16xf32>
    tpu.vector_store %arg6[%swap3A_69], %swap3A_72 {strides = array<i32>} : memref<640xf32, #tpu.memory_space<vmem>>, vector<16xf32>,
    %swap3A_73 = arith.constant 288 : index
    %swap3A_74 = tpu.vector_load %arg6[%swap3A_73] {strides = array<i32>} : memref<640xf32, #tpu.memory_space<vmem>>, vector<16xf32>,
    %swap3A_75 = vector.shape_cast %swap3A_74 : vector<16xf32> to vector<16xf32>
    %swap3A_76 = vector.shape_cast %broadcast_in_dim3A_1 : vector<16xf32> to vector<16xf32>
    tpu.vector_store %arg6[%swap3A_73], %swap3A_76 {strides = array<i32>} : memref<640xf32, #tpu.memory_space<vmem>>, vector<16xf32>,
    %swap3A_77 = arith.constant 304 : index
    %swap3A_78 = tpu.vector_load %arg6[%swap3A_77] {strides = array<i32>} : memref<640xf32, #tpu.memory_space<vmem>>, vector<16xf32>,
    %swap3A_79 = vector.shape_cast %swap3A_78 : vector<16xf32> to vector<16xf32>
    %swap3A_80 = vector.shape_cast %broadcast_in_dim3A_1 : vector<16xf32> to vector<16xf32>
    tpu.vector_store %arg6[%swap3A_77], %swap3A_80 {strides = array<i32>} : memref<640xf32, #tpu.memory_space<vmem>>, vector<16xf32>,
    %swap3A_81 = arith.constant 320 : index
    %swap3A_82 = tpu.vector_load %arg6[%swap3A_81] {strides = array<i32>} : memref<640xf32, #tpu.memory_space<vmem>>, vector<16xf32>,
    %swap3A_83 = vector.shape_cast %swap3A_82 : vector<16xf32> to vector<16xf32>
    %swap3A_84 = vector.shape_cast %broadcast_in_dim3A_1 : vector<16xf32> to vector<16xf32>
    tpu.vector_store %arg6[%swap3A_81], %swap3A_84 {strides = array<i32>} : memref<640xf32, #tpu.memory_space<vmem>>, vector<16xf32>,
    %swap3A_85 = arith.constant 336 : index
    %swap3A_86 = tpu.vector_load %arg6[%swap3A_85] {strides = array<i32>} : memref<640xf32, #tpu.memory_space<vmem>>, vector<16xf32>,
    %swap3A_87 = vector.shape_cast %swap3A_86 : vector<16xf32> to vector<16xf32>
    %swap3A_88 = vector.shape_cast %broadcast_in_dim3A_1 : vector<16xf32> to vector<16xf32>
    tpu.vector_store %arg6[%swap3A_85], %swap3A_88 {strides = array<i32>} : memref<640xf32, #tpu.memory_space<vmem>>, vector<16xf32>,
    %swap3A_89 = arith.constant 352 : index
    %swap3A_90 = tpu.vector_load %arg6[%swap3A_89] {strides = array<i32>} : memref<640xf32, #tpu.memory_space<vmem>>, vector<16xf32>,
    %swap3A_91 = vector.shape_cast %swap3A_90 : vector<16xf32> to vector<16xf32>
    %swap3A_92 = vector.shape_cast %broadcast_in_dim3A_1 : vector<16xf32> to vector<16xf32>
    tpu.vector_store %arg6[%swap3A_89], %swap3A_92 {strides = array<i32>} : memref<640xf32, #tpu.memory_space<vmem>>, vector<16xf32>,
    %swap3A_93 = arith.constant 368 : index
    %swap3A_94 = tpu.vector_load %arg6[%swap3A_93] {strides = array<i32>} : memref<640xf32, #tpu.memory_space<vmem>>, vector<16xf32>,
    %swap3A_95 = vector.shape_cast %swap3A_94 : vector<16xf32> to vector<16xf32>
    %swap3A_96 = vector.shape_cast %broadcast_in_dim3A_1 : vector<16xf32> to vector<16xf32>
    tpu.vector_store %arg6[%swap3A_93], %swap3A_96 {strides = array<i32>} : memref<640xf32, #tpu.memory_space<vmem>>, vector<16xf32>,
    %swap3A_97 = arith.constant 384 : index
    %swap3A_98 = tpu.vector_load %arg6[%swap3A_97] {strides = array<i32>} : memref<640xf32, #tpu.memory_space<vmem>>, vector<16xf32>,
    %swap3A_99 = vector.shape_cast %swap3A_98 : vector<16xf32> to vector<16xf32>
    %swap3A_100 = vector.shape_cast %broadcast_in_dim3A_1 : vector<16xf32> to vector<16xf32>
    tpu.vector_store %arg6[%swap3A_97], %swap3A_100 {strides = array<i32>} : memref<640xf32, #tpu.memory_space<vmem>>, vector<16xf32>,
    %swap3A_101 = arith.constant 400 : index
    %swap3A_102 = tpu.vector_load %arg6[%swap3A_101] {strides = array<i32>} : memref<640xf32, #tpu.memory_space<vmem>>, vector<16xf32>,
    %swap3A_103 = vector.shape_cast %swap3A_102 : vector<16xf32> to vector<16xf32>
    %swap3A_104 = vector.shape_cast %broadcast_in_dim3A_1 : vector<16xf32> to vector<16xf32>
    tpu.vector_store %arg6[%swap3A_101], %swap3A_104 {strides = array<i32>} : memref<640xf32, #tpu.memory_space<vmem>>, vector<16xf32>,
    %swap3A_105 = arith.constant 416 : index
    %swap3A_106 = tpu.vector_load %arg6[%swap3A_105] {strides = array<i32>} : memref<640xf32, #tpu.memory_space<vmem>>, vector<16xf32>,
    %swap3A_107 = vector.shape_cast %swap3A_106 : vector<16xf32> to vector<16xf32>
    %swap3A_108 = vector.shape_cast %broadcast_in_dim3A_1 : vector<16xf32> to vector<16xf32>
    tpu.vector_store %arg6[%swap3A_105], %swap3A_108 {strides = array<i32>} : memref<640xf32, #tpu.memory_space<vmem>>, vector<16xf32>,
    %swap3A_109 = arith.constant 432 : index
    %swap3A_110 = tpu.vector_load %arg6[%swap3A_109] {strides = array<i32>} : memref<640xf32, #tpu.memory_space<vmem>>, vector<16xf32>,
    %swap3A_111 = vector.shape_cast %swap3A_110 : vector<16xf32> to vector<16xf32>
    %swap3A_112 = vector.shape_cast %broadcast_in_dim3A_1 : vector<16xf32> to vector<16xf32>
    tpu.vector_store %arg6[%swap3A_109], %swap3A_112 {strides = array<i32>} : memref<640xf32, #tpu.memory_space<vmem>>, vector<16xf32>,
    %swap3A_113 = arith.constant 448 : index
    %swap3A_114 = tpu.vector_load %arg6[%swap3A_113] {strides = array<i32>} : memref<640xf32, #tpu.memory_space<vmem>>, vector<16xf32>,
    %swap3A_115 = vector.shape_cast %swap3A_114 : vector<16xf32> to vector<16xf32>
    %swap3A_116 = vector.shape_cast %broadcast_in_dim3A_1 : vector<16xf32> to vector<16xf32>
    tpu.vector_store %arg6[%swap3A_113], %swap3A_116 {strides = array<i32>} : memref<640xf32, #tpu.memory_space<vmem>>, vector<16xf32>,
    %swap3A_117 = arith.constant 464 : index
    %swap3A_118 = tpu.vector_load %arg6[%swap3A_117] {strides = array<i32>} : memref<640xf32, #tpu.memory_space<vmem>>, vector<16xf32>,
    %swap3A_119 = vector.shape_cast %swap3A_118 : vector<16xf32> to vector<16xf32>
    %swap3A_120 = vector.shape_cast %broadcast_in_dim3A_1 : vector<16xf32> to vector<16xf32>
    tpu.vector_store %arg6[%swap3A_117], %swap3A_120 {strides = array<i32>} : memref<640xf32, #tpu.memory_space<vmem>>, vector<16xf32>,
    %swap3A_121 = arith.constant 480 : index
    %swap3A_122 = tpu.vector_load %arg6[%swap3A_121] {strides = array<i32>} : memref<640xf32, #tpu.memory_space<vmem>>, vector<16xf32>,
    %swap3A_123 = vector.shape_cast %swap3A_122 : vector<16xf32> to vector<16xf32>
    %swap3A_124 = vector.shape_cast %broadcast_in_dim3A_1 : vector<16xf32> to vector<16xf32>
    tpu.vector_store %arg6[%swap3A_121], %swap3A_124 {strides = array<i32>} : memref<640xf32, #tpu.memory_space<vmem>>, vector<16xf32>,
    %swap3A_125 = arith.constant 496 : index
    %swap3A_126 = tpu.vector_load %arg6[%swap3A_125] {strides = array<i32>} : memref<640xf32, #tpu.memory_space<vmem>>, vector<16xf32>,
    %swap3A_127 = vector.shape_cast %swap3A_126 : vector<16xf32> to vector<16xf32>
    %swap3A_128 = vector.shape_cast %broadcast_in_dim3A_1 : vector<16xf32> to vector<16xf32>
    tpu.vector_store %arg6[%swap3A_125], %swap3A_128 {strides = array<i32>} : memref<640xf32, #tpu.memory_space<vmem>>, vector<16xf32>,
    %swap3A_129 = arith.constant 512 : index
    %swap3A_130 = tpu.vector_load %arg6[%swap3A_129] {strides = array<i32>} : memref<640xf32, #tpu.memory_space<vmem>>, vector<16xf32>,
    %swap3A_131 = vector.shape_cast %swap3A_130 : vector<16xf32> to vector<16xf32>
    %swap3A_132 = vector.shape_cast %broadcast_in_dim3A_1 : vector<16xf32> to vector<16xf32>
    tpu.vector_store %arg6[%swap3A_129], %swap3A_132 {strides = array<i32>} : memref<640xf32, #tpu.memory_space<vmem>>, vector<16xf32>,
    %swap3A_133 = arith.constant 528 : index
    %swap3A_134 = tpu.vector_load %arg6[%swap3A_133] {strides = array<i32>} : memref<640xf32, #tpu.memory_space<vmem>>, vector<16xf32>,
    %swap3A_135 = vector.shape_cast %swap3A_134 : vector<16xf32> to vector<16xf32>
    %swap3A_136 = vector.shape_cast %broadcast_in_dim3A_1 : vector<16xf32> to vector<16xf32>
    tpu.vector_store %arg6[%swap3A_133], %swap3A_136 {strides = array<i32>} : memref<640xf32, #tpu.memory_space<vmem>>, vector<16xf32>,
    %swap3A_137 = arith.constant 544 : index
    %swap3A_138 = tpu.vector_load %arg6[%swap3A_137] {strides = array<i32>} : memref<640xf32, #tpu.memory_space<vmem>>, vector<16xf32>,
    %swap3A_139 = vector.shape_cast %swap3A_138 : vector<16xf32> to vector<16xf32>
    %swap3A_140 = vector.shape_cast %broadcast_in_dim3A_1 : vector<16xf32> to vector<16xf32>
    tpu.vector_store %arg6[%swap3A_137], %swap3A_140 {strides = array<i32>} : memref<640xf32, #tpu.memory_space<vmem>>, vector<16xf32>,
    %swap3A_141 = arith.constant 560 : index
    %swap3A_142 = tpu.vector_load %arg6[%swap3A_141] {strides = array<i32>} : memref<640xf32, #tpu.memory_space<vmem>>, vector<16xf32>,
    %swap3A_143 = vector.shape_cast %swap3A_142 : vector<16xf32> to vector<16xf32>
    %swap3A_144 = vector.shape_cast %broadcast_in_dim3A_1 : vector<16xf32> to vector<16xf32>
    tpu.vector_store %arg6[%swap3A_141], %swap3A_144 {strides = array<i32>} : memref<640xf32, #tpu.memory_space<vmem>>, vector<16xf32>,
    %swap3A_145 = arith.constant 576 : index
    %swap3A_146 = tpu.vector_load %arg6[%swap3A_145] {strides = array<i32>} : memref<640xf32, #tpu.memory_space<vmem>>, vector<16xf32>,
    %swap3A_147 = vector.shape_cast %swap3A_146 : vector<16xf32> to vector<16xf32>
    %swap3A_148 = vector.shape_cast %broadcast_in_dim3A_1 : vector<16xf32> to vector<16xf32>
    tpu.vector_store %arg6[%swap3A_145], %swap3A_148 {strides = array<i32>} : memref<640xf32, #tpu.memory_space<vmem>>, vector<16xf32>,
    %swap3A_149 = arith.constant 592 : index
    %swap3A_150 = tpu.vector_load %arg6[%swap3A_149] {strides = array<i32>} : memref<640xf32, #tpu.memory_space<vmem>>, vector<16xf32>,
    %swap3A_151 = vector.shape_cast %swap3A_150 : vector<16xf32> to vector<16xf32>
    %swap3A_152 = vector.shape_cast %broadcast_in_dim3A_1 : vector<16xf32> to vector<16xf32>
    tpu.vector_store %arg6[%swap3A_149], %swap3A_152 {strides = array<i32>} : memref<640xf32, #tpu.memory_space<vmem>>, vector<16xf32>,
    %swap3A_153 = arith.constant 608 : index
    %swap3A_154 = tpu.vector_load %arg6[%swap3A_153] {strides = array<i32>} : memref<640xf32, #tpu.memory_space<vmem>>, vector<16xf32>,
    %swap3A_155 = vector.shape_cast %swap3A_154 : vector<16xf32> to vector<16xf32>
    %swap3A_156 = vector.shape_cast %broadcast_in_dim3A_1 : vector<16xf32> to vector<16xf32>
    tpu.vector_store %arg6[%swap3A_153], %swap3A_156 {strides = array<i32>} : memref<640xf32, #tpu.memory_space<vmem>>, vector<16xf32>,
    %swap3A_157 = arith.constant 624 : index
    %swap3A_158 = tpu.vector_load %arg6[%swap3A_157] {strides = array<i32>} : memref<640xf32, #tpu.memory_space<vmem>>, vector<16xf32>,
    %swap3A_159 = vector.shape_cast %swap3A_158 : vector<16xf32> to vector<16xf32>
    %swap3A_160 = vector.shape_cast %broadcast_in_dim3A_1 : vector<16xf32> to vector<16xf32>
    tpu.vector_store %arg6[%swap3A_157], %swap3A_160 {strides = array<i32>} : memref<640xf32, #tpu.memory_space<vmem>>, vector<16xf32>,
    %broadcast_in_dim3A_161 = arith.constant 1.000000e+00 : f32
    %broadcast_in_dim3A_162 = vector.broadcast %broadcast_in_dim3A_161 : f32 to vector<16xf32>
    %swap3A_163 = arith.constant 0 : index
    %swap3A_164 = tpu.vector_load %arg5[%swap3A_163] {strides = array<i32>} : memref<80xf32, #tpu.memory_space<vmem>>, vector<16xf32>,
    %swap3A_165 = vector.shape_cast %swap3A_164 : vector<16xf32> to vector<16xf32>
    %swap3A_166 = vector.shape_cast %broadcast_in_dim3A_162 : vector<16xf32> to vector<16xf32>
    tpu.vector_store %arg5[%swap3A_163], %swap3A_166 {strides = array<i32>} : memref<80xf32, #tpu.memory_space<vmem>>, vector<16xf32>,
    %swap3A_167 = arith.constant 16 : index
    %swap3A_168 = tpu.vector_load %arg5[%swap3A_167] {strides = array<i32>} : memref<80xf32, #tpu.memory_space<vmem>>, vector<16xf32>,
    %swap3A_169 = vector.shape_cast %swap3A_168 : vector<16xf32> to vector<16xf32>
    %swap3A_170 = vector.shape_cast %broadcast_in_dim3A_162 : vector<16xf32> to vector<16xf32>
    tpu.vector_store %arg5[%swap3A_167], %swap3A_170 {strides = array<i32>} : memref<80xf32, #tpu.memory_space<vmem>>, vector<16xf32>,
    %swap3A_171 = arith.constant 32 : index
    %swap3A_172 = tpu.vector_load %arg5[%swap3A_171] {strides = array<i32>} : memref<80xf32, #tpu.memory_space<vmem>>, vector<16xf32>,
    %swap3A_173 = vector.shape_cast %swap3A_172 : vector<16xf32> to vector<16xf32>
    %swap3A_174 = vector.shape_cast %broadcast_in_dim3A_162 : vector<16xf32> to vector<16xf32>
    tpu.vector_store %arg5[%swap3A_171], %swap3A_174 {strides = array<i32>} : memref<80xf32, #tpu.memory_space<vmem>>, vector<16xf32>,
    %swap3A_175 = arith.constant 48 : index
    %swap3A_176 = tpu.vector_load %arg5[%swap3A_175] {strides = array<i32>} : memref<80xf32, #tpu.memory_space<vmem>>, vector<16xf32>,
    %swap3A_177 = vector.shape_cast %swap3A_176 : vector<16xf32> to vector<16xf32>
    %swap3A_178 = vector.shape_cast %broadcast_in_dim3A_162 : vector<16xf32> to vector<16xf32>
    tpu.vector_store %arg5[%swap3A_175], %swap3A_178 {strides = array<i32>} : memref<80xf32, #tpu.memory_space<vmem>>, vector<16xf32>,
    %swap3A_179 = arith.constant 64 : index
    %swap3A_180 = tpu.vector_load %arg5[%swap3A_179] {strides = array<i32>} : memref<80xf32, #tpu.memory_space<vmem>>, vector<16xf32>,
    %swap3A_181 = vector.shape_cast %swap3A_180 : vector<16xf32> to vector<16xf32>
    %swap3A_182 = vector.shape_cast %broadcast_in_dim3A_162 : vector<16xf32> to vector<16xf32>
    tpu.vector_store %arg5[%swap3A_179], %swap3A_182 {strides = array<i32>} : memref<80xf32, #tpu.memory_space<vmem>>, vector<16xf32>,
    %mul3A_183 = arith.constant 640 : i32
    %mul3A_184 = arith.muli %arg1, %mul3A_183 : i32
    "tpu.region"() ({
      %run_scoped3A = tpu.sem_alloc : memref<!tpu.dma_semaphore, #tpu.memory_space<semaphore_mem>>
      %dma_start3A = tpu.memref_slice %arg7[%mul3A_184] : memref<10240xf32, #tpu.memory_space<vmem_shared>> -> memref<640xf32, #tpu.memory_space<vmem_shared>>
      %dma_start3A_297 = tpu.memref_slice %arg7[%mul3A_184] : memref<10240xf32, #tpu.memory_space<vmem_shared>> -> memref<640xf32, #tpu.memory_space<vmem_shared>>
      tpu.enqueue_dma source(%arg6 : memref<640xf32, #tpu.memory_space<vmem>>) target(%dma_start3A_297 : memref<640xf32, #tpu.memory_space<vmem_shared>>) target_semaphore(%run_scoped3A : memref<!tpu.dma_semaphore, #tpu.memory_space<semaphore_mem>>)
      %dma_wait3A_298 = tpu.memref_slice %arg7[%mul3A_184] : memref<10240xf32, #tpu.memory_space<vmem_shared>> -> memref<640xf32, #tpu.memory_space<vmem_shared>>
      %dma_wait3A_299 = tpu.memref_slice %arg7[%mul3A_184] : memref<10240xf32, #tpu.memory_space<vmem_shared>> -> memref<640xf32, #tpu.memory_space<vmem_shared>>
      tpu.wait_dma2 semaphore(%run_scoped3A : memref<!tpu.dma_semaphore, #tpu.memory_space<semaphore_mem>>) src(%arg6 : memref<640xf32, #tpu.memory_space<vmem>>) dst(%dma_wait3A_299 : memref<640xf32, #tpu.memory_space<vmem_shared>>)
      tpu.yield
    }) : () -> ()
    %barrier3A = arith.constant 0 : index
    tpu.barrier barrier_id(%barrier3A)
    %mul3A_185 = arith.constant 125 : i32
    %mul3A_186 = arith.muli %add3A, %mul3A_185 : i32
    "tpu.region"() ({
      %run_scoped3A = tpu.sem_alloc : memref<!tpu.dma_semaphore, #tpu.memory_space<semaphore_mem>>
      %dma_start3A = arith.constant 0 : i32
      %dma_start3A_297 = tpu.memref_slice %arg2[%mul3A_186, %dma_start3A] : memref<4000x80xi32, #tpu.memory_space<hbm>> -> memref<125x80xi32, #tpu.memory_space<hbm>>
      %dma_start3A_298 = arith.constant 0 : i32
      %dma_start3A_299 = tpu.memref_slice %arg2[%mul3A_186, %dma_start3A_298] : memref<4000x80xi32, #tpu.memory_space<hbm>> -> memref<125x80xi32, #tpu.memory_space<hbm>>
      tpu.enqueue_dma source(%dma_start3A_299 : memref<125x80xi32, #tpu.memory_space<hbm>>) target(%arg4 : memref<125x80xi32, #tpu.memory_space<vmem>>) target_semaphore(%run_scoped3A : memref<!tpu.dma_semaphore, #tpu.memory_space<semaphore_mem>>)
      %dma_wait3A_300 = arith.constant 0 : i32
      %dma_wait3A_301 = tpu.memref_slice %arg2[%mul3A_186, %dma_wait3A_300] : memref<4000x80xi32, #tpu.memory_space<hbm>> -> memref<125x80xi32, #tpu.memory_space<hbm>>
      %dma_wait3A_302 = arith.constant 0 : i32
      %dma_wait3A_303 = tpu.memref_slice %arg2[%mul3A_186, %dma_wait3A_302] : memref<4000x80xi32, #tpu.memory_space<hbm>> -> memref<125x80xi32, #tpu.memory_space<hbm>>
      tpu.wait_dma2 semaphore(%run_scoped3A : memref<!tpu.dma_semaphore, #tpu.memory_space<semaphore_mem>>) src(%dma_wait3A_303 : memref<125x80xi32, #tpu.memory_space<hbm>>) dst(%arg4 : memref<125x80xi32, #tpu.memory_space<vmem>>)
      tpu.yield
    }) : () -> ()
    %scan3A = arith.constant 0 : i32
    %scan3A_187 = arith.constant 0 : i32
    %scan3A_188 = arith.constant 125 : i32
    %scan3A_189 = arith.addi %scan3A_187, %scan3A_188 : i32
    %scan3A_190 = arith.constant 1 : i32
    %scan3A_191 = scf.for %scan3A_297 = %scan3A_187 to %scan3A_189 step %scan3A_190 iter_args(%scan3A_298 = %scan3A) -> (i32)  : i32 {
      %dma_start3A = arith.constant 0 : i32
      %dma_start3A_299 = tpu.memref_slice %arg4[%scan3A_297, %dma_start3A] : memref<125x80xi32, #tpu.memory_space<vmem>> -> memref<1x80xi32, #tpu.memory_space<vmem>>
      %dma_start3A_300 = tpu.memref_squeeze %dma_start3A_299 : memref<1x80xi32, #tpu.memory_space<vmem>> -> memref<80xi32, #tpu.memory_space<vmem>>
      %dma_start3A_301 = arith.constant 0 : i32
      %dma_start3A_302 = tpu.memref_slice %arg7[%dma_start3A_301] : memref<10240xf32, #tpu.memory_space<vmem_shared>> -> memref<10240xf32, #tpu.memory_space<vmem_shared>>
      tpu.enqueue_indirect_dma source(%arg5 : memref<80xf32, #tpu.memory_space<vmem>>) target(%dma_start3A_302 : memref<10240xf32, #tpu.memory_space<vmem_shared>>) offsets(%dma_start3A_300 : memref<80xi32, #tpu.memory_space<vmem>>) semaphore(%arg8 : memref<!tpu.dma_semaphore, #tpu.memory_space<semaphore_mem>>) {add = true}
      %scan3A_303 = arith.constant 0 : i32
      scf.yield %scan3A_303 : i32
    }
    %scan3A_192 = arith.constant 125 : i32
    %dma_wait3A = arith.constant 0 : i32
    %dma_wait3A_193 = arith.constant 0 : i32
    %dma_wait3A_194 = tpu.memref_slice %arg2[%dma_wait3A, %dma_wait3A_193] : memref<4000x80xi32, #tpu.memory_space<hbm>> -> memref<8x80xi32, #tpu.memory_space<hbm>>
    %dma_wait3A_195 = arith.constant 0 : i32
    %dma_wait3A_196 = arith.constant 0 : i32
    %dma_wait3A_197 = tpu.memref_slice %arg2[%dma_wait3A_195, %dma_wait3A_196] : memref<4000x80xi32, #tpu.memory_space<hbm>> -> memref<8x80xi32, #tpu.memory_space<hbm>>
    tpu.wait_dma2 semaphore(%arg8 : memref<!tpu.dma_semaphore, #tpu.memory_space<semaphore_mem>>) src(%dma_wait3A_197 : memref<8x80xi32, #tpu.memory_space<hbm>>) dst(%arg6 : memref<640xf32, #tpu.memory_space<vmem>>)
    %dma_wait3A_198 = arith.constant 0 : i32
    %dma_wait3A_199 = arith.constant 0 : i32
    %dma_wait3A_200 = tpu.memref_slice %arg2[%dma_wait3A_198, %dma_wait3A_199] : memref<4000x80xi32, #tpu.memory_space<hbm>> -> memref<8x80xi32, #tpu.memory_space<hbm>>
    %dma_wait3A_201 = arith.constant 0 : i32
    %dma_wait3A_202 = arith.constant 0 : i32
    %dma_wait3A_203 = tpu.memref_slice %arg2[%dma_wait3A_201, %dma_wait3A_202] : memref<4000x80xi32, #tpu.memory_space<hbm>> -> memref<8x80xi32, #tpu.memory_space<hbm>>
    tpu.wait_dma2 semaphore(%arg8 : memref<!tpu.dma_semaphore, #tpu.memory_space<semaphore_mem>>) src(%dma_wait3A_203 : memref<8x80xi32, #tpu.memory_space<hbm>>) dst(%arg6 : memref<640xf32, #tpu.memory_space<vmem>>)
    %dma_wait3A_204 = arith.constant 0 : i32
    %dma_wait3A_205 = arith.constant 0 : i32
    %dma_wait3A_206 = tpu.memref_slice %arg2[%dma_wait3A_204, %dma_wait3A_205] : memref<4000x80xi32, #tpu.memory_space<hbm>> -> memref<8x80xi32, #tpu.memory_space<hbm>>
    %dma_wait3A_207 = arith.constant 0 : i32
    %dma_wait3A_208 = arith.constant 0 : i32
    %dma_wait3A_209 = tpu.memref_slice %arg2[%dma_wait3A_207, %dma_wait3A_208] : memref<4000x80xi32, #tpu.memory_space<hbm>> -> memref<8x80xi32, #tpu.memory_space<hbm>>
    tpu.wait_dma2 semaphore(%arg8 : memref<!tpu.dma_semaphore, #tpu.memory_space<semaphore_mem>>) src(%dma_wait3A_209 : memref<8x80xi32, #tpu.memory_space<hbm>>) dst(%arg6 : memref<640xf32, #tpu.memory_space<vmem>>)
    %dma_wait3A_210 = arith.constant 0 : i32
    %dma_wait3A_211 = arith.constant 0 : i32
    %dma_wait3A_212 = tpu.memref_slice %arg2[%dma_wait3A_210, %dma_wait3A_211] : memref<4000x80xi32, #tpu.memory_space<hbm>> -> memref<8x80xi32, #tpu.memory_space<hbm>>
    %dma_wait3A_213 = arith.constant 0 : i32
    %dma_wait3A_214 = arith.constant 0 : i32
    %dma_wait3A_215 = tpu.memref_slice %arg2[%dma_wait3A_213, %dma_wait3A_214] : memref<4000x80xi32, #tpu.memory_space<hbm>> -> memref<8x80xi32, #tpu.memory_space<hbm>>
    tpu.wait_dma2 semaphore(%arg8 : memref<!tpu.dma_semaphore, #tpu.memory_space<semaphore_mem>>) src(%dma_wait3A_215 : memref<8x80xi32, #tpu.memory_space<hbm>>) dst(%arg6 : memref<640xf32, #tpu.memory_space<vmem>>)
    %dma_wait3A_216 = arith.constant 0 : i32
    %dma_wait3A_217 = arith.constant 0 : i32
    %dma_wait3A_218 = tpu.memref_slice %arg2[%dma_wait3A_216, %dma_wait3A_217] : memref<4000x80xi32, #tpu.memory_space<hbm>> -> memref<8x80xi32, #tpu.memory_space<hbm>>
    %dma_wait3A_219 = arith.constant 0 : i32
    %dma_wait3A_220 = arith.constant 0 : i32
    %dma_wait3A_221 = tpu.memref_slice %arg2[%dma_wait3A_219, %dma_wait3A_220] : memref<4000x80xi32, #tpu.memory_space<hbm>> -> memref<8x80xi32, #tpu.memory_space<hbm>>
    tpu.wait_dma2 semaphore(%arg8 : memref<!tpu.dma_semaphore, #tpu.memory_space<semaphore_mem>>) src(%dma_wait3A_221 : memref<8x80xi32, #tpu.memory_space<hbm>>) dst(%arg6 : memref<640xf32, #tpu.memory_space<vmem>>)
    %dma_wait3A_222 = arith.constant 0 : i32
    %dma_wait3A_223 = arith.constant 0 : i32
    %dma_wait3A_224 = tpu.memref_slice %arg2[%dma_wait3A_222, %dma_wait3A_223] : memref<4000x80xi32, #tpu.memory_space<hbm>> -> memref<8x80xi32, #tpu.memory_space<hbm>>
    %dma_wait3A_225 = arith.constant 0 : i32
    %dma_wait3A_226 = arith.constant 0 : i32
    %dma_wait3A_227 = tpu.memref_slice %arg2[%dma_wait3A_225, %dma_wait3A_226] : memref<4000x80xi32, #tpu.memory_space<hbm>> -> memref<8x80xi32, #tpu.memory_space<hbm>>
    tpu.wait_dma2 semaphore(%arg8 : memref<!tpu.dma_semaphore, #tpu.memory_space<semaphore_mem>>) src(%dma_wait3A_227 : memref<8x80xi32, #tpu.memory_space<hbm>>) dst(%arg6 : memref<640xf32, #tpu.memory_space<vmem>>)
    %dma_wait3A_228 = arith.constant 0 : i32
    %dma_wait3A_229 = arith.constant 0 : i32
    %dma_wait3A_230 = tpu.memref_slice %arg2[%dma_wait3A_228, %dma_wait3A_229] : memref<4000x80xi32, #tpu.memory_space<hbm>> -> memref<8x80xi32, #tpu.memory_space<hbm>>
    %dma_wait3A_231 = arith.constant 0 : i32
    %dma_wait3A_232 = arith.constant 0 : i32
    %dma_wait3A_233 = tpu.memref_slice %arg2[%dma_wait3A_231, %dma_wait3A_232] : memref<4000x80xi32, #tpu.memory_space<hbm>> -> memref<8x80xi32, #tpu.memory_space<hbm>>
    tpu.wait_dma2 semaphore(%arg8 : memref<!tpu.dma_semaphore, #tpu.memory_space<semaphore_mem>>) src(%dma_wait3A_233 : memref<8x80xi32, #tpu.memory_space<hbm>>) dst(%arg6 : memref<640xf32, #tpu.memory_space<vmem>>)
    %dma_wait3A_234 = arith.constant 0 : i32
    %dma_wait3A_235 = arith.constant 0 : i32
    %dma_wait3A_236 = tpu.memref_slice %arg2[%dma_wait3A_234, %dma_wait3A_235] : memref<4000x80xi32, #tpu.memory_space<hbm>> -> memref<8x80xi32, #tpu.memory_space<hbm>>
    %dma_wait3A_237 = arith.constant 0 : i32
    %dma_wait3A_238 = arith.constant 0 : i32
    %dma_wait3A_239 = tpu.memref_slice %arg2[%dma_wait3A_237, %dma_wait3A_238] : memref<4000x80xi32, #tpu.memory_space<hbm>> -> memref<8x80xi32, #tpu.memory_space<hbm>>
    tpu.wait_dma2 semaphore(%arg8 : memref<!tpu.dma_semaphore, #tpu.memory_space<semaphore_mem>>) src(%dma_wait3A_239 : memref<8x80xi32, #tpu.memory_space<hbm>>) dst(%arg6 : memref<640xf32, #tpu.memory_space<vmem>>)
    %dma_wait3A_240 = arith.constant 0 : i32
    %dma_wait3A_241 = arith.constant 0 : i32
    %dma_wait3A_242 = tpu.memref_slice %arg2[%dma_wait3A_240, %dma_wait3A_241] : memref<4000x80xi32, #tpu.memory_space<hbm>> -> memref<8x80xi32, #tpu.memory_space<hbm>>
    %dma_wait3A_243 = arith.constant 0 : i32
    %dma_wait3A_244 = arith.constant 0 : i32
    %dma_wait3A_245 = tpu.memref_slice %arg2[%dma_wait3A_243, %dma_wait3A_244] : memref<4000x80xi32, #tpu.memory_space<hbm>> -> memref<8x80xi32, #tpu.memory_space<hbm>>
    tpu.wait_dma2 semaphore(%arg8 : memref<!tpu.dma_semaphore, #tpu.memory_space<semaphore_mem>>) src(%dma_wait3A_245 : memref<8x80xi32, #tpu.memory_space<hbm>>) dst(%arg6 : memref<640xf32, #tpu.memory_space<vmem>>)
    %dma_wait3A_246 = arith.constant 0 : i32
    %dma_wait3A_247 = arith.constant 0 : i32
    %dma_wait3A_248 = tpu.memref_slice %arg2[%dma_wait3A_246, %dma_wait3A_247] : memref<4000x80xi32, #tpu.memory_space<hbm>> -> memref<8x80xi32, #tpu.memory_space<hbm>>
    %dma_wait3A_249 = arith.constant 0 : i32
    %dma_wait3A_250 = arith.constant 0 : i32
    %dma_wait3A_251 = tpu.memref_slice %arg2[%dma_wait3A_249, %dma_wait3A_250] : memref<4000x80xi32, #tpu.memory_space<hbm>> -> memref<8x80xi32, #tpu.memory_space<hbm>>
    tpu.wait_dma2 semaphore(%arg8 : memref<!tpu.dma_semaphore, #tpu.memory_space<semaphore_mem>>) src(%dma_wait3A_251 : memref<8x80xi32, #tpu.memory_space<hbm>>) dst(%arg6 : memref<640xf32, #tpu.memory_space<vmem>>)
    %dma_wait3A_252 = arith.constant 0 : i32
    %dma_wait3A_253 = arith.constant 0 : i32
    %dma_wait3A_254 = tpu.memref_slice %arg2[%dma_wait3A_252, %dma_wait3A_253] : memref<4000x80xi32, #tpu.memory_space<hbm>> -> memref<8x80xi32, #tpu.memory_space<hbm>>
    %dma_wait3A_255 = arith.constant 0 : i32
    %dma_wait3A_256 = arith.constant 0 : i32
    %dma_wait3A_257 = tpu.memref_slice %arg2[%dma_wait3A_255, %dma_wait3A_256] : memref<4000x80xi32, #tpu.memory_space<hbm>> -> memref<8x80xi32, #tpu.memory_space<hbm>>
    tpu.wait_dma2 semaphore(%arg8 : memref<!tpu.dma_semaphore, #tpu.memory_space<semaphore_mem>>) src(%dma_wait3A_257 : memref<8x80xi32, #tpu.memory_space<hbm>>) dst(%arg6 : memref<640xf32, #tpu.memory_space<vmem>>)
    %dma_wait3A_258 = arith.constant 0 : i32
    %dma_wait3A_259 = arith.constant 0 : i32
    %dma_wait3A_260 = tpu.memref_slice %arg2[%dma_wait3A_258, %dma_wait3A_259] : memref<4000x80xi32, #tpu.memory_space<hbm>> -> memref<8x80xi32, #tpu.memory_space<hbm>>
    %dma_wait3A_261 = arith.constant 0 : i32
    %dma_wait3A_262 = arith.constant 0 : i32
    %dma_wait3A_263 = tpu.memref_slice %arg2[%dma_wait3A_261, %dma_wait3A_262] : memref<4000x80xi32, #tpu.memory_space<hbm>> -> memref<8x80xi32, #tpu.memory_space<hbm>>
    tpu.wait_dma2 semaphore(%arg8 : memref<!tpu.dma_semaphore, #tpu.memory_space<semaphore_mem>>) src(%dma_wait3A_263 : memref<8x80xi32, #tpu.memory_space<hbm>>) dst(%arg6 : memref<640xf32, #tpu.memory_space<vmem>>)
    %dma_wait3A_264 = arith.constant 0 : i32
    %dma_wait3A_265 = arith.constant 0 : i32
    %dma_wait3A_266 = tpu.memref_slice %arg2[%dma_wait3A_264, %dma_wait3A_265] : memref<4000x80xi32, #tpu.memory_space<hbm>> -> memref<8x80xi32, #tpu.memory_space<hbm>>
    %dma_wait3A_267 = arith.constant 0 : i32
    %dma_wait3A_268 = arith.constant 0 : i32
    %dma_wait3A_269 = tpu.memref_slice %arg2[%dma_wait3A_267, %dma_wait3A_268] : memref<4000x80xi32, #tpu.memory_space<hbm>> -> memref<8x80xi32, #tpu.memory_space<hbm>>
    tpu.wait_dma2 semaphore(%arg8 : memref<!tpu.dma_semaphore, #tpu.memory_space<semaphore_mem>>) src(%dma_wait3A_269 : memref<8x80xi32, #tpu.memory_space<hbm>>) dst(%arg6 : memref<640xf32, #tpu.memory_space<vmem>>)
    %dma_wait3A_270 = arith.constant 0 : i32
    %dma_wait3A_271 = arith.constant 0 : i32
    %dma_wait3A_272 = tpu.memref_slice %arg2[%dma_wait3A_270, %dma_wait3A_271] : memref<4000x80xi32, #tpu.memory_space<hbm>> -> memref<8x80xi32, #tpu.memory_space<hbm>>
    %dma_wait3A_273 = arith.constant 0 : i32
    %dma_wait3A_274 = arith.constant 0 : i32
    %dma_wait3A_275 = tpu.memref_slice %arg2[%dma_wait3A_273, %dma_wait3A_274] : memref<4000x80xi32, #tpu.memory_space<hbm>> -> memref<8x80xi32, #tpu.memory_space<hbm>>
    tpu.wait_dma2 semaphore(%arg8 : memref<!tpu.dma_semaphore, #tpu.memory_space<semaphore_mem>>) src(%dma_wait3A_275 : memref<8x80xi32, #tpu.memory_space<hbm>>) dst(%arg6 : memref<640xf32, #tpu.memory_space<vmem>>)
    %dma_wait3A_276 = arith.constant 0 : i32
    %dma_wait3A_277 = arith.constant 0 : i32
    %dma_wait3A_278 = tpu.memref_slice %arg2[%dma_wait3A_276, %dma_wait3A_277] : memref<4000x80xi32, #tpu.memory_space<hbm>> -> memref<8x80xi32, #tpu.memory_space<hbm>>
    %dma_wait3A_279 = arith.constant 0 : i32
    %dma_wait3A_280 = arith.constant 0 : i32
    %dma_wait3A_281 = tpu.memref_slice %arg2[%dma_wait3A_279, %dma_wait3A_280] : memref<4000x80xi32, #tpu.memory_space<hbm>> -> memref<8x80xi32, #tpu.memory_space<hbm>>
    tpu.wait_dma2 semaphore(%arg8 : memref<!tpu.dma_semaphore, #tpu.memory_space<semaphore_mem>>) src(%dma_wait3A_281 : memref<8x80xi32, #tpu.memory_space<hbm>>) dst(%arg6 : memref<640xf32, #tpu.memory_space<vmem>>)
    %dma_wait3A_282 = arith.constant 0 : i32
    %dma_wait3A_283 = tpu.memref_slice %arg6[%dma_wait3A_282] : memref<640xf32, #tpu.memory_space<vmem>> -> memref<400xf32, #tpu.memory_space<vmem>>
    %dma_wait3A_284 = arith.constant 0 : i32
    %dma_wait3A_285 = arith.constant 0 : i32
    %dma_wait3A_286 = tpu.memref_slice %arg2[%dma_wait3A_284, %dma_wait3A_285] : memref<4000x80xi32, #tpu.memory_space<hbm>> -> memref<5x80xi32, #tpu.memory_space<hbm>>
    %dma_wait3A_287 = arith.constant 0 : i32
    %dma_wait3A_288 = tpu.memref_slice %arg6[%dma_wait3A_287] : memref<640xf32, #tpu.memory_space<vmem>> -> memref<400xf32, #tpu.memory_space<vmem>>
    %dma_wait3A_289 = arith.constant 0 : i32
    %dma_wait3A_290 = arith.constant 0 : i32
    %dma_wait3A_291 = tpu.memref_slice %arg2[%dma_wait3A_289, %dma_wait3A_290] : memref<4000x80xi32, #tpu.memory_space<hbm>> -> memref<5x80xi32, #tpu.memory_space<hbm>>
    tpu.wait_dma2 semaphore(%arg8 : memref<!tpu.dma_semaphore, #tpu.memory_space<semaphore_mem>>) src(%dma_wait3A_291 : memref<5x80xi32, #tpu.memory_space<hbm>>) dst(%dma_wait3A_288 : memref<400xf32, #tpu.memory_space<vmem>>)
    %barrier3A_292 = arith.constant 0 : index
    tpu.barrier barrier_id(%barrier3A_292)
    %mul3A_293 = arith.constant 640 : i32
    %mul3A_294 = arith.muli %arg1, %mul3A_293 : i32
    "tpu.region"() ({
      %run_scoped3A = tpu.sem_alloc : memref<!tpu.dma_semaphore, #tpu.memory_space<semaphore_mem>>
      %dma_start3A = tpu.memref_slice %arg7[%mul3A_294] : memref<10240xf32, #tpu.memory_space<vmem_shared>> -> memref<640xf32, #tpu.memory_space<vmem_shared>>
      %dma_start3A_297 = tpu.memref_slice %arg7[%mul3A_294] : memref<10240xf32, #tpu.memory_space<vmem_shared>> -> memref<640xf32, #tpu.memory_space<vmem_shared>>
      tpu.enqueue_dma source(%dma_start3A_297 : memref<640xf32, #tpu.memory_space<vmem_shared>>) target(%arg6 : memref<640xf32, #tpu.memory_space<vmem>>) target_semaphore(%run_scoped3A : memref<!tpu.dma_semaphore, #tpu.memory_space<semaphore_mem>>)
      %dma_wait3A_298 = tpu.memref_slice %arg7[%mul3A_294] : memref<10240xf32, #tpu.memory_space<vmem_shared>> -> memref<640xf32, #tpu.memory_space<vmem_shared>>
      %dma_wait3A_299 = tpu.memref_slice %arg7[%mul3A_294] : memref<10240xf32, #tpu.memory_space<vmem_shared>> -> memref<640xf32, #tpu.memory_space<vmem_shared>>
      tpu.wait_dma2 semaphore(%run_scoped3A : memref<!tpu.dma_semaphore, #tpu.memory_space<semaphore_mem>>) src(%dma_wait3A_299 : memref<640xf32, #tpu.memory_space<vmem_shared>>) dst(%arg6 : memref<640xf32, #tpu.memory_space<vmem>>)
      tpu.yield
    }) : () -> ()
    %mul3A_295 = arith.constant 640 : i32
    %mul3A_296 = arith.muli %arg1, %mul3A_295 : i32
    "tpu.region"() ({
      %run_scoped3A = tpu.sem_alloc : memref<!tpu.dma_semaphore, #tpu.memory_space<semaphore_mem>>
      %dma_start3A = tpu.memref_slice %arg3[%arg0, %mul3A_296] : memref<2x10240xf32, #tpu.memory_space<hbm>> -> memref<1x640xf32, #tpu.memory_space<hbm>>
      %dma_start3A_297 = tpu.memref_squeeze %dma_start3A : memref<1x640xf32, #tpu.memory_space<hbm>> -> memref<640xf32, #tpu.memory_space<hbm>>
      %dma_start3A_298 = tpu.memref_slice %arg3[%arg0, %mul3A_296] : memref<2x10240xf32, #tpu.memory_space<hbm>> -> memref<1x640xf32, #tpu.memory_space<hbm>>
      %dma_start3A_299 = tpu.memref_squeeze %dma_start3A_298 : memref<1x640xf32, #tpu.memory_space<hbm>> -> memref<640xf32, #tpu.memory_space<hbm>>
      tpu.enqueue_dma source(%arg6 : memref<640xf32, #tpu.memory_space<vmem>>) target(%dma_start3A_299 : memref<640xf32, #tpu.memory_space<hbm>>) target_semaphore(%run_scoped3A : memref<!tpu.dma_semaphore, #tpu.memory_space<semaphore_mem>>)
      %dma_wait3A_300 = tpu.memref_slice %arg3[%arg0, %mul3A_296] : memref<2x10240xf32, #tpu.memory_space<hbm>> -> memref<1x640xf32, #tpu.memory_space<hbm>>
      %dma_wait3A_301 = tpu.memref_squeeze %dma_wait3A_300 : memref<1x640xf32, #tpu.memory_space<hbm>> -> memref<640xf32, #tpu.memory_space<hbm>>
      %dma_wait3A_302 = tpu.memref_slice %arg3[%arg0, %mul3A_296] : memref<2x10240xf32, #tpu.memory_space<hbm>> -> memref<1x640xf32, #tpu.memory_space<hbm>>
      %dma_wait3A_303 = tpu.memref_squeeze %dma_wait3A_302 : memref<1x640xf32, #tpu.memory_space<hbm>> -> memref<640xf32, #tpu.memory_space<hbm>>
      tpu.wait_dma2 semaphore(%run_scoped3A : memref<!tpu.dma_semaphore, #tpu.memory_space<semaphore_mem>>) src(%arg6 : memref<640xf32, #tpu.memory_space<vmem>>) dst(%dma_wait3A_303 : memref<640xf32, #tpu.memory_space<hbm>>)
      tpu.yield
    }) : () -> ()
    return
  }
}

#map = affine_map<(d0, d1) -> (0, 0)>
#map1 = affine_map<(d0, d1) -> (0, 0, 0)>
module attributes {stable_mosaic.version = 14 : i64} {
  func.func @_seg(%arg0: i32, %arg1: i32, %arg2: memref<10000x16xf32, #tpu.memory_space<hbm>>, %arg3: memref<4000x80xi32, #tpu.memory_space<hbm>>, %arg4: memref<4000x80xi32, #tpu.memory_space<hbm>>, %arg5: memref<2x10000x16xf32, #tpu.memory_space<hbm>>, %arg6: memref<125x80xi32, #tpu.memory_space<vmem>>, %arg7: memref<125x80xi32, #tpu.memory_space<vmem>>, %arg8: memref<2000x16xf32, #tpu.memory_space<vmem>>, %arg9: memref<2000x16xf32, #tpu.memory_space<vmem>>, %arg10: memref<625x16xf32, #tpu.memory_space<vmem>>, %arg11: memref<10000x16xf32, #tpu.memory_space<vmem_shared>>, %arg12: memref<!tpu.dma_semaphore, #tpu.memory_space<semaphore_mem>>, %arg13: memref<!tpu.dma_semaphore, #tpu.memory_space<semaphore_mem>>, %arg14: memref<!tpu.dma_semaphore, #tpu.memory_space<semaphore_mem>>, %arg15: memref<!tpu.dma_semaphore, #tpu.memory_space<semaphore_mem>>) attributes {dimension_semantics = [#tpu.dimension_semantics<core_parallel>, #tpu.dimension_semantics<subcore_parallel>], iteration_bounds = array<i64: 2, 16>, scalar_prefetch = 0 : i64, scratch_operands = 10 : i64, tpu.core_type = #tpu.core_type<sc_vector_subcore>, window_params = [{transform_indices = #map}, {transform_indices = #map}, {transform_indices = #map}, {transform_indices = #map1}]} {
    %mul3A = arith.constant 2 : i32
    %mul3A_0 = arith.muli %arg1, %mul3A : i32
    %add3A = arith.addi %mul3A_0, %arg0 : i32
    %broadcast_in_dim3A = arith.constant 0.000000e+00 : f32
    %broadcast_in_dim3A_1 = vector.broadcast %broadcast_in_dim3A : f32 to vector<16xf32>
    %scan3A = arith.constant 0 : i32
    %scan3A_2 = arith.constant 0 : i32
    %scan3A_3 = arith.constant 625 : i32
    %scan3A_4 = arith.addi %scan3A_2, %scan3A_3 : i32
    %scan3A_5 = arith.constant 1 : i32
    %scan3A_6 = scf.for %scan3A_388 = %scan3A_2 to %scan3A_4 step %scan3A_5 iter_args(%scan3A_389 = %scan3A) -> (i32)  : i32 {
      %swap3A = arith.index_cast %scan3A_388 : i32 to index
      %swap3A_390 = arith.constant 0 : index
      %swap3A_391 = tpu.vector_load %arg10[%swap3A, %swap3A_390] {strides = array<i32>} : memref<625x16xf32, #tpu.memory_space<vmem>>, vector<1x16xf32>,
      %swap3A_392 = vector.shape_cast %swap3A_391 : vector<1x16xf32> to vector<16xf32>
      %swap3A_393 = vector.shape_cast %broadcast_in_dim3A_1 : vector<16xf32> to vector<1x16xf32>
      tpu.vector_store %arg10[%swap3A, %swap3A_390], %swap3A_393 {strides = array<i32>} : memref<625x16xf32, #tpu.memory_space<vmem>>, vector<1x16xf32>,
      %scan3A_394 = arith.constant 0 : i32
      scf.yield %scan3A_394 : i32
    }
    %scan3A_7 = arith.constant 625 : i32
    %mul3A_8 = arith.constant 625 : i32
    %mul3A_9 = arith.muli %arg1, %mul3A_8 : i32
    "tpu.region"() ({
      %run_scoped3A = tpu.sem_alloc : memref<!tpu.dma_semaphore, #tpu.memory_space<semaphore_mem>>
      %dma_start3A = arith.constant 0 : i32
      %dma_start3A_388 = tpu.memref_slice %arg11[%mul3A_9, %dma_start3A] : memref<10000x16xf32, #tpu.memory_space<vmem_shared>> -> memref<625x16xf32, #tpu.memory_space<vmem_shared>>
      %dma_start3A_389 = arith.constant 0 : i32
      %dma_start3A_390 = tpu.memref_slice %arg11[%mul3A_9, %dma_start3A_389] : memref<10000x16xf32, #tpu.memory_space<vmem_shared>> -> memref<625x16xf32, #tpu.memory_space<vmem_shared>>
      tpu.enqueue_dma source(%arg10 : memref<625x16xf32, #tpu.memory_space<vmem>>) target(%dma_start3A_390 : memref<625x16xf32, #tpu.memory_space<vmem_shared>>) target_semaphore(%run_scoped3A : memref<!tpu.dma_semaphore, #tpu.memory_space<semaphore_mem>>)
      %dma_wait3A_391 = arith.constant 0 : i32
      %dma_wait3A_392 = tpu.memref_slice %arg11[%mul3A_9, %dma_wait3A_391] : memref<10000x16xf32, #tpu.memory_space<vmem_shared>> -> memref<625x16xf32, #tpu.memory_space<vmem_shared>>
      %dma_wait3A_393 = arith.constant 0 : i32
      %dma_wait3A_394 = tpu.memref_slice %arg11[%mul3A_9, %dma_wait3A_393] : memref<10000x16xf32, #tpu.memory_space<vmem_shared>> -> memref<625x16xf32, #tpu.memory_space<vmem_shared>>
      tpu.wait_dma2 semaphore(%run_scoped3A : memref<!tpu.dma_semaphore, #tpu.memory_space<semaphore_mem>>) src(%arg10 : memref<625x16xf32, #tpu.memory_space<vmem>>) dst(%dma_wait3A_394 : memref<625x16xf32, #tpu.memory_space<vmem_shared>>)
      tpu.yield
    }) : () -> ()
    %barrier3A = arith.constant 0 : index
    tpu.barrier barrier_id(%barrier3A)
    %mul3A_10 = arith.constant 125 : i32
    %mul3A_11 = arith.muli %add3A, %mul3A_10 : i32
    "tpu.region"() ({
      %run_scoped3A = tpu.sem_alloc : memref<!tpu.dma_semaphore, #tpu.memory_space<semaphore_mem>>
      %dma_start3A = arith.constant 0 : i32
      %dma_start3A_388 = tpu.memref_slice %arg3[%mul3A_11, %dma_start3A] : memref<4000x80xi32, #tpu.memory_space<hbm>> -> memref<125x80xi32, #tpu.memory_space<hbm>>
      %dma_start3A_389 = arith.constant 0 : i32
      %dma_start3A_390 = tpu.memref_slice %arg3[%mul3A_11, %dma_start3A_389] : memref<4000x80xi32, #tpu.memory_space<hbm>> -> memref<125x80xi32, #tpu.memory_space<hbm>>
      tpu.enqueue_dma source(%dma_start3A_390 : memref<125x80xi32, #tpu.memory_space<hbm>>) target(%arg6 : memref<125x80xi32, #tpu.memory_space<vmem>>) target_semaphore(%run_scoped3A : memref<!tpu.dma_semaphore, #tpu.memory_space<semaphore_mem>>)
      %dma_wait3A_391 = arith.constant 0 : i32
      %dma_wait3A_392 = tpu.memref_slice %arg3[%mul3A_11, %dma_wait3A_391] : memref<4000x80xi32, #tpu.memory_space<hbm>> -> memref<125x80xi32, #tpu.memory_space<hbm>>
      %dma_wait3A_393 = arith.constant 0 : i32
      %dma_wait3A_394 = tpu.memref_slice %arg3[%mul3A_11, %dma_wait3A_393] : memref<4000x80xi32, #tpu.memory_space<hbm>> -> memref<125x80xi32, #tpu.memory_space<hbm>>
      tpu.wait_dma2 semaphore(%run_scoped3A : memref<!tpu.dma_semaphore, #tpu.memory_space<semaphore_mem>>) src(%dma_wait3A_394 : memref<125x80xi32, #tpu.memory_space<hbm>>) dst(%arg6 : memref<125x80xi32, #tpu.memory_space<vmem>>)
      tpu.yield
    }) : () -> ()
    %mul3A_12 = arith.constant 125 : i32
    %mul3A_13 = arith.muli %add3A, %mul3A_12 : i32
    "tpu.region"() ({
      %run_scoped3A = tpu.sem_alloc : memref<!tpu.dma_semaphore, #tpu.memory_space<semaphore_mem>>
      %dma_start3A = arith.constant 0 : i32
      %dma_start3A_388 = tpu.memref_slice %arg4[%mul3A_13, %dma_start3A] : memref<4000x80xi32, #tpu.memory_space<hbm>> -> memref<125x80xi32, #tpu.memory_space<hbm>>
      %dma_start3A_389 = arith.constant 0 : i32
      %dma_start3A_390 = tpu.memref_slice %arg4[%mul3A_13, %dma_start3A_389] : memref<4000x80xi32, #tpu.memory_space<hbm>> -> memref<125x80xi32, #tpu.memory_space<hbm>>
      tpu.enqueue_dma source(%dma_start3A_390 : memref<125x80xi32, #tpu.memory_space<hbm>>) target(%arg7 : memref<125x80xi32, #tpu.memory_space<vmem>>) target_semaphore(%run_scoped3A : memref<!tpu.dma_semaphore, #tpu.memory_space<semaphore_mem>>)
      %dma_wait3A_391 = arith.constant 0 : i32
      %dma_wait3A_392 = tpu.memref_slice %arg4[%mul3A_13, %dma_wait3A_391] : memref<4000x80xi32, #tpu.memory_space<hbm>> -> memref<125x80xi32, #tpu.memory_space<hbm>>
      %dma_wait3A_393 = arith.constant 0 : i32
      %dma_wait3A_394 = tpu.memref_slice %arg4[%mul3A_13, %dma_wait3A_393] : memref<4000x80xi32, #tpu.memory_space<hbm>> -> memref<125x80xi32, #tpu.memory_space<hbm>>
      tpu.wait_dma2 semaphore(%run_scoped3A : memref<!tpu.dma_semaphore, #tpu.memory_space<semaphore_mem>>) src(%dma_wait3A_394 : memref<125x80xi32, #tpu.memory_space<hbm>>) dst(%arg7 : memref<125x80xi32, #tpu.memory_space<vmem>>)
      tpu.yield
    }) : () -> ()
    %scan3A_14 = arith.constant 0 : i32
    %scan3A_15 = arith.constant 0 : i32
    %scan3A_16 = arith.constant 25 : i32
    %scan3A_17 = arith.addi %scan3A_15, %scan3A_16 : i32
    %scan3A_18 = arith.constant 1 : i32
    %scan3A_19 = scf.for %scan3A_388 = %scan3A_15 to %scan3A_17 step %scan3A_18 iter_args(%scan3A_389 = %scan3A_14) -> (i32)  : i32 {
      %add3A_390 = arith.constant 0 : i32
      %add3A_391 = arith.addi %add3A_390, %scan3A_388 : i32
      %mul3A_392 = arith.constant 80 : i32
      %mul3A_393 = arith.muli %scan3A_388, %mul3A_392 : i32
      %dma_start3A = arith.constant 0 : i32
      %dma_start3A_394 = tpu.memref_slice %arg8[%mul3A_393, %dma_start3A] : memref<2000x16xf32, #tpu.memory_space<vmem>> -> memref<80x16xf32, #tpu.memory_space<vmem>>
      %dma_start3A_395 = arith.constant 0 : i32
      %dma_start3A_396 = tpu.memref_slice %arg6[%add3A_391, %dma_start3A_395] : memref<125x80xi32, #tpu.memory_space<vmem>> -> memref<1x80xi32, #tpu.memory_space<vmem>>
      %dma_start3A_397 = tpu.memref_squeeze %dma_start3A_396 : memref<1x80xi32, #tpu.memory_space<vmem>> -> memref<80xi32, #tpu.memory_space<vmem>>
      %dma_start3A_398 = arith.constant 0 : i32
      %dma_start3A_399 = arith.constant 0 : i32
      %dma_start3A_400 = tpu.memref_slice %arg2[%dma_start3A_398, %dma_start3A_399] : memref<10000x16xf32, #tpu.memory_space<hbm>> -> memref<10000x16xf32, #tpu.memory_space<hbm>>
      tpu.enqueue_indirect_dma source(%dma_start3A_400 : memref<10000x16xf32, #tpu.memory_space<hbm>>) target(%dma_start3A_394 : memref<80x16xf32, #tpu.memory_space<vmem>>) offsets(%dma_start3A_397 : memref<80xi32, #tpu.memory_space<vmem>>) semaphore(%arg12 : memref<!tpu.dma_semaphore, #tpu.memory_space<semaphore_mem>>)
      %scan3A_401 = arith.constant 0 : i32
      scf.yield %scan3A_401 : i32
    }
    %scan3A_20 = arith.constant 25 : i32
    %scan3A_21 = arith.constant 0 : i32
    %scan3A_22 = arith.constant 0 : i32
    %scan3A_23 = arith.constant 25 : i32
    %scan3A_24 = arith.addi %scan3A_22, %scan3A_23 : i32
    %scan3A_25 = arith.constant 1 : i32
    %scan3A_26 = scf.for %scan3A_388 = %scan3A_22 to %scan3A_24 step %scan3A_25 iter_args(%scan3A_389 = %scan3A_21) -> (i32)  : i32 {
      %add3A_390 = arith.constant 25 : i32
      %add3A_391 = arith.addi %add3A_390, %scan3A_388 : i32
      %mul3A_392 = arith.constant 80 : i32
      %mul3A_393 = arith.muli %scan3A_388, %mul3A_392 : i32
      %dma_start3A = arith.constant 0 : i32
      %dma_start3A_394 = tpu.memref_slice %arg9[%mul3A_393, %dma_start3A] : memref<2000x16xf32, #tpu.memory_space<vmem>> -> memref<80x16xf32, #tpu.memory_space<vmem>>
      %dma_start3A_395 = arith.constant 0 : i32
      %dma_start3A_396 = tpu.memref_slice %arg6[%add3A_391, %dma_start3A_395] : memref<125x80xi32, #tpu.memory_space<vmem>> -> memref<1x80xi32, #tpu.memory_space<vmem>>
      %dma_start3A_397 = tpu.memref_squeeze %dma_start3A_396 : memref<1x80xi32, #tpu.memory_space<vmem>> -> memref<80xi32, #tpu.memory_space<vmem>>
      %dma_start3A_398 = arith.constant 0 : i32
      %dma_start3A_399 = arith.constant 0 : i32
      %dma_start3A_400 = tpu.memref_slice %arg2[%dma_start3A_398, %dma_start3A_399] : memref<10000x16xf32, #tpu.memory_space<hbm>> -> memref<10000x16xf32, #tpu.memory_space<hbm>>
      tpu.enqueue_indirect_dma source(%dma_start3A_400 : memref<10000x16xf32, #tpu.memory_space<hbm>>) target(%dma_start3A_394 : memref<80x16xf32, #tpu.memory_space<vmem>>) offsets(%dma_start3A_397 : memref<80xi32, #tpu.memory_space<vmem>>) semaphore(%arg13 : memref<!tpu.dma_semaphore, #tpu.memory_space<semaphore_mem>>)
      %scan3A_401 = arith.constant 0 : i32
      scf.yield %scan3A_401 : i32
    }
    %scan3A_27 = arith.constant 25 : i32
    %dma_wait3A = arith.constant 0 : i32
    %dma_wait3A_28 = arith.constant 0 : i32
    %dma_wait3A_29 = tpu.memref_slice %arg2[%dma_wait3A, %dma_wait3A_28] : memref<10000x16xf32, #tpu.memory_space<hbm>> -> memref<625x16xf32, #tpu.memory_space<hbm>>
    %dma_wait3A_30 = arith.constant 0 : i32
    %dma_wait3A_31 = arith.constant 0 : i32
    %dma_wait3A_32 = tpu.memref_slice %arg2[%dma_wait3A_30, %dma_wait3A_31] : memref<10000x16xf32, #tpu.memory_space<hbm>> -> memref<625x16xf32, #tpu.memory_space<hbm>>
    tpu.wait_dma2 semaphore(%arg12 : memref<!tpu.dma_semaphore, #tpu.memory_space<semaphore_mem>>) src(%dma_wait3A_32 : memref<625x16xf32, #tpu.memory_space<hbm>>) dst(%arg10 : memref<625x16xf32, #tpu.memory_space<vmem>>)
    %dma_wait3A_33 = arith.constant 0 : i32
    %dma_wait3A_34 = arith.constant 0 : i32
    %dma_wait3A_35 = tpu.memref_slice %arg2[%dma_wait3A_33, %dma_wait3A_34] : memref<10000x16xf32, #tpu.memory_space<hbm>> -> memref<625x16xf32, #tpu.memory_space<hbm>>
    %dma_wait3A_36 = arith.constant 0 : i32
    %dma_wait3A_37 = arith.constant 0 : i32
    %dma_wait3A_38 = tpu.memref_slice %arg2[%dma_wait3A_36, %dma_wait3A_37] : memref<10000x16xf32, #tpu.memory_space<hbm>> -> memref<625x16xf32, #tpu.memory_space<hbm>>
    tpu.wait_dma2 semaphore(%arg12 : memref<!tpu.dma_semaphore, #tpu.memory_space<semaphore_mem>>) src(%dma_wait3A_38 : memref<625x16xf32, #tpu.memory_space<hbm>>) dst(%arg10 : memref<625x16xf32, #tpu.memory_space<vmem>>)
    %dma_wait3A_39 = arith.constant 0 : i32
    %dma_wait3A_40 = arith.constant 0 : i32
    %dma_wait3A_41 = tpu.memref_slice %arg2[%dma_wait3A_39, %dma_wait3A_40] : memref<10000x16xf32, #tpu.memory_space<hbm>> -> memref<625x16xf32, #tpu.memory_space<hbm>>
    %dma_wait3A_42 = arith.constant 0 : i32
    %dma_wait3A_43 = arith.constant 0 : i32
    %dma_wait3A_44 = tpu.memref_slice %arg2[%dma_wait3A_42, %dma_wait3A_43] : memref<10000x16xf32, #tpu.memory_space<hbm>> -> memref<625x16xf32, #tpu.memory_space<hbm>>
    tpu.wait_dma2 semaphore(%arg12 : memref<!tpu.dma_semaphore, #tpu.memory_space<semaphore_mem>>) src(%dma_wait3A_44 : memref<625x16xf32, #tpu.memory_space<hbm>>) dst(%arg10 : memref<625x16xf32, #tpu.memory_space<vmem>>)
    %dma_wait3A_45 = arith.constant 0 : i32
    %dma_wait3A_46 = arith.constant 0 : i32
    %dma_wait3A_47 = tpu.memref_slice %arg10[%dma_wait3A_45, %dma_wait3A_46] : memref<625x16xf32, #tpu.memory_space<vmem>> -> memref<125x16xf32, #tpu.memory_space<vmem>>
    %dma_wait3A_48 = arith.constant 0 : i32
    %dma_wait3A_49 = arith.constant 0 : i32
    %dma_wait3A_50 = tpu.memref_slice %arg2[%dma_wait3A_48, %dma_wait3A_49] : memref<10000x16xf32, #tpu.memory_space<hbm>> -> memref<125x16xf32, #tpu.memory_space<hbm>>
    %dma_wait3A_51 = arith.constant 0 : i32
    %dma_wait3A_52 = arith.constant 0 : i32
    %dma_wait3A_53 = tpu.memref_slice %arg10[%dma_wait3A_51, %dma_wait3A_52] : memref<625x16xf32, #tpu.memory_space<vmem>> -> memref<125x16xf32, #tpu.memory_space<vmem>>
    %dma_wait3A_54 = arith.constant 0 : i32
    %dma_wait3A_55 = arith.constant 0 : i32
    %dma_wait3A_56 = tpu.memref_slice %arg2[%dma_wait3A_54, %dma_wait3A_55] : memref<10000x16xf32, #tpu.memory_space<hbm>> -> memref<125x16xf32, #tpu.memory_space<hbm>>
    tpu.wait_dma2 semaphore(%arg12 : memref<!tpu.dma_semaphore, #tpu.memory_space<semaphore_mem>>) src(%dma_wait3A_56 : memref<125x16xf32, #tpu.memory_space<hbm>>) dst(%dma_wait3A_53 : memref<125x16xf32, #tpu.memory_space<vmem>>)
    %scan3A_57 = arith.constant 0 : i32
    %scan3A_58 = arith.constant 0 : i32
    %scan3A_59 = arith.constant 25 : i32
    %scan3A_60 = arith.addi %scan3A_58, %scan3A_59 : i32
    %scan3A_61 = arith.constant 1 : i32
    %scan3A_62 = scf.for %scan3A_388 = %scan3A_58 to %scan3A_60 step %scan3A_61 iter_args(%scan3A_389 = %scan3A_57) -> (i32)  : i32 {
      %mul3A_390 = arith.constant 80 : i32
      %mul3A_391 = arith.muli %scan3A_388, %mul3A_390 : i32
      %add3A_392 = arith.constant 0 : i32
      %add3A_393 = arith.addi %add3A_392, %scan3A_388 : i32
      %dma_start3A = arith.constant 0 : i32
      %dma_start3A_394 = tpu.memref_slice %arg8[%mul3A_391, %dma_start3A] : memref<2000x16xf32, #tpu.memory_space<vmem>> -> memref<80x16xf32, #tpu.memory_space<vmem>>
      %dma_start3A_395 = arith.constant 0 : i32
      %dma_start3A_396 = tpu.memref_slice %arg7[%add3A_393, %dma_start3A_395] : memref<125x80xi32, #tpu.memory_space<vmem>> -> memref<1x80xi32, #tpu.memory_space<vmem>>
      %dma_start3A_397 = tpu.memref_squeeze %dma_start3A_396 : memref<1x80xi32, #tpu.memory_space<vmem>> -> memref<80xi32, #tpu.memory_space<vmem>>
      %dma_start3A_398 = arith.constant 0 : i32
      %dma_start3A_399 = arith.constant 0 : i32
      %dma_start3A_400 = tpu.memref_slice %arg11[%dma_start3A_398, %dma_start3A_399] : memref<10000x16xf32, #tpu.memory_space<vmem_shared>> -> memref<10000x16xf32, #tpu.memory_space<vmem_shared>>
      tpu.enqueue_indirect_dma source(%dma_start3A_394 : memref<80x16xf32, #tpu.memory_space<vmem>>) target(%dma_start3A_400 : memref<10000x16xf32, #tpu.memory_space<vmem_shared>>) offsets(%dma_start3A_397 : memref<80xi32, #tpu.memory_space<vmem>>) semaphore(%arg14 : memref<!tpu.dma_semaphore, #tpu.memory_space<semaphore_mem>>) {add = true}
      %scan3A_401 = arith.constant 0 : i32
      scf.yield %scan3A_401 : i32
    }
    %scan3A_63 = arith.constant 25 : i32
    %dma_wait3A_64 = arith.constant 0 : i32
    %dma_wait3A_65 = arith.constant 0 : i32
    %dma_wait3A_66 = tpu.memref_slice %arg2[%dma_wait3A_64, %dma_wait3A_65] : memref<10000x16xf32, #tpu.memory_space<hbm>> -> memref<625x16xf32, #tpu.memory_space<hbm>>
    %dma_wait3A_67 = arith.constant 0 : i32
    %dma_wait3A_68 = arith.constant 0 : i32
    %dma_wait3A_69 = tpu.memref_slice %arg2[%dma_wait3A_67, %dma_wait3A_68] : memref<10000x16xf32, #tpu.memory_space<hbm>> -> memref<625x16xf32, #tpu.memory_space<hbm>>
    tpu.wait_dma2 semaphore(%arg14 : memref<!tpu.dma_semaphore, #tpu.memory_space<semaphore_mem>>) src(%dma_wait3A_69 : memref<625x16xf32, #tpu.memory_space<hbm>>) dst(%arg10 : memref<625x16xf32, #tpu.memory_space<vmem>>)
    %dma_wait3A_70 = arith.constant 0 : i32
    %dma_wait3A_71 = arith.constant 0 : i32
    %dma_wait3A_72 = tpu.memref_slice %arg2[%dma_wait3A_70, %dma_wait3A_71] : memref<10000x16xf32, #tpu.memory_space<hbm>> -> memref<625x16xf32, #tpu.memory_space<hbm>>
    %dma_wait3A_73 = arith.constant 0 : i32
    %dma_wait3A_74 = arith.constant 0 : i32
    %dma_wait3A_75 = tpu.memref_slice %arg2[%dma_wait3A_73, %dma_wait3A_74] : memref<10000x16xf32, #tpu.memory_space<hbm>> -> memref<625x16xf32, #tpu.memory_space<hbm>>
    tpu.wait_dma2 semaphore(%arg14 : memref<!tpu.dma_semaphore, #tpu.memory_space<semaphore_mem>>) src(%dma_wait3A_75 : memref<625x16xf32, #tpu.memory_space<hbm>>) dst(%arg10 : memref<625x16xf32, #tpu.memory_space<vmem>>)
    %dma_wait3A_76 = arith.constant 0 : i32
    %dma_wait3A_77 = arith.constant 0 : i32
    %dma_wait3A_78 = tpu.memref_slice %arg2[%dma_wait3A_76, %dma_wait3A_77] : memref<10000x16xf32, #tpu.memory_space<hbm>> -> memref<625x16xf32, #tpu.memory_space<hbm>>
    %dma_wait3A_79 = arith.constant 0 : i32
    %dma_wait3A_80 = arith.constant 0 : i32
    %dma_wait3A_81 = tpu.memref_slice %arg2[%dma_wait3A_79, %dma_wait3A_80] : memref<10000x16xf32, #tpu.memory_space<hbm>> -> memref<625x16xf32, #tpu.memory_space<hbm>>
    tpu.wait_dma2 semaphore(%arg14 : memref<!tpu.dma_semaphore, #tpu.memory_space<semaphore_mem>>) src(%dma_wait3A_81 : memref<625x16xf32, #tpu.memory_space<hbm>>) dst(%arg10 : memref<625x16xf32, #tpu.memory_space<vmem>>)
    %dma_wait3A_82 = arith.constant 0 : i32
    %dma_wait3A_83 = arith.constant 0 : i32
    %dma_wait3A_84 = tpu.memref_slice %arg10[%dma_wait3A_82, %dma_wait3A_83] : memref<625x16xf32, #tpu.memory_space<vmem>> -> memref<125x16xf32, #tpu.memory_space<vmem>>
    %dma_wait3A_85 = arith.constant 0 : i32
    %dma_wait3A_86 = arith.constant 0 : i32
    %dma_wait3A_87 = tpu.memref_slice %arg2[%dma_wait3A_85, %dma_wait3A_86] : memref<10000x16xf32, #tpu.memory_space<hbm>> -> memref<125x16xf32, #tpu.memory_space<hbm>>
    %dma_wait3A_88 = arith.constant 0 : i32
    %dma_wait3A_89 = arith.constant 0 : i32
    %dma_wait3A_90 = tpu.memref_slice %arg10[%dma_wait3A_88, %dma_wait3A_89] : memref<625x16xf32, #tpu.memory_space<vmem>> -> memref<125x16xf32, #tpu.memory_space<vmem>>
    %dma_wait3A_91 = arith.constant 0 : i32
    %dma_wait3A_92 = arith.constant 0 : i32
    %dma_wait3A_93 = tpu.memref_slice %arg2[%dma_wait3A_91, %dma_wait3A_92] : memref<10000x16xf32, #tpu.memory_space<hbm>> -> memref<125x16xf32, #tpu.memory_space<hbm>>
    tpu.wait_dma2 semaphore(%arg14 : memref<!tpu.dma_semaphore, #tpu.memory_space<semaphore_mem>>) src(%dma_wait3A_93 : memref<125x16xf32, #tpu.memory_space<hbm>>) dst(%dma_wait3A_90 : memref<125x16xf32, #tpu.memory_space<vmem>>)
    %scan3A_94 = arith.constant 0 : i32
    %scan3A_95 = arith.constant 0 : i32
    %scan3A_96 = arith.constant 25 : i32
    %scan3A_97 = arith.addi %scan3A_95, %scan3A_96 : i32
    %scan3A_98 = arith.constant 1 : i32
    %scan3A_99 = scf.for %scan3A_388 = %scan3A_95 to %scan3A_97 step %scan3A_98 iter_args(%scan3A_389 = %scan3A_94) -> (i32)  : i32 {
      %add3A_390 = arith.constant 50 : i32
      %add3A_391 = arith.addi %add3A_390, %scan3A_388 : i32
      %mul3A_392 = arith.constant 80 : i32
      %mul3A_393 = arith.muli %scan3A_388, %mul3A_392 : i32
      %dma_start3A = arith.constant 0 : i32
      %dma_start3A_394 = tpu.memref_slice %arg8[%mul3A_393, %dma_start3A] : memref<2000x16xf32, #tpu.memory_space<vmem>> -> memref<80x16xf32, #tpu.memory_space<vmem>>
      %dma_start3A_395 = arith.constant 0 : i32
      %dma_start3A_396 = tpu.memref_slice %arg6[%add3A_391, %dma_start3A_395] : memref<125x80xi32, #tpu.memory_space<vmem>> -> memref<1x80xi32, #tpu.memory_space<vmem>>
      %dma_start3A_397 = tpu.memref_squeeze %dma_start3A_396 : memref<1x80xi32, #tpu.memory_space<vmem>> -> memref<80xi32, #tpu.memory_space<vmem>>
      %dma_start3A_398 = arith.constant 0 : i32
      %dma_start3A_399 = arith.constant 0 : i32
      %dma_start3A_400 = tpu.memref_slice %arg2[%dma_start3A_398, %dma_start3A_399] : memref<10000x16xf32, #tpu.memory_space<hbm>> -> memref<10000x16xf32, #tpu.memory_space<hbm>>
      tpu.enqueue_indirect_dma source(%dma_start3A_400 : memref<10000x16xf32, #tpu.memory_space<hbm>>) target(%dma_start3A_394 : memref<80x16xf32, #tpu.memory_space<vmem>>) offsets(%dma_start3A_397 : memref<80xi32, #tpu.memory_space<vmem>>) semaphore(%arg12 : memref<!tpu.dma_semaphore, #tpu.memory_space<semaphore_mem>>)
      %scan3A_401 = arith.constant 0 : i32
      scf.yield %scan3A_401 : i32
    }
    %scan3A_100 = arith.constant 25 : i32
    %dma_wait3A_101 = arith.constant 0 : i32
    %dma_wait3A_102 = arith.constant 0 : i32
    %dma_wait3A_103 = tpu.memref_slice %arg2[%dma_wait3A_101, %dma_wait3A_102] : memref<10000x16xf32, #tpu.memory_space<hbm>> -> memref<625x16xf32, #tpu.memory_space<hbm>>
    %dma_wait3A_104 = arith.constant 0 : i32
    %dma_wait3A_105 = arith.constant 0 : i32
    %dma_wait3A_106 = tpu.memref_slice %arg2[%dma_wait3A_104, %dma_wait3A_105] : memref<10000x16xf32, #tpu.memory_space<hbm>> -> memref<625x16xf32, #tpu.memory_space<hbm>>
    tpu.wait_dma2 semaphore(%arg13 : memref<!tpu.dma_semaphore, #tpu.memory_space<semaphore_mem>>) src(%dma_wait3A_106 : memref<625x16xf32, #tpu.memory_space<hbm>>) dst(%arg10 : memref<625x16xf32, #tpu.memory_space<vmem>>)
    %dma_wait3A_107 = arith.constant 0 : i32
    %dma_wait3A_108 = arith.constant 0 : i32
    %dma_wait3A_109 = tpu.memref_slice %arg2[%dma_wait3A_107, %dma_wait3A_108] : memref<10000x16xf32, #tpu.memory_space<hbm>> -> memref<625x16xf32, #tpu.memory_space<hbm>>
    %dma_wait3A_110 = arith.constant 0 : i32
    %dma_wait3A_111 = arith.constant 0 : i32
    %dma_wait3A_112 = tpu.memref_slice %arg2[%dma_wait3A_110, %dma_wait3A_111] : memref<10000x16xf32, #tpu.memory_space<hbm>> -> memref<625x16xf32, #tpu.memory_space<hbm>>
    tpu.wait_dma2 semaphore(%arg13 : memref<!tpu.dma_semaphore, #tpu.memory_space<semaphore_mem>>) src(%dma_wait3A_112 : memref<625x16xf32, #tpu.memory_space<hbm>>) dst(%arg10 : memref<625x16xf32, #tpu.memory_space<vmem>>)
    %dma_wait3A_113 = arith.constant 0 : i32
    %dma_wait3A_114 = arith.constant 0 : i32
    %dma_wait3A_115 = tpu.memref_slice %arg2[%dma_wait3A_113, %dma_wait3A_114] : memref<10000x16xf32, #tpu.memory_space<hbm>> -> memref<625x16xf32, #tpu.memory_space<hbm>>
    %dma_wait3A_116 = arith.constant 0 : i32
    %dma_wait3A_117 = arith.constant 0 : i32
    %dma_wait3A_118 = tpu.memref_slice %arg2[%dma_wait3A_116, %dma_wait3A_117] : memref<10000x16xf32, #tpu.memory_space<hbm>> -> memref<625x16xf32, #tpu.memory_space<hbm>>
    tpu.wait_dma2 semaphore(%arg13 : memref<!tpu.dma_semaphore, #tpu.memory_space<semaphore_mem>>) src(%dma_wait3A_118 : memref<625x16xf32, #tpu.memory_space<hbm>>) dst(%arg10 : memref<625x16xf32, #tpu.memory_space<vmem>>)
    %dma_wait3A_119 = arith.constant 0 : i32
    %dma_wait3A_120 = arith.constant 0 : i32
    %dma_wait3A_121 = tpu.memref_slice %arg10[%dma_wait3A_119, %dma_wait3A_120] : memref<625x16xf32, #tpu.memory_space<vmem>> -> memref<125x16xf32, #tpu.memory_space<vmem>>
    %dma_wait3A_122 = arith.constant 0 : i32
    %dma_wait3A_123 = arith.constant 0 : i32
    %dma_wait3A_124 = tpu.memref_slice %arg2[%dma_wait3A_122, %dma_wait3A_123] : memref<10000x16xf32, #tpu.memory_space<hbm>> -> memref<125x16xf32, #tpu.memory_space<hbm>>
    %dma_wait3A_125 = arith.constant 0 : i32
    %dma_wait3A_126 = arith.constant 0 : i32
    %dma_wait3A_127 = tpu.memref_slice %arg10[%dma_wait3A_125, %dma_wait3A_126] : memref<625x16xf32, #tpu.memory_space<vmem>> -> memref<125x16xf32, #tpu.memory_space<vmem>>
    %dma_wait3A_128 = arith.constant 0 : i32
    %dma_wait3A_129 = arith.constant 0 : i32
    %dma_wait3A_130 = tpu.memref_slice %arg2[%dma_wait3A_128, %dma_wait3A_129] : memref<10000x16xf32, #tpu.memory_space<hbm>> -> memref<125x16xf32, #tpu.memory_space<hbm>>
    tpu.wait_dma2 semaphore(%arg13 : memref<!tpu.dma_semaphore, #tpu.memory_space<semaphore_mem>>) src(%dma_wait3A_130 : memref<125x16xf32, #tpu.memory_space<hbm>>) dst(%dma_wait3A_127 : memref<125x16xf32, #tpu.memory_space<vmem>>)
    %scan3A_131 = arith.constant 0 : i32
    %scan3A_132 = arith.constant 0 : i32
    %scan3A_133 = arith.constant 25 : i32
    %scan3A_134 = arith.addi %scan3A_132, %scan3A_133 : i32
    %scan3A_135 = arith.constant 1 : i32
    %scan3A_136 = scf.for %scan3A_388 = %scan3A_132 to %scan3A_134 step %scan3A_135 iter_args(%scan3A_389 = %scan3A_131) -> (i32)  : i32 {
      %mul3A_390 = arith.constant 80 : i32
      %mul3A_391 = arith.muli %scan3A_388, %mul3A_390 : i32
      %add3A_392 = arith.constant 25 : i32
      %add3A_393 = arith.addi %add3A_392, %scan3A_388 : i32
      %dma_start3A = arith.constant 0 : i32
      %dma_start3A_394 = tpu.memref_slice %arg9[%mul3A_391, %dma_start3A] : memref<2000x16xf32, #tpu.memory_space<vmem>> -> memref<80x16xf32, #tpu.memory_space<vmem>>
      %dma_start3A_395 = arith.constant 0 : i32
      %dma_start3A_396 = tpu.memref_slice %arg7[%add3A_393, %dma_start3A_395] : memref<125x80xi32, #tpu.memory_space<vmem>> -> memref<1x80xi32, #tpu.memory_space<vmem>>
      %dma_start3A_397 = tpu.memref_squeeze %dma_start3A_396 : memref<1x80xi32, #tpu.memory_space<vmem>> -> memref<80xi32, #tpu.memory_space<vmem>>
      %dma_start3A_398 = arith.constant 0 : i32
      %dma_start3A_399 = arith.constant 0 : i32
      %dma_start3A_400 = tpu.memref_slice %arg11[%dma_start3A_398, %dma_start3A_399] : memref<10000x16xf32, #tpu.memory_space<vmem_shared>> -> memref<10000x16xf32, #tpu.memory_space<vmem_shared>>
      tpu.enqueue_indirect_dma source(%dma_start3A_394 : memref<80x16xf32, #tpu.memory_space<vmem>>) target(%dma_start3A_400 : memref<10000x16xf32, #tpu.memory_space<vmem_shared>>) offsets(%dma_start3A_397 : memref<80xi32, #tpu.memory_space<vmem>>) semaphore(%arg15 : memref<!tpu.dma_semaphore, #tpu.memory_space<semaphore_mem>>) {add = true}
      %scan3A_401 = arith.constant 0 : i32
      scf.yield %scan3A_401 : i32
    }
    %scan3A_137 = arith.constant 25 : i32
    %dma_wait3A_138 = arith.constant 0 : i32
    %dma_wait3A_139 = arith.constant 0 : i32
    %dma_wait3A_140 = tpu.memref_slice %arg2[%dma_wait3A_138, %dma_wait3A_139] : memref<10000x16xf32, #tpu.memory_space<hbm>> -> memref<625x16xf32, #tpu.memory_space<hbm>>
    %dma_wait3A_141 = arith.constant 0 : i32
    %dma_wait3A_142 = arith.constant 0 : i32
    %dma_wait3A_143 = tpu.memref_slice %arg2[%dma_wait3A_141, %dma_wait3A_142] : memref<10000x16xf32, #tpu.memory_space<hbm>> -> memref<625x16xf32, #tpu.memory_space<hbm>>
    tpu.wait_dma2 semaphore(%arg15 : memref<!tpu.dma_semaphore, #tpu.memory_space<semaphore_mem>>) src(%dma_wait3A_143 : memref<625x16xf32, #tpu.memory_space<hbm>>) dst(%arg10 : memref<625x16xf32, #tpu.memory_space<vmem>>)
    %dma_wait3A_144 = arith.constant 0 : i32
    %dma_wait3A_145 = arith.constant 0 : i32
    %dma_wait3A_146 = tpu.memref_slice %arg2[%dma_wait3A_144, %dma_wait3A_145] : memref<10000x16xf32, #tpu.memory_space<hbm>> -> memref<625x16xf32, #tpu.memory_space<hbm>>
    %dma_wait3A_147 = arith.constant 0 : i32
    %dma_wait3A_148 = arith.constant 0 : i32
    %dma_wait3A_149 = tpu.memref_slice %arg2[%dma_wait3A_147, %dma_wait3A_148] : memref<10000x16xf32, #tpu.memory_space<hbm>> -> memref<625x16xf32, #tpu.memory_space<hbm>>
    tpu.wait_dma2 semaphore(%arg15 : memref<!tpu.dma_semaphore, #tpu.memory_space<semaphore_mem>>) src(%dma_wait3A_149 : memref<625x16xf32, #tpu.memory_space<hbm>>) dst(%arg10 : memref<625x16xf32, #tpu.memory_space<vmem>>)
    %dma_wait3A_150 = arith.constant 0 : i32
    %dma_wait3A_151 = arith.constant 0 : i32
    %dma_wait3A_152 = tpu.memref_slice %arg2[%dma_wait3A_150, %dma_wait3A_151] : memref<10000x16xf32, #tpu.memory_space<hbm>> -> memref<625x16xf32, #tpu.memory_space<hbm>>
    %dma_wait3A_153 = arith.constant 0 : i32
    %dma_wait3A_154 = arith.constant 0 : i32
    %dma_wait3A_155 = tpu.memref_slice %arg2[%dma_wait3A_153, %dma_wait3A_154] : memref<10000x16xf32, #tpu.memory_space<hbm>> -> memref<625x16xf32, #tpu.memory_space<hbm>>
    tpu.wait_dma2 semaphore(%arg15 : memref<!tpu.dma_semaphore, #tpu.memory_space<semaphore_mem>>) src(%dma_wait3A_155 : memref<625x16xf32, #tpu.memory_space<hbm>>) dst(%arg10 : memref<625x16xf32, #tpu.memory_space<vmem>>)
    %dma_wait3A_156 = arith.constant 0 : i32
    %dma_wait3A_157 = arith.constant 0 : i32
    %dma_wait3A_158 = tpu.memref_slice %arg10[%dma_wait3A_156, %dma_wait3A_157] : memref<625x16xf32, #tpu.memory_space<vmem>> -> memref<125x16xf32, #tpu.memory_space<vmem>>
    %dma_wait3A_159 = arith.constant 0 : i32
    %dma_wait3A_160 = arith.constant 0 : i32
    %dma_wait3A_161 = tpu.memref_slice %arg2[%dma_wait3A_159, %dma_wait3A_160] : memref<10000x16xf32, #tpu.memory_space<hbm>> -> memref<125x16xf32, #tpu.memory_space<hbm>>
    %dma_wait3A_162 = arith.constant 0 : i32
    %dma_wait3A_163 = arith.constant 0 : i32
    %dma_wait3A_164 = tpu.memref_slice %arg10[%dma_wait3A_162, %dma_wait3A_163] : memref<625x16xf32, #tpu.memory_space<vmem>> -> memref<125x16xf32, #tpu.memory_space<vmem>>
    %dma_wait3A_165 = arith.constant 0 : i32
    %dma_wait3A_166 = arith.constant 0 : i32
    %dma_wait3A_167 = tpu.memref_slice %arg2[%dma_wait3A_165, %dma_wait3A_166] : memref<10000x16xf32, #tpu.memory_space<hbm>> -> memref<125x16xf32, #tpu.memory_space<hbm>>
    tpu.wait_dma2 semaphore(%arg15 : memref<!tpu.dma_semaphore, #tpu.memory_space<semaphore_mem>>) src(%dma_wait3A_167 : memref<125x16xf32, #tpu.memory_space<hbm>>) dst(%dma_wait3A_164 : memref<125x16xf32, #tpu.memory_space<vmem>>)
    %scan3A_168 = arith.constant 0 : i32
    %scan3A_169 = arith.constant 0 : i32
    %scan3A_170 = arith.constant 25 : i32
    %scan3A_171 = arith.addi %scan3A_169, %scan3A_170 : i32
    %scan3A_172 = arith.constant 1 : i32
    %scan3A_173 = scf.for %scan3A_388 = %scan3A_169 to %scan3A_171 step %scan3A_172 iter_args(%scan3A_389 = %scan3A_168) -> (i32)  : i32 {
      %add3A_390 = arith.constant 75 : i32
      %add3A_391 = arith.addi %add3A_390, %scan3A_388 : i32
      %mul3A_392 = arith.constant 80 : i32
      %mul3A_393 = arith.muli %scan3A_388, %mul3A_392 : i32
      %dma_start3A = arith.constant 0 : i32
      %dma_start3A_394 = tpu.memref_slice %arg9[%mul3A_393, %dma_start3A] : memref<2000x16xf32, #tpu.memory_space<vmem>> -> memref<80x16xf32, #tpu.memory_space<vmem>>
      %dma_start3A_395 = arith.constant 0 : i32
      %dma_start3A_396 = tpu.memref_slice %arg6[%add3A_391, %dma_start3A_395] : memref<125x80xi32, #tpu.memory_space<vmem>> -> memref<1x80xi32, #tpu.memory_space<vmem>>
      %dma_start3A_397 = tpu.memref_squeeze %dma_start3A_396 : memref<1x80xi32, #tpu.memory_space<vmem>> -> memref<80xi32, #tpu.memory_space<vmem>>
      %dma_start3A_398 = arith.constant 0 : i32
      %dma_start3A_399 = arith.constant 0 : i32
      %dma_start3A_400 = tpu.memref_slice %arg2[%dma_start3A_398, %dma_start3A_399] : memref<10000x16xf32, #tpu.memory_space<hbm>> -> memref<10000x16xf32, #tpu.memory_space<hbm>>
      tpu.enqueue_indirect_dma source(%dma_start3A_400 : memref<10000x16xf32, #tpu.memory_space<hbm>>) target(%dma_start3A_394 : memref<80x16xf32, #tpu.memory_space<vmem>>) offsets(%dma_start3A_397 : memref<80xi32, #tpu.memory_space<vmem>>) semaphore(%arg13 : memref<!tpu.dma_semaphore, #tpu.memory_space<semaphore_mem>>)
      %scan3A_401 = arith.constant 0 : i32
      scf.yield %scan3A_401 : i32
    }
    %scan3A_174 = arith.constant 25 : i32
    %dma_wait3A_175 = arith.constant 0 : i32
    %dma_wait3A_176 = arith.constant 0 : i32
    %dma_wait3A_177 = tpu.memref_slice %arg2[%dma_wait3A_175, %dma_wait3A_176] : memref<10000x16xf32, #tpu.memory_space<hbm>> -> memref<625x16xf32, #tpu.memory_space<hbm>>
    %dma_wait3A_178 = arith.constant 0 : i32
    %dma_wait3A_179 = arith.constant 0 : i32
    %dma_wait3A_180 = tpu.memref_slice %arg2[%dma_wait3A_178, %dma_wait3A_179] : memref<10000x16xf32, #tpu.memory_space<hbm>> -> memref<625x16xf32, #tpu.memory_space<hbm>>
    tpu.wait_dma2 semaphore(%arg12 : memref<!tpu.dma_semaphore, #tpu.memory_space<semaphore_mem>>) src(%dma_wait3A_180 : memref<625x16xf32, #tpu.memory_space<hbm>>) dst(%arg10 : memref<625x16xf32, #tpu.memory_space<vmem>>)
    %dma_wait3A_181 = arith.constant 0 : i32
    %dma_wait3A_182 = arith.constant 0 : i32
    %dma_wait3A_183 = tpu.memref_slice %arg2[%dma_wait3A_181, %dma_wait3A_182] : memref<10000x16xf32, #tpu.memory_space<hbm>> -> memref<625x16xf32, #tpu.memory_space<hbm>>
    %dma_wait3A_184 = arith.constant 0 : i32
    %dma_wait3A_185 = arith.constant 0 : i32
    %dma_wait3A_186 = tpu.memref_slice %arg2[%dma_wait3A_184, %dma_wait3A_185] : memref<10000x16xf32, #tpu.memory_space<hbm>> -> memref<625x16xf32, #tpu.memory_space<hbm>>
    tpu.wait_dma2 semaphore(%arg12 : memref<!tpu.dma_semaphore, #tpu.memory_space<semaphore_mem>>) src(%dma_wait3A_186 : memref<625x16xf32, #tpu.memory_space<hbm>>) dst(%arg10 : memref<625x16xf32, #tpu.memory_space<vmem>>)
    %dma_wait3A_187 = arith.constant 0 : i32
    %dma_wait3A_188 = arith.constant 0 : i32
    %dma_wait3A_189 = tpu.memref_slice %arg2[%dma_wait3A_187, %dma_wait3A_188] : memref<10000x16xf32, #tpu.memory_space<hbm>> -> memref<625x16xf32, #tpu.memory_space<hbm>>
    %dma_wait3A_190 = arith.constant 0 : i32
    %dma_wait3A_191 = arith.constant 0 : i32
    %dma_wait3A_192 = tpu.memref_slice %arg2[%dma_wait3A_190, %dma_wait3A_191] : memref<10000x16xf32, #tpu.memory_space<hbm>> -> memref<625x16xf32, #tpu.memory_space<hbm>>
    tpu.wait_dma2 semaphore(%arg12 : memref<!tpu.dma_semaphore, #tpu.memory_space<semaphore_mem>>) src(%dma_wait3A_192 : memref<625x16xf32, #tpu.memory_space<hbm>>) dst(%arg10 : memref<625x16xf32, #tpu.memory_space<vmem>>)
    %dma_wait3A_193 = arith.constant 0 : i32
    %dma_wait3A_194 = arith.constant 0 : i32
    %dma_wait3A_195 = tpu.memref_slice %arg10[%dma_wait3A_193, %dma_wait3A_194] : memref<625x16xf32, #tpu.memory_space<vmem>> -> memref<125x16xf32, #tpu.memory_space<vmem>>
    %dma_wait3A_196 = arith.constant 0 : i32
    %dma_wait3A_197 = arith.constant 0 : i32
    %dma_wait3A_198 = tpu.memref_slice %arg2[%dma_wait3A_196, %dma_wait3A_197] : memref<10000x16xf32, #tpu.memory_space<hbm>> -> memref<125x16xf32, #tpu.memory_space<hbm>>
    %dma_wait3A_199 = arith.constant 0 : i32
    %dma_wait3A_200 = arith.constant 0 : i32
    %dma_wait3A_201 = tpu.memref_slice %arg10[%dma_wait3A_199, %dma_wait3A_200] : memref<625x16xf32, #tpu.memory_space<vmem>> -> memref<125x16xf32, #tpu.memory_space<vmem>>
    %dma_wait3A_202 = arith.constant 0 : i32
    %dma_wait3A_203 = arith.constant 0 : i32
    %dma_wait3A_204 = tpu.memref_slice %arg2[%dma_wait3A_202, %dma_wait3A_203] : memref<10000x16xf32, #tpu.memory_space<hbm>> -> memref<125x16xf32, #tpu.memory_space<hbm>>
    tpu.wait_dma2 semaphore(%arg12 : memref<!tpu.dma_semaphore, #tpu.memory_space<semaphore_mem>>) src(%dma_wait3A_204 : memref<125x16xf32, #tpu.memory_space<hbm>>) dst(%dma_wait3A_201 : memref<125x16xf32, #tpu.memory_space<vmem>>)
    %scan3A_205 = arith.constant 0 : i32
    %scan3A_206 = arith.constant 0 : i32
    %scan3A_207 = arith.constant 25 : i32
    %scan3A_208 = arith.addi %scan3A_206, %scan3A_207 : i32
    %scan3A_209 = arith.constant 1 : i32
    %scan3A_210 = scf.for %scan3A_388 = %scan3A_206 to %scan3A_208 step %scan3A_209 iter_args(%scan3A_389 = %scan3A_205) -> (i32)  : i32 {
      %mul3A_390 = arith.constant 80 : i32
      %mul3A_391 = arith.muli %scan3A_388, %mul3A_390 : i32
      %add3A_392 = arith.constant 50 : i32
      %add3A_393 = arith.addi %add3A_392, %scan3A_388 : i32
      %dma_start3A = arith.constant 0 : i32
      %dma_start3A_394 = tpu.memref_slice %arg8[%mul3A_391, %dma_start3A] : memref<2000x16xf32, #tpu.memory_space<vmem>> -> memref<80x16xf32, #tpu.memory_space<vmem>>
      %dma_start3A_395 = arith.constant 0 : i32
      %dma_start3A_396 = tpu.memref_slice %arg7[%add3A_393, %dma_start3A_395] : memref<125x80xi32, #tpu.memory_space<vmem>> -> memref<1x80xi32, #tpu.memory_space<vmem>>
      %dma_start3A_397 = tpu.memref_squeeze %dma_start3A_396 : memref<1x80xi32, #tpu.memory_space<vmem>> -> memref<80xi32, #tpu.memory_space<vmem>>
      %dma_start3A_398 = arith.constant 0 : i32
      %dma_start3A_399 = arith.constant 0 : i32
      %dma_start3A_400 = tpu.memref_slice %arg11[%dma_start3A_398, %dma_start3A_399] : memref<10000x16xf32, #tpu.memory_space<vmem_shared>> -> memref<10000x16xf32, #tpu.memory_space<vmem_shared>>
      tpu.enqueue_indirect_dma source(%dma_start3A_394 : memref<80x16xf32, #tpu.memory_space<vmem>>) target(%dma_start3A_400 : memref<10000x16xf32, #tpu.memory_space<vmem_shared>>) offsets(%dma_start3A_397 : memref<80xi32, #tpu.memory_space<vmem>>) semaphore(%arg14 : memref<!tpu.dma_semaphore, #tpu.memory_space<semaphore_mem>>) {add = true}
      %scan3A_401 = arith.constant 0 : i32
      scf.yield %scan3A_401 : i32
    }
    %scan3A_211 = arith.constant 25 : i32
    %dma_wait3A_212 = arith.constant 0 : i32
    %dma_wait3A_213 = arith.constant 0 : i32
    %dma_wait3A_214 = tpu.memref_slice %arg2[%dma_wait3A_212, %dma_wait3A_213] : memref<10000x16xf32, #tpu.memory_space<hbm>> -> memref<625x16xf32, #tpu.memory_space<hbm>>
    %dma_wait3A_215 = arith.constant 0 : i32
    %dma_wait3A_216 = arith.constant 0 : i32
    %dma_wait3A_217 = tpu.memref_slice %arg2[%dma_wait3A_215, %dma_wait3A_216] : memref<10000x16xf32, #tpu.memory_space<hbm>> -> memref<625x16xf32, #tpu.memory_space<hbm>>
    tpu.wait_dma2 semaphore(%arg14 : memref<!tpu.dma_semaphore, #tpu.memory_space<semaphore_mem>>) src(%dma_wait3A_217 : memref<625x16xf32, #tpu.memory_space<hbm>>) dst(%arg10 : memref<625x16xf32, #tpu.memory_space<vmem>>)
    %dma_wait3A_218 = arith.constant 0 : i32
    %dma_wait3A_219 = arith.constant 0 : i32
    %dma_wait3A_220 = tpu.memref_slice %arg2[%dma_wait3A_218, %dma_wait3A_219] : memref<10000x16xf32, #tpu.memory_space<hbm>> -> memref<625x16xf32, #tpu.memory_space<hbm>>
    %dma_wait3A_221 = arith.constant 0 : i32
    %dma_wait3A_222 = arith.constant 0 : i32
    %dma_wait3A_223 = tpu.memref_slice %arg2[%dma_wait3A_221, %dma_wait3A_222] : memref<10000x16xf32, #tpu.memory_space<hbm>> -> memref<625x16xf32, #tpu.memory_space<hbm>>
    tpu.wait_dma2 semaphore(%arg14 : memref<!tpu.dma_semaphore, #tpu.memory_space<semaphore_mem>>) src(%dma_wait3A_223 : memref<625x16xf32, #tpu.memory_space<hbm>>) dst(%arg10 : memref<625x16xf32, #tpu.memory_space<vmem>>)
    %dma_wait3A_224 = arith.constant 0 : i32
    %dma_wait3A_225 = arith.constant 0 : i32
    %dma_wait3A_226 = tpu.memref_slice %arg2[%dma_wait3A_224, %dma_wait3A_225] : memref<10000x16xf32, #tpu.memory_space<hbm>> -> memref<625x16xf32, #tpu.memory_space<hbm>>
    %dma_wait3A_227 = arith.constant 0 : i32
    %dma_wait3A_228 = arith.constant 0 : i32
    %dma_wait3A_229 = tpu.memref_slice %arg2[%dma_wait3A_227, %dma_wait3A_228] : memref<10000x16xf32, #tpu.memory_space<hbm>> -> memref<625x16xf32, #tpu.memory_space<hbm>>
    tpu.wait_dma2 semaphore(%arg14 : memref<!tpu.dma_semaphore, #tpu.memory_space<semaphore_mem>>) src(%dma_wait3A_229 : memref<625x16xf32, #tpu.memory_space<hbm>>) dst(%arg10 : memref<625x16xf32, #tpu.memory_space<vmem>>)
    %dma_wait3A_230 = arith.constant 0 : i32
    %dma_wait3A_231 = arith.constant 0 : i32
    %dma_wait3A_232 = tpu.memref_slice %arg10[%dma_wait3A_230, %dma_wait3A_231] : memref<625x16xf32, #tpu.memory_space<vmem>> -> memref<125x16xf32, #tpu.memory_space<vmem>>
    %dma_wait3A_233 = arith.constant 0 : i32
    %dma_wait3A_234 = arith.constant 0 : i32
    %dma_wait3A_235 = tpu.memref_slice %arg2[%dma_wait3A_233, %dma_wait3A_234] : memref<10000x16xf32, #tpu.memory_space<hbm>> -> memref<125x16xf32, #tpu.memory_space<hbm>>
    %dma_wait3A_236 = arith.constant 0 : i32
    %dma_wait3A_237 = arith.constant 0 : i32
    %dma_wait3A_238 = tpu.memref_slice %arg10[%dma_wait3A_236, %dma_wait3A_237] : memref<625x16xf32, #tpu.memory_space<vmem>> -> memref<125x16xf32, #tpu.memory_space<vmem>>
    %dma_wait3A_239 = arith.constant 0 : i32
    %dma_wait3A_240 = arith.constant 0 : i32
    %dma_wait3A_241 = tpu.memref_slice %arg2[%dma_wait3A_239, %dma_wait3A_240] : memref<10000x16xf32, #tpu.memory_space<hbm>> -> memref<125x16xf32, #tpu.memory_space<hbm>>
    tpu.wait_dma2 semaphore(%arg14 : memref<!tpu.dma_semaphore, #tpu.memory_space<semaphore_mem>>) src(%dma_wait3A_241 : memref<125x16xf32, #tpu.memory_space<hbm>>) dst(%dma_wait3A_238 : memref<125x16xf32, #tpu.memory_space<vmem>>)
    %scan3A_242 = arith.constant 0 : i32
    %scan3A_243 = arith.constant 0 : i32
    %scan3A_244 = arith.constant 25 : i32
    %scan3A_245 = arith.addi %scan3A_243, %scan3A_244 : i32
    %scan3A_246 = arith.constant 1 : i32
    %scan3A_247 = scf.for %scan3A_388 = %scan3A_243 to %scan3A_245 step %scan3A_246 iter_args(%scan3A_389 = %scan3A_242) -> (i32)  : i32 {
      %add3A_390 = arith.constant 100 : i32
      %add3A_391 = arith.addi %add3A_390, %scan3A_388 : i32
      %mul3A_392 = arith.constant 80 : i32
      %mul3A_393 = arith.muli %scan3A_388, %mul3A_392 : i32
      %dma_start3A = arith.constant 0 : i32
      %dma_start3A_394 = tpu.memref_slice %arg8[%mul3A_393, %dma_start3A] : memref<2000x16xf32, #tpu.memory_space<vmem>> -> memref<80x16xf32, #tpu.memory_space<vmem>>
      %dma_start3A_395 = arith.constant 0 : i32
      %dma_start3A_396 = tpu.memref_slice %arg6[%add3A_391, %dma_start3A_395] : memref<125x80xi32, #tpu.memory_space<vmem>> -> memref<1x80xi32, #tpu.memory_space<vmem>>
      %dma_start3A_397 = tpu.memref_squeeze %dma_start3A_396 : memref<1x80xi32, #tpu.memory_space<vmem>> -> memref<80xi32, #tpu.memory_space<vmem>>
      %dma_start3A_398 = arith.constant 0 : i32
      %dma_start3A_399 = arith.constant 0 : i32
      %dma_start3A_400 = tpu.memref_slice %arg2[%dma_start3A_398, %dma_start3A_399] : memref<10000x16xf32, #tpu.memory_space<hbm>> -> memref<10000x16xf32, #tpu.memory_space<hbm>>
      tpu.enqueue_indirect_dma source(%dma_start3A_400 : memref<10000x16xf32, #tpu.memory_space<hbm>>) target(%dma_start3A_394 : memref<80x16xf32, #tpu.memory_space<vmem>>) offsets(%dma_start3A_397 : memref<80xi32, #tpu.memory_space<vmem>>) semaphore(%arg12 : memref<!tpu.dma_semaphore, #tpu.memory_space<semaphore_mem>>)
      %scan3A_401 = arith.constant 0 : i32
      scf.yield %scan3A_401 : i32
    }
    %scan3A_248 = arith.constant 25 : i32
    %dma_wait3A_249 = arith.constant 0 : i32
    %dma_wait3A_250 = arith.constant 0 : i32
    %dma_wait3A_251 = tpu.memref_slice %arg2[%dma_wait3A_249, %dma_wait3A_250] : memref<10000x16xf32, #tpu.memory_space<hbm>> -> memref<625x16xf32, #tpu.memory_space<hbm>>
    %dma_wait3A_252 = arith.constant 0 : i32
    %dma_wait3A_253 = arith.constant 0 : i32
    %dma_wait3A_254 = tpu.memref_slice %arg2[%dma_wait3A_252, %dma_wait3A_253] : memref<10000x16xf32, #tpu.memory_space<hbm>> -> memref<625x16xf32, #tpu.memory_space<hbm>>
    tpu.wait_dma2 semaphore(%arg13 : memref<!tpu.dma_semaphore, #tpu.memory_space<semaphore_mem>>) src(%dma_wait3A_254 : memref<625x16xf32, #tpu.memory_space<hbm>>) dst(%arg10 : memref<625x16xf32, #tpu.memory_space<vmem>>)
    %dma_wait3A_255 = arith.constant 0 : i32
    %dma_wait3A_256 = arith.constant 0 : i32
    %dma_wait3A_257 = tpu.memref_slice %arg2[%dma_wait3A_255, %dma_wait3A_256] : memref<10000x16xf32, #tpu.memory_space<hbm>> -> memref<625x16xf32, #tpu.memory_space<hbm>>
    %dma_wait3A_258 = arith.constant 0 : i32
    %dma_wait3A_259 = arith.constant 0 : i32
    %dma_wait3A_260 = tpu.memref_slice %arg2[%dma_wait3A_258, %dma_wait3A_259] : memref<10000x16xf32, #tpu.memory_space<hbm>> -> memref<625x16xf32, #tpu.memory_space<hbm>>
    tpu.wait_dma2 semaphore(%arg13 : memref<!tpu.dma_semaphore, #tpu.memory_space<semaphore_mem>>) src(%dma_wait3A_260 : memref<625x16xf32, #tpu.memory_space<hbm>>) dst(%arg10 : memref<625x16xf32, #tpu.memory_space<vmem>>)
    %dma_wait3A_261 = arith.constant 0 : i32
    %dma_wait3A_262 = arith.constant 0 : i32
    %dma_wait3A_263 = tpu.memref_slice %arg2[%dma_wait3A_261, %dma_wait3A_262] : memref<10000x16xf32, #tpu.memory_space<hbm>> -> memref<625x16xf32, #tpu.memory_space<hbm>>
    %dma_wait3A_264 = arith.constant 0 : i32
    %dma_wait3A_265 = arith.constant 0 : i32
    %dma_wait3A_266 = tpu.memref_slice %arg2[%dma_wait3A_264, %dma_wait3A_265] : memref<10000x16xf32, #tpu.memory_space<hbm>> -> memref<625x16xf32, #tpu.memory_space<hbm>>
    tpu.wait_dma2 semaphore(%arg13 : memref<!tpu.dma_semaphore, #tpu.memory_space<semaphore_mem>>) src(%dma_wait3A_266 : memref<625x16xf32, #tpu.memory_space<hbm>>) dst(%arg10 : memref<625x16xf32, #tpu.memory_space<vmem>>)
    %dma_wait3A_267 = arith.constant 0 : i32
    %dma_wait3A_268 = arith.constant 0 : i32
    %dma_wait3A_269 = tpu.memref_slice %arg10[%dma_wait3A_267, %dma_wait3A_268] : memref<625x16xf32, #tpu.memory_space<vmem>> -> memref<125x16xf32, #tpu.memory_space<vmem>>
    %dma_wait3A_270 = arith.constant 0 : i32
    %dma_wait3A_271 = arith.constant 0 : i32
    %dma_wait3A_272 = tpu.memref_slice %arg2[%dma_wait3A_270, %dma_wait3A_271] : memref<10000x16xf32, #tpu.memory_space<hbm>> -> memref<125x16xf32, #tpu.memory_space<hbm>>
    %dma_wait3A_273 = arith.constant 0 : i32
    %dma_wait3A_274 = arith.constant 0 : i32
    %dma_wait3A_275 = tpu.memref_slice %arg10[%dma_wait3A_273, %dma_wait3A_274] : memref<625x16xf32, #tpu.memory_space<vmem>> -> memref<125x16xf32, #tpu.memory_space<vmem>>
    %dma_wait3A_276 = arith.constant 0 : i32
    %dma_wait3A_277 = arith.constant 0 : i32
    %dma_wait3A_278 = tpu.memref_slice %arg2[%dma_wait3A_276, %dma_wait3A_277] : memref<10000x16xf32, #tpu.memory_space<hbm>> -> memref<125x16xf32, #tpu.memory_space<hbm>>
    tpu.wait_dma2 semaphore(%arg13 : memref<!tpu.dma_semaphore, #tpu.memory_space<semaphore_mem>>) src(%dma_wait3A_278 : memref<125x16xf32, #tpu.memory_space<hbm>>) dst(%dma_wait3A_275 : memref<125x16xf32, #tpu.memory_space<vmem>>)
    %scan3A_279 = arith.constant 0 : i32
    %scan3A_280 = arith.constant 0 : i32
    %scan3A_281 = arith.constant 25 : i32
    %scan3A_282 = arith.addi %scan3A_280, %scan3A_281 : i32
    %scan3A_283 = arith.constant 1 : i32
    %scan3A_284 = scf.for %scan3A_388 = %scan3A_280 to %scan3A_282 step %scan3A_283 iter_args(%scan3A_389 = %scan3A_279) -> (i32)  : i32 {
      %mul3A_390 = arith.constant 80 : i32
      %mul3A_391 = arith.muli %scan3A_388, %mul3A_390 : i32
      %add3A_392 = arith.constant 75 : i32
      %add3A_393 = arith.addi %add3A_392, %scan3A_388 : i32
      %dma_start3A = arith.constant 0 : i32
      %dma_start3A_394 = tpu.memref_slice %arg9[%mul3A_391, %dma_start3A] : memref<2000x16xf32, #tpu.memory_space<vmem>> -> memref<80x16xf32, #tpu.memory_space<vmem>>
      %dma_start3A_395 = arith.constant 0 : i32
      %dma_start3A_396 = tpu.memref_slice %arg7[%add3A_393, %dma_start3A_395] : memref<125x80xi32, #tpu.memory_space<vmem>> -> memref<1x80xi32, #tpu.memory_space<vmem>>
      %dma_start3A_397 = tpu.memref_squeeze %dma_start3A_396 : memref<1x80xi32, #tpu.memory_space<vmem>> -> memref<80xi32, #tpu.memory_space<vmem>>
      %dma_start3A_398 = arith.constant 0 : i32
      %dma_start3A_399 = arith.constant 0 : i32
      %dma_start3A_400 = tpu.memref_slice %arg11[%dma_start3A_398, %dma_start3A_399] : memref<10000x16xf32, #tpu.memory_space<vmem_shared>> -> memref<10000x16xf32, #tpu.memory_space<vmem_shared>>
      tpu.enqueue_indirect_dma source(%dma_start3A_394 : memref<80x16xf32, #tpu.memory_space<vmem>>) target(%dma_start3A_400 : memref<10000x16xf32, #tpu.memory_space<vmem_shared>>) offsets(%dma_start3A_397 : memref<80xi32, #tpu.memory_space<vmem>>) semaphore(%arg15 : memref<!tpu.dma_semaphore, #tpu.memory_space<semaphore_mem>>) {add = true}
      %scan3A_401 = arith.constant 0 : i32
      scf.yield %scan3A_401 : i32
    }
    %scan3A_285 = arith.constant 25 : i32
    %dma_wait3A_286 = arith.constant 0 : i32
    %dma_wait3A_287 = arith.constant 0 : i32
    %dma_wait3A_288 = tpu.memref_slice %arg2[%dma_wait3A_286, %dma_wait3A_287] : memref<10000x16xf32, #tpu.memory_space<hbm>> -> memref<625x16xf32, #tpu.memory_space<hbm>>
    %dma_wait3A_289 = arith.constant 0 : i32
    %dma_wait3A_290 = arith.constant 0 : i32
    %dma_wait3A_291 = tpu.memref_slice %arg2[%dma_wait3A_289, %dma_wait3A_290] : memref<10000x16xf32, #tpu.memory_space<hbm>> -> memref<625x16xf32, #tpu.memory_space<hbm>>
    tpu.wait_dma2 semaphore(%arg15 : memref<!tpu.dma_semaphore, #tpu.memory_space<semaphore_mem>>) src(%dma_wait3A_291 : memref<625x16xf32, #tpu.memory_space<hbm>>) dst(%arg10 : memref<625x16xf32, #tpu.memory_space<vmem>>)
    %dma_wait3A_292 = arith.constant 0 : i32
    %dma_wait3A_293 = arith.constant 0 : i32
    %dma_wait3A_294 = tpu.memref_slice %arg2[%dma_wait3A_292, %dma_wait3A_293] : memref<10000x16xf32, #tpu.memory_space<hbm>> -> memref<625x16xf32, #tpu.memory_space<hbm>>
    %dma_wait3A_295 = arith.constant 0 : i32
    %dma_wait3A_296 = arith.constant 0 : i32
    %dma_wait3A_297 = tpu.memref_slice %arg2[%dma_wait3A_295, %dma_wait3A_296] : memref<10000x16xf32, #tpu.memory_space<hbm>> -> memref<625x16xf32, #tpu.memory_space<hbm>>
    tpu.wait_dma2 semaphore(%arg15 : memref<!tpu.dma_semaphore, #tpu.memory_space<semaphore_mem>>) src(%dma_wait3A_297 : memref<625x16xf32, #tpu.memory_space<hbm>>) dst(%arg10 : memref<625x16xf32, #tpu.memory_space<vmem>>)
    %dma_wait3A_298 = arith.constant 0 : i32
    %dma_wait3A_299 = arith.constant 0 : i32
    %dma_wait3A_300 = tpu.memref_slice %arg2[%dma_wait3A_298, %dma_wait3A_299] : memref<10000x16xf32, #tpu.memory_space<hbm>> -> memref<625x16xf32, #tpu.memory_space<hbm>>
    %dma_wait3A_301 = arith.constant 0 : i32
    %dma_wait3A_302 = arith.constant 0 : i32
    %dma_wait3A_303 = tpu.memref_slice %arg2[%dma_wait3A_301, %dma_wait3A_302] : memref<10000x16xf32, #tpu.memory_space<hbm>> -> memref<625x16xf32, #tpu.memory_space<hbm>>
    tpu.wait_dma2 semaphore(%arg15 : memref<!tpu.dma_semaphore, #tpu.memory_space<semaphore_mem>>) src(%dma_wait3A_303 : memref<625x16xf32, #tpu.memory_space<hbm>>) dst(%arg10 : memref<625x16xf32, #tpu.memory_space<vmem>>)
    %dma_wait3A_304 = arith.constant 0 : i32
    %dma_wait3A_305 = arith.constant 0 : i32
    %dma_wait3A_306 = tpu.memref_slice %arg10[%dma_wait3A_304, %dma_wait3A_305] : memref<625x16xf32, #tpu.memory_space<vmem>> -> memref<125x16xf32, #tpu.memory_space<vmem>>
    %dma_wait3A_307 = arith.constant 0 : i32
    %dma_wait3A_308 = arith.constant 0 : i32
    %dma_wait3A_309 = tpu.memref_slice %arg2[%dma_wait3A_307, %dma_wait3A_308] : memref<10000x16xf32, #tpu.memory_space<hbm>> -> memref<125x16xf32, #tpu.memory_space<hbm>>
    %dma_wait3A_310 = arith.constant 0 : i32
    %dma_wait3A_311 = arith.constant 0 : i32
    %dma_wait3A_312 = tpu.memref_slice %arg10[%dma_wait3A_310, %dma_wait3A_311] : memref<625x16xf32, #tpu.memory_space<vmem>> -> memref<125x16xf32, #tpu.memory_space<vmem>>
    %dma_wait3A_313 = arith.constant 0 : i32
    %dma_wait3A_314 = arith.constant 0 : i32
    %dma_wait3A_315 = tpu.memref_slice %arg2[%dma_wait3A_313, %dma_wait3A_314] : memref<10000x16xf32, #tpu.memory_space<hbm>> -> memref<125x16xf32, #tpu.memory_space<hbm>>
    tpu.wait_dma2 semaphore(%arg15 : memref<!tpu.dma_semaphore, #tpu.memory_space<semaphore_mem>>) src(%dma_wait3A_315 : memref<125x16xf32, #tpu.memory_space<hbm>>) dst(%dma_wait3A_312 : memref<125x16xf32, #tpu.memory_space<vmem>>)
    %dma_wait3A_316 = arith.constant 0 : i32
    %dma_wait3A_317 = arith.constant 0 : i32
    %dma_wait3A_318 = tpu.memref_slice %arg2[%dma_wait3A_316, %dma_wait3A_317] : memref<10000x16xf32, #tpu.memory_space<hbm>> -> memref<625x16xf32, #tpu.memory_space<hbm>>
    %dma_wait3A_319 = arith.constant 0 : i32
    %dma_wait3A_320 = arith.constant 0 : i32
    %dma_wait3A_321 = tpu.memref_slice %arg2[%dma_wait3A_319, %dma_wait3A_320] : memref<10000x16xf32, #tpu.memory_space<hbm>> -> memref<625x16xf32, #tpu.memory_space<hbm>>
    tpu.wait_dma2 semaphore(%arg12 : memref<!tpu.dma_semaphore, #tpu.memory_space<semaphore_mem>>) src(%dma_wait3A_321 : memref<625x16xf32, #tpu.memory_space<hbm>>) dst(%arg10 : memref<625x16xf32, #tpu.memory_space<vmem>>)
    %dma_wait3A_322 = arith.constant 0 : i32
    %dma_wait3A_323 = arith.constant 0 : i32
    %dma_wait3A_324 = tpu.memref_slice %arg2[%dma_wait3A_322, %dma_wait3A_323] : memref<10000x16xf32, #tpu.memory_space<hbm>> -> memref<625x16xf32, #tpu.memory_space<hbm>>
    %dma_wait3A_325 = arith.constant 0 : i32
    %dma_wait3A_326 = arith.constant 0 : i32
    %dma_wait3A_327 = tpu.memref_slice %arg2[%dma_wait3A_325, %dma_wait3A_326] : memref<10000x16xf32, #tpu.memory_space<hbm>> -> memref<625x16xf32, #tpu.memory_space<hbm>>
    tpu.wait_dma2 semaphore(%arg12 : memref<!tpu.dma_semaphore, #tpu.memory_space<semaphore_mem>>) src(%dma_wait3A_327 : memref<625x16xf32, #tpu.memory_space<hbm>>) dst(%arg10 : memref<625x16xf32, #tpu.memory_space<vmem>>)
    %dma_wait3A_328 = arith.constant 0 : i32
    %dma_wait3A_329 = arith.constant 0 : i32
    %dma_wait3A_330 = tpu.memref_slice %arg2[%dma_wait3A_328, %dma_wait3A_329] : memref<10000x16xf32, #tpu.memory_space<hbm>> -> memref<625x16xf32, #tpu.memory_space<hbm>>
    %dma_wait3A_331 = arith.constant 0 : i32
    %dma_wait3A_332 = arith.constant 0 : i32
    %dma_wait3A_333 = tpu.memref_slice %arg2[%dma_wait3A_331, %dma_wait3A_332] : memref<10000x16xf32, #tpu.memory_space<hbm>> -> memref<625x16xf32, #tpu.memory_space<hbm>>
    tpu.wait_dma2 semaphore(%arg12 : memref<!tpu.dma_semaphore, #tpu.memory_space<semaphore_mem>>) src(%dma_wait3A_333 : memref<625x16xf32, #tpu.memory_space<hbm>>) dst(%arg10 : memref<625x16xf32, #tpu.memory_space<vmem>>)
    %dma_wait3A_334 = arith.constant 0 : i32
    %dma_wait3A_335 = arith.constant 0 : i32
    %dma_wait3A_336 = tpu.memref_slice %arg10[%dma_wait3A_334, %dma_wait3A_335] : memref<625x16xf32, #tpu.memory_space<vmem>> -> memref<125x16xf32, #tpu.memory_space<vmem>>
    %dma_wait3A_337 = arith.constant 0 : i32
    %dma_wait3A_338 = arith.constant 0 : i32
    %dma_wait3A_339 = tpu.memref_slice %arg2[%dma_wait3A_337, %dma_wait3A_338] : memref<10000x16xf32, #tpu.memory_space<hbm>> -> memref<125x16xf32, #tpu.memory_space<hbm>>
    %dma_wait3A_340 = arith.constant 0 : i32
    %dma_wait3A_341 = arith.constant 0 : i32
    %dma_wait3A_342 = tpu.memref_slice %arg10[%dma_wait3A_340, %dma_wait3A_341] : memref<625x16xf32, #tpu.memory_space<vmem>> -> memref<125x16xf32, #tpu.memory_space<vmem>>
    %dma_wait3A_343 = arith.constant 0 : i32
    %dma_wait3A_344 = arith.constant 0 : i32
    %dma_wait3A_345 = tpu.memref_slice %arg2[%dma_wait3A_343, %dma_wait3A_344] : memref<10000x16xf32, #tpu.memory_space<hbm>> -> memref<125x16xf32, #tpu.memory_space<hbm>>
    tpu.wait_dma2 semaphore(%arg12 : memref<!tpu.dma_semaphore, #tpu.memory_space<semaphore_mem>>) src(%dma_wait3A_345 : memref<125x16xf32, #tpu.memory_space<hbm>>) dst(%dma_wait3A_342 : memref<125x16xf32, #tpu.memory_space<vmem>>)
    %scan3A_346 = arith.constant 0 : i32
    %scan3A_347 = arith.constant 0 : i32
    %scan3A_348 = arith.constant 25 : i32
    %scan3A_349 = arith.addi %scan3A_347, %scan3A_348 : i32
    %scan3A_350 = arith.constant 1 : i32
    %scan3A_351 = scf.for %scan3A_388 = %scan3A_347 to %scan3A_349 step %scan3A_350 iter_args(%scan3A_389 = %scan3A_346) -> (i32)  : i32 {
      %mul3A_390 = arith.constant 80 : i32
      %mul3A_391 = arith.muli %scan3A_388, %mul3A_390 : i32
      %add3A_392 = arith.constant 100 : i32
      %add3A_393 = arith.addi %add3A_392, %scan3A_388 : i32
      %dma_start3A = arith.constant 0 : i32
      %dma_start3A_394 = tpu.memref_slice %arg8[%mul3A_391, %dma_start3A] : memref<2000x16xf32, #tpu.memory_space<vmem>> -> memref<80x16xf32, #tpu.memory_space<vmem>>
      %dma_start3A_395 = arith.constant 0 : i32
      %dma_start3A_396 = tpu.memref_slice %arg7[%add3A_393, %dma_start3A_395] : memref<125x80xi32, #tpu.memory_space<vmem>> -> memref<1x80xi32, #tpu.memory_space<vmem>>
      %dma_start3A_397 = tpu.memref_squeeze %dma_start3A_396 : memref<1x80xi32, #tpu.memory_space<vmem>> -> memref<80xi32, #tpu.memory_space<vmem>>
      %dma_start3A_398 = arith.constant 0 : i32
      %dma_start3A_399 = arith.constant 0 : i32
      %dma_start3A_400 = tpu.memref_slice %arg11[%dma_start3A_398, %dma_start3A_399] : memref<10000x16xf32, #tpu.memory_space<vmem_shared>> -> memref<10000x16xf32, #tpu.memory_space<vmem_shared>>
      tpu.enqueue_indirect_dma source(%dma_start3A_394 : memref<80x16xf32, #tpu.memory_space<vmem>>) target(%dma_start3A_400 : memref<10000x16xf32, #tpu.memory_space<vmem_shared>>) offsets(%dma_start3A_397 : memref<80xi32, #tpu.memory_space<vmem>>) semaphore(%arg14 : memref<!tpu.dma_semaphore, #tpu.memory_space<semaphore_mem>>) {add = true}
      %scan3A_401 = arith.constant 0 : i32
      scf.yield %scan3A_401 : i32
    }
    %scan3A_352 = arith.constant 25 : i32
    %dma_wait3A_353 = arith.constant 0 : i32
    %dma_wait3A_354 = arith.constant 0 : i32
    %dma_wait3A_355 = tpu.memref_slice %arg2[%dma_wait3A_353, %dma_wait3A_354] : memref<10000x16xf32, #tpu.memory_space<hbm>> -> memref<625x16xf32, #tpu.memory_space<hbm>>
    %dma_wait3A_356 = arith.constant 0 : i32
    %dma_wait3A_357 = arith.constant 0 : i32
    %dma_wait3A_358 = tpu.memref_slice %arg2[%dma_wait3A_356, %dma_wait3A_357] : memref<10000x16xf32, #tpu.memory_space<hbm>> -> memref<625x16xf32, #tpu.memory_space<hbm>>
    tpu.wait_dma2 semaphore(%arg14 : memref<!tpu.dma_semaphore, #tpu.memory_space<semaphore_mem>>) src(%dma_wait3A_358 : memref<625x16xf32, #tpu.memory_space<hbm>>) dst(%arg10 : memref<625x16xf32, #tpu.memory_space<vmem>>)
    %dma_wait3A_359 = arith.constant 0 : i32
    %dma_wait3A_360 = arith.constant 0 : i32
    %dma_wait3A_361 = tpu.memref_slice %arg2[%dma_wait3A_359, %dma_wait3A_360] : memref<10000x16xf32, #tpu.memory_space<hbm>> -> memref<625x16xf32, #tpu.memory_space<hbm>>
    %dma_wait3A_362 = arith.constant 0 : i32
    %dma_wait3A_363 = arith.constant 0 : i32
    %dma_wait3A_364 = tpu.memref_slice %arg2[%dma_wait3A_362, %dma_wait3A_363] : memref<10000x16xf32, #tpu.memory_space<hbm>> -> memref<625x16xf32, #tpu.memory_space<hbm>>
    tpu.wait_dma2 semaphore(%arg14 : memref<!tpu.dma_semaphore, #tpu.memory_space<semaphore_mem>>) src(%dma_wait3A_364 : memref<625x16xf32, #tpu.memory_space<hbm>>) dst(%arg10 : memref<625x16xf32, #tpu.memory_space<vmem>>)
    %dma_wait3A_365 = arith.constant 0 : i32
    %dma_wait3A_366 = arith.constant 0 : i32
    %dma_wait3A_367 = tpu.memref_slice %arg2[%dma_wait3A_365, %dma_wait3A_366] : memref<10000x16xf32, #tpu.memory_space<hbm>> -> memref<625x16xf32, #tpu.memory_space<hbm>>
    %dma_wait3A_368 = arith.constant 0 : i32
    %dma_wait3A_369 = arith.constant 0 : i32
    %dma_wait3A_370 = tpu.memref_slice %arg2[%dma_wait3A_368, %dma_wait3A_369] : memref<10000x16xf32, #tpu.memory_space<hbm>> -> memref<625x16xf32, #tpu.memory_space<hbm>>
    tpu.wait_dma2 semaphore(%arg14 : memref<!tpu.dma_semaphore, #tpu.memory_space<semaphore_mem>>) src(%dma_wait3A_370 : memref<625x16xf32, #tpu.memory_space<hbm>>) dst(%arg10 : memref<625x16xf32, #tpu.memory_space<vmem>>)
    %dma_wait3A_371 = arith.constant 0 : i32
    %dma_wait3A_372 = arith.constant 0 : i32
    %dma_wait3A_373 = tpu.memref_slice %arg10[%dma_wait3A_371, %dma_wait3A_372] : memref<625x16xf32, #tpu.memory_space<vmem>> -> memref<125x16xf32, #tpu.memory_space<vmem>>
    %dma_wait3A_374 = arith.constant 0 : i32
    %dma_wait3A_375 = arith.constant 0 : i32
    %dma_wait3A_376 = tpu.memref_slice %arg2[%dma_wait3A_374, %dma_wait3A_375] : memref<10000x16xf32, #tpu.memory_space<hbm>> -> memref<125x16xf32, #tpu.memory_space<hbm>>
    %dma_wait3A_377 = arith.constant 0 : i32
    %dma_wait3A_378 = arith.constant 0 : i32
    %dma_wait3A_379 = tpu.memref_slice %arg10[%dma_wait3A_377, %dma_wait3A_378] : memref<625x16xf32, #tpu.memory_space<vmem>> -> memref<125x16xf32, #tpu.memory_space<vmem>>
    %dma_wait3A_380 = arith.constant 0 : i32
    %dma_wait3A_381 = arith.constant 0 : i32
    %dma_wait3A_382 = tpu.memref_slice %arg2[%dma_wait3A_380, %dma_wait3A_381] : memref<10000x16xf32, #tpu.memory_space<hbm>> -> memref<125x16xf32, #tpu.memory_space<hbm>>
    tpu.wait_dma2 semaphore(%arg14 : memref<!tpu.dma_semaphore, #tpu.memory_space<semaphore_mem>>) src(%dma_wait3A_382 : memref<125x16xf32, #tpu.memory_space<hbm>>) dst(%dma_wait3A_379 : memref<125x16xf32, #tpu.memory_space<vmem>>)
    %barrier3A_383 = arith.constant 0 : index
    tpu.barrier barrier_id(%barrier3A_383)
    %mul3A_384 = arith.constant 625 : i32
    %mul3A_385 = arith.muli %arg1, %mul3A_384 : i32
    "tpu.region"() ({
      %run_scoped3A = tpu.sem_alloc : memref<!tpu.dma_semaphore, #tpu.memory_space<semaphore_mem>>
      %dma_start3A = arith.constant 0 : i32
      %dma_start3A_388 = tpu.memref_slice %arg11[%mul3A_385, %dma_start3A] : memref<10000x16xf32, #tpu.memory_space<vmem_shared>> -> memref<625x16xf32, #tpu.memory_space<vmem_shared>>
      %dma_start3A_389 = arith.constant 0 : i32
      %dma_start3A_390 = tpu.memref_slice %arg11[%mul3A_385, %dma_start3A_389] : memref<10000x16xf32, #tpu.memory_space<vmem_shared>> -> memref<625x16xf32, #tpu.memory_space<vmem_shared>>
      tpu.enqueue_dma source(%dma_start3A_390 : memref<625x16xf32, #tpu.memory_space<vmem_shared>>) target(%arg10 : memref<625x16xf32, #tpu.memory_space<vmem>>) target_semaphore(%run_scoped3A : memref<!tpu.dma_semaphore, #tpu.memory_space<semaphore_mem>>)
      %dma_wait3A_391 = arith.constant 0 : i32
      %dma_wait3A_392 = tpu.memref_slice %arg11[%mul3A_385, %dma_wait3A_391] : memref<10000x16xf32, #tpu.memory_space<vmem_shared>> -> memref<625x16xf32, #tpu.memory_space<vmem_shared>>
      %dma_wait3A_393 = arith.constant 0 : i32
      %dma_wait3A_394 = tpu.memref_slice %arg11[%mul3A_385, %dma_wait3A_393] : memref<10000x16xf32, #tpu.memory_space<vmem_shared>> -> memref<625x16xf32, #tpu.memory_space<vmem_shared>>
      tpu.wait_dma2 semaphore(%run_scoped3A : memref<!tpu.dma_semaphore, #tpu.memory_space<semaphore_mem>>) src(%dma_wait3A_394 : memref<625x16xf32, #tpu.memory_space<vmem_shared>>) dst(%arg10 : memref<625x16xf32, #tpu.memory_space<vmem>>)
      tpu.yield
    }) : () -> ()
    %mul3A_386 = arith.constant 625 : i32
    %mul3A_387 = arith.muli %arg1, %mul3A_386 : i32
    "tpu.region"() ({
      %run_scoped3A = tpu.sem_alloc : memref<!tpu.dma_semaphore, #tpu.memory_space<semaphore_mem>>
      %dma_start3A = arith.constant 0 : i32
      %dma_start3A_388 = tpu.memref_slice %arg5[%arg0, %mul3A_387, %dma_start3A] : memref<2x10000x16xf32, #tpu.memory_space<hbm>> -> memref<1x625x16xf32, #tpu.memory_space<hbm>>
      %dma_start3A_389 = tpu.memref_squeeze %dma_start3A_388 : memref<1x625x16xf32, #tpu.memory_space<hbm>> -> memref<625x16xf32, #tpu.memory_space<hbm>>
      %dma_start3A_390 = arith.constant 0 : i32
      %dma_start3A_391 = tpu.memref_slice %arg5[%arg0, %mul3A_387, %dma_start3A_390] : memref<2x10000x16xf32, #tpu.memory_space<hbm>> -> memref<1x625x16xf32, #tpu.memory_space<hbm>>
      %dma_start3A_392 = tpu.memref_squeeze %dma_start3A_391 : memref<1x625x16xf32, #tpu.memory_space<hbm>> -> memref<625x16xf32, #tpu.memory_space<hbm>>
      tpu.enqueue_dma source(%arg10 : memref<625x16xf32, #tpu.memory_space<vmem>>) target(%dma_start3A_392 : memref<625x16xf32, #tpu.memory_space<hbm>>) target_semaphore(%run_scoped3A : memref<!tpu.dma_semaphore, #tpu.memory_space<semaphore_mem>>)
      %dma_wait3A_393 = arith.constant 0 : i32
      %dma_wait3A_394 = tpu.memref_slice %arg5[%arg0, %mul3A_387, %dma_wait3A_393] : memref<2x10000x16xf32, #tpu.memory_space<hbm>> -> memref<1x625x16xf32, #tpu.memory_space<hbm>>
      %dma_wait3A_395 = tpu.memref_squeeze %dma_wait3A_394 : memref<1x625x16xf32, #tpu.memory_space<hbm>> -> memref<625x16xf32, #tpu.memory_space<hbm>>
      %dma_wait3A_396 = arith.constant 0 : i32
      %dma_wait3A_397 = tpu.memref_slice %arg5[%arg0, %mul3A_387, %dma_wait3A_396] : memref<2x10000x16xf32, #tpu.memory_space<hbm>> -> memref<1x625x16xf32, #tpu.memory_space<hbm>>
      %dma_wait3A_398 = tpu.memref_squeeze %dma_wait3A_397 : memref<1x625x16xf32, #tpu.memory_space<hbm>> -> memref<625x16xf32, #tpu.memory_space<hbm>>
      tpu.wait_dma2 semaphore(%run_scoped3A : memref<!tpu.dma_semaphore, #tpu.memory_space<semaphore_mem>>) src(%arg10 : memref<625x16xf32, #tpu.memory_space<vmem>>) dst(%dma_wait3A_398 : memref<625x16xf32, #tpu.memory_space<hbm>>)
      tpu.yield
    }) : () -> ()
    return
  }
}

module attributes {stable_mosaic.version = 14 : i64} {
  func.func @_tca_body(%arg0: memref<2x10240xf32, #tpu.memory_space<vmem>>, %arg1: memref<10000x128xf32, #tpu.memory_space<vmem>>, %arg2: memref<128x16xf32, #tpu.memory_space<vmem>>, %arg3: memref<10000x16xf32, #tpu.memory_space<vmem>>) attributes {dimension_semantics = [], scalar_prefetch = 0 : i64, scratch_operands = 0 : i64, tpu.core_type = #tpu.core_type<tc>} {
    %get3A = arith.constant 0 : index
    %get3A_0 = arith.constant 0 : index
    %get3A_1 = vector.load %arg0[%get3A, %get3A_0] : memref<2x10240xf32, #tpu.memory_space<vmem>>, vector<2x10240xf32>
    %slice3A = vector.extract_strided_slice %get3A_1 {offsets = [0, 0], sizes = [1, 10000], strides = [1, 1]} : vector<2x10240xf32> to vector<1x10000xf32>
    %squeeze3A = vector.shape_cast %slice3A : vector<1x10000xf32> to vector<10000xf32>
    %slice3A_2 = vector.extract_strided_slice %get3A_1 {offsets = [1, 0], sizes = [1, 10000], strides = [1, 1]} : vector<2x10240xf32> to vector<1x10000xf32>
    %squeeze3A_3 = vector.shape_cast %slice3A_2 : vector<1x10000xf32> to vector<10000xf32>
    %add3A = arith.addf %squeeze3A, %squeeze3A_3 : vector<10000xf32>
    %reshape3A = vector.shape_cast %add3A : vector<10000xf32> to vector<10000x1xf32>
    %max3A = arith.constant 1.000000e+00 : f32
    %max3A_4 = vector.broadcast %max3A : f32 to vector<10000x1xf32>
    %max3A_5 = arith.maximumf %reshape3A, %max3A_4 : vector<10000x1xf32>
    %rsqrt3A = math.rsqrt %max3A_5 : vector<10000x1xf32>
    %get3A_6 = arith.constant 0 : index
    %get3A_7 = arith.constant 0 : index
    %get3A_8 = vector.load %arg1[%get3A_6, %get3A_7] : memref<10000x128xf32, #tpu.memory_space<vmem>>, vector<10000x128xf32>
    %mul3A = vector.broadcast %rsqrt3A : vector<10000x1xf32> to vector<10000x128xf32>
    %mul3A_9 = arith.mulf %get3A_8, %mul3A : vector<10000x128xf32>
    %get3A_10 = arith.constant 0 : index
    %get3A_11 = arith.constant 0 : index
    %get3A_12 = vector.load %arg2[%get3A_10, %get3A_11] : memref<128x16xf32, #tpu.memory_space<vmem>>, vector<128x16xf32>
    %dot_general3A = arith.constant dense<0.000000e+00> : vector<10000x16xf32>
    %dot_general3A_13 = tpu.matmul %mul3A_9, %get3A_12, %dot_general3A {dimension_numbers = #tpu.dot_dimension_numbers<[1], [0], [0], [1], [0, 0, 1, 1], [], []>, transpose_lhs_hint = false} : vector<10000x128xf32>, vector<128x16xf32>, vector<10000x16xf32> -> vector<10000x16xf32>
    %swap3A = arith.constant 0 : index
    %swap3A_14 = arith.constant 0 : index
    %swap3A_15 = vector.load %arg3[%swap3A, %swap3A_14] : memref<10000x16xf32, #tpu.memory_space<vmem>>, vector<10000x16xf32>
    tpu.vector_store %arg3[%swap3A, %swap3A_14], %dot_general3A_13 {strides = array<i32>} : memref<10000x16xf32, #tpu.memory_space<vmem>>, vector<10000x16xf32>,
    return
  }
}

module attributes {stable_mosaic.version = 14 : i64} {
  func.func @_tcb_body(%arg0: memref<2x10000x16xf32, #tpu.memory_space<vmem>>, %arg1: memref<2x10240xf32, #tpu.memory_space<vmem>>, %arg2: memref<2x10240xf32, #tpu.memory_space<vmem>>, %arg3: memref<1x16xf32, #tpu.memory_space<vmem>>, %arg4: memref<10000x16xf32, #tpu.memory_space<vmem>>) attributes {dimension_semantics = [], scalar_prefetch = 0 : i64, scratch_operands = 0 : i64, tpu.core_type = #tpu.core_type<tc>} {
    %get3A = arith.constant 0 : index
    %get3A_0 = arith.constant 0 : index
    %get3A_1 = arith.constant 0 : index
    %get3A_2 = vector.load %arg0[%get3A, %get3A_0, %get3A_1] : memref<2x10000x16xf32, #tpu.memory_space<vmem>>, vector<1x10000x16xf32>
    %get3A_3 = vector.shape_cast %get3A_2 : vector<1x10000x16xf32> to vector<10000x16xf32>
    %get3A_4 = arith.constant 1 : index
    %get3A_5 = arith.constant 0 : index
    %get3A_6 = arith.constant 0 : index
    %get3A_7 = vector.load %arg0[%get3A_4, %get3A_5, %get3A_6] : memref<2x10000x16xf32, #tpu.memory_space<vmem>>, vector<1x10000x16xf32>
    %get3A_8 = vector.shape_cast %get3A_7 : vector<1x10000x16xf32> to vector<10000x16xf32>
    %add3A = arith.addf %get3A_3, %get3A_8 : vector<10000x16xf32>
    %get3A_9 = arith.constant 0 : index
    %get3A_10 = arith.constant 0 : index
    %get3A_11 = vector.load %arg1[%get3A_9, %get3A_10] : memref<2x10240xf32, #tpu.memory_space<vmem>>, vector<2x10240xf32>
    %slice3A = vector.extract_strided_slice %get3A_11 {offsets = [0, 0], sizes = [1, 10000], strides = [1, 1]} : vector<2x10240xf32> to vector<1x10000xf32>
    %squeeze3A = vector.shape_cast %slice3A : vector<1x10000xf32> to vector<10000xf32>
    %slice3A_12 = vector.extract_strided_slice %get3A_11 {offsets = [1, 0], sizes = [1, 10000], strides = [1, 1]} : vector<2x10240xf32> to vector<1x10000xf32>
    %squeeze3A_13 = vector.shape_cast %slice3A_12 : vector<1x10000xf32> to vector<10000xf32>
    %add3A_14 = arith.addf %squeeze3A, %squeeze3A_13 : vector<10000xf32>
    %reshape3A = vector.shape_cast %add3A_14 : vector<10000xf32> to vector<10000x1xf32>
    %max3A = arith.constant 1.000000e+00 : f32
    %max3A_15 = vector.broadcast %max3A : f32 to vector<10000x1xf32>
    %max3A_16 = arith.maximumf %reshape3A, %max3A_15 : vector<10000x1xf32>
    %rsqrt3A = math.rsqrt %max3A_16 : vector<10000x1xf32>
    %mul3A = vector.broadcast %rsqrt3A : vector<10000x1xf32> to vector<10000x16xf32>
    %mul3A_17 = arith.mulf %add3A, %mul3A : vector<10000x16xf32>
    %get3A_18 = arith.constant 0 : index
    %get3A_19 = arith.constant 0 : index
    %get3A_20 = vector.load %arg3[%get3A_18, %get3A_19] : memref<1x16xf32, #tpu.memory_space<vmem>>, vector<1x16xf32>
    %add3A_21 = vector.broadcast %get3A_20 : vector<1x16xf32> to vector<10000x16xf32>
    %add3A_22 = arith.addf %mul3A_17, %add3A_21 : vector<10000x16xf32>
    %max3A_23 = arith.constant 0.000000e+00 : f32
    %max3A_24 = vector.broadcast %max3A_23 : f32 to vector<10000x16xf32>
    %max3A_25 = arith.maximumf %add3A_22, %max3A_24 : vector<10000x16xf32>
    %get3A_26 = arith.constant 0 : index
    %get3A_27 = arith.constant 0 : index
    %get3A_28 = vector.load %arg2[%get3A_26, %get3A_27] : memref<2x10240xf32, #tpu.memory_space<vmem>>, vector<2x10240xf32>
    %slice3A_29 = vector.extract_strided_slice %get3A_28 {offsets = [0, 0], sizes = [1, 10000], strides = [1, 1]} : vector<2x10240xf32> to vector<1x10000xf32>
    %squeeze3A_30 = vector.shape_cast %slice3A_29 : vector<1x10000xf32> to vector<10000xf32>
    %slice3A_31 = vector.extract_strided_slice %get3A_28 {offsets = [1, 0], sizes = [1, 10000], strides = [1, 1]} : vector<2x10240xf32> to vector<1x10000xf32>
    %squeeze3A_32 = vector.shape_cast %slice3A_31 : vector<1x10000xf32> to vector<10000xf32>
    %add3A_33 = arith.addf %squeeze3A_30, %squeeze3A_32 : vector<10000xf32>
    %reshape3A_34 = vector.shape_cast %add3A_33 : vector<10000xf32> to vector<10000x1xf32>
    %max3A_35 = arith.constant 1.000000e+00 : f32
    %max3A_36 = vector.broadcast %max3A_35 : f32 to vector<10000x1xf32>
    %max3A_37 = arith.maximumf %reshape3A_34, %max3A_36 : vector<10000x1xf32>
    %rsqrt3A_38 = math.rsqrt %max3A_37 : vector<10000x1xf32>
    %mul3A_39 = vector.broadcast %rsqrt3A_38 : vector<10000x1xf32> to vector<10000x16xf32>
    %mul3A_40 = arith.mulf %max3A_25, %mul3A_39 : vector<10000x16xf32>
    %swap3A = arith.constant 0 : index
    %swap3A_41 = arith.constant 0 : index
    %swap3A_42 = vector.load %arg4[%swap3A, %swap3A_41] : memref<10000x16xf32, #tpu.memory_space<vmem>>, vector<10000x16xf32>
    tpu.vector_store %arg4[%swap3A, %swap3A_41], %mul3A_40 {strides = array<i32>} : memref<10000x16xf32, #tpu.memory_space<vmem>>, vector<10000x16xf32>,
    return
  }
}

module attributes {stable_mosaic.version = 14 : i64} {
  func.func @_tcc_body(%arg0: memref<2x10000x16xf32, #tpu.memory_space<vmem>>, %arg1: memref<2x10240xf32, #tpu.memory_space<vmem>>, %arg2: memref<16x128xf32, #tpu.memory_space<vmem>>, %arg3: memref<1x128xf32, #tpu.memory_space<vmem>>, %arg4: memref<10000x128xf32, #tpu.memory_space<vmem>>) attributes {dimension_semantics = [], scalar_prefetch = 0 : i64, scratch_operands = 0 : i64, tpu.core_type = #tpu.core_type<tc>} {
    %get3A = arith.constant 0 : index
    %get3A_0 = arith.constant 0 : index
    %get3A_1 = arith.constant 0 : index
    %get3A_2 = vector.load %arg0[%get3A, %get3A_0, %get3A_1] : memref<2x10000x16xf32, #tpu.memory_space<vmem>>, vector<1x10000x16xf32>
    %get3A_3 = vector.shape_cast %get3A_2 : vector<1x10000x16xf32> to vector<10000x16xf32>
    %get3A_4 = arith.constant 1 : index
    %get3A_5 = arith.constant 0 : index
    %get3A_6 = arith.constant 0 : index
    %get3A_7 = vector.load %arg0[%get3A_4, %get3A_5, %get3A_6] : memref<2x10000x16xf32, #tpu.memory_space<vmem>>, vector<1x10000x16xf32>
    %get3A_8 = vector.shape_cast %get3A_7 : vector<1x10000x16xf32> to vector<10000x16xf32>
    %add3A = arith.addf %get3A_3, %get3A_8 : vector<10000x16xf32>
    %get3A_9 = arith.constant 0 : index
    %get3A_10 = arith.constant 0 : index
    %get3A_11 = vector.load %arg1[%get3A_9, %get3A_10] : memref<2x10240xf32, #tpu.memory_space<vmem>>, vector<2x10240xf32>
    %slice3A = vector.extract_strided_slice %get3A_11 {offsets = [0, 0], sizes = [1, 10000], strides = [1, 1]} : vector<2x10240xf32> to vector<1x10000xf32>
    %squeeze3A = vector.shape_cast %slice3A : vector<1x10000xf32> to vector<10000xf32>
    %slice3A_12 = vector.extract_strided_slice %get3A_11 {offsets = [1, 0], sizes = [1, 10000], strides = [1, 1]} : vector<2x10240xf32> to vector<1x10000xf32>
    %squeeze3A_13 = vector.shape_cast %slice3A_12 : vector<1x10000xf32> to vector<10000xf32>
    %add3A_14 = arith.addf %squeeze3A, %squeeze3A_13 : vector<10000xf32>
    %reshape3A = vector.shape_cast %add3A_14 : vector<10000xf32> to vector<10000x1xf32>
    %max3A = arith.constant 1.000000e+00 : f32
    %max3A_15 = vector.broadcast %max3A : f32 to vector<10000x1xf32>
    %max3A_16 = arith.maximumf %reshape3A, %max3A_15 : vector<10000x1xf32>
    %rsqrt3A = math.rsqrt %max3A_16 : vector<10000x1xf32>
    %mul3A = vector.broadcast %rsqrt3A : vector<10000x1xf32> to vector<10000x16xf32>
    %mul3A_17 = arith.mulf %add3A, %mul3A : vector<10000x16xf32>
    %get3A_18 = arith.constant 0 : index
    %get3A_19 = arith.constant 0 : index
    %get3A_20 = vector.load %arg2[%get3A_18, %get3A_19] : memref<16x128xf32, #tpu.memory_space<vmem>>, vector<16x128xf32>
    %dot_general3A = arith.constant dense<0.000000e+00> : vector<10000x128xf32>
    %dot_general3A_21 = tpu.matmul %mul3A_17, %get3A_20, %dot_general3A {dimension_numbers = #tpu.dot_dimension_numbers<[1], [0], [0], [1], [0, 0, 1, 1], [], []>, transpose_lhs_hint = false} : vector<10000x16xf32>, vector<16x128xf32>, vector<10000x128xf32> -> vector<10000x128xf32>
    %get3A_22 = arith.constant 0 : index
    %get3A_23 = arith.constant 0 : index
    %get3A_24 = vector.load %arg3[%get3A_22, %get3A_23] : memref<1x128xf32, #tpu.memory_space<vmem>>, vector<1x128xf32>
    %add3A_25 = vector.broadcast %get3A_24 : vector<1x128xf32> to vector<10000x128xf32>
    %add3A_26 = arith.addf %dot_general3A_21, %add3A_25 : vector<10000x128xf32>
    %swap3A = arith.constant 0 : index
    %swap3A_27 = arith.constant 0 : index
    %swap3A_28 = vector.load %arg4[%swap3A, %swap3A_27] : memref<10000x128xf32, #tpu.memory_space<vmem>>, vector<10000x128xf32>
    tpu.vector_store %arg4[%swap3A, %swap3A_27], %add3A_26 {strides = array<i32>} : memref<10000x128xf32, #tpu.memory_space<vmem>>, vector<10000x128xf32>,
    return
  }
}

</mosaic_0001>

<sc_bundles>
// kernel: kernel.11.cloned.1.call-start
scs
__scs_entry_jumppad:
0x0: {  	(pc) =	sbr.rel $0x88, $3  }
0x1: {  	(tag) =	ssettag $0x0;
	lr =	simm.s32 $0x1  }
0x2: {  	[smem:$0x3F9B] =	sst lr;
	_ =	strace $0xD0000000  }
0x3: {  	_ = 	snop  }
0x4: {  	_ = 	snop  }
0x5: {  	_ = 	snop  }
0x6: {  	_ = 	snop  }
0x7: {  	_ = 	snop  }
__scs_overlays_trampoline_lowered:
0x8: {  	[smem:$0x3FAA] =	sst s0  }
0x9: {  	[smem:$0x3FAB] =	sst s1  }
0xa: {  	[smem:$0x3FAC] =	sst s2  }
0xb: {  	[smem:$0x3FAD] =	sst s3  }
0xc: {  	[smem:$0x3FAE] =	sst s4  }
0xd: {  	[smem:$0x3FAF] =	sst s5  }
0xe: {  	[smem:$0x3FB0] =	sst s6  }
0xf: {  	[smem:$0x3FB1] =	sst s7  }
0x10: {  	[smem:$0x3FB2] =	sst s8  }
0x11: {  	[smem:$0x3FB3] =	sst s9;
	s0 =	simm.s32 @!p0 $0x0  }
0x12: {  	s1 =	sld [smem:$0x3F99];
	s0 =	simm.s32 @p0 $0x1  }
0x13: {  	[smem:$0x3FB4] =	sst s0;
	s0 =	simm.s32 @!p1 $0x0  }
0x14: {  	s2 =	sld [smem:$0x3F98];
	s0 =	simm.s32 @p1 $0x1  }
0x15: {  	[smem:$0x3FB5] =	sst s0;
	s0 =	simm.s32 @!p2 $0x0  }
0x16: {  	s3 =	sld [smem:$0x3FDB];
	s0 =	simm.s32 @p2 $0x1  }
0x17: {  	s4 =	simm.s32 $0x1BF5;
	[smem:$0x3FB7] =	sst s0  }
0x18: {  	s0 =	sld [smem:$0x3F9A];
	_ =	swait.ge [sflag:s4], $0x0  }
0x19: {  	s7 =	sld [smem:$0x3F9B]  }
0x1a: {  	s8 =	sadd.s32 $0xFFFFE003, lr  }
0x1b: {  	s9 =	sadd.s32 $0xFFFFFEF7, lr;
	s5 =	simm.s32 $0xFFFFFFFF;
	p2 =	slt.u32 s8, $0xFFFFF086  }
0x1c: {  	p1 =	slt.u32 s9, $0xF7A;
	s5 =	simm.s32 @!p2 $0x0  }
0x1d: {  	s5 =	simm.s32 @p1 $0x1;
	p0 =	seq.s32 s7, s2  }
0x1e: {  	s7 =	smul.u32 @!p0 $0xF7A, s2;
	p2 =	seq.s32 @!p0 s5, $0x0  }
0x1f: {  	s9 =	smul.u32 $0xF7A, s1;
	s8 =	simm.s32 @!p0 $0x1BF5;
	p2 =	por !p2, p0  }
0x20: {  	[sflag:s8] =	ssyncset.s32 @!p0 $0xFFFFF086;
	s6 =	sadd.s32 @!p0 s3, s7;
	s7 =	simm.s32 @!p0 $0x108  }
0x21: {  	s3 =	sadd.s32 s3, s9;
	s6 =	sadd.s32 @!p0 $0x88, s6;
	s7 =	simm.s32 @p2 $0x1082  }
0x22: {  	[simem:s7], [sflag:s8] =	dma.local @!p0 [hbm:s6], $0xF7A  }
0x23: {  	s9 =	sor.u32 $0xD0000000, s2;
	s6 =	simm.s32 $0x108;
	_ =	swait.ge @!p0 [sflag:s8], $0x0  }
0x24: {  	s3 =	sadd.s32 $0x88, s3;
	s6 =	simm.s32 @!p1 $0x1082;
	[sflag:s4] =	ssyncset.s32 $0xFFFFF086  }
0x25: {  	[simem:s6], [sflag:s4] =	dma.local [hbm:s3], $0xF7A  }
0x26: {  	[smem:$0x3F9B] =	sst s1;
	(tag) =	ssettag s2;
	_ =	strace s9  }
0x27: {  	s1 =	sld [smem:$0x3FAB]  }
0x28: {  	s2 =	sld [smem:$0x3FAC]  }
0x29: {  	s4 =	sld [smem:$0x3FAE]  }
0x2a: {  	p0 =	seq.s32 s5, $0x0;
	s5 =	sld [smem:$0x3FAF]  }
0x2b: {  	s6 =	sld [smem:$0x3FB0]  }
0x2c: {  	s7 =	sld [smem:$0x3FB1]  }
0x2d: {  	s3 =	simm.s32 $0x108;
	s8 =	sld [smem:$0x3FB2]  }
0x2e: {  	s3 =	simm.s32 @!p0 $0x1082;
	s9 =	sld [smem:$0x3FB3]  }
0x2f: {  	lr =	sadd.s32 s0, s3;
	s0 =	sld [smem:$0x3FAA]  }
0x30: {  	s3 =	sld [smem:$0x3FAD]  }
0x31: {  	[smem:$0x3FB6] =	sst s10  }
0x32: {  	s10 =	sld [smem:$0x3FB4];
	_ =	sdelay $0x3  }
0x33: {  	p0 =	seq.s32 s10, $0x1;
	s10 =	sld [smem:$0x3FB6];
	_ =	sdelay $0x3  }
0x34: {  	[smem:$0x3FB6] =	sst s10  }
0x35: {  	s10 =	sld [smem:$0x3FB5];
	_ =	sdelay $0x3  }
0x36: {  	p1 =	seq.s32 s10, $0x1;
	s10 =	sld [smem:$0x3FB6];
	_ =	sdelay $0x3  }
0x37: {  	[smem:$0x3FB6] =	sst s10  }
0x38: {  	s10 =	sld [smem:$0x3FB7]  }
0x39: {  	_ = 	snop;
	(pc) =	sbr.ind lr, $3  }
0x3a: {  	_ = 	snop  }
0x3b: {  	_ = 	snop  }
0x3c: {  	p2 =	seq.s32 s10, $0x1;
	s10 =	sld [smem:$0x3FB6]  }
0x3d: {  	_ =	shalt  }
0x3e: {  	_ =	shalt  }
0x3f: {  	_ =	shalt  }
0x40: {  	_ =	shalt  }
0x41: {  	_ =	shalt  }
0x42: {  	_ =	shalt  }
0x43: {  	_ =	shalt  }
0x44: {  	_ =	shalt  }
0x45: {  	_ =	shalt  }
0x46: {  	_ =	shalt  }
0x47: {  	_ =	shalt  }
0x48: {  	_ =	shalt  }
0x49: {  	_ =	shalt  }
0x4a: {  	_ =	shalt  }
0x4b: {  	_ =	shalt  }
0x4c: {  	_ =	shalt  }
0x4d: {  	_ =	shalt  }
0x4e: {  	_ =	shalt  }
0x4f: {  	_ =	shalt  }
0x50: {  	_ =	shalt  }
0x51: {  	_ =	shalt  }
0x52: {  	_ =	shalt  }
0x53: {  	_ =	shalt  }
0x54: {  	_ =	shalt  }
0x55: {  	_ =	shalt  }
0x56: {  	_ =	shalt  }
0x57: {  	_ =	shalt  }
0x58: {  	_ =	shalt  }
0x59: {  	_ =	shalt  }
0x5a: {  	_ =	shalt  }
0x5b: {  	_ =	shalt  }
0x5c: {  	_ =	shalt  }
0x5d: {  	_ =	shalt  }
0x5e: {  	_ =	shalt  }
0x5f: {  	_ =	shalt  }
0x60: {  	_ =	shalt  }
0x61: {  	_ =	shalt  }
0x62: {  	_ =	shalt  }
0x63: {  	_ =	shalt  }
0x64: {  	_ =	shalt  }
0x65: {  	_ =	shalt  }
0x66: {  	_ =	shalt  }
0x67: {  	_ =	shalt  }
0x68: {  	_ =	shalt  }
0x69: {  	_ =	shalt  }
0x6a: {  	_ =	shalt  }
0x6b: {  	_ =	shalt  }
0x6c: {  	_ =	shalt  }
0x6d: {  	_ =	shalt  }
0x6e: {  	_ =	shalt  }
0x6f: {  	_ =	shalt  }
0x70: {  	_ =	shalt  }
0x71: {  	_ =	shalt  }
0x72: {  	_ =	shalt  }
0x73: {  	_ =	shalt  }
0x74: {  	_ =	shalt  }
0x75: {  	_ =	shalt  }
0x76: {  	_ =	shalt  }
0x77: {  	_ =	shalt  }
0x78: {  	_ =	shalt  }
0x79: {  	_ =	shalt  }
0x7a: {  	_ =	shalt  }
0x7b: {  	_ =	shalt  }
0x7c: {  	_ =	shalt  }
0x7d: {  	_ =	shalt  }
0x7e: {  	_ =	shalt  }
0x7f: {  	_ =	shalt  }
0x80: {  	_ =	shalt  }
0x81: {  	_ =	shalt  }
0x82: {  	_ =	shalt  }
0x83: {  	_ =	shalt  }
0x84: {  	_ =	shalt  }
0x85: {  	_ =	shalt  }
0x86: {  	_ =	shalt  }
0x87: {  	_ =	shalt  }
.Lfunc_end0:
.L_simem_size_0:
called_computation.1_lowered:
.L_overlay_start_0:
0x88: {  	s2 =	sld [smem:$0x3FD9]  }
0x89: {  	s3 =	sld [smem:$0x3FFE];
	_ =	sdelay $0x1  }
0x8a: {  	s1 =	srdreg.scid  }
0x8b: {  	s0 =	sand.u32 $0x1, s1  }
0x8c: {  	s17 =	sshll.u32 s0, $0xA;
	s2 =	sadd.s32 s3, s2  }
0x8d: {  	s2 =	sadd.s32 s2, s17  }
0x8e: {  	[smem:$0x3FC2] =	sst s2  }
0x8f: {  	_ = 	snop  }
0x90: {  	s2 =	sld [smem:$0x3FD0];
	(tm) =	ssettm $0x1  }
0x91: {  	s18 =	sld [smem:$0x3FFB];
	_ =	sdelay $0x3  }
0x92: {  	_ =	strace s18  }
0x93: {  	s3 =	sld [smem:$0x3FFC];
	_ =	sdelay $0x3  }
0x94: {  	_ =	strace s3  }
0x95: {  	s3 =	sld [smem:$0x3FFD];
	_ =	sdelay $0x3  }
0x96: {  	_ =	strace s3  }
0x97: {  	_ =	strace $0x8FFFFFFF  }
0x98: {  	s19 =	sld [smem:$0x3FDB];
	_ =	sdelay $0x1  }
0x99: {  	s4 =	simm.s32 $_scs_section_size  }
0x9a: {  	s5 =	simm.s32 $_size__tile_overlayer_lowered;
	s6 =	simm.s32 $_tile_overlayer_lowered  }
0x9b: {  	s22 =	simm.s32 $0x1BFF;
	s21 =	sshll.u32 s6, $0x1;
	s3 =	sadd.s32 s4, s19  }
0x9c: {  	s7 =	simm.s32 $0x0;
	s20 =	sshll.u32 s5, $0x1;
	s5 =	sadd.s32 s21, s3  }
0x9d: {  	[timem:s7], [sflag:s22] =	dma.local [hbm:s5], s20  }
0x9e: {  	_ =	swait.ge [sflag:s22], s20  }
0x9f: {  	s4 =	ssub.s32 $0x0, s20;
	[sflag:s22] =	ssyncset.done $0x0  }
0xa0: {  	[sflag:s22] =	ssyncadd.s32 s4;
	_ =	sdelay $0x1  }
0xa1: {  	s23 =	simm.s32 $0x1B8B  }
0xa2: {  	_ =	swait.ge [sflag:s23], $0x1  }
0xa3: {  	[sflag:s23] =	ssyncset.done $0x0  }
0xa4: {  	s25 =	simm.s32 $0x1B8E;
	s24 =	sld [smem:$0x3FFE];
	[sflag:s23] =	ssyncadd.s32 $0xFFFFFFFF  }
0xa5: {  	s26 =	simm.s32 $execute0_lowered;
	[smem:$0x3FD2] =	sst s25  }
0xa6: {  	s5 =	sshll.u32 s26, $0x1;
	_ =	strace $0x80000049;
	[dreg:$0x1] =	wrdreg $0xFFFFFFFF  }
0xa7: {  	s28 =	simm.s32 $_size_execute0_lowered;
	s3 =	sadd.s32 s3, s5;
	[dreg:$0x0] =	wrdreg $0x0  }
0xa8: {  	s5 =	sshll.u32 s28, $0x1;
	[dreg:$0x2] =	wrdreg s3  }
0xa9: {  	[dreg:$0x3] =	wrdreg s5  }
0xaa: {  	[dreg:$0x4] =	wrdreg $0xC0  }
0xab: {  	_ =	task [dreg:s7], $0x5FFFF  }
0xac: {  	[dreg:$0x1] =	wrdreg $0xFFFFFFFF  }
0xad: {  	[dreg:$0x0] =	wrdreg $0x60  }
0xae: {  	[dreg:$0x2] =	wrdreg s24  }
0xaf: {  	[dreg:$0x3] =	wrdreg s2  }
0xb0: {  	[dreg:$0x4] =	wrdreg $0x16F300  }
0xb1: {  	[dreg:$0x5] =	wrdreg $0x199100  }
0xb2: {  	[dreg:$0x6] =	wrdreg $0x9  }
0xb3: {  	_ =	task.clear_ibuf [dreg:s7], $0x7FFFF;
	_ =	strace $0x90000049  }
0xb4: {  	s29 =	simm.s32 $0x9;
	_ =	strace $0x8000004B  }
0xb5: {  	_ =	swait.ge [sflag:s29], $0x1  }
0xb6: {  	[sflag:s29] =	ssyncadd.s32 $0xFFFFFFFF  }
0xb7: {  	_ =	strace $0x9000004B  }
0xb8: {  	_ =	sfence  }
0xb9: {  	s30 =	sld [smem:$0x0];
	_ =	sdelay $0x2  }
0xba: {  	s31 =	sshll.u32 s1, $0xD;
	s1 =	sshrl.u32 s1, $0x2  }
0xbb: {  	s3 =	sand.u32 $0x4000, s31;
	s1 =	sadd.s32 s1, s30  }
0xbc: {  	s0 =	sor.u32 s3, s0;
	s1 =	sshll.u32 s1, $0x11  }
0xbd: {  	s0 =	sor.u32 s1, s0  }
0xbe: {  	s0 =	sadd.s32 $0x8F2B, s0  }
0xbf: {  	[sflag:s0] =	ssyncadd.remote.s32 $0x1  }
0xc0: {  	_ =	sfence.sel $0xFFFF  }
0xc1: {  	[dreg:$0x0] =	wrdreg $0xFFFFFFFF;
	(pc) =	sbr.abs _section_cstart, $3  }
0xc2: {  	[dreg:$0x1] =	wrdreg $0xFFFFFFFF  }
0xc3: {  	_ =	task.clear_ibuf [dreg:s7], $0x2FFFF;
	_ =	strace $0x9FFFFFFF  }
0xc4: {  	(tm) =	ssettm $0x7FFFFFFF  }
0xc5: {  	_ =	shalt  }
tec
execute0_lowered:
.L_overlay_start_1:
0x0: {  	(tag) =	ssettag $0x1  }
0x1: {  	s0 =	srdreg.scid;
	s1 =	rddreg [dreg:$0x0]  }
0x2: {  	s5 =	stileid.u32;
	s4 =	rddreg [dreg:$0x1];
	s9 =	simm.s32 $0x0  }
0x3: {  	s17 =	simm.s32 $0x50;
	s18 =	simm.s32 $0x19640;
	s19 =	simm.s32 $0x3  }
0x4: {  	s21 =	simm.s32 $0x2;
	s23 =	simm.s32 $0x4;
	s7 =	smul.u32 $0x2710, s5  }
0x5: {  	s0 =	sand.u32 $0x1, s0;
	s2 =	sshll.u32 s5, $0x1;
	s28 =	smul.u32 $0x280, s5  }
0x6: {  	[smem:$0x7FF] =	sst s9;
	s5 =	sadd.s32 $0xB600, s1;
	s8 =	smul.u32 $0x27100, s0  }
0x7: {  	s3 =	sor.u32 s0, s2;
	s2 =	rddreg [dreg:$0x2];
	s10 =	smul.u32 $0x2800, s0  }
0x8: {  	s0 =	ssub.s32 $0x2, s0;
	s6 =	smul.u32 $0x4E2, s3;
	s3 =	rddreg [dreg:$0x3]  }
0x9: {  	_ =	strace $0x8000004A;
	s12 =	sshrl.u32 s0, $0x1;
	s8 =	sadd.s32 s7, s8  }
0xa: {  	s10 =	sadd.s32 s28, s10;
	s0 =	ssub.s32 s0, s12;
	s7 =	sadd.s32 s7, s2  }
0xb: {  	s29 =	sadd.s32 s28, s3;
	s11 =	sadd.s32 s6, s1;
	[dreg:$0x5] =	wrdreg s7  }
0xc: {  	s8 =	sshrl.u32 s8, $0x3;
	[dreg:$0x6] =	wrdreg s29;
	s4 =	sadd.s32 s4, s6  }
0xd: {  	s10 =	sshrl.u32 s10, $0x3;
	s0 =	smax.u32 s0, $0x1;
	[dreg:$0x8] =	wrdreg s4  }
0xe: {  	s8 =	sadd.s32 s8, s1;
	s30 =	sadd.s32 $0x1800, s11;
	[dreg:$0xb] =	wrdreg s0  }
0xf: {  	s1 =	sadd.s32 s10, s1;
	[dreg:$0x7] =	wrdreg s30;
	s31 =	sadd.s32 $0x11000, s8  }
0x10: {  	s25 =	simm.s32 $0x5;
	s1 =	sadd.s32 $0x10600, s1;
	[dreg:$0x9] =	wrdreg s31  }
0x11: {  	v0 =	vimm.f32 $0.0e+00;
	v1 =	vimm.f32 $1.000000000e+00;
	s4 =	simm.s32 $0x1;
	s0 =	simm.s32 $0x0;
	[dreg:$0xa] =	wrdreg s1  }
.LBB2_1:
0x12: {  	[dreg:$0xc] =	wrdreg s0;
	s30 =	simm.s32 $0x40;
	s1 =	simm.s32 $0x0  }
.LBB2_2:
0x13: {  	p0 =	sne.s32 s30, $0x9C00;
	[tilespmem:s1+$0x14820] =	vst v0;
	s1 =	smov.u32 s30;
	s30 =	sadd.s32 $0x40, s30  }
.Ltmp0:
0x14: {  	(pc) =	sbr.rel @p0 .LBB2_2-.Ltmp0, $2  }
0x15: {  	_ =	sdelay $0x2  }
0x16: {  	s1 =	sshra.s32 s1, $0x2  }
0x17: {  	[tilespmem:s1+$0x14820] =	vst v0;
	s14 =	rddreg [dreg:$0x5];
	s0 =	simm.s32 $0x14820;
	s6 =	simm.s32 $0x6  }
0x18: {  	[spmem:s14] =	stream.linear.scatter [tilespmem:s0], [sflag:$0x6], $0x2710, $0x38;
	[tilespmem:$0x19B90] =	vst v63  }
0x19: {  	_ =	swait.ge [sflag:s6], $0x2710  }
0x1a: {  	[sflag:s6] =	ssyncset.done $0x0  }
0x1b: {  	[sflag:s6] =	ssyncadd.s32 $0xFFFFD8F0  }
0x1c: {  	[tilespmem:$0x19640] =	vst v1  }
0x1d: {  	[tilespmem:$0x19650] =	vst v1  }
0x1e: {  	[tilespmem:$0x19660] =	vst v1  }
0x1f: {  	[tilespmem:$0x19670] =	vst v1  }
0x20: {  	[tilespmem:$0x19680] =	vst v1  }
0x21: {  	[tilespmem:$0x19690] =	vst v0  }
0x22: {  	[tilespmem:$0x196A0] =	vst v0  }
0x23: {  	[tilespmem:$0x196B0] =	vst v0  }
0x24: {  	[tilespmem:$0x196C0] =	vst v0  }
0x25: {  	[tilespmem:$0x196D0] =	vst v0  }
0x26: {  	[tilespmem:$0x196E0] =	vst v0  }
0x27: {  	[tilespmem:$0x196F0] =	vst v0  }
0x28: {  	[tilespmem:$0x19700] =	vst v0  }
0x29: {  	[tilespmem:$0x19710] =	vst v0  }
0x2a: {  	[tilespmem:$0x19720] =	vst v0  }
0x2b: {  	[tilespmem:$0x19730] =	vst v0  }
0x2c: {  	[tilespmem:$0x19740] =	vst v0  }
0x2d: {  	[tilespmem:$0x19750] =	vst v0  }
0x2e: {  	[tilespmem:$0x19760] =	vst v0  }
0x2f: {  	[tilespmem:$0x19770] =	vst v0  }
0x30: {  	[tilespmem:$0x19780] =	vst v0  }
0x31: {  	[tilespmem:$0x19790] =	vst v0  }
0x32: {  	[tilespmem:$0x197A0] =	vst v0  }
0x33: {  	[tilespmem:$0x197B0] =	vst v0  }
0x34: {  	[tilespmem:$0x197C0] =	vst v0  }
0x35: {  	[tilespmem:$0x197D0] =	vst v0  }
0x36: {  	[tilespmem:$0x197E0] =	vst v0  }
0x37: {  	[tilespmem:$0x197F0] =	vst v0  }
0x38: {  	[tilespmem:$0x19800] =	vst v0  }
0x39: {  	[tilespmem:$0x19810] =	vst v0  }
0x3a: {  	[tilespmem:$0x19820] =	vst v0  }
0x3b: {  	[tilespmem:$0x19830] =	vst v0  }
0x3c: {  	[tilespmem:$0x19840] =	vst v0  }
0x3d: {  	[tilespmem:$0x19850] =	vst v0  }
0x3e: {  	[tilespmem:$0x19860] =	vst v0  }
0x3f: {  	[tilespmem:$0x19870] =	vst v0  }
0x40: {  	[tilespmem:$0x19880] =	vst v0  }
0x41: {  	[tilespmem:$0x19890] =	vst v0  }
0x42: {  	[tilespmem:$0x198A0] =	vst v0  }
0x43: {  	[tilespmem:$0x198B0] =	vst v0  }
0x44: {  	[tilespmem:$0x198C0] =	vst v0  }
0x45: {  	[tilespmem:$0x198D0] =	vst v0  }
0x46: {  	[tilespmem:$0x198E0] =	vst v0  }
0x47: {  	[tilespmem:$0x198F0] =	vst v0  }
0x48: {  	s16 =	simm.s32 $0x19690;
	s15 =	rddreg [dreg:$0x6];
	[tilespmem:$0x19900] =	vst v0  }
0x49: {  	[spmem:s15] =	stream.linear.scatter [tilespmem:s16], [sflag:$0x6], $0x280, $0x38;
	[tilespmem:$0x19B90] =	vst v63  }
0x4a: {  	_ =	swait.ge [sflag:s6], $0x280  }
0x4b: {  	[sflag:s6] =	ssyncset.done $0x0  }
0x4c: {  	[sflag:s6] =	ssyncadd.s32 $0xFFFFFD80  }
0x4d: {  	[bflag:$0x0] =	sbarrier.arrive $0xFFFF  }
0x4e: {  	s20 =	simm.s32 $0x0;
	s24 =	rddreg [dreg:$0x7]  }
0x4f: {  	[tilespmem:s20], [sflag:$0x6] =	stream.linear.gather [hbm4b:s24+s20], $0x2710, $0x38;
	[tilespmem:$0x19B90] =	vst v63  }
0x50: {  	_ =	swait.ge [sflag:s6], $0x2710  }
0x51: {  	[sflag:s6] =	ssyncset.done $0x0  }
0x52: {  	s0 =	simm.s32 $0x2710;
	s22 =	rddreg [dreg:$0x8];
	[sflag:s6] =	ssyncadd.s32 $0xFFFFD8F0  }
0x53: {  	[tilespmem:s0], [sflag:$0x6] =	stream.linear.gather [hbm4b:s22+s20], $0x2710, $0x38;
	[tilespmem:$0x19B90] =	vst v63  }
0x54: {  	_ =	swait.ge [sflag:s6], $0x2710  }
0x55: {  	[sflag:s6] =	ssyncset.done $0x0  }
0x56: {  	s26 =	simm.s32 $0x4E20;
	[sflag:s6] =	ssyncadd.s32 $0xFFFFD8F0  }
0x57: {  	[tilespmem:s26], [sflag:$0x1] =	stream.indirect.gather [hbm4b:s5+s17], $0x10, s20, s17, $0xb8;
	[tilespmem:$0x19B90] =	vst v63  }
0x58: {  	s28 =	simm.s32 $0x5320  }
0x59: {  	[tilespmem:s28], [sflag:$0x1] =	stream.indirect.gather [hbm4b:s5+s17], $0x10, s17, s17, $0xb8;
	[tilespmem:$0x19B90] =	vst v63  }
0x5a: {  	s29 =	simm.s32 $0x5820;
	s22 =	simm.s32 $0xA0  }
0x5b: {  	[tilespmem:s29], [sflag:$0x1] =	stream.indirect.gather [hbm4b:s5+s17], $0x10, s22, s17, $0xb8;
	[tilespmem:$0x19B90] =	vst v63  }
0x5c: {  	s30 =	simm.s32 $0xF0;
	s31 =	simm.s32 $0x5D20  }
0x5d: {  	[tilespmem:s31], [sflag:$0x1] =	stream.indirect.gather [hbm4b:s5+s17], $0x10, s30, s17, $0xb8;
	[tilespmem:$0x19B90] =	vst v63  }
0x5e: {  	s1 =	simm.s32 $0x140;
	s6 =	simm.s32 $0x6220  }
0x5f: {  	[tilespmem:s6], [sflag:$0x1] =	stream.indirect.gather [hbm4b:s5+s17], $0x10, s1, s17, $0xb8;
	[tilespmem:$0x19B90] =	vst v63  }
0x60: {  	s7 =	simm.s32 $0x190;
	s8 =	simm.s32 $0x6720  }
0x61: {  	[tilespmem:s8], [sflag:$0x1] =	stream.indirect.gather [hbm4b:s5+s17], $0x10, s7, s17, $0xb8;
	[tilespmem:$0x19B90] =	vst v63  }
0x62: {  	s9 =	simm.s32 $0x1E0;
	s10 =	simm.s32 $0x6C20  }
0x63: {  	[tilespmem:s10], [sflag:$0x1] =	stream.indirect.gather [hbm4b:s5+s17], $0x10, s9, s17, $0xb8;
	[tilespmem:$0x19B90] =	vst v63  }
0x64: {  	s11 =	simm.s32 $0x230;
	s12 =	simm.s32 $0x7120  }
0x65: {  	[tilespmem:s12], [sflag:$0x1] =	stream.indirect.gather [hbm4b:s5+s17], $0x10, s11, s17, $0xb8;
	[tilespmem:$0x19B90] =	vst v63  }
0x66: {  	s13 =	simm.s32 $0x280;
	s14 =	simm.s32 $0x7620  }
0x67: {  	[tilespmem:s14], [sflag:$0x1] =	stream.indirect.gather [hbm4b:s5+s17], $0x10, s13, s17, $0xb8;
	[tilespmem:$0x19B90] =	vst v63  }
0x68: {  	s15 =	simm.s32 $0x2D0;
	s16 =	simm.s32 $0x7B20  }
0x69: {  	[tilespmem:s16], [sflag:$0x1] =	stream.indirect.gather [hbm4b:s5+s17], $0x10, s15, s17, $0xb8;
	[tilespmem:$0x19B90] =	vst v63  }
0x6a: {  	s20 =	simm.s32 $0x320;
	s28 =	simm.s32 $0x8020  }
0x6b: {  	[tilespmem:s28], [sflag:$0x1] =	stream.indirect.gather [hbm4b:s5+s17], $0x10, s20, s17, $0xb8;
	[tilespmem:$0x19B90] =	vst v63  }
0x6c: {  	s29 =	simm.s32 $0x370;
	s30 =	simm.s32 $0x8520  }
0x6d: {  	[tilespmem:s30], [sflag:$0x1] =	stream.indirect.gather [hbm4b:s5+s17], $0x10, s29, s17, $0xb8;
	[tilespmem:$0x19B90] =	vst v63  }
0x6e: {  	s6 =	simm.s32 $0x3C0;
	s7 =	simm.s32 $0x8A20  }
0x6f: {  	[tilespmem:s7], [sflag:$0x1] =	stream.indirect.gather [hbm4b:s5+s17], $0x10, s6, s17, $0xb8;
	[tilespmem:$0x19B90] =	vst v63  }
0x70: {  	s8 =	simm.s32 $0x410;
	s9 =	simm.s32 $0x8F20  }
0x71: {  	[tilespmem:s9], [sflag:$0x1] =	stream.indirect.gather [hbm4b:s5+s17], $0x10, s8, s17, $0xb8;
	[tilespmem:$0x19B90] =	vst v63  }
0x72: {  	s10 =	simm.s32 $0x460;
	s11 =	simm.s32 $0x9420  }
0x73: {  	[tilespmem:s11], [sflag:$0x1] =	stream.indirect.gather [hbm4b:s5+s17], $0x10, s10, s17, $0xb8;
	[tilespmem:$0x19B90] =	vst v63  }
0x74: {  	s13 =	simm.s32 $0x4B0;
	s14 =	simm.s32 $0x9920  }
0x75: {  	[tilespmem:s14], [sflag:$0x1] =	stream.indirect.gather [hbm4b:s5+s17], $0x10, s13, s17, $0xb8;
	[tilespmem:$0x19B90] =	vst v63  }
0x76: {  	s28 =	simm.s32 $0x500;
	s30 =	simm.s32 $0x9E20  }
0x77: {  	[tilespmem:s30], [sflag:$0x1] =	stream.indirect.gather [hbm4b:s5+s17], $0x10, s28, s17, $0xb8;
	[tilespmem:$0x19B90] =	vst v63  }
0x78: {  	s1 =	simm.s32 $0x550;
	s6 =	simm.s32 $0xA320  }
0x79: {  	[tilespmem:s6], [sflag:$0x1] =	stream.indirect.gather [hbm4b:s5+s17], $0x10, s1, s17, $0xb8;
	[tilespmem:$0x19B90] =	vst v63  }
0x7a: {  	s7 =	simm.s32 $0x5A0;
	s8 =	simm.s32 $0xA820  }
0x7b: {  	[tilespmem:s8], [sflag:$0x1] =	stream.indirect.gather [hbm4b:s5+s17], $0x10, s7, s17, $0xb8;
	[tilespmem:$0x19B90] =	vst v63  }
0x7c: {  	s9 =	simm.s32 $0x5F0;
	s10 =	simm.s32 $0xAD20  }
0x7d: {  	[tilespmem:s10], [sflag:$0x1] =	stream.indirect.gather [hbm4b:s5+s17], $0x10, s9, s17, $0xb8;
	[tilespmem:$0x19B90] =	vst v63  }
0x7e: {  	s14 =	simm.s32 $0x640;
	s30 =	simm.s32 $0xB220  }
0x7f: {  	[tilespmem:s30], [sflag:$0x1] =	stream.indirect.gather [hbm4b:s5+s17], $0x10, s14, s17, $0xb8;
	[tilespmem:$0x19B90] =	vst v63  }
0x80: {  	s1 =	simm.s32 $0x690;
	s6 =	simm.s32 $0xB720  }
0x81: {  	[tilespmem:s6], [sflag:$0x1] =	stream.indirect.gather [hbm4b:s5+s17], $0x10, s1, s17, $0xb8;
	[tilespmem:$0x19B90] =	vst v63  }
0x82: {  	s7 =	simm.s32 $0x6E0;
	s30 =	simm.s32 $0xBC20  }
0x83: {  	[tilespmem:s30], [sflag:$0x1] =	stream.indirect.gather [hbm4b:s5+s17], $0x10, s7, s17, $0xb8;
	[tilespmem:$0x19B90] =	vst v63  }
0x84: {  	s8 =	simm.s32 $0x730;
	s9 =	simm.s32 $0xC120  }
0x85: {  	[tilespmem:s9], [sflag:$0x1] =	stream.indirect.gather [hbm4b:s5+s17], $0x10, s8, s17, $0xb8;
	[tilespmem:$0x19B90] =	vst v63  }
0x86: {  	s10 =	simm.s32 $0x780;
	s14 =	simm.s32 $0xC620  }
0x87: {  	[tilespmem:s14], [sflag:$0x1] =	stream.indirect.gather [hbm4b:s5+s17], $0x10, s10, s17, $0xb8;
	[tilespmem:$0x19B90] =	vst v63  }
0x88: {  	s1 =	simm.s32 $0x7D0;
	s6 =	simm.s32 $0xCB20  }
0x89: {  	[tilespmem:s6], [sflag:$0x2] =	stream.indirect.gather [hbm4b:s5+s17], $0x10, s1, s17, $0xb8;
	[tilespmem:$0x19B90] =	vst v63  }
0x8a: {  	s7 =	simm.s32 $0x820;
	s8 =	simm.s32 $0xD020  }
0x8b: {  	[tilespmem:s8], [sflag:$0x2] =	stream.indirect.gather [hbm4b:s5+s17], $0x10, s7, s17, $0xb8;
	[tilespmem:$0x19B90] =	vst v63  }
0x8c: {  	s9 =	simm.s32 $0x870;
	s10 =	simm.s32 $0xD520  }
0x8d: {  	[tilespmem:s10], [sflag:$0x2] =	stream.indirect.gather [hbm4b:s5+s17], $0x10, s9, s17, $0xb8;
	[tilespmem:$0x19B90] =	vst v63  }
0x8e: {  	s30 =	simm.s32 $0xDA20;
	s14 =	simm.s32 $0x8C0  }
0x8f: {  	[tilespmem:s30], [sflag:$0x2] =	stream.indirect.gather [hbm4b:s5+s17], $0x10, s14, s17, $0xb8;
	[tilespmem:$0x19B90] =	vst v63  }
0x90: {  	s1 =	simm.s32 $0x910;
	s6 =	simm.s32 $0xDF20  }
0x91: {  	[tilespmem:s6], [sflag:$0x2] =	stream.indirect.gather [hbm4b:s5+s17], $0x10, s1, s17, $0xb8;
	[tilespmem:$0x19B90] =	vst v63  }
0x92: {  	s7 =	simm.s32 $0x960;
	s8 =	simm.s32 $0xE420  }
0x93: {  	[tilespmem:s8], [sflag:$0x2] =	stream.indirect.gather [hbm4b:s5+s17], $0x10, s7, s17, $0xb8;
	[tilespmem:$0x19B90] =	vst v63  }
0x94: {  	s9 =	simm.s32 $0x9B0;
	s10 =	simm.s32 $0xE920  }
0x95: {  	[tilespmem:s10], [sflag:$0x2] =	stream.indirect.gather [hbm4b:s5+s17], $0x10, s9, s17, $0xb8;
	[tilespmem:$0x19B90] =	vst v63  }
0x96: {  	s14 =	simm.s32 $0xA00;
	s30 =	simm.s32 $0xEE20  }
0x97: {  	[tilespmem:s30], [sflag:$0x2] =	stream.indirect.gather [hbm4b:s5+s17], $0x10, s14, s17, $0xb8;
	[tilespmem:$0x19B90] =	vst v63  }
0x98: {  	s1 =	simm.s32 $0xA50;
	s6 =	simm.s32 $0xF320  }
0x99: {  	[tilespmem:s6], [sflag:$0x2] =	stream.indirect.gather [hbm4b:s5+s17], $0x10, s1, s17, $0xb8;
	[tilespmem:$0x19B90] =	vst v63  }
0x9a: {  	s7 =	simm.s32 $0xAA0;
	s8 =	simm.s32 $0xF820  }
0x9b: {  	[tilespmem:s8], [sflag:$0x2] =	stream.indirect.gather [hbm4b:s5+s17], $0x10, s7, s17, $0xb8;
	[tilespmem:$0x19B90] =	vst v63  }
0x9c: {  	s9 =	simm.s32 $0xAF0;
	s10 =	simm.s32 $0xFD20  }
0x9d: {  	[tilespmem:s10], [sflag:$0x2] =	stream.indirect.gather [hbm4b:s5+s17], $0x10, s9, s17, $0xb8;
	[tilespmem:$0x19B90] =	vst v63  }
0x9e: {  	s14 =	simm.s32 $0xB40;
	s30 =	simm.s32 $0x10220  }
0x9f: {  	[tilespmem:s30], [sflag:$0x2] =	stream.indirect.gather [hbm4b:s5+s17], $0x10, s14, s17, $0xb8;
	[tilespmem:$0x19B90] =	vst v63  }
0xa0: {  	s1 =	simm.s32 $0xB90;
	s6 =	simm.s32 $0x10720  }
0xa1: {  	[tilespmem:s6], [sflag:$0x2] =	stream.indirect.gather [hbm4b:s5+s17], $0x10, s1, s17, $0xb8;
	[tilespmem:$0x19B90] =	vst v63  }
0xa2: {  	s7 =	simm.s32 $0xBE0;
	s8 =	simm.s32 $0x10C20  }
0xa3: {  	[tilespmem:s8], [sflag:$0x2] =	stream.indirect.gather [hbm4b:s5+s17], $0x10, s7, s17, $0xb8;
	[tilespmem:$0x19B90] =	vst v63  }
0xa4: {  	s9 =	simm.s32 $0xC30;
	s10 =	simm.s32 $0x11120  }
0xa5: {  	[tilespmem:s10], [sflag:$0x2] =	stream.indirect.gather [hbm4b:s5+s17], $0x10, s9, s17, $0xb8;
	[tilespmem:$0x19B90] =	vst v63  }
0xa6: {  	s14 =	simm.s32 $0xC80;
	s30 =	simm.s32 $0x11620  }
0xa7: {  	[tilespmem:s30], [sflag:$0x2] =	stream.indirect.gather [hbm4b:s5+s17], $0x10, s14, s17, $0xb8;
	[tilespmem:$0x19B90] =	vst v63  }
0xa8: {  	s1 =	simm.s32 $0xCD0;
	s6 =	simm.s32 $0x11B20  }
0xa9: {  	[tilespmem:s6], [sflag:$0x2] =	stream.indirect.gather [hbm4b:s5+s17], $0x10, s1, s17, $0xb8;
	[tilespmem:$0x19B90] =	vst v63  }
0xaa: {  	s7 =	simm.s32 $0xD20;
	s8 =	simm.s32 $0x12020  }
0xab: {  	[tilespmem:s8], [sflag:$0x2] =	stream.indirect.gather [hbm4b:s5+s17], $0x10, s7, s17, $0xb8;
	[tilespmem:$0x19B90] =	vst v63  }
0xac: {  	s9 =	simm.s32 $0xD70;
	s10 =	simm.s32 $0x12520  }
0xad: {  	[tilespmem:s10], [sflag:$0x2] =	stream.indirect.gather [hbm4b:s5+s17], $0x10, s9, s17, $0xb8;
	[tilespmem:$0x19B90] =	vst v63  }
0xae: {  	s14 =	simm.s32 $0xDC0;
	s30 =	simm.s32 $0x12A20  }
0xaf: {  	[tilespmem:s30], [sflag:$0x2] =	stream.indirect.gather [hbm4b:s5+s17], $0x10, s14, s17, $0xb8;
	[tilespmem:$0x19B90] =	vst v63  }
0xb0: {  	s1 =	simm.s32 $0xE10;
	s6 =	simm.s32 $0x12F20  }
0xb1: {  	[tilespmem:s6], [sflag:$0x2] =	stream.indirect.gather [hbm4b:s5+s17], $0x10, s1, s17, $0xb8;
	[tilespmem:$0x19B90] =	vst v63  }
0xb2: {  	s7 =	simm.s32 $0xE60;
	s8 =	simm.s32 $0x13420  }
0xb3: {  	[tilespmem:s8], [sflag:$0x2] =	stream.indirect.gather [hbm4b:s5+s17], $0x10, s7, s17, $0xb8;
	[tilespmem:$0x19B90] =	vst v63  }
0xb4: {  	s9 =	simm.s32 $0xEB0;
	s10 =	simm.s32 $0x13920  }
0xb5: {  	[tilespmem:s10], [sflag:$0x2] =	stream.indirect.gather [hbm4b:s5+s17], $0x10, s9, s17, $0xb8;
	[tilespmem:$0x19B90] =	vst v63  }
0xb6: {  	s14 =	simm.s32 $0xF00;
	s30 =	simm.s32 $0x13E20  }
0xb7: {  	[tilespmem:s30], [sflag:$0x2] =	stream.indirect.gather [hbm4b:s5+s17], $0x10, s14, s17, $0xb8;
	[tilespmem:$0x19B90] =	vst v63  }
0xb8: {  	s1 =	simm.s32 $0xF50;
	s6 =	simm.s32 $0x14320  }
0xb9: {  	[tilespmem:s6], [sflag:$0x2] =	stream.indirect.gather [hbm4b:s5+s17], $0x10, s1, s17, $0xb8;
	[tilespmem:$0x19B90] =	vst v63  }
0xba: {  	_ =	swait.ge [sflag:s4], $0x2710  }
0xbb: {  	[sflag:s4] =	ssyncset.done $0x0  }
0xbc: {  	[sflag:s4] =	ssyncadd.s32 $0xFFFFD8F0  }
0xbd: {  	_ =	swait.ge [sflag:s4], $0x2710  }
0xbe: {  	[sflag:s4] =	ssyncset.done $0x0  }
0xbf: {  	[sflag:s4] =	ssyncadd.s32 $0xFFFFD8F0  }
0xc0: {  	_ =	swait.ge [sflag:s4], $0x2710  }
0xc1: {  	[sflag:s4] =	ssyncset.done $0x0  }
0xc2: {  	[sflag:s4] =	ssyncadd.s32 $0xFFFFD8F0  }
0xc3: {  	_ =	swait.ge [sflag:s4], $0x7D0  }
0xc4: {  	[sflag:s4] =	ssyncset.done $0x0  }
0xc5: {  	s14 =	simm.s32 $0x4E20;
	[sflag:s4] =	ssyncadd.s32 $0xFFFFF830  }
0xc6: {  	[spmem:s2] =	stream.indirect.scatter.add.f32 [tilespmem:s14], [sflag:$0x3], $0x10, s0, s17, $0xb8;
	[tilespmem:$0x19B90] =	vst v63  }
0xc7: {  	_ = 	snop  }
0xc8: {  	[spmem:s3] =	stream.indirect.scatter.add.f32 [tilespmem:s18], [sflag:$0x5], $0x1, s0, s17, $0xb8;
	[tilespmem:$0x19B90] =	vst v63  }
0xc9: {  	s7 =	simm.s32 $0x2760;
	s10 =	simm.s32 $0x5320  }
0xca: {  	[spmem:s2] =	stream.indirect.scatter.add.f32 [tilespmem:s10], [sflag:$0x3], $0x10, s7, s17, $0xb8;
	[tilespmem:$0x19B90] =	vst v63  }
0xcb: {  	_ = 	snop  }
0xcc: {  	[spmem:s3] =	stream.indirect.scatter.add.f32 [tilespmem:s18], [sflag:$0x5], $0x1, s7, s17, $0xb8;
	[tilespmem:$0x19B90] =	vst v63  }
0xcd: {  	s8 =	simm.s32 $0x27B0;
	s9 =	simm.s32 $0x5820  }
0xce: {  	[spmem:s2] =	stream.indirect.scatter.add.f32 [tilespmem:s9], [sflag:$0x3], $0x10, s8, s17, $0xb8;
	[tilespmem:$0x19B90] =	vst v63  }
0xcf: {  	_ = 	snop  }
0xd0: {  	[spmem:s3] =	stream.indirect.scatter.add.f32 [tilespmem:s18], [sflag:$0x5], $0x1, s8, s17, $0xb8;
	[tilespmem:$0x19B90] =	vst v63  }
0xd1: {  	s22 =	simm.s32 $0x2800;
	s8 =	simm.s32 $0x5D20  }
0xd2: {  	[spmem:s2] =	stream.indirect.scatter.add.f32 [tilespmem:s8], [sflag:$0x3], $0x10, s22, s17, $0xb8;
	[tilespmem:$0x19B90] =	vst v63  }
0xd3: {  	_ = 	snop  }
0xd4: {  	[spmem:s3] =	stream.indirect.scatter.add.f32 [tilespmem:s18], [sflag:$0x5], $0x1, s22, s17, $0xb8;
	[tilespmem:$0x19B90] =	vst v63  }
0xd5: {  	s30 =	simm.s32 $0x2850;
	s7 =	simm.s32 $0x6220  }
0xd6: {  	[spmem:s2] =	stream.indirect.scatter.add.f32 [tilespmem:s7], [sflag:$0x3], $0x10, s30, s17, $0xb8;
	[tilespmem:$0x19B90] =	vst v63  }
0xd7: {  	_ = 	snop  }
0xd8: {  	[spmem:s3] =	stream.indirect.scatter.add.f32 [tilespmem:s18], [sflag:$0x5], $0x1, s30, s17, $0xb8;
	[tilespmem:$0x19B90] =	vst v63  }
0xd9: {  	s1 =	simm.s32 $0x28A0;
	s6 =	simm.s32 $0x6720  }
0xda: {  	[spmem:s2] =	stream.indirect.scatter.add.f32 [tilespmem:s6], [sflag:$0x3], $0x10, s1, s17, $0xb8;
	[tilespmem:$0x19B90] =	vst v63  }
0xdb: {  	_ = 	snop  }
0xdc: {  	[spmem:s3] =	stream.indirect.scatter.add.f32 [tilespmem:s18], [sflag:$0x5], $0x1, s1, s17, $0xb8;
	[tilespmem:$0x19B90] =	vst v63  }
0xdd: {  	s22 =	simm.s32 $0x28F0;
	s30 =	simm.s32 $0x6C20  }
0xde: {  	[spmem:s2] =	stream.indirect.scatter.add.f32 [tilespmem:s30], [sflag:$0x3], $0x10, s22, s17, $0xb8;
	[tilespmem:$0x19B90] =	vst v63  }
0xdf: {  	_ = 	snop  }
0xe0: {  	[spmem:s3] =	stream.indirect.scatter.add.f32 [tilespmem:s18], [sflag:$0x5], $0x1, s22, s17, $0xb8;
	[tilespmem:$0x19B90] =	vst v63  }
0xe1: {  	s31 =	simm.s32 $0x7120;
	s1 =	simm.s32 $0x2940  }
0xe2: {  	[spmem:s2] =	stream.indirect.scatter.add.f32 [tilespmem:s31], [sflag:$0x3], $0x10, s1, s17, $0xb8;
	[tilespmem:$0x19B90] =	vst v63  }
0xe3: {  	_ = 	snop  }
0xe4: {  	[spmem:s3] =	stream.indirect.scatter.add.f32 [tilespmem:s18], [sflag:$0x5], $0x1, s1, s17, $0xb8;
	[tilespmem:$0x19B90] =	vst v63  }
0xe5: {  	s26 =	simm.s32 $0x7620;
	s22 =	simm.s32 $0x2990  }
0xe6: {  	[spmem:s2] =	stream.indirect.scatter.add.f32 [tilespmem:s26], [sflag:$0x3], $0x10, s22, s17, $0xb8;
	[tilespmem:$0x19B90] =	vst v63  }
0xe7: {  	_ = 	snop  }
0xe8: {  	[spmem:s3] =	stream.indirect.scatter.add.f32 [tilespmem:s18], [sflag:$0x5], $0x1, s22, s17, $0xb8;
	[tilespmem:$0x19B90] =	vst v63  }
0xe9: {  	s24 =	simm.s32 $0x7B20;
	s30 =	simm.s32 $0x29E0  }
0xea: {  	[spmem:s2] =	stream.indirect.scatter.add.f32 [tilespmem:s24], [sflag:$0x3], $0x10, s30, s17, $0xb8;
	[tilespmem:$0x19B90] =	vst v63  }
0xeb: {  	_ = 	snop  }
0xec: {  	[spmem:s3] =	stream.indirect.scatter.add.f32 [tilespmem:s18], [sflag:$0x5], $0x1, s30, s17, $0xb8;
	[tilespmem:$0x19B90] =	vst v63  }
0xed: {  	s20 =	simm.s32 $0x8020;
	s1 =	simm.s32 $0x2A30  }
0xee: {  	[spmem:s2] =	stream.indirect.scatter.add.f32 [tilespmem:s20], [sflag:$0x3], $0x10, s1, s17, $0xb8;
	[tilespmem:$0x19B90] =	vst v63  }
0xef: {  	_ = 	snop  }
0xf0: {  	[spmem:s3] =	stream.indirect.scatter.add.f32 [tilespmem:s18], [sflag:$0x5], $0x1, s1, s17, $0xb8;
	[tilespmem:$0x19B90] =	vst v63  }
0xf1: {  	s16 =	simm.s32 $0x8520;
	s22 =	simm.s32 $0x2A80  }
0xf2: {  	[spmem:s2] =	stream.indirect.scatter.add.f32 [tilespmem:s16], [sflag:$0x3], $0x10, s22, s17, $0xb8;
	[tilespmem:$0x19B90] =	vst v63  }
0xf3: {  	_ = 	snop  }
0xf4: {  	[spmem:s3] =	stream.indirect.scatter.add.f32 [tilespmem:s18], [sflag:$0x5], $0x1, s22, s17, $0xb8;
	[tilespmem:$0x19B90] =	vst v63  }
0xf5: {  	s15 =	simm.s32 $0x8A20;
	s30 =	simm.s32 $0x2AD0  }
0xf6: {  	[spmem:s2] =	stream.indirect.scatter.add.f32 [tilespmem:s15], [sflag:$0x3], $0x10, s30, s17, $0xb8;
	[tilespmem:$0x19B90] =	vst v63  }
0xf7: {  	_ = 	snop  }
0xf8: {  	[spmem:s3] =	stream.indirect.scatter.add.f32 [tilespmem:s18], [sflag:$0x5], $0x1, s30, s17, $0xb8;
	[tilespmem:$0x19B90] =	vst v63  }
0xf9: {  	s12 =	simm.s32 $0x8F20;
	s1 =	simm.s32 $0x2B20  }
0xfa: {  	[spmem:s2] =	stream.indirect.scatter.add.f32 [tilespmem:s12], [sflag:$0x3], $0x10, s1, s17, $0xb8;
	[tilespmem:$0x19B90] =	vst v63  }
0xfb: {  	_ = 	snop  }
0xfc: {  	[spmem:s3] =	stream.indirect.scatter.add.f32 [tilespmem:s18], [sflag:$0x5], $0x1, s1, s17, $0xb8;
	[tilespmem:$0x19B90] =	vst v63  }
0xfd: {  	s29 =	simm.s32 $0x9420;
	s12 =	simm.s32 $0x2B70  }
0xfe: {  	[spmem:s2] =	stream.indirect.scatter.add.f32 [tilespmem:s29], [sflag:$0x3], $0x10, s12, s17, $0xb8;
	[tilespmem:$0x19B90] =	vst v63  }
0xff: {  	_ = 	snop  }
0x100: {  	[spmem:s3] =	stream.indirect.scatter.add.f32 [tilespmem:s18], [sflag:$0x5], $0x1, s12, s17, $0xb8;
	[tilespmem:$0x19B90] =	vst v63  }
0x101: {  	s13 =	simm.s32 $0x9920;
	s22 =	simm.s32 $0x2BC0  }
0x102: {  	[spmem:s2] =	stream.indirect.scatter.add.f32 [tilespmem:s13], [sflag:$0x3], $0x10, s22, s17, $0xb8;
	[tilespmem:$0x19B90] =	vst v63  }
0x103: {  	_ = 	snop  }
0x104: {  	[spmem:s3] =	stream.indirect.scatter.add.f32 [tilespmem:s18], [sflag:$0x5], $0x1, s22, s17, $0xb8;
	[tilespmem:$0x19B90] =	vst v63  }
0x105: {  	s30 =	simm.s32 $0x2C10;
	s13 =	simm.s32 $0x9E20  }
0x106: {  	[spmem:s2] =	stream.indirect.scatter.add.f32 [tilespmem:s13], [sflag:$0x3], $0x10, s30, s17, $0xb8;
	[tilespmem:$0x19B90] =	vst v63  }
0x107: {  	_ = 	snop  }
0x108: {  	[spmem:s3] =	stream.indirect.scatter.add.f32 [tilespmem:s18], [sflag:$0x5], $0x1, s30, s17, $0xb8;
	[tilespmem:$0x19B90] =	vst v63  }
0x109: {  	s1 =	simm.s32 $0x2C60;
	s12 =	simm.s32 $0xA320  }
0x10a: {  	[spmem:s2] =	stream.indirect.scatter.add.f32 [tilespmem:s12], [sflag:$0x3], $0x10, s1, s17, $0xb8;
	[tilespmem:$0x19B90] =	vst v63  }
0x10b: {  	_ = 	snop  }
0x10c: {  	[spmem:s3] =	stream.indirect.scatter.add.f32 [tilespmem:s18], [sflag:$0x5], $0x1, s1, s17, $0xb8;
	[tilespmem:$0x19B90] =	vst v63  }
0x10d: {  	s11 =	simm.s32 $0xA820;
	s22 =	simm.s32 $0x2CB0  }
0x10e: {  	[spmem:s2] =	stream.indirect.scatter.add.f32 [tilespmem:s11], [sflag:$0x3], $0x10, s22, s17, $0xb8;
	[tilespmem:$0x19B90] =	vst v63  }
0x10f: {  	_ = 	snop  }
0x110: {  	[spmem:s3] =	stream.indirect.scatter.add.f32 [tilespmem:s18], [sflag:$0x5], $0x1, s22, s17, $0xb8;
	[tilespmem:$0x19B90] =	vst v63  }
0x111: {  	s28 =	simm.s32 $0xAD20;
	s30 =	simm.s32 $0x2D00  }
0x112: {  	[spmem:s2] =	stream.indirect.scatter.add.f32 [tilespmem:s28], [sflag:$0x3], $0x10, s30, s17, $0xb8;
	[tilespmem:$0x19B90] =	vst v63  }
0x113: {  	_ = 	snop  }
0x114: {  	[spmem:s3] =	stream.indirect.scatter.add.f32 [tilespmem:s18], [sflag:$0x5], $0x1, s30, s17, $0xb8;
	[tilespmem:$0x19B90] =	vst v63  }
0x115: {  	s1 =	simm.s32 $0x2D50;
	s28 =	simm.s32 $0xB220  }
0x116: {  	[spmem:s2] =	stream.indirect.scatter.add.f32 [tilespmem:s28], [sflag:$0x3], $0x10, s1, s17, $0xb8;
	[tilespmem:$0x19B90] =	vst v63  }
0x117: {  	_ = 	snop  }
0x118: {  	[spmem:s3] =	stream.indirect.scatter.add.f32 [tilespmem:s18], [sflag:$0x5], $0x1, s1, s17, $0xb8;
	[tilespmem:$0x19B90] =	vst v63  }
0x119: {  	s11 =	simm.s32 $0x2DA0;
	s30 =	simm.s32 $0xB720  }
0x11a: {  	[spmem:s2] =	stream.indirect.scatter.add.f32 [tilespmem:s30], [sflag:$0x3], $0x10, s11, s17, $0xb8;
	[tilespmem:$0x19B90] =	vst v63  }
0x11b: {  	_ = 	snop  }
0x11c: {  	[spmem:s3] =	stream.indirect.scatter.add.f32 [tilespmem:s18], [sflag:$0x5], $0x1, s11, s17, $0xb8;
	[tilespmem:$0x19B90] =	vst v63  }
0x11d: {  	s22 =	simm.s32 $0x2DF0;
	s1 =	simm.s32 $0xBC20  }
0x11e: {  	[spmem:s2] =	stream.indirect.scatter.add.f32 [tilespmem:s1], [sflag:$0x3], $0x10, s22, s17, $0xb8;
	[tilespmem:$0x19B90] =	vst v63  }
0x11f: {  	_ = 	snop  }
0x120: {  	[spmem:s3] =	stream.indirect.scatter.add.f32 [tilespmem:s18], [sflag:$0x5], $0x1, s22, s17, $0xb8;
	[tilespmem:$0x19B90] =	vst v63  }
0x121: {  	s11 =	simm.s32 $0x2E40;
	s22 =	simm.s32 $0xC120  }
0x122: {  	[spmem:s2] =	stream.indirect.scatter.add.f32 [tilespmem:s22], [sflag:$0x3], $0x10, s11, s17, $0xb8;
	[tilespmem:$0x19B90] =	vst v63  }
0x123: {  	_ = 	snop  }
0x124: {  	[spmem:s3] =	stream.indirect.scatter.add.f32 [tilespmem:s18], [sflag:$0x5], $0x1, s11, s17, $0xb8;
	[tilespmem:$0x19B90] =	vst v63  }
0x125: {  	s0 =	simm.s32 $0x2E90;
	s11 =	simm.s32 $0xC620  }
0x126: {  	[spmem:s2] =	stream.indirect.scatter.add.f32 [tilespmem:s11], [sflag:$0x3], $0x10, s0, s17, $0xb8;
	[tilespmem:$0x19B90] =	vst v63  }
0x127: {  	_ = 	snop  }
0x128: {  	[spmem:s3] =	stream.indirect.scatter.add.f32 [tilespmem:s18], [sflag:$0x5], $0x1, s0, s17, $0xb8;
	[tilespmem:$0x19B90] =	vst v63  }
0x129: {  	_ =	swait.ge [sflag:s19], $0x2710  }
0x12a: {  	[sflag:s19] =	ssyncset.done $0x0  }
0x12b: {  	[sflag:s19] =	ssyncadd.s32 $0xFFFFD8F0  }
0x12c: {  	_ =	swait.ge [sflag:s19], $0x2710  }
0x12d: {  	[sflag:s19] =	ssyncset.done $0x0  }
0x12e: {  	[sflag:s19] =	ssyncadd.s32 $0xFFFFD8F0  }
0x12f: {  	_ =	swait.ge [sflag:s19], $0x2710  }
0x130: {  	[sflag:s19] =	ssyncset.done $0x0  }
0x131: {  	[sflag:s19] =	ssyncadd.s32 $0xFFFFD8F0  }
0x132: {  	_ =	swait.ge [sflag:s19], $0x7D0  }
0x133: {  	[sflag:s19] =	ssyncset.done $0x0  }
0x134: {  	s0 =	simm.s32 $0xFA0;
	[sflag:s19] =	ssyncadd.s32 $0xFFFFF830  }
0x135: {  	[tilespmem:s14], [sflag:$0x1] =	stream.indirect.gather [hbm4b:s5+s17], $0x10, s0, s17, $0xb8;
	[tilespmem:$0x19B90] =	vst v63  }
0x136: {  	s14 =	simm.s32 $0xFF0  }
0x137: {  	[tilespmem:s10], [sflag:$0x1] =	stream.indirect.gather [hbm4b:s5+s17], $0x10, s14, s17, $0xb8;
	[tilespmem:$0x19B90] =	vst v63  }
0x138: {  	s10 =	simm.s32 $0x1040  }
0x139: {  	[tilespmem:s9], [sflag:$0x1] =	stream.indirect.gather [hbm4b:s5+s17], $0x10, s10, s17, $0xb8;
	[tilespmem:$0x19B90] =	vst v63  }
0x13a: {  	s14 =	simm.s32 $0x1090  }
0x13b: {  	[tilespmem:s8], [sflag:$0x1] =	stream.indirect.gather [hbm4b:s5+s17], $0x10, s14, s17, $0xb8;
	[tilespmem:$0x19B90] =	vst v63  }
0x13c: {  	s8 =	simm.s32 $0x10E0  }
0x13d: {  	[tilespmem:s7], [sflag:$0x1] =	stream.indirect.gather [hbm4b:s5+s17], $0x10, s8, s17, $0xb8;
	[tilespmem:$0x19B90] =	vst v63  }
0x13e: {  	s9 =	simm.s32 $0x1130  }
0x13f: {  	[tilespmem:s6], [sflag:$0x1] =	stream.indirect.gather [hbm4b:s5+s17], $0x10, s9, s17, $0xb8;
	[tilespmem:$0x19B90] =	vst v63  }
0x140: {  	s10 =	simm.s32 $0x1180;
	s14 =	simm.s32 $0x6C20  }
0x141: {  	[tilespmem:s14], [sflag:$0x1] =	stream.indirect.gather [hbm4b:s5+s17], $0x10, s10, s17, $0xb8;
	[tilespmem:$0x19B90] =	vst v63  }
0x142: {  	s7 =	simm.s32 $0x11D0  }
0x143: {  	[tilespmem:s31], [sflag:$0x1] =	stream.indirect.gather [hbm4b:s5+s17], $0x10, s7, s17, $0xb8;
	[tilespmem:$0x19B90] =	vst v63  }
0x144: {  	s8 =	simm.s32 $0x1220  }
0x145: {  	[tilespmem:s26], [sflag:$0x1] =	stream.indirect.gather [hbm4b:s5+s17], $0x10, s8, s17, $0xb8;
	[tilespmem:$0x19B90] =	vst v63  }
0x146: {  	s9 =	simm.s32 $0x1270  }
0x147: {  	[tilespmem:s24], [sflag:$0x1] =	stream.indirect.gather [hbm4b:s5+s17], $0x10, s9, s17, $0xb8;
	[tilespmem:$0x19B90] =	vst v63  }
0x148: {  	s10 =	simm.s32 $0x12C0  }
0x149: {  	[tilespmem:s20], [sflag:$0x1] =	stream.indirect.gather [hbm4b:s5+s17], $0x10, s10, s17, $0xb8;
	[tilespmem:$0x19B90] =	vst v63  }
0x14a: {  	s14 =	simm.s32 $0x1310  }
0x14b: {  	[tilespmem:s16], [sflag:$0x1] =	stream.indirect.gather [hbm4b:s5+s17], $0x10, s14, s17, $0xb8;
	[tilespmem:$0x19B90] =	vst v63  }
0x14c: {  	s20 =	simm.s32 $0x1360  }
0x14d: {  	[tilespmem:s15], [sflag:$0x1] =	stream.indirect.gather [hbm4b:s5+s17], $0x10, s20, s17, $0xb8;
	[tilespmem:$0x19B90] =	vst v63  }
0x14e: {  	s26 =	simm.s32 $0x8F20;
	s24 =	simm.s32 $0x13B0  }
0x14f: {  	[tilespmem:s26], [sflag:$0x1] =	stream.indirect.gather [hbm4b:s5+s17], $0x10, s24, s17, $0xb8;
	[tilespmem:$0x19B90] =	vst v63  }
0x150: {  	s31 =	simm.s32 $0x1400  }
0x151: {  	[tilespmem:s29], [sflag:$0x1] =	stream.indirect.gather [hbm4b:s5+s17], $0x10, s31, s17, $0xb8;
	[tilespmem:$0x19B90] =	vst v63  }
0x152: {  	s6 =	simm.s32 $0x1450;
	s7 =	simm.s32 $0x9920  }
0x153: {  	[tilespmem:s7], [sflag:$0x1] =	stream.indirect.gather [hbm4b:s5+s17], $0x10, s6, s17, $0xb8;
	[tilespmem:$0x19B90] =	vst v63  }
0x154: {  	s8 =	simm.s32 $0x14A0  }
0x155: {  	[tilespmem:s13], [sflag:$0x1] =	stream.indirect.gather [hbm4b:s5+s17], $0x10, s8, s17, $0xb8;
	[tilespmem:$0x19B90] =	vst v63  }
0x156: {  	s9 =	simm.s32 $0x14F0  }
0x157: {  	[tilespmem:s12], [sflag:$0x1] =	stream.indirect.gather [hbm4b:s5+s17], $0x10, s9, s17, $0xb8;
	[tilespmem:$0x19B90] =	vst v63  }
0x158: {  	s10 =	simm.s32 $0x1540;
	s12 =	simm.s32 $0xA820  }
0x159: {  	[tilespmem:s12], [sflag:$0x1] =	stream.indirect.gather [hbm4b:s5+s17], $0x10, s10, s17, $0xb8;
	[tilespmem:$0x19B90] =	vst v63  }
0x15a: {  	s14 =	simm.s32 $0xAD20;
	s13 =	simm.s32 $0x1590  }
0x15b: {  	[tilespmem:s14], [sflag:$0x1] =	stream.indirect.gather [hbm4b:s5+s17], $0x10, s13, s17, $0xb8;
	[tilespmem:$0x19B90] =	vst v63  }
0x15c: {  	s15 =	simm.s32 $0x15E0  }
0x15d: {  	[tilespmem:s28], [sflag:$0x1] =	stream.indirect.gather [hbm4b:s5+s17], $0x10, s15, s17, $0xb8;
	[tilespmem:$0x19B90] =	vst v63  }
0x15e: {  	s16 =	simm.s32 $0x1630  }
0x15f: {  	[tilespmem:s30], [sflag:$0x1] =	stream.indirect.gather [hbm4b:s5+s17], $0x10, s16, s17, $0xb8;
	[tilespmem:$0x19B90] =	vst v63  }
0x160: {  	s20 =	simm.s32 $0x1680  }
0x161: {  	[tilespmem:s1], [sflag:$0x1] =	stream.indirect.gather [hbm4b:s5+s17], $0x10, s20, s17, $0xb8;
	[tilespmem:$0x19B90] =	vst v63  }
0x162: {  	s24 =	simm.s32 $0x16D0  }
0x163: {  	[tilespmem:s22], [sflag:$0x1] =	stream.indirect.gather [hbm4b:s5+s17], $0x10, s24, s17, $0xb8;
	[tilespmem:$0x19B90] =	vst v63  }
0x164: {  	s26 =	simm.s32 $0x1720  }
0x165: {  	[tilespmem:s11], [sflag:$0x1] =	stream.indirect.gather [hbm4b:s5+s17], $0x10, s26, s17, $0xb8;
	[tilespmem:$0x19B90] =	vst v63  }
0x166: {  	_ =	swait.ge [sflag:s21], $0x2710  }
0x167: {  	[sflag:s21] =	ssyncset.done $0x0  }
0x168: {  	[sflag:s21] =	ssyncadd.s32 $0xFFFFD8F0  }
0x169: {  	_ =	swait.ge [sflag:s21], $0x2710  }
0x16a: {  	[sflag:s21] =	ssyncset.done $0x0  }
0x16b: {  	[sflag:s21] =	ssyncadd.s32 $0xFFFFD8F0  }
0x16c: {  	_ =	swait.ge [sflag:s21], $0x2710  }
0x16d: {  	[sflag:s21] =	ssyncset.done $0x0  }
0x16e: {  	[sflag:s21] =	ssyncadd.s32 $0xFFFFD8F0  }
0x16f: {  	_ =	swait.ge [sflag:s21], $0x7D0  }
0x170: {  	[sflag:s21] =	ssyncset.done $0x0  }
0x171: {  	s28 =	simm.s32 $0x2EE0;
	s30 =	simm.s32 $0xCB20;
	[sflag:s21] =	ssyncadd.s32 $0xFFFFF830  }
0x172: {  	[spmem:s2] =	stream.indirect.scatter.add.f32 [tilespmem:s30], [sflag:$0x4], $0x10, s28, s17, $0xb8;
	[tilespmem:$0x19B90] =	vst v63  }
0x173: {  	_ = 	snop  }
0x174: {  	[spmem:s3] =	stream.indirect.scatter.add.f32 [tilespmem:s18], [sflag:$0x5], $0x1, s28, s17, $0xb8;
	[tilespmem:$0x19B90] =	vst v63  }
0x175: {  	s29 =	simm.s32 $0x2F30;
	s31 =	simm.s32 $0xD020  }
0x176: {  	[spmem:s2] =	stream.indirect.scatter.add.f32 [tilespmem:s31], [sflag:$0x4], $0x10, s29, s17, $0xb8;
	[tilespmem:$0x19B90] =	vst v63  }
0x177: {  	_ = 	snop  }
0x178: {  	[spmem:s3] =	stream.indirect.scatter.add.f32 [tilespmem:s18], [sflag:$0x5], $0x1, s29, s17, $0xb8;
	[tilespmem:$0x19B90] =	vst v63  }
0x179: {  	s6 =	simm.s32 $0x2F80;
	s7 =	simm.s32 $0xD520  }
0x17a: {  	[spmem:s2] =	stream.indirect.scatter.add.f32 [tilespmem:s7], [sflag:$0x4], $0x10, s6, s17, $0xb8;
	[tilespmem:$0x19B90] =	vst v63  }
0x17b: {  	_ = 	snop  }
0x17c: {  	[spmem:s3] =	stream.indirect.scatter.add.f32 [tilespmem:s18], [sflag:$0x5], $0x1, s6, s17, $0xb8;
	[tilespmem:$0x19B90] =	vst v63  }
0x17d: {  	s8 =	simm.s32 $0x2FD0;
	s9 =	simm.s32 $0xDA20  }
0x17e: {  	[spmem:s2] =	stream.indirect.scatter.add.f32 [tilespmem:s9], [sflag:$0x4], $0x10, s8, s17, $0xb8;
	[tilespmem:$0x19B90] =	vst v63  }
0x17f: {  	_ = 	snop  }
0x180: {  	[spmem:s3] =	stream.indirect.scatter.add.f32 [tilespmem:s18], [sflag:$0x5], $0x1, s8, s17, $0xb8;
	[tilespmem:$0x19B90] =	vst v63  }
0x181: {  	s10 =	simm.s32 $0x3020;
	s11 =	simm.s32 $0xDF20  }
0x182: {  	[spmem:s2] =	stream.indirect.scatter.add.f32 [tilespmem:s11], [sflag:$0x4], $0x10, s10, s17, $0xb8;
	[tilespmem:$0x19B90] =	vst v63  }
0x183: {  	_ = 	snop  }
0x184: {  	[spmem:s3] =	stream.indirect.scatter.add.f32 [tilespmem:s18], [sflag:$0x5], $0x1, s10, s17, $0xb8;
	[tilespmem:$0x19B90] =	vst v63  }
0x185: {  	s12 =	simm.s32 $0x3070;
	s13 =	simm.s32 $0xE420  }
0x186: {  	[spmem:s2] =	stream.indirect.scatter.add.f32 [tilespmem:s13], [sflag:$0x4], $0x10, s12, s17, $0xb8;
	[tilespmem:$0x19B90] =	vst v63  }
0x187: {  	_ = 	snop  }
0x188: {  	[spmem:s3] =	stream.indirect.scatter.add.f32 [tilespmem:s18], [sflag:$0x5], $0x1, s12, s17, $0xb8;
	[tilespmem:$0x19B90] =	vst v63  }
0x189: {  	s14 =	simm.s32 $0x30C0;
	s15 =	simm.s32 $0xE920  }
0x18a: {  	[spmem:s2] =	stream.indirect.scatter.add.f32 [tilespmem:s15], [sflag:$0x4], $0x10, s14, s17, $0xb8;
	[tilespmem:$0x19B90] =	vst v63  }
0x18b: {  	_ = 	snop  }
0x18c: {  	[spmem:s3] =	stream.indirect.scatter.add.f32 [tilespmem:s18], [sflag:$0x5], $0x1, s14, s17, $0xb8;
	[tilespmem:$0x19B90] =	vst v63  }
0x18d: {  	s16 =	simm.s32 $0x3110;
	s22 =	simm.s32 $0xEE20  }
0x18e: {  	[spmem:s2] =	stream.indirect.scatter.add.f32 [tilespmem:s22], [sflag:$0x4], $0x10, s16, s17, $0xb8;
	[tilespmem:$0x19B90] =	vst v63  }
0x18f: {  	_ = 	snop  }
0x190: {  	[spmem:s3] =	stream.indirect.scatter.add.f32 [tilespmem:s18], [sflag:$0x5], $0x1, s16, s17, $0xb8;
	[tilespmem:$0x19B90] =	vst v63  }
0x191: {  	s20 =	simm.s32 $0x3160;
	s29 =	simm.s32 $0xF320  }
0x192: {  	[spmem:s2] =	stream.indirect.scatter.add.f32 [tilespmem:s29], [sflag:$0x4], $0x10, s20, s17, $0xb8;
	[tilespmem:$0x19B90] =	vst v63  }
0x193: {  	_ = 	snop  }
0x194: {  	[spmem:s3] =	stream.indirect.scatter.add.f32 [tilespmem:s18], [sflag:$0x5], $0x1, s20, s17, $0xb8;
	[tilespmem:$0x19B90] =	vst v63  }
0x195: {  	s24 =	simm.s32 $0x31B0;
	s31 =	simm.s32 $0xF820  }
0x196: {  	[spmem:s2] =	stream.indirect.scatter.add.f32 [tilespmem:s31], [sflag:$0x4], $0x10, s24, s17, $0xb8;
	[tilespmem:$0x19B90] =	vst v63  }
0x197: {  	_ = 	snop  }
0x198: {  	[spmem:s3] =	stream.indirect.scatter.add.f32 [tilespmem:s18], [sflag:$0x5], $0x1, s24, s17, $0xb8;
	[tilespmem:$0x19B90] =	vst v63  }
0x199: {  	s26 =	simm.s32 $0x3200;
	s28 =	simm.s32 $0xFD20  }
0x19a: {  	[spmem:s2] =	stream.indirect.scatter.add.f32 [tilespmem:s28], [sflag:$0x4], $0x10, s26, s17, $0xb8;
	[tilespmem:$0x19B90] =	vst v63  }
0x19b: {  	_ = 	snop  }
0x19c: {  	[spmem:s3] =	stream.indirect.scatter.add.f32 [tilespmem:s18], [sflag:$0x5], $0x1, s26, s17, $0xb8;
	[tilespmem:$0x19B90] =	vst v63  }
0x19d: {  	s1 =	simm.s32 $0x3250;
	s26 =	simm.s32 $0x10220  }
0x19e: {  	[spmem:s2] =	stream.indirect.scatter.add.f32 [tilespmem:s26], [sflag:$0x4], $0x10, s1, s17, $0xb8;
	[tilespmem:$0x19B90] =	vst v63  }
0x19f: {  	_ = 	snop  }
0x1a0: {  	[spmem:s3] =	stream.indirect.scatter.add.f32 [tilespmem:s18], [sflag:$0x5], $0x1, s1, s17, $0xb8;
	[tilespmem:$0x19B90] =	vst v63  }
0x1a1: {  	s6 =	simm.s32 $0x32A0;
	s24 =	simm.s32 $0x10720  }
0x1a2: {  	[spmem:s2] =	stream.indirect.scatter.add.f32 [tilespmem:s24], [sflag:$0x4], $0x10, s6, s17, $0xb8;
	[tilespmem:$0x19B90] =	vst v63  }
0x1a3: {  	_ = 	snop  }
0x1a4: {  	[spmem:s3] =	stream.indirect.scatter.add.f32 [tilespmem:s18], [sflag:$0x5], $0x1, s6, s17, $0xb8;
	[tilespmem:$0x19B90] =	vst v63  }
0x1a5: {  	s7 =	simm.s32 $0x32F0;
	s20 =	simm.s32 $0x10C20  }
0x1a6: {  	[spmem:s2] =	stream.indirect.scatter.add.f32 [tilespmem:s20], [sflag:$0x4], $0x10, s7, s17, $0xb8;
	[tilespmem:$0x19B90] =	vst v63  }
0x1a7: {  	_ = 	snop  }
0x1a8: {  	[spmem:s3] =	stream.indirect.scatter.add.f32 [tilespmem:s18], [sflag:$0x5], $0x1, s7, s17, $0xb8;
	[tilespmem:$0x19B90] =	vst v63  }
0x1a9: {  	s8 =	simm.s32 $0x3340;
	s16 =	simm.s32 $0x11120  }
0x1aa: {  	[spmem:s2] =	stream.indirect.scatter.add.f32 [tilespmem:s16], [sflag:$0x4], $0x10, s8, s17, $0xb8;
	[tilespmem:$0x19B90] =	vst v63  }
0x1ab: {  	_ = 	snop  }
0x1ac: {  	[spmem:s3] =	stream.indirect.scatter.add.f32 [tilespmem:s18], [sflag:$0x5], $0x1, s8, s17, $0xb8;
	[tilespmem:$0x19B90] =	vst v63  }
0x1ad: {  	s9 =	simm.s32 $0x3390;
	s15 =	simm.s32 $0x11620  }
0x1ae: {  	[spmem:s2] =	stream.indirect.scatter.add.f32 [tilespmem:s15], [sflag:$0x4], $0x10, s9, s17, $0xb8;
	[tilespmem:$0x19B90] =	vst v63  }
0x1af: {  	_ = 	snop  }
0x1b0: {  	[spmem:s3] =	stream.indirect.scatter.add.f32 [tilespmem:s18], [sflag:$0x5], $0x1, s9, s17, $0xb8;
	[tilespmem:$0x19B90] =	vst v63  }
0x1b1: {  	s10 =	simm.s32 $0x33E0;
	s13 =	simm.s32 $0x11B20  }
0x1b2: {  	[spmem:s2] =	stream.indirect.scatter.add.f32 [tilespmem:s13], [sflag:$0x4], $0x10, s10, s17, $0xb8;
	[tilespmem:$0x19B90] =	vst v63  }
0x1b3: {  	_ = 	snop  }
0x1b4: {  	[spmem:s3] =	stream.indirect.scatter.add.f32 [tilespmem:s18], [sflag:$0x5], $0x1, s10, s17, $0xb8;
	[tilespmem:$0x19B90] =	vst v63  }
0x1b5: {  	s11 =	simm.s32 $0x3430;
	s12 =	simm.s32 $0x12020  }
0x1b6: {  	[spmem:s2] =	stream.indirect.scatter.add.f32 [tilespmem:s12], [sflag:$0x4], $0x10, s11, s17, $0xb8;
	[tilespmem:$0x19B90] =	vst v63  }
0x1b7: {  	_ = 	snop  }
0x1b8: {  	[spmem:s3] =	stream.indirect.scatter.add.f32 [tilespmem:s18], [sflag:$0x5], $0x1, s11, s17, $0xb8;
	[tilespmem:$0x19B90] =	vst v63  }
0x1b9: {  	s14 =	simm.s32 $0x3480;
	s11 =	simm.s32 $0x12520  }
0x1ba: {  	[spmem:s2] =	stream.indirect.scatter.add.f32 [tilespmem:s11], [sflag:$0x4], $0x10, s14, s17, $0xb8;
	[tilespmem:$0x19B90] =	vst v63  }
0x1bb: {  	_ = 	snop  }
0x1bc: {  	[spmem:s3] =	stream.indirect.scatter.add.f32 [tilespmem:s18], [sflag:$0x5], $0x1, s14, s17, $0xb8;
	[tilespmem:$0x19B90] =	vst v63  }
0x1bd: {  	s1 =	simm.s32 $0x34D0;
	s10 =	simm.s32 $0x12A20  }
0x1be: {  	[spmem:s2] =	stream.indirect.scatter.add.f32 [tilespmem:s10], [sflag:$0x4], $0x10, s1, s17, $0xb8;
	[tilespmem:$0x19B90] =	vst v63  }
0x1bf: {  	_ = 	snop  }
0x1c0: {  	[spmem:s3] =	stream.indirect.scatter.add.f32 [tilespmem:s18], [sflag:$0x5], $0x1, s1, s17, $0xb8;
	[tilespmem:$0x19B90] =	vst v63  }
0x1c1: {  	s6 =	simm.s32 $0x3520;
	s9 =	simm.s32 $0x12F20  }
0x1c2: {  	[spmem:s2] =	stream.indirect.scatter.add.f32 [tilespmem:s9], [sflag:$0x4], $0x10, s6, s17, $0xb8;
	[tilespmem:$0x19B90] =	vst v63  }
0x1c3: {  	_ = 	snop  }
0x1c4: {  	[spmem:s3] =	stream.indirect.scatter.add.f32 [tilespmem:s18], [sflag:$0x5], $0x1, s6, s17, $0xb8;
	[tilespmem:$0x19B90] =	vst v63  }
0x1c5: {  	s7 =	simm.s32 $0x3570;
	s8 =	simm.s32 $0x13420  }
0x1c6: {  	[spmem:s2] =	stream.indirect.scatter.add.f32 [tilespmem:s8], [sflag:$0x4], $0x10, s7, s17, $0xb8;
	[tilespmem:$0x19B90] =	vst v63  }
0x1c7: {  	_ = 	snop  }
0x1c8: {  	[spmem:s3] =	stream.indirect.scatter.add.f32 [tilespmem:s18], [sflag:$0x5], $0x1, s7, s17, $0xb8;
	[tilespmem:$0x19B90] =	vst v63  }
0x1c9: {  	s14 =	simm.s32 $0x35C0;
	s7 =	simm.s32 $0x13920  }
0x1ca: {  	[spmem:s2] =	stream.indirect.scatter.add.f32 [tilespmem:s7], [sflag:$0x4], $0x10, s14, s17, $0xb8;
	[tilespmem:$0x19B90] =	vst v63  }
0x1cb: {  	_ = 	snop  }
0x1cc: {  	[spmem:s3] =	stream.indirect.scatter.add.f32 [tilespmem:s18], [sflag:$0x5], $0x1, s14, s17, $0xb8;
	[tilespmem:$0x19B90] =	vst v63  }
0x1cd: {  	s1 =	simm.s32 $0x3610;
	s6 =	simm.s32 $0x13E20  }
0x1ce: {  	[spmem:s2] =	stream.indirect.scatter.add.f32 [tilespmem:s6], [sflag:$0x4], $0x10, s1, s17, $0xb8;
	[tilespmem:$0x19B90] =	vst v63  }
0x1cf: {  	_ = 	snop  }
0x1d0: {  	[spmem:s3] =	stream.indirect.scatter.add.f32 [tilespmem:s18], [sflag:$0x5], $0x1, s1, s17, $0xb8;
	[tilespmem:$0x19B90] =	vst v63  }
0x1d1: {  	s14 =	simm.s32 $0x3660;
	s1 =	simm.s32 $0x14320  }
0x1d2: {  	[spmem:s2] =	stream.indirect.scatter.add.f32 [tilespmem:s1], [sflag:$0x4], $0x10, s14, s17, $0xb8;
	[tilespmem:$0x19B90] =	vst v63  }
0x1d3: {  	_ = 	snop  }
0x1d4: {  	[spmem:s3] =	stream.indirect.scatter.add.f32 [tilespmem:s18], [sflag:$0x5], $0x1, s14, s17, $0xb8;
	[tilespmem:$0x19B90] =	vst v63  }
0x1d5: {  	_ =	swait.ge [sflag:s23], $0x2710  }
0x1d6: {  	[sflag:s23] =	ssyncset.done $0x0  }
0x1d7: {  	[sflag:s23] =	ssyncadd.s32 $0xFFFFD8F0  }
0x1d8: {  	_ =	swait.ge [sflag:s23], $0x2710  }
0x1d9: {  	[sflag:s23] =	ssyncset.done $0x0  }
0x1da: {  	[sflag:s23] =	ssyncadd.s32 $0xFFFFD8F0  }
0x1db: {  	_ =	swait.ge [sflag:s23], $0x2710  }
0x1dc: {  	[sflag:s23] =	ssyncset.done $0x0  }
0x1dd: {  	[sflag:s23] =	ssyncadd.s32 $0xFFFFD8F0  }
0x1de: {  	_ =	swait.ge [sflag:s23], $0x7D0  }
0x1df: {  	[sflag:s23] =	ssyncset.done $0x0  }
0x1e0: {  	s14 =	simm.s32 $0x1770;
	[sflag:s23] =	ssyncadd.s32 $0xFFFFF830  }
0x1e1: {  	[tilespmem:s30], [sflag:$0x2] =	stream.indirect.gather [hbm4b:s5+s17], $0x10, s14, s17, $0xb8;
	[tilespmem:$0x19B90] =	vst v63  }
0x1e2: {  	s0 =	simm.s32 $0x17C0;
	s14 =	simm.s32 $0xD020  }
0x1e3: {  	[tilespmem:s14], [sflag:$0x2] =	stream.indirect.gather [hbm4b:s5+s17], $0x10, s0, s17, $0xb8;
	[tilespmem:$0x19B90] =	vst v63  }
0x1e4: {  	s0 =	simm.s32 $0x1810;
	s14 =	simm.s32 $0xD520  }
0x1e5: {  	[tilespmem:s14], [sflag:$0x2] =	stream.indirect.gather [hbm4b:s5+s17], $0x10, s0, s17, $0xb8;
	[tilespmem:$0x19B90] =	vst v63  }
0x1e6: {  	s0 =	simm.s32 $0x1860;
	s14 =	simm.s32 $0xDA20  }
0x1e7: {  	[tilespmem:s14], [sflag:$0x2] =	stream.indirect.gather [hbm4b:s5+s17], $0x10, s0, s17, $0xb8;
	[tilespmem:$0x19B90] =	vst v63  }
0x1e8: {  	s0 =	simm.s32 $0x18B0;
	s14 =	simm.s32 $0xDF20  }
0x1e9: {  	[tilespmem:s14], [sflag:$0x2] =	stream.indirect.gather [hbm4b:s5+s17], $0x10, s0, s17, $0xb8;
	[tilespmem:$0x19B90] =	vst v63  }
0x1ea: {  	s0 =	simm.s32 $0x1900;
	s14 =	simm.s32 $0xE420  }
0x1eb: {  	[tilespmem:s14], [sflag:$0x2] =	stream.indirect.gather [hbm4b:s5+s17], $0x10, s0, s17, $0xb8;
	[tilespmem:$0x19B90] =	vst v63  }
0x1ec: {  	s0 =	simm.s32 $0x1950;
	s14 =	simm.s32 $0xE920  }
0x1ed: {  	[tilespmem:s14], [sflag:$0x2] =	stream.indirect.gather [hbm4b:s5+s17], $0x10, s0, s17, $0xb8;
	[tilespmem:$0x19B90] =	vst v63  }
0x1ee: {  	s14 =	simm.s32 $0x19A0  }
0x1ef: {  	[tilespmem:s22], [sflag:$0x2] =	stream.indirect.gather [hbm4b:s5+s17], $0x10, s14, s17, $0xb8;
	[tilespmem:$0x19B90] =	vst v63  }
0x1f0: {  	s30 =	simm.s32 $0x19F0  }
0x1f1: {  	[tilespmem:s29], [sflag:$0x2] =	stream.indirect.gather [hbm4b:s5+s17], $0x10, s30, s17, $0xb8;
	[tilespmem:$0x19B90] =	vst v63  }
0x1f2: {  	s14 =	simm.s32 $0x1A40  }
0x1f3: {  	[tilespmem:s31], [sflag:$0x2] =	stream.indirect.gather [hbm4b:s5+s17], $0x10, s14, s17, $0xb8;
	[tilespmem:$0x19B90] =	vst v63  }
0x1f4: {  	s22 =	simm.s32 $0x1A90  }
0x1f5: {  	[tilespmem:s28], [sflag:$0x2] =	stream.indirect.gather [hbm4b:s5+s17], $0x10, s22, s17, $0xb8;
	[tilespmem:$0x19B90] =	vst v63  }
0x1f6: {  	s29 =	simm.s32 $0x1AE0  }
0x1f7: {  	[tilespmem:s26], [sflag:$0x2] =	stream.indirect.gather [hbm4b:s5+s17], $0x10, s29, s17, $0xb8;
	[tilespmem:$0x19B90] =	vst v63  }
0x1f8: {  	s30 =	simm.s32 $0x1B30  }
0x1f9: {  	[tilespmem:s24], [sflag:$0x2] =	stream.indirect.gather [hbm4b:s5+s17], $0x10, s30, s17, $0xb8;
	[tilespmem:$0x19B90] =	vst v63  }
0x1fa: {  	s31 =	simm.s32 $0x1B80  }
0x1fb: {  	[tilespmem:s20], [sflag:$0x2] =	stream.indirect.gather [hbm4b:s5+s17], $0x10, s31, s17, $0xb8;
	[tilespmem:$0x19B90] =	vst v63  }
0x1fc: {  	s14 =	simm.s32 $0x1BD0  }
0x1fd: {  	[tilespmem:s16], [sflag:$0x2] =	stream.indirect.gather [hbm4b:s5+s17], $0x10, s14, s17, $0xb8;
	[tilespmem:$0x19B90] =	vst v63  }
0x1fe: {  	s20 =	simm.s32 $0x1C20  }
0x1ff: {  	[tilespmem:s15], [sflag:$0x2] =	stream.indirect.gather [hbm4b:s5+s17], $0x10, s20, s17, $0xb8;
	[tilespmem:$0x19B90] =	vst v63  }
0x200: {  	s22 =	simm.s32 $0x1C70  }
0x201: {  	[tilespmem:s13], [sflag:$0x2] =	stream.indirect.gather [hbm4b:s5+s17], $0x10, s22, s17, $0xb8;
	[tilespmem:$0x19B90] =	vst v63  }
0x202: {  	s24 =	simm.s32 $0x1CC0  }
0x203: {  	[tilespmem:s12], [sflag:$0x2] =	stream.indirect.gather [hbm4b:s5+s17], $0x10, s24, s17, $0xb8;
	[tilespmem:$0x19B90] =	vst v63  }
0x204: {  	s26 =	simm.s32 $0x1D10  }
0x205: {  	[tilespmem:s11], [sflag:$0x2] =	stream.indirect.gather [hbm4b:s5+s17], $0x10, s26, s17, $0xb8;
	[tilespmem:$0x19B90] =	vst v63  }
0x206: {  	s28 =	simm.s32 $0x1D60  }
0x207: {  	[tilespmem:s10], [sflag:$0x2] =	stream.indirect.gather [hbm4b:s5+s17], $0x10, s28, s17, $0xb8;
	[tilespmem:$0x19B90] =	vst v63  }
0x208: {  	s29 =	simm.s32 $0x1DB0  }
0x209: {  	[tilespmem:s9], [sflag:$0x2] =	stream.indirect.gather [hbm4b:s5+s17], $0x10, s29, s17, $0xb8;
	[tilespmem:$0x19B90] =	vst v63  }
0x20a: {  	s30 =	simm.s32 $0x1E00  }
0x20b: {  	[tilespmem:s8], [sflag:$0x2] =	stream.indirect.gather [hbm4b:s5+s17], $0x10, s30, s17, $0xb8;
	[tilespmem:$0x19B90] =	vst v63  }
0x20c: {  	s31 =	simm.s32 $0x1E50  }
0x20d: {  	[tilespmem:s7], [sflag:$0x2] =	stream.indirect.gather [hbm4b:s5+s17], $0x10, s31, s17, $0xb8;
	[tilespmem:$0x19B90] =	vst v63  }
0x20e: {  	s8 =	simm.s32 $0x1EA0  }
0x20f: {  	[tilespmem:s6], [sflag:$0x2] =	stream.indirect.gather [hbm4b:s5+s17], $0x10, s8, s17, $0xb8;
	[tilespmem:$0x19B90] =	vst v63  }
0x210: {  	s9 =	simm.s32 $0x1EF0  }
0x211: {  	[tilespmem:s1], [sflag:$0x2] =	stream.indirect.gather [hbm4b:s5+s17], $0x10, s9, s17, $0xb8;
	[tilespmem:$0x19B90] =	vst v63  }
0x212: {  	_ =	swait.ge [sflag:s4], $0x2710  }
0x213: {  	[sflag:s4] =	ssyncset.done $0x0  }
0x214: {  	[sflag:s4] =	ssyncadd.s32 $0xFFFFD8F0  }
0x215: {  	_ =	swait.ge [sflag:s4], $0x2710  }
0x216: {  	[sflag:s4] =	ssyncset.done $0x0  }
0x217: {  	[sflag:s4] =	ssyncadd.s32 $0xFFFFD8F0  }
0x218: {  	_ =	swait.ge [sflag:s4], $0x2710  }
0x219: {  	[sflag:s4] =	ssyncset.done $0x0  }
0x21a: {  	[sflag:s4] =	ssyncadd.s32 $0xFFFFD8F0  }
0x21b: {  	_ =	swait.ge [sflag:s4], $0x7D0  }
0x21c: {  	[sflag:s4] =	ssyncset.done $0x0  }
0x21d: {  	s11 =	simm.s32 $0x4E20;
	s10 =	simm.s32 $0x36B0;
	[sflag:s4] =	ssyncadd.s32 $0xFFFFF830  }
0x21e: {  	[spmem:s2] =	stream.indirect.scatter.add.f32 [tilespmem:s11], [sflag:$0x3], $0x10, s10, s17, $0xb8;
	[tilespmem:$0x19B90] =	vst v63  }
0x21f: {  	_ = 	snop  }
0x220: {  	[spmem:s3] =	stream.indirect.scatter.add.f32 [tilespmem:s18], [sflag:$0x5], $0x1, s10, s17, $0xb8;
	[tilespmem:$0x19B90] =	vst v63  }
0x221: {  	s13 =	simm.s32 $0x5320;
	s12 =	simm.s32 $0x3700  }
0x222: {  	[spmem:s2] =	stream.indirect.scatter.add.f32 [tilespmem:s13], [sflag:$0x3], $0x10, s12, s17, $0xb8;
	[tilespmem:$0x19B90] =	vst v63  }
0x223: {  	_ = 	snop  }
0x224: {  	[spmem:s3] =	stream.indirect.scatter.add.f32 [tilespmem:s18], [sflag:$0x5], $0x1, s12, s17, $0xb8;
	[tilespmem:$0x19B90] =	vst v63  }
0x225: {  	s14 =	simm.s32 $0x3750;
	s15 =	simm.s32 $0x5820  }
0x226: {  	[spmem:s2] =	stream.indirect.scatter.add.f32 [tilespmem:s15], [sflag:$0x3], $0x10, s14, s17, $0xb8;
	[tilespmem:$0x19B90] =	vst v63  }
0x227: {  	_ = 	snop  }
0x228: {  	[spmem:s3] =	stream.indirect.scatter.add.f32 [tilespmem:s18], [sflag:$0x5], $0x1, s14, s17, $0xb8;
	[tilespmem:$0x19B90] =	vst v63  }
0x229: {  	s16 =	simm.s32 $0x37A0;
	s20 =	simm.s32 $0x5D20  }
0x22a: {  	[spmem:s2] =	stream.indirect.scatter.add.f32 [tilespmem:s20], [sflag:$0x3], $0x10, s16, s17, $0xb8;
	[tilespmem:$0x19B90] =	vst v63  }
0x22b: {  	_ = 	snop  }
0x22c: {  	[spmem:s3] =	stream.indirect.scatter.add.f32 [tilespmem:s18], [sflag:$0x5], $0x1, s16, s17, $0xb8;
	[tilespmem:$0x19B90] =	vst v63  }
0x22d: {  	s22 =	simm.s32 $0x37F0;
	s24 =	simm.s32 $0x6220  }
0x22e: {  	[spmem:s2] =	stream.indirect.scatter.add.f32 [tilespmem:s24], [sflag:$0x3], $0x10, s22, s17, $0xb8;
	[tilespmem:$0x19B90] =	vst v63  }
0x22f: {  	_ = 	snop  }
0x230: {  	[spmem:s3] =	stream.indirect.scatter.add.f32 [tilespmem:s18], [sflag:$0x5], $0x1, s22, s17, $0xb8;
	[tilespmem:$0x19B90] =	vst v63  }
0x231: {  	s26 =	simm.s32 $0x3840;
	s28 =	simm.s32 $0x6720  }
0x232: {  	[spmem:s2] =	stream.indirect.scatter.add.f32 [tilespmem:s28], [sflag:$0x3], $0x10, s26, s17, $0xb8;
	[tilespmem:$0x19B90] =	vst v63  }
0x233: {  	_ = 	snop  }
0x234: {  	[spmem:s3] =	stream.indirect.scatter.add.f32 [tilespmem:s18], [sflag:$0x5], $0x1, s26, s17, $0xb8;
	[tilespmem:$0x19B90] =	vst v63  }
0x235: {  	s29 =	simm.s32 $0x3890;
	s28 =	simm.s32 $0x6C20  }
0x236: {  	[spmem:s2] =	stream.indirect.scatter.add.f32 [tilespmem:s28], [sflag:$0x3], $0x10, s29, s17, $0xb8;
	[tilespmem:$0x19B90] =	vst v63  }
0x237: {  	_ = 	snop  }
0x238: {  	[spmem:s3] =	stream.indirect.scatter.add.f32 [tilespmem:s18], [sflag:$0x5], $0x1, s29, s17, $0xb8;
	[tilespmem:$0x19B90] =	vst v63  }
0x239: {  	s30 =	simm.s32 $0x38E0;
	s26 =	simm.s32 $0x7120  }
0x23a: {  	[spmem:s2] =	stream.indirect.scatter.add.f32 [tilespmem:s26], [sflag:$0x3], $0x10, s30, s17, $0xb8;
	[tilespmem:$0x19B90] =	vst v63  }
0x23b: {  	_ = 	snop  }
0x23c: {  	[spmem:s3] =	stream.indirect.scatter.add.f32 [tilespmem:s18], [sflag:$0x5], $0x1, s30, s17, $0xb8;
	[tilespmem:$0x19B90] =	vst v63  }
0x23d: {  	s31 =	simm.s32 $0x3930;
	s24 =	simm.s32 $0x7620  }
0x23e: {  	[spmem:s2] =	stream.indirect.scatter.add.f32 [tilespmem:s24], [sflag:$0x3], $0x10, s31, s17, $0xb8;
	[tilespmem:$0x19B90] =	vst v63  }
0x23f: {  	_ = 	snop  }
0x240: {  	[spmem:s3] =	stream.indirect.scatter.add.f32 [tilespmem:s18], [sflag:$0x5], $0x1, s31, s17, $0xb8;
	[tilespmem:$0x19B90] =	vst v63  }
0x241: {  	s1 =	simm.s32 $0x3980;
	s20 =	simm.s32 $0x7B20  }
0x242: {  	[spmem:s2] =	stream.indirect.scatter.add.f32 [tilespmem:s20], [sflag:$0x3], $0x10, s1, s17, $0xb8;
	[tilespmem:$0x19B90] =	vst v63  }
0x243: {  	_ = 	snop  }
0x244: {  	[spmem:s3] =	stream.indirect.scatter.add.f32 [tilespmem:s18], [sflag:$0x5], $0x1, s1, s17, $0xb8;
	[tilespmem:$0x19B90] =	vst v63  }
0x245: {  	s6 =	simm.s32 $0x39D0;
	s16 =	simm.s32 $0x8020  }
0x246: {  	[spmem:s2] =	stream.indirect.scatter.add.f32 [tilespmem:s16], [sflag:$0x3], $0x10, s6, s17, $0xb8;
	[tilespmem:$0x19B90] =	vst v63  }
0x247: {  	_ = 	snop  }
0x248: {  	[spmem:s3] =	stream.indirect.scatter.add.f32 [tilespmem:s18], [sflag:$0x5], $0x1, s6, s17, $0xb8;
	[tilespmem:$0x19B90] =	vst v63  }
0x249: {  	s7 =	simm.s32 $0x3A20;
	s15 =	simm.s32 $0x8520  }
0x24a: {  	[spmem:s2] =	stream.indirect.scatter.add.f32 [tilespmem:s15], [sflag:$0x3], $0x10, s7, s17, $0xb8;
	[tilespmem:$0x19B90] =	vst v63  }
0x24b: {  	_ = 	snop  }
0x24c: {  	[spmem:s3] =	stream.indirect.scatter.add.f32 [tilespmem:s18], [sflag:$0x5], $0x1, s7, s17, $0xb8;
	[tilespmem:$0x19B90] =	vst v63  }
0x24d: {  	s8 =	simm.s32 $0x3A70;
	s13 =	simm.s32 $0x8A20  }
0x24e: {  	[spmem:s2] =	stream.indirect.scatter.add.f32 [tilespmem:s13], [sflag:$0x3], $0x10, s8, s17, $0xb8;
	[tilespmem:$0x19B90] =	vst v63  }
0x24f: {  	_ = 	snop  }
0x250: {  	[spmem:s3] =	stream.indirect.scatter.add.f32 [tilespmem:s18], [sflag:$0x5], $0x1, s8, s17, $0xb8;
	[tilespmem:$0x19B90] =	vst v63  }
0x251: {  	s9 =	simm.s32 $0x3AC0;
	s12 =	simm.s32 $0x8F20  }
0x252: {  	[spmem:s2] =	stream.indirect.scatter.add.f32 [tilespmem:s12], [sflag:$0x3], $0x10, s9, s17, $0xb8;
	[tilespmem:$0x19B90] =	vst v63  }
0x253: {  	_ = 	snop  }
0x254: {  	[spmem:s3] =	stream.indirect.scatter.add.f32 [tilespmem:s18], [sflag:$0x5], $0x1, s9, s17, $0xb8;
	[tilespmem:$0x19B90] =	vst v63  }
0x255: {  	s11 =	simm.s32 $0x9420;
	s10 =	simm.s32 $0x3B10  }
0x256: {  	[spmem:s2] =	stream.indirect.scatter.add.f32 [tilespmem:s11], [sflag:$0x3], $0x10, s10, s17, $0xb8;
	[tilespmem:$0x19B90] =	vst v63  }
0x257: {  	_ = 	snop  }
0x258: {  	[spmem:s3] =	stream.indirect.scatter.add.f32 [tilespmem:s18], [sflag:$0x5], $0x1, s10, s17, $0xb8;
	[tilespmem:$0x19B90] =	vst v63  }
0x259: {  	s14 =	simm.s32 $0x3B60;
	s10 =	simm.s32 $0x9920  }
0x25a: {  	[spmem:s2] =	stream.indirect.scatter.add.f32 [tilespmem:s10], [sflag:$0x3], $0x10, s14, s17, $0xb8;
	[tilespmem:$0x19B90] =	vst v63  }
0x25b: {  	_ = 	snop  }
0x25c: {  	[spmem:s3] =	stream.indirect.scatter.add.f32 [tilespmem:s18], [sflag:$0x5], $0x1, s14, s17, $0xb8;
	[tilespmem:$0x19B90] =	vst v63  }
0x25d: {  	s22 =	simm.s32 $0x3BB0;
	s9 =	simm.s32 $0x9E20  }
0x25e: {  	[spmem:s2] =	stream.indirect.scatter.add.f32 [tilespmem:s9], [sflag:$0x3], $0x10, s22, s17, $0xb8;
	[tilespmem:$0x19B90] =	vst v63  }
0x25f: {  	_ = 	snop  }
0x260: {  	[spmem:s3] =	stream.indirect.scatter.add.f32 [tilespmem:s18], [sflag:$0x5], $0x1, s22, s17, $0xb8;
	[tilespmem:$0x19B90] =	vst v63  }
0x261: {  	s29 =	simm.s32 $0x3C00;
	s8 =	simm.s32 $0xA320  }
0x262: {  	[spmem:s2] =	stream.indirect.scatter.add.f32 [tilespmem:s8], [sflag:$0x3], $0x10, s29, s17, $0xb8;
	[tilespmem:$0x19B90] =	vst v63  }
0x263: {  	_ = 	snop  }
0x264: {  	[spmem:s3] =	stream.indirect.scatter.add.f32 [tilespmem:s18], [sflag:$0x5], $0x1, s29, s17, $0xb8;
	[tilespmem:$0x19B90] =	vst v63  }
0x265: {  	s30 =	simm.s32 $0x3C50;
	s7 =	simm.s32 $0xA820  }
0x266: {  	[spmem:s2] =	stream.indirect.scatter.add.f32 [tilespmem:s7], [sflag:$0x3], $0x10, s30, s17, $0xb8;
	[tilespmem:$0x19B90] =	vst v63  }
0x267: {  	_ = 	snop  }
0x268: {  	[spmem:s3] =	stream.indirect.scatter.add.f32 [tilespmem:s18], [sflag:$0x5], $0x1, s30, s17, $0xb8;
	[tilespmem:$0x19B90] =	vst v63  }
0x269: {  	s31 =	simm.s32 $0x3CA0;
	s6 =	simm.s32 $0xAD20  }
0x26a: {  	[spmem:s2] =	stream.indirect.scatter.add.f32 [tilespmem:s6], [sflag:$0x3], $0x10, s31, s17, $0xb8;
	[tilespmem:$0x19B90] =	vst v63  }
0x26b: {  	_ = 	snop  }
0x26c: {  	[spmem:s3] =	stream.indirect.scatter.add.f32 [tilespmem:s18], [sflag:$0x5], $0x1, s31, s17, $0xb8;
	[tilespmem:$0x19B90] =	vst v63  }
0x26d: {  	s1 =	simm.s32 $0x3CF0;
	s30 =	simm.s32 $0xB220  }
0x26e: {  	[spmem:s2] =	stream.indirect.scatter.add.f32 [tilespmem:s30], [sflag:$0x3], $0x10, s1, s17, $0xb8;
	[tilespmem:$0x19B90] =	vst v63  }
0x26f: {  	_ = 	snop  }
0x270: {  	[spmem:s3] =	stream.indirect.scatter.add.f32 [tilespmem:s18], [sflag:$0x5], $0x1, s1, s17, $0xb8;
	[tilespmem:$0x19B90] =	vst v63  }
0x271: {  	s14 =	simm.s32 $0x3D40;
	s1 =	simm.s32 $0xB720  }
0x272: {  	[spmem:s2] =	stream.indirect.scatter.add.f32 [tilespmem:s1], [sflag:$0x3], $0x10, s14, s17, $0xb8;
	[tilespmem:$0x19B90] =	vst v63  }
0x273: {  	_ = 	snop  }
0x274: {  	[spmem:s3] =	stream.indirect.scatter.add.f32 [tilespmem:s18], [sflag:$0x5], $0x1, s14, s17, $0xb8;
	[tilespmem:$0x19B90] =	vst v63  }
0x275: {  	s22 =	simm.s32 $0x3D90;
	s14 =	simm.s32 $0xBC20  }
0x276: {  	[spmem:s2] =	stream.indirect.scatter.add.f32 [tilespmem:s14], [sflag:$0x3], $0x10, s22, s17, $0xb8;
	[tilespmem:$0x19B90] =	vst v63  }
0x277: {  	_ = 	snop  }
0x278: {  	[spmem:s3] =	stream.indirect.scatter.add.f32 [tilespmem:s18], [sflag:$0x5], $0x1, s22, s17, $0xb8;
	[tilespmem:$0x19B90] =	vst v63  }
0x279: {  	s29 =	simm.s32 $0x3DE0;
	s22 =	simm.s32 $0xC120  }
0x27a: {  	[spmem:s2] =	stream.indirect.scatter.add.f32 [tilespmem:s22], [sflag:$0x3], $0x10, s29, s17, $0xb8;
	[tilespmem:$0x19B90] =	vst v63  }
0x27b: {  	_ = 	snop  }
0x27c: {  	[spmem:s3] =	stream.indirect.scatter.add.f32 [tilespmem:s18], [sflag:$0x5], $0x1, s29, s17, $0xb8;
	[tilespmem:$0x19B90] =	vst v63  }
0x27d: {  	s31 =	simm.s32 $0x3E30;
	s29 =	simm.s32 $0xC620  }
0x27e: {  	[spmem:s2] =	stream.indirect.scatter.add.f32 [tilespmem:s29], [sflag:$0x3], $0x10, s31, s17, $0xb8;
	[tilespmem:$0x19B90] =	vst v63  }
0x27f: {  	_ = 	snop  }
0x280: {  	[spmem:s3] =	stream.indirect.scatter.add.f32 [tilespmem:s18], [sflag:$0x5], $0x1, s31, s17, $0xb8;
	[tilespmem:$0x19B90] =	vst v63  }
0x281: {  	_ =	swait.ge [sflag:s19], $0x2710  }
0x282: {  	[sflag:s19] =	ssyncset.done $0x0  }
0x283: {  	[sflag:s19] =	ssyncadd.s32 $0xFFFFD8F0  }
0x284: {  	_ =	swait.ge [sflag:s19], $0x2710  }
0x285: {  	[sflag:s19] =	ssyncset.done $0x0  }
0x286: {  	[sflag:s19] =	ssyncadd.s32 $0xFFFFD8F0  }
0x287: {  	_ =	swait.ge [sflag:s19], $0x2710  }
0x288: {  	[sflag:s19] =	ssyncset.done $0x0  }
0x289: {  	[sflag:s19] =	ssyncadd.s32 $0xFFFFD8F0  }
0x28a: {  	_ =	swait.ge [sflag:s19], $0x7D0  }
0x28b: {  	[sflag:s19] =	ssyncset.done $0x0  }
0x28c: {  	s0 =	simm.s32 $0x1F40;
	s31 =	simm.s32 $0x4E20;
	[sflag:s19] =	ssyncadd.s32 $0xFFFFF830  }
0x28d: {  	[tilespmem:s31], [sflag:$0x1] =	stream.indirect.gather [hbm4b:s5+s17], $0x10, s0, s17, $0xb8;
	[tilespmem:$0x19B90] =	vst v63  }
0x28e: {  	s0 =	simm.s32 $0x1F90;
	s31 =	simm.s32 $0x5320  }
0x28f: {  	[tilespmem:s31], [sflag:$0x1] =	stream.indirect.gather [hbm4b:s5+s17], $0x10, s0, s17, $0xb8;
	[tilespmem:$0x19B90] =	vst v63  }
0x290: {  	s0 =	simm.s32 $0x1FE0;
	s31 =	simm.s32 $0x5820  }
0x291: {  	[tilespmem:s31], [sflag:$0x1] =	stream.indirect.gather [hbm4b:s5+s17], $0x10, s0, s17, $0xb8;
	[tilespmem:$0x19B90] =	vst v63  }
0x292: {  	s0 =	simm.s32 $0x2030;
	s31 =	simm.s32 $0x5D20  }
0x293: {  	[tilespmem:s31], [sflag:$0x1] =	stream.indirect.gather [hbm4b:s5+s17], $0x10, s0, s17, $0xb8;
	[tilespmem:$0x19B90] =	vst v63  }
0x294: {  	s0 =	simm.s32 $0x2080;
	s31 =	simm.s32 $0x6220  }
0x295: {  	[tilespmem:s31], [sflag:$0x1] =	stream.indirect.gather [hbm4b:s5+s17], $0x10, s0, s17, $0xb8;
	[tilespmem:$0x19B90] =	vst v63  }
0x296: {  	s0 =	simm.s32 $0x20D0;
	s31 =	simm.s32 $0x6720  }
0x297: {  	[tilespmem:s31], [sflag:$0x1] =	stream.indirect.gather [hbm4b:s5+s17], $0x10, s0, s17, $0xb8;
	[tilespmem:$0x19B90] =	vst v63  }
0x298: {  	s31 =	simm.s32 $0x2120  }
0x299: {  	[tilespmem:s28], [sflag:$0x1] =	stream.indirect.gather [hbm4b:s5+s17], $0x10, s31, s17, $0xb8;
	[tilespmem:$0x19B90] =	vst v63  }
0x29a: {  	s31 =	simm.s32 $0x2170  }
0x29b: {  	[tilespmem:s26], [sflag:$0x1] =	stream.indirect.gather [hbm4b:s5+s17], $0x10, s31, s17, $0xb8;
	[tilespmem:$0x19B90] =	vst v63  }
0x29c: {  	s31 =	simm.s32 $0x21C0  }
0x29d: {  	[tilespmem:s24], [sflag:$0x1] =	stream.indirect.gather [hbm4b:s5+s17], $0x10, s31, s17, $0xb8;
	[tilespmem:$0x19B90] =	vst v63  }
0x29e: {  	s31 =	simm.s32 $0x2210  }
0x29f: {  	[tilespmem:s20], [sflag:$0x1] =	stream.indirect.gather [hbm4b:s5+s17], $0x10, s31, s17, $0xb8;
	[tilespmem:$0x19B90] =	vst v63  }
0x2a0: {  	s31 =	simm.s32 $0x2260  }
0x2a1: {  	[tilespmem:s16], [sflag:$0x1] =	stream.indirect.gather [hbm4b:s5+s17], $0x10, s31, s17, $0xb8;
	[tilespmem:$0x19B90] =	vst v63  }
0x2a2: {  	s31 =	simm.s32 $0x22B0  }
0x2a3: {  	[tilespmem:s15], [sflag:$0x1] =	stream.indirect.gather [hbm4b:s5+s17], $0x10, s31, s17, $0xb8;
	[tilespmem:$0x19B90] =	vst v63  }
0x2a4: {  	s31 =	simm.s32 $0x2300  }
0x2a5: {  	[tilespmem:s13], [sflag:$0x1] =	stream.indirect.gather [hbm4b:s5+s17], $0x10, s31, s17, $0xb8;
	[tilespmem:$0x19B90] =	vst v63  }
0x2a6: {  	s31 =	simm.s32 $0x2350  }
0x2a7: {  	[tilespmem:s12], [sflag:$0x1] =	stream.indirect.gather [hbm4b:s5+s17], $0x10, s31, s17, $0xb8;
	[tilespmem:$0x19B90] =	vst v63  }
0x2a8: {  	s31 =	simm.s32 $0x23A0  }
0x2a9: {  	[tilespmem:s11], [sflag:$0x1] =	stream.indirect.gather [hbm4b:s5+s17], $0x10, s31, s17, $0xb8;
	[tilespmem:$0x19B90] =	vst v63  }
0x2aa: {  	s31 =	simm.s32 $0x23F0  }
0x2ab: {  	[tilespmem:s10], [sflag:$0x1] =	stream.indirect.gather [hbm4b:s5+s17], $0x10, s31, s17, $0xb8;
	[tilespmem:$0x19B90] =	vst v63  }
0x2ac: {  	s31 =	simm.s32 $0x2440  }
0x2ad: {  	[tilespmem:s9], [sflag:$0x1] =	stream.indirect.gather [hbm4b:s5+s17], $0x10, s31, s17, $0xb8;
	[tilespmem:$0x19B90] =	vst v63  }
0x2ae: {  	s31 =	simm.s32 $0x2490  }
0x2af: {  	[tilespmem:s8], [sflag:$0x1] =	stream.indirect.gather [hbm4b:s5+s17], $0x10, s31, s17, $0xb8;
	[tilespmem:$0x19B90] =	vst v63  }
0x2b0: {  	s31 =	simm.s32 $0x24E0  }
0x2b1: {  	[tilespmem:s7], [sflag:$0x1] =	stream.indirect.gather [hbm4b:s5+s17], $0x10, s31, s17, $0xb8;
	[tilespmem:$0x19B90] =	vst v63  }
0x2b2: {  	s31 =	simm.s32 $0x2530  }
0x2b3: {  	[tilespmem:s6], [sflag:$0x1] =	stream.indirect.gather [hbm4b:s5+s17], $0x10, s31, s17, $0xb8;
	[tilespmem:$0x19B90] =	vst v63  }
0x2b4: {  	s31 =	simm.s32 $0x2580  }
0x2b5: {  	[tilespmem:s30], [sflag:$0x1] =	stream.indirect.gather [hbm4b:s5+s17], $0x10, s31, s17, $0xb8;
	[tilespmem:$0x19B90] =	vst v63  }
0x2b6: {  	s30 =	simm.s32 $0x25D0  }
0x2b7: {  	[tilespmem:s1], [sflag:$0x1] =	stream.indirect.gather [hbm4b:s5+s17], $0x10, s30, s17, $0xb8;
	[tilespmem:$0x19B90] =	vst v63  }
0x2b8: {  	s31 =	simm.s32 $0x2620  }
0x2b9: {  	[tilespmem:s14], [sflag:$0x1] =	stream.indirect.gather [hbm4b:s5+s17], $0x10, s31, s17, $0xb8;
	[tilespmem:$0x19B90] =	vst v63  }
0x2ba: {  	s30 =	simm.s32 $0x2670  }
0x2bb: {  	[tilespmem:s22], [sflag:$0x1] =	stream.indirect.gather [hbm4b:s5+s17], $0x10, s30, s17, $0xb8;
	[tilespmem:$0x19B90] =	vst v63  }
0x2bc: {  	s14 =	simm.s32 $0x26C0  }
0x2bd: {  	[tilespmem:s29], [sflag:$0x1] =	stream.indirect.gather [hbm4b:s5+s17], $0x10, s14, s17, $0xb8;
	[tilespmem:$0x19B90] =	vst v63  }
0x2be: {  	_ =	swait.ge [sflag:s21], $0x2710  }
0x2bf: {  	[sflag:s21] =	ssyncset.done $0x0  }
0x2c0: {  	[sflag:s21] =	ssyncadd.s32 $0xFFFFD8F0  }
0x2c1: {  	_ =	swait.ge [sflag:s21], $0x2710  }
0x2c2: {  	[sflag:s21] =	ssyncset.done $0x0  }
0x2c3: {  	[sflag:s21] =	ssyncadd.s32 $0xFFFFD8F0  }
0x2c4: {  	_ =	swait.ge [sflag:s21], $0x2710  }
0x2c5: {  	[sflag:s21] =	ssyncset.done $0x0  }
0x2c6: {  	[sflag:s21] =	ssyncadd.s32 $0xFFFFD8F0  }
0x2c7: {  	_ =	swait.ge [sflag:s21], $0x7D0  }
0x2c8: {  	[sflag:s21] =	ssyncset.done $0x0  }
0x2c9: {  	s0 =	simm.s32 $0x3E80;
	s30 =	simm.s32 $0xCB20;
	[sflag:s21] =	ssyncadd.s32 $0xFFFFF830  }
0x2ca: {  	[spmem:s2] =	stream.indirect.scatter.add.f32 [tilespmem:s30], [sflag:$0x4], $0x10, s0, s17, $0xb8;
	[tilespmem:$0x19B90] =	vst v63  }
0x2cb: {  	_ = 	snop  }
0x2cc: {  	[spmem:s3] =	stream.indirect.scatter.add.f32 [tilespmem:s18], [sflag:$0x5], $0x1, s0, s17, $0xb8;
	[tilespmem:$0x19B90] =	vst v63  }
0x2cd: {  	s30 =	simm.s32 $0xD020;
	s0 =	simm.s32 $0x3ED0  }
0x2ce: {  	[spmem:s2] =	stream.indirect.scatter.add.f32 [tilespmem:s30], [sflag:$0x4], $0x10, s0, s17, $0xb8;
	[tilespmem:$0x19B90] =	vst v63  }
0x2cf: {  	_ = 	snop  }
0x2d0: {  	[spmem:s3] =	stream.indirect.scatter.add.f32 [tilespmem:s18], [sflag:$0x5], $0x1, s0, s17, $0xb8;
	[tilespmem:$0x19B90] =	vst v63  }
0x2d1: {  	s30 =	simm.s32 $0xD520;
	s0 =	simm.s32 $0x3F20  }
0x2d2: {  	[spmem:s2] =	stream.indirect.scatter.add.f32 [tilespmem:s30], [sflag:$0x4], $0x10, s0, s17, $0xb8;
	[tilespmem:$0x19B90] =	vst v63  }
0x2d3: {  	_ = 	snop  }
0x2d4: {  	[spmem:s3] =	stream.indirect.scatter.add.f32 [tilespmem:s18], [sflag:$0x5], $0x1, s0, s17, $0xb8;
	[tilespmem:$0x19B90] =	vst v63  }
0x2d5: {  	s30 =	simm.s32 $0xDA20;
	s0 =	simm.s32 $0x3F70  }
0x2d6: {  	[spmem:s2] =	stream.indirect.scatter.add.f32 [tilespmem:s30], [sflag:$0x4], $0x10, s0, s17, $0xb8;
	[tilespmem:$0x19B90] =	vst v63  }
0x2d7: {  	_ = 	snop  }
0x2d8: {  	[spmem:s3] =	stream.indirect.scatter.add.f32 [tilespmem:s18], [sflag:$0x5], $0x1, s0, s17, $0xb8;
	[tilespmem:$0x19B90] =	vst v63  }
0x2d9: {  	s30 =	simm.s32 $0xDF20;
	s0 =	simm.s32 $0x3FC0  }
0x2da: {  	[spmem:s2] =	stream.indirect.scatter.add.f32 [tilespmem:s30], [sflag:$0x4], $0x10, s0, s17, $0xb8;
	[tilespmem:$0x19B90] =	vst v63  }
0x2db: {  	_ = 	snop  }
0x2dc: {  	[spmem:s3] =	stream.indirect.scatter.add.f32 [tilespmem:s18], [sflag:$0x5], $0x1, s0, s17, $0xb8;
	[tilespmem:$0x19B90] =	vst v63  }
0x2dd: {  	s30 =	simm.s32 $0xE420;
	s0 =	simm.s32 $0x4010  }
0x2de: {  	[spmem:s2] =	stream.indirect.scatter.add.f32 [tilespmem:s30], [sflag:$0x4], $0x10, s0, s17, $0xb8;
	[tilespmem:$0x19B90] =	vst v63  }
0x2df: {  	_ = 	snop  }
0x2e0: {  	[spmem:s3] =	stream.indirect.scatter.add.f32 [tilespmem:s18], [sflag:$0x5], $0x1, s0, s17, $0xb8;
	[tilespmem:$0x19B90] =	vst v63  }
0x2e1: {  	s30 =	simm.s32 $0xE920;
	s0 =	simm.s32 $0x4060  }
0x2e2: {  	[spmem:s2] =	stream.indirect.scatter.add.f32 [tilespmem:s30], [sflag:$0x4], $0x10, s0, s17, $0xb8;
	[tilespmem:$0x19B90] =	vst v63  }
0x2e3: {  	_ = 	snop  }
0x2e4: {  	[spmem:s3] =	stream.indirect.scatter.add.f32 [tilespmem:s18], [sflag:$0x5], $0x1, s0, s17, $0xb8;
	[tilespmem:$0x19B90] =	vst v63  }
0x2e5: {  	s30 =	simm.s32 $0xEE20;
	s0 =	simm.s32 $0x40B0  }
0x2e6: {  	[spmem:s2] =	stream.indirect.scatter.add.f32 [tilespmem:s30], [sflag:$0x4], $0x10, s0, s17, $0xb8;
	[tilespmem:$0x19B90] =	vst v63  }
0x2e7: {  	_ = 	snop  }
0x2e8: {  	[spmem:s3] =	stream.indirect.scatter.add.f32 [tilespmem:s18], [sflag:$0x5], $0x1, s0, s17, $0xb8;
	[tilespmem:$0x19B90] =	vst v63  }
0x2e9: {  	s30 =	simm.s32 $0xF320;
	s0 =	simm.s32 $0x4100  }
0x2ea: {  	[spmem:s2] =	stream.indirect.scatter.add.f32 [tilespmem:s30], [sflag:$0x4], $0x10, s0, s17, $0xb8;
	[tilespmem:$0x19B90] =	vst v63  }
0x2eb: {  	_ = 	snop  }
0x2ec: {  	[spmem:s3] =	stream.indirect.scatter.add.f32 [tilespmem:s18], [sflag:$0x5], $0x1, s0, s17, $0xb8;
	[tilespmem:$0x19B90] =	vst v63  }
0x2ed: {  	s30 =	simm.s32 $0xF820;
	s0 =	simm.s32 $0x4150  }
0x2ee: {  	[spmem:s2] =	stream.indirect.scatter.add.f32 [tilespmem:s30], [sflag:$0x4], $0x10, s0, s17, $0xb8;
	[tilespmem:$0x19B90] =	vst v63  }
0x2ef: {  	_ = 	snop  }
0x2f0: {  	[spmem:s3] =	stream.indirect.scatter.add.f32 [tilespmem:s18], [sflag:$0x5], $0x1, s0, s17, $0xb8;
	[tilespmem:$0x19B90] =	vst v63  }
0x2f1: {  	s30 =	simm.s32 $0xFD20;
	s0 =	simm.s32 $0x41A0  }
0x2f2: {  	[spmem:s2] =	stream.indirect.scatter.add.f32 [tilespmem:s30], [sflag:$0x4], $0x10, s0, s17, $0xb8;
	[tilespmem:$0x19B90] =	vst v63  }
0x2f3: {  	_ = 	snop  }
0x2f4: {  	[spmem:s3] =	stream.indirect.scatter.add.f32 [tilespmem:s18], [sflag:$0x5], $0x1, s0, s17, $0xb8;
	[tilespmem:$0x19B90] =	vst v63  }
0x2f5: {  	s30 =	simm.s32 $0x10220;
	s0 =	simm.s32 $0x41F0  }
0x2f6: {  	[spmem:s2] =	stream.indirect.scatter.add.f32 [tilespmem:s30], [sflag:$0x4], $0x10, s0, s17, $0xb8;
	[tilespmem:$0x19B90] =	vst v63  }
0x2f7: {  	_ = 	snop  }
0x2f8: {  	[spmem:s3] =	stream.indirect.scatter.add.f32 [tilespmem:s18], [sflag:$0x5], $0x1, s0, s17, $0xb8;
	[tilespmem:$0x19B90] =	vst v63  }
0x2f9: {  	s30 =	simm.s32 $0x10720;
	s0 =	simm.s32 $0x4240  }
0x2fa: {  	[spmem:s2] =	stream.indirect.scatter.add.f32 [tilespmem:s30], [sflag:$0x4], $0x10, s0, s17, $0xb8;
	[tilespmem:$0x19B90] =	vst v63  }
0x2fb: {  	_ = 	snop  }
0x2fc: {  	[spmem:s3] =	stream.indirect.scatter.add.f32 [tilespmem:s18], [sflag:$0x5], $0x1, s0, s17, $0xb8;
	[tilespmem:$0x19B90] =	vst v63  }
0x2fd: {  	s30 =	simm.s32 $0x10C20;
	s0 =	simm.s32 $0x4290  }
0x2fe: {  	[spmem:s2] =	stream.indirect.scatter.add.f32 [tilespmem:s30], [sflag:$0x4], $0x10, s0, s17, $0xb8;
	[tilespmem:$0x19B90] =	vst v63  }
0x2ff: {  	_ = 	snop  }
0x300: {  	[spmem:s3] =	stream.indirect.scatter.add.f32 [tilespmem:s18], [sflag:$0x5], $0x1, s0, s17, $0xb8;
	[tilespmem:$0x19B90] =	vst v63  }
0x301: {  	s30 =	simm.s32 $0x11120;
	s0 =	simm.s32 $0x42E0  }
0x302: {  	[spmem:s2] =	stream.indirect.scatter.add.f32 [tilespmem:s30], [sflag:$0x4], $0x10, s0, s17, $0xb8;
	[tilespmem:$0x19B90] =	vst v63  }
0x303: {  	_ = 	snop  }
0x304: {  	[spmem:s3] =	stream.indirect.scatter.add.f32 [tilespmem:s18], [sflag:$0x5], $0x1, s0, s17, $0xb8;
	[tilespmem:$0x19B90] =	vst v63  }
0x305: {  	s30 =	simm.s32 $0x11620;
	s0 =	simm.s32 $0x4330  }
0x306: {  	[spmem:s2] =	stream.indirect.scatter.add.f32 [tilespmem:s30], [sflag:$0x4], $0x10, s0, s17, $0xb8;
	[tilespmem:$0x19B90] =	vst v63  }
0x307: {  	_ = 	snop  }
0x308: {  	[spmem:s3] =	stream.indirect.scatter.add.f32 [tilespmem:s18], [sflag:$0x5], $0x1, s0, s17, $0xb8;
	[tilespmem:$0x19B90] =	vst v63  }
0x309: {  	s30 =	simm.s32 $0x11B20;
	s0 =	simm.s32 $0x4380  }
0x30a: {  	[spmem:s2] =	stream.indirect.scatter.add.f32 [tilespmem:s30], [sflag:$0x4], $0x10, s0, s17, $0xb8;
	[tilespmem:$0x19B90] =	vst v63  }
0x30b: {  	_ = 	snop  }
0x30c: {  	[spmem:s3] =	stream.indirect.scatter.add.f32 [tilespmem:s18], [sflag:$0x5], $0x1, s0, s17, $0xb8;
	[tilespmem:$0x19B90] =	vst v63  }
0x30d: {  	s30 =	simm.s32 $0x12020;
	s0 =	simm.s32 $0x43D0  }
0x30e: {  	[spmem:s2] =	stream.indirect.scatter.add.f32 [tilespmem:s30], [sflag:$0x4], $0x10, s0, s17, $0xb8;
	[tilespmem:$0x19B90] =	vst v63  }
0x30f: {  	_ = 	snop  }
0x310: {  	[spmem:s3] =	stream.indirect.scatter.add.f32 [tilespmem:s18], [sflag:$0x5], $0x1, s0, s17, $0xb8;
	[tilespmem:$0x19B90] =	vst v63  }
0x311: {  	s30 =	simm.s32 $0x12520;
	s0 =	simm.s32 $0x4420  }
0x312: {  	[spmem:s2] =	stream.indirect.scatter.add.f32 [tilespmem:s30], [sflag:$0x4], $0x10, s0, s17, $0xb8;
	[tilespmem:$0x19B90] =	vst v63  }
0x313: {  	_ = 	snop  }
0x314: {  	[spmem:s3] =	stream.indirect.scatter.add.f32 [tilespmem:s18], [sflag:$0x5], $0x1, s0, s17, $0xb8;
	[tilespmem:$0x19B90] =	vst v63  }
0x315: {  	s30 =	simm.s32 $0x12A20;
	s0 =	simm.s32 $0x4470  }
0x316: {  	[spmem:s2] =	stream.indirect.scatter.add.f32 [tilespmem:s30], [sflag:$0x4], $0x10, s0, s17, $0xb8;
	[tilespmem:$0x19B90] =	vst v63  }
0x317: {  	_ = 	snop  }
0x318: {  	[spmem:s3] =	stream.indirect.scatter.add.f32 [tilespmem:s18], [sflag:$0x5], $0x1, s0, s17, $0xb8;
	[tilespmem:$0x19B90] =	vst v63  }
0x319: {  	s30 =	simm.s32 $0x12F20;
	s0 =	simm.s32 $0x44C0  }
0x31a: {  	[spmem:s2] =	stream.indirect.scatter.add.f32 [tilespmem:s30], [sflag:$0x4], $0x10, s0, s17, $0xb8;
	[tilespmem:$0x19B90] =	vst v63  }
0x31b: {  	_ = 	snop  }
0x31c: {  	[spmem:s3] =	stream.indirect.scatter.add.f32 [tilespmem:s18], [sflag:$0x5], $0x1, s0, s17, $0xb8;
	[tilespmem:$0x19B90] =	vst v63  }
0x31d: {  	s30 =	simm.s32 $0x13420;
	s0 =	simm.s32 $0x4510  }
0x31e: {  	[spmem:s2] =	stream.indirect.scatter.add.f32 [tilespmem:s30], [sflag:$0x4], $0x10, s0, s17, $0xb8;
	[tilespmem:$0x19B90] =	vst v63  }
0x31f: {  	_ = 	snop  }
0x320: {  	[spmem:s3] =	stream.indirect.scatter.add.f32 [tilespmem:s18], [sflag:$0x5], $0x1, s0, s17, $0xb8;
	[tilespmem:$0x19B90] =	vst v63  }
0x321: {  	s30 =	simm.s32 $0x13920;
	s0 =	simm.s32 $0x4560  }
0x322: {  	[spmem:s2] =	stream.indirect.scatter.add.f32 [tilespmem:s30], [sflag:$0x4], $0x10, s0, s17, $0xb8;
	[tilespmem:$0x19B90] =	vst v63  }
0x323: {  	_ = 	snop  }
0x324: {  	[spmem:s3] =	stream.indirect.scatter.add.f32 [tilespmem:s18], [sflag:$0x5], $0x1, s0, s17, $0xb8;
	[tilespmem:$0x19B90] =	vst v63  }
0x325: {  	s14 =	simm.s32 $0x13E20;
	s0 =	simm.s32 $0x45B0  }
0x326: {  	[spmem:s2] =	stream.indirect.scatter.add.f32 [tilespmem:s14], [sflag:$0x4], $0x10, s0, s17, $0xb8;
	[tilespmem:$0x19B90] =	vst v63  }
0x327: {  	_ = 	snop  }
0x328: {  	[spmem:s3] =	stream.indirect.scatter.add.f32 [tilespmem:s18], [sflag:$0x5], $0x1, s0, s17, $0xb8;
	[tilespmem:$0x19B90] =	vst v63  }
0x329: {  	s14 =	simm.s32 $0x14320;
	s0 =	simm.s32 $0x4600  }
0x32a: {  	[spmem:s2] =	stream.indirect.scatter.add.f32 [tilespmem:s14], [sflag:$0x4], $0x10, s0, s17, $0xb8;
	[tilespmem:$0x19B90] =	vst v63  }
0x32b: {  	_ = 	snop  }
0x32c: {  	[spmem:s3] =	stream.indirect.scatter.add.f32 [tilespmem:s18], [sflag:$0x5], $0x1, s0, s17, $0xb8;
	[tilespmem:$0x19B90] =	vst v63  }
0x32d: {  	_ =	swait.ge [sflag:s23], $0x2710  }
0x32e: {  	[sflag:s23] =	ssyncset.done $0x0  }
0x32f: {  	[sflag:s23] =	ssyncadd.s32 $0xFFFFD8F0  }
0x330: {  	_ =	swait.ge [sflag:s23], $0x2710  }
0x331: {  	[sflag:s23] =	ssyncset.done $0x0  }
0x332: {  	[sflag:s23] =	ssyncadd.s32 $0xFFFFD8F0  }
0x333: {  	_ =	swait.ge [sflag:s23], $0x2710  }
0x334: {  	[sflag:s23] =	ssyncset.done $0x0  }
0x335: {  	[sflag:s23] =	ssyncadd.s32 $0xFFFFD8F0  }
0x336: {  	_ =	swait.ge [sflag:s23], $0x7D0  }
0x337: {  	[sflag:s23] =	ssyncset.done $0x0  }
0x338: {  	[sflag:s23] =	ssyncadd.s32 $0xFFFFF830  }
0x339: {  	_ =	swait.ge [sflag:s4], $0x2710  }
0x33a: {  	[sflag:s4] =	ssyncset.done $0x0  }
0x33b: {  	[sflag:s4] =	ssyncadd.s32 $0xFFFFD8F0  }
0x33c: {  	_ =	swait.ge [sflag:s4], $0x2710  }
0x33d: {  	[sflag:s4] =	ssyncset.done $0x0  }
0x33e: {  	[sflag:s4] =	ssyncadd.s32 $0xFFFFD8F0  }
0x33f: {  	_ =	swait.ge [sflag:s4], $0x2710  }
0x340: {  	[sflag:s4] =	ssyncset.done $0x0  }
0x341: {  	[sflag:s4] =	ssyncadd.s32 $0xFFFFD8F0  }
0x342: {  	_ =	swait.ge [sflag:s4], $0x7D0  }
0x343: {  	[sflag:s4] =	ssyncset.done $0x0  }
0x344: {  	s30 =	simm.s32 $0x4E20;
	s0 =	simm.s32 $0x4650;
	[sflag:s4] =	ssyncadd.s32 $0xFFFFF830  }
0x345: {  	[spmem:s2] =	stream.indirect.scatter.add.f32 [tilespmem:s30], [sflag:$0x3], $0x10, s0, s17, $0xb8;
	[tilespmem:$0x19B90] =	vst v63  }
0x346: {  	_ = 	snop  }
0x347: {  	[spmem:s3] =	stream.indirect.scatter.add.f32 [tilespmem:s18], [sflag:$0x5], $0x1, s0, s17, $0xb8;
	[tilespmem:$0x19B90] =	vst v63  }
0x348: {  	s30 =	simm.s32 $0x5320;
	s0 =	simm.s32 $0x46A0  }
0x349: {  	[spmem:s2] =	stream.indirect.scatter.add.f32 [tilespmem:s30], [sflag:$0x3], $0x10, s0, s17, $0xb8;
	[tilespmem:$0x19B90] =	vst v63  }
0x34a: {  	_ = 	snop  }
0x34b: {  	[spmem:s3] =	stream.indirect.scatter.add.f32 [tilespmem:s18], [sflag:$0x5], $0x1, s0, s17, $0xb8;
	[tilespmem:$0x19B90] =	vst v63  }
0x34c: {  	s30 =	simm.s32 $0x5820;
	s0 =	simm.s32 $0x46F0  }
0x34d: {  	[spmem:s2] =	stream.indirect.scatter.add.f32 [tilespmem:s30], [sflag:$0x3], $0x10, s0, s17, $0xb8;
	[tilespmem:$0x19B90] =	vst v63  }
0x34e: {  	_ = 	snop  }
0x34f: {  	[spmem:s3] =	stream.indirect.scatter.add.f32 [tilespmem:s18], [sflag:$0x5], $0x1, s0, s17, $0xb8;
	[tilespmem:$0x19B90] =	vst v63  }
0x350: {  	s30 =	simm.s32 $0x5D20;
	s0 =	simm.s32 $0x4740  }
0x351: {  	[spmem:s2] =	stream.indirect.scatter.add.f32 [tilespmem:s30], [sflag:$0x3], $0x10, s0, s17, $0xb8;
	[tilespmem:$0x19B90] =	vst v63  }
0x352: {  	_ = 	snop  }
0x353: {  	[spmem:s3] =	stream.indirect.scatter.add.f32 [tilespmem:s18], [sflag:$0x5], $0x1, s0, s17, $0xb8;
	[tilespmem:$0x19B90] =	vst v63  }
0x354: {  	s30 =	simm.s32 $0x6220;
	s0 =	simm.s32 $0x4790  }
0x355: {  	[spmem:s2] =	stream.indirect.scatter.add.f32 [tilespmem:s30], [sflag:$0x3], $0x10, s0, s17, $0xb8;
	[tilespmem:$0x19B90] =	vst v63  }
0x356: {  	_ = 	snop  }
0x357: {  	[spmem:s3] =	stream.indirect.scatter.add.f32 [tilespmem:s18], [sflag:$0x5], $0x1, s0, s17, $0xb8;
	[tilespmem:$0x19B90] =	vst v63  }
0x358: {  	s30 =	simm.s32 $0x6720;
	s0 =	simm.s32 $0x47E0  }
0x359: {  	[spmem:s2] =	stream.indirect.scatter.add.f32 [tilespmem:s30], [sflag:$0x3], $0x10, s0, s17, $0xb8;
	[tilespmem:$0x19B90] =	vst v63  }
0x35a: {  	_ = 	snop  }
0x35b: {  	[spmem:s3] =	stream.indirect.scatter.add.f32 [tilespmem:s18], [sflag:$0x5], $0x1, s0, s17, $0xb8;
	[tilespmem:$0x19B90] =	vst v63  }
0x35c: {  	s28 =	simm.s32 $0x6C20;
	s30 =	simm.s32 $0x4830  }
0x35d: {  	[spmem:s2] =	stream.indirect.scatter.add.f32 [tilespmem:s28], [sflag:$0x3], $0x10, s30, s17, $0xb8;
	[tilespmem:$0x19B90] =	vst v63  }
0x35e: {  	_ = 	snop  }
0x35f: {  	[spmem:s3] =	stream.indirect.scatter.add.f32 [tilespmem:s18], [sflag:$0x5], $0x1, s30, s17, $0xb8;
	[tilespmem:$0x19B90] =	vst v63  }
0x360: {  	s26 =	simm.s32 $0x7120;
	s14 =	simm.s32 $0x4880  }
0x361: {  	[spmem:s2] =	stream.indirect.scatter.add.f32 [tilespmem:s26], [sflag:$0x3], $0x10, s14, s17, $0xb8;
	[tilespmem:$0x19B90] =	vst v63  }
0x362: {  	_ = 	snop  }
0x363: {  	[spmem:s3] =	stream.indirect.scatter.add.f32 [tilespmem:s18], [sflag:$0x5], $0x1, s14, s17, $0xb8;
	[tilespmem:$0x19B90] =	vst v63  }
0x364: {  	s24 =	simm.s32 $0x7620;
	s26 =	simm.s32 $0x48D0  }
0x365: {  	[spmem:s2] =	stream.indirect.scatter.add.f32 [tilespmem:s24], [sflag:$0x3], $0x10, s26, s17, $0xb8;
	[tilespmem:$0x19B90] =	vst v63  }
0x366: {  	_ = 	snop  }
0x367: {  	[spmem:s3] =	stream.indirect.scatter.add.f32 [tilespmem:s18], [sflag:$0x5], $0x1, s26, s17, $0xb8;
	[tilespmem:$0x19B90] =	vst v63  }
0x368: {  	s20 =	simm.s32 $0x7B20;
	s28 =	simm.s32 $0x4920  }
0x369: {  	[spmem:s2] =	stream.indirect.scatter.add.f32 [tilespmem:s20], [sflag:$0x3], $0x10, s28, s17, $0xb8;
	[tilespmem:$0x19B90] =	vst v63  }
0x36a: {  	_ = 	snop  }
0x36b: {  	[spmem:s3] =	stream.indirect.scatter.add.f32 [tilespmem:s18], [sflag:$0x5], $0x1, s28, s17, $0xb8;
	[tilespmem:$0x19B90] =	vst v63  }
0x36c: {  	s16 =	simm.s32 $0x8020;
	s30 =	simm.s32 $0x4970  }
0x36d: {  	[spmem:s2] =	stream.indirect.scatter.add.f32 [tilespmem:s16], [sflag:$0x3], $0x10, s30, s17, $0xb8;
	[tilespmem:$0x19B90] =	vst v63  }
0x36e: {  	_ = 	snop  }
0x36f: {  	[spmem:s3] =	stream.indirect.scatter.add.f32 [tilespmem:s18], [sflag:$0x5], $0x1, s30, s17, $0xb8;
	[tilespmem:$0x19B90] =	vst v63  }
0x370: {  	s15 =	simm.s32 $0x8520;
	s14 =	simm.s32 $0x49C0  }
0x371: {  	[spmem:s2] =	stream.indirect.scatter.add.f32 [tilespmem:s15], [sflag:$0x3], $0x10, s14, s17, $0xb8;
	[tilespmem:$0x19B90] =	vst v63  }
0x372: {  	_ = 	snop  }
0x373: {  	[spmem:s3] =	stream.indirect.scatter.add.f32 [tilespmem:s18], [sflag:$0x5], $0x1, s14, s17, $0xb8;
	[tilespmem:$0x19B90] =	vst v63  }
0x374: {  	s13 =	simm.s32 $0x8A20;
	s15 =	simm.s32 $0x4A10  }
0x375: {  	[spmem:s2] =	stream.indirect.scatter.add.f32 [tilespmem:s13], [sflag:$0x3], $0x10, s15, s17, $0xb8;
	[tilespmem:$0x19B90] =	vst v63  }
0x376: {  	_ = 	snop  }
0x377: {  	[spmem:s3] =	stream.indirect.scatter.add.f32 [tilespmem:s18], [sflag:$0x5], $0x1, s15, s17, $0xb8;
	[tilespmem:$0x19B90] =	vst v63  }
0x378: {  	s12 =	simm.s32 $0x8F20;
	s16 =	simm.s32 $0x4A60  }
0x379: {  	[spmem:s2] =	stream.indirect.scatter.add.f32 [tilespmem:s12], [sflag:$0x3], $0x10, s16, s17, $0xb8;
	[tilespmem:$0x19B90] =	vst v63  }
0x37a: {  	_ = 	snop  }
0x37b: {  	[spmem:s3] =	stream.indirect.scatter.add.f32 [tilespmem:s18], [sflag:$0x5], $0x1, s16, s17, $0xb8;
	[tilespmem:$0x19B90] =	vst v63  }
0x37c: {  	s11 =	simm.s32 $0x9420;
	s20 =	simm.s32 $0x4AB0  }
0x37d: {  	[spmem:s2] =	stream.indirect.scatter.add.f32 [tilespmem:s11], [sflag:$0x3], $0x10, s20, s17, $0xb8;
	[tilespmem:$0x19B90] =	vst v63  }
0x37e: {  	_ = 	snop  }
0x37f: {  	[spmem:s3] =	stream.indirect.scatter.add.f32 [tilespmem:s18], [sflag:$0x5], $0x1, s20, s17, $0xb8;
	[tilespmem:$0x19B90] =	vst v63  }
0x380: {  	s10 =	simm.s32 $0x9920;
	s24 =	simm.s32 $0x4B00  }
0x381: {  	[spmem:s2] =	stream.indirect.scatter.add.f32 [tilespmem:s10], [sflag:$0x3], $0x10, s24, s17, $0xb8;
	[tilespmem:$0x19B90] =	vst v63  }
0x382: {  	_ = 	snop  }
0x383: {  	[spmem:s3] =	stream.indirect.scatter.add.f32 [tilespmem:s18], [sflag:$0x5], $0x1, s24, s17, $0xb8;
	[tilespmem:$0x19B90] =	vst v63  }
0x384: {  	s9 =	simm.s32 $0x9E20;
	s26 =	simm.s32 $0x4B50  }
0x385: {  	[spmem:s2] =	stream.indirect.scatter.add.f32 [tilespmem:s9], [sflag:$0x3], $0x10, s26, s17, $0xb8;
	[tilespmem:$0x19B90] =	vst v63  }
0x386: {  	_ = 	snop  }
0x387: {  	[spmem:s3] =	stream.indirect.scatter.add.f32 [tilespmem:s18], [sflag:$0x5], $0x1, s26, s17, $0xb8;
	[tilespmem:$0x19B90] =	vst v63  }
0x388: {  	s8 =	simm.s32 $0xA320;
	s28 =	simm.s32 $0x4BA0  }
0x389: {  	[spmem:s2] =	stream.indirect.scatter.add.f32 [tilespmem:s8], [sflag:$0x3], $0x10, s28, s17, $0xb8;
	[tilespmem:$0x19B90] =	vst v63  }
0x38a: {  	_ = 	snop  }
0x38b: {  	[spmem:s3] =	stream.indirect.scatter.add.f32 [tilespmem:s18], [sflag:$0x5], $0x1, s28, s17, $0xb8;
	[tilespmem:$0x19B90] =	vst v63  }
0x38c: {  	s7 =	simm.s32 $0xA820;
	s30 =	simm.s32 $0x4BF0  }
0x38d: {  	[spmem:s2] =	stream.indirect.scatter.add.f32 [tilespmem:s7], [sflag:$0x3], $0x10, s30, s17, $0xb8;
	[tilespmem:$0x19B90] =	vst v63  }
0x38e: {  	_ = 	snop  }
0x38f: {  	[spmem:s3] =	stream.indirect.scatter.add.f32 [tilespmem:s18], [sflag:$0x5], $0x1, s30, s17, $0xb8;
	[tilespmem:$0x19B90] =	vst v63  }
0x390: {  	s6 =	simm.s32 $0xAD20;
	s7 =	simm.s32 $0x4C40  }
0x391: {  	[spmem:s2] =	stream.indirect.scatter.add.f32 [tilespmem:s6], [sflag:$0x3], $0x10, s7, s17, $0xb8;
	[tilespmem:$0x19B90] =	vst v63  }
0x392: {  	_ = 	snop  }
0x393: {  	[spmem:s3] =	stream.indirect.scatter.add.f32 [tilespmem:s18], [sflag:$0x5], $0x1, s7, s17, $0xb8;
	[tilespmem:$0x19B90] =	vst v63  }
0x394: {  	s9 =	simm.s32 $0xB220;
	s8 =	simm.s32 $0x4C90  }
0x395: {  	[spmem:s2] =	stream.indirect.scatter.add.f32 [tilespmem:s9], [sflag:$0x3], $0x10, s8, s17, $0xb8;
	[tilespmem:$0x19B90] =	vst v63  }
0x396: {  	_ = 	snop  }
0x397: {  	[spmem:s3] =	stream.indirect.scatter.add.f32 [tilespmem:s18], [sflag:$0x5], $0x1, s8, s17, $0xb8;
	[tilespmem:$0x19B90] =	vst v63  }
0x398: {  	s1 =	simm.s32 $0xB720;
	s10 =	simm.s32 $0x4CE0  }
0x399: {  	[spmem:s2] =	stream.indirect.scatter.add.f32 [tilespmem:s1], [sflag:$0x3], $0x10, s10, s17, $0xb8;
	[tilespmem:$0x19B90] =	vst v63  }
0x39a: {  	_ = 	snop  }
0x39b: {  	[spmem:s3] =	stream.indirect.scatter.add.f32 [tilespmem:s18], [sflag:$0x5], $0x1, s10, s17, $0xb8;
	[tilespmem:$0x19B90] =	vst v63  }
0x39c: {  	s31 =	simm.s32 $0xBC20;
	s11 =	simm.s32 $0x4D30  }
0x39d: {  	[spmem:s2] =	stream.indirect.scatter.add.f32 [tilespmem:s31], [sflag:$0x3], $0x10, s11, s17, $0xb8;
	[tilespmem:$0x19B90] =	vst v63  }
0x39e: {  	_ = 	snop  }
0x39f: {  	[spmem:s3] =	stream.indirect.scatter.add.f32 [tilespmem:s18], [sflag:$0x5], $0x1, s11, s17, $0xb8;
	[tilespmem:$0x19B90] =	vst v63  }
0x3a0: {  	s22 =	simm.s32 $0xC120;
	s12 =	simm.s32 $0x4D80  }
0x3a1: {  	[spmem:s2] =	stream.indirect.scatter.add.f32 [tilespmem:s22], [sflag:$0x3], $0x10, s12, s17, $0xb8;
	[tilespmem:$0x19B90] =	vst v63  }
0x3a2: {  	_ = 	snop  }
0x3a3: {  	[spmem:s3] =	stream.indirect.scatter.add.f32 [tilespmem:s18], [sflag:$0x5], $0x1, s12, s17, $0xb8;
	[tilespmem:$0x19B90] =	vst v63  }
0x3a4: {  	s29 =	simm.s32 $0xC620;
	s13 =	simm.s32 $0x4DD0  }
0x3a5: {  	[spmem:s2] =	stream.indirect.scatter.add.f32 [tilespmem:s29], [sflag:$0x3], $0x10, s13, s17, $0xb8;
	[tilespmem:$0x19B90] =	vst v63  }
0x3a6: {  	_ = 	snop  }
0x3a7: {  	[spmem:s3] =	stream.indirect.scatter.add.f32 [tilespmem:s18], [sflag:$0x5], $0x1, s13, s17, $0xb8;
	[tilespmem:$0x19B90] =	vst v63  }
0x3a8: {  	_ =	swait.ge [sflag:s19], $0x2710  }
0x3a9: {  	[sflag:s19] =	ssyncset.done $0x0  }
0x3aa: {  	[sflag:s19] =	ssyncadd.s32 $0xFFFFD8F0  }
0x3ab: {  	_ =	swait.ge [sflag:s19], $0x2710  }
0x3ac: {  	[sflag:s19] =	ssyncset.done $0x0  }
0x3ad: {  	[sflag:s19] =	ssyncadd.s32 $0xFFFFD8F0  }
0x3ae: {  	_ =	swait.ge [sflag:s19], $0x2710  }
0x3af: {  	[sflag:s19] =	ssyncset.done $0x0  }
0x3b0: {  	[sflag:s19] =	ssyncadd.s32 $0xFFFFD8F0  }
0x3b1: {  	_ =	swait.ge [sflag:s19], $0x7D0  }
0x3b2: {  	[sflag:s19] =	ssyncset.done $0x0  }
0x3b3: {  	[sflag:s19] =	ssyncadd.s32 $0xFFFFF830  }
0x3b4: {  	_ =	swait.ge [sflag:s25], $0x280  }
0x3b5: {  	[sflag:s25] =	ssyncset.done $0x0  }
0x3b6: {  	[sflag:s25] =	ssyncadd.s32 $0xFFFFFD80  }
0x3b7: {  	_ =	swait.ge [sflag:s25], $0x280  }
0x3b8: {  	[sflag:s25] =	ssyncset.done $0x0  }
0x3b9: {  	[sflag:s25] =	ssyncadd.s32 $0xFFFFFD80  }
0x3ba: {  	_ =	swait.ge [sflag:s25], $0x280  }
0x3bb: {  	[sflag:s25] =	ssyncset.done $0x0  }
0x3bc: {  	[sflag:s25] =	ssyncadd.s32 $0xFFFFFD80  }
0x3bd: {  	_ =	swait.ge [sflag:s25], $0x280  }
0x3be: {  	[sflag:s25] =	ssyncset.done $0x0  }
0x3bf: {  	[sflag:s25] =	ssyncadd.s32 $0xFFFFFD80  }
0x3c0: {  	_ =	swait.ge [sflag:s25], $0x280  }
0x3c1: {  	[sflag:s25] =	ssyncset.done $0x0  }
0x3c2: {  	[sflag:s25] =	ssyncadd.s32 $0xFFFFFD80  }
0x3c3: {  	_ =	swait.ge [sflag:s25], $0x280  }
0x3c4: {  	[sflag:s25] =	ssyncset.done $0x0  }
0x3c5: {  	[sflag:s25] =	ssyncadd.s32 $0xFFFFFD80  }
0x3c6: {  	_ =	swait.ge [sflag:s25], $0x280  }
0x3c7: {  	[sflag:s25] =	ssyncset.done $0x0  }
0x3c8: {  	[sflag:s25] =	ssyncadd.s32 $0xFFFFFD80  }
0x3c9: {  	_ =	swait.ge [sflag:s25], $0x280  }
0x3ca: {  	[sflag:s25] =	ssyncset.done $0x0  }
0x3cb: {  	[sflag:s25] =	ssyncadd.s32 $0xFFFFFD80  }
0x3cc: {  	_ =	swait.ge [sflag:s25], $0x280  }
0x3cd: {  	[sflag:s25] =	ssyncset.done $0x0  }
0x3ce: {  	[sflag:s25] =	ssyncadd.s32 $0xFFFFFD80  }
0x3cf: {  	_ =	swait.ge [sflag:s25], $0x280  }
0x3d0: {  	[sflag:s25] =	ssyncset.done $0x0  }
0x3d1: {  	[sflag:s25] =	ssyncadd.s32 $0xFFFFFD80  }
0x3d2: {  	_ =	swait.ge [sflag:s25], $0x280  }
0x3d3: {  	[sflag:s25] =	ssyncset.done $0x0  }
0x3d4: {  	[sflag:s25] =	ssyncadd.s32 $0xFFFFFD80  }
0x3d5: {  	_ =	swait.ge [sflag:s25], $0x280  }
0x3d6: {  	[sflag:s25] =	ssyncset.done $0x0  }
0x3d7: {  	[sflag:s25] =	ssyncadd.s32 $0xFFFFFD80  }
0x3d8: {  	_ =	swait.ge [sflag:s25], $0x280  }
0x3d9: {  	[sflag:s25] =	ssyncset.done $0x0  }
0x3da: {  	[sflag:s25] =	ssyncadd.s32 $0xFFFFFD80  }
0x3db: {  	_ =	swait.ge [sflag:s25], $0x280  }
0x3dc: {  	[sflag:s25] =	ssyncset.done $0x0  }
0x3dd: {  	[sflag:s25] =	ssyncadd.s32 $0xFFFFFD80  }
0x3de: {  	_ =	swait.ge [sflag:s25], $0x280  }
0x3df: {  	[sflag:s25] =	ssyncset.done $0x0  }
0x3e0: {  	[sflag:s25] =	ssyncadd.s32 $0xFFFFFD80  }
0x3e1: {  	_ =	swait.ge [sflag:s25], $0x190  }
0x3e2: {  	[sflag:s25] =	ssyncset.done $0x0  }
0x3e3: {  	[sflag:s25] =	ssyncadd.s32 $0xFFFFFE70  }
0x3e4: {  	[bflag:$0x0] =	sbarrier.arrive $0xFFFF  }
0x3e5: {  	s14 =	simm.s32 $0x14820;
	s16 =	simm.s32 $0x6;
	s15 =	rddreg [dreg:$0x5]  }
0x3e6: {  	[tilespmem:s14], [sflag:$0x6] =	stream.linear.gather [spmem:s15], $0x2710, $0x38;
	[tilespmem:$0x19B90] =	vst v63  }
0x3e7: {  	_ =	swait.ge [sflag:s16], $0x2710  }
0x3e8: {  	[sflag:s16] =	ssyncset.done $0x0  }
0x3e9: {  	s22 =	simm.s32 $0x0;
	s20 =	rddreg [dreg:$0x9];
	[sflag:s16] =	ssyncadd.s32 $0xFFFFD8F0  }
0x3ea: {  	[hbm4b:s20+s22] =	stream.linear.scatter [tilespmem:s14], [sflag:$0x6], $0x2710, $0x38;
	[tilespmem:$0x19B90] =	vst v63  }
0x3eb: {  	_ =	swait.ge [sflag:s16], $0x2710  }
0x3ec: {  	[sflag:s16] =	ssyncset.done $0x0  }
0x3ed: {  	s24 =	simm.s32 $0x19690;
	s26 =	rddreg [dreg:$0x6];
	[sflag:s16] =	ssyncadd.s32 $0xFFFFD8F0  }
0x3ee: {  	[tilespmem:s24], [sflag:$0x6] =	stream.linear.gather [spmem:s26], $0x280, $0x38;
	[tilespmem:$0x19B90] =	vst v63  }
0x3ef: {  	_ =	swait.ge [sflag:s16], $0x280  }
0x3f0: {  	[sflag:s16] =	ssyncset.done $0x0  }
0x3f1: {  	s28 =	rddreg [dreg:$0xa];
	[sflag:s16] =	ssyncadd.s32 $0xFFFFFD80  }
0x3f2: {  	[hbm4b:s28+s22] =	stream.linear.scatter [tilespmem:s24], [sflag:$0x6], $0x280, $0x38;
	[tilespmem:$0x19B90] =	vst v63  }
0x3f3: {  	_ =	swait.ge [sflag:s16], $0x280  }
0x3f4: {  	s29 =	rddreg [dreg:$0xc]  }
0x3f5: {  	s31 =	rddreg [dreg:$0xb];
	s0 =	sadd.s32 $0x1, s29  }
0x3f6: {  	p0 =	sne.s32 s0, s31  }
.Ltmp1:
0x3f7: {  	_ = 	snop;
	(pc) =	sbr.rel @p0 .LBB2_1-.Ltmp1, $3  }
0x3f8: {  	_ =	sdelay $0x1  }
0x3f9: {  	s30 =	simm.s32 $0x6;
	[sflag:s16] =	ssyncset.done $0x0  }
0x3fa: {  	[sflag:s30] =	ssyncadd.s32 $0xFFFFFD80  }
0x3fb: {  	_ =	sfence.sel $0x180000  }
0x3fc: {  	[bflag:$0x0] =	sbarrier.arrive $0xFFFF  }
0x3fd: {  	_ =	strace $0x9000004A  }
0x3fe: {  	s0 =	stileid.u32;
	[bflag:$0x2] =	sbarrier.arrive $0xFFFF  }
0x3ff: {  	p0 =	sne.s32 s0, $0x0;
	s0 =	rddreg [dreg:$0x4]  }
0x400: {  	s0 =	sadd.s32 @!p0 $0x100000, s0  }
0x401: {  	[sflag:s0] =	ssyncadd.tile.s32 @!p0 $0x1;
	_ =	shalt  }
.Lfunc_end2:
_tile_overlayer_lowered:
.L_overlay_start_2:
0x402: {  	(tag) =	ssettag $0x2  }
0x403: {  	s0 =	rddreg [dreg:$0x0];
	s2 =	stileid.u32  }
0x404: {  	s1 =	rddreg [dreg:$0x1];
	p0 =	sne.s32 s2, $0x0  }
0x405: {  	s3 =	rddreg [dreg:$0x2];
	[bflag:$0x3] =	sbarrier.arrive $0xFFFF;
	s2 =	simm.s32 @!p0 $0x1C06  }
0x406: {  	[timem:s3], [sflag:s2] =	dma.local @!p0 [hbm:s0], s1  }
0x407: {  	s0 =	simm.s32 @!p0 $0x6  }
0x408: {  	_ =	swait.ge @!p0 [sflag:s0], s1  }
0x409: {  	s1 =	ssub.s32 @!p0 $0x0, s1;
	[sflag:s0] =	ssyncset.done @!p0 $0x0  }
0x40a: {  	[sflag:s0] =	ssyncadd.s32 @!p0 s1  }
0x40b: {  	[bflag:$0x3] =	sbarrier.arrive $0xFFFF  }
0x40c: {  	_ =	shalt  }

// kernel: kernel.14.cloned.1.call-start
scs
__scs_entry_jumppad:
0x0: {  	(pc) =	sbr.rel $0x88, $3  }
0x1: {  	(tag) =	ssettag $0x0;
	lr =	simm.s32 $0x1  }
0x2: {  	[smem:$0x3F9B] =	sst lr;
	_ =	strace $0xD0000000  }
0x3: {  	_ = 	snop  }
0x4: {  	_ = 	snop  }
0x5: {  	_ = 	snop  }
0x6: {  	_ = 	snop  }
0x7: {  	_ = 	snop  }
__scs_overlays_trampoline_lowered:
0x8: {  	[smem:$0x3FAA] =	sst s0  }
0x9: {  	[smem:$0x3FAB] =	sst s1  }
0xa: {  	[smem:$0x3FAC] =	sst s2  }
0xb: {  	[smem:$0x3FAD] =	sst s3  }
0xc: {  	[smem:$0x3FAE] =	sst s4  }
0xd: {  	[smem:$0x3FAF] =	sst s5  }
0xe: {  	[smem:$0x3FB0] =	sst s6  }
0xf: {  	[smem:$0x3FB1] =	sst s7  }
0x10: {  	[smem:$0x3FB2] =	sst s8  }
0x11: {  	[smem:$0x3FB3] =	sst s9;
	s0 =	simm.s32 @!p0 $0x0  }
0x12: {  	s1 =	sld [smem:$0x3F99];
	s0 =	simm.s32 @p0 $0x1  }
0x13: {  	[smem:$0x3FB4] =	sst s0;
	s0 =	simm.s32 @!p1 $0x0  }
0x14: {  	s2 =	sld [smem:$0x3F98];
	s0 =	simm.s32 @p1 $0x1  }
0x15: {  	[smem:$0x3FB5] =	sst s0;
	s0 =	simm.s32 @!p2 $0x0  }
0x16: {  	s3 =	sld [smem:$0x3FDB];
	s0 =	simm.s32 @p2 $0x1  }
0x17: {  	s4 =	simm.s32 $0x1BF5;
	[smem:$0x3FB7] =	sst s0  }
0x18: {  	s0 =	sld [smem:$0x3F9A];
	_ =	swait.ge [sflag:s4], $0x0  }
0x19: {  	s7 =	sld [smem:$0x3F9B]  }
0x1a: {  	s8 =	sadd.s32 $0xFFFFE003, lr  }
0x1b: {  	s9 =	sadd.s32 $0xFFFFFEF7, lr;
	s5 =	simm.s32 $0xFFFFFFFF;
	p2 =	slt.u32 s8, $0xFFFFF086  }
0x1c: {  	p1 =	slt.u32 s9, $0xF7A;
	s5 =	simm.s32 @!p2 $0x0  }
0x1d: {  	s5 =	simm.s32 @p1 $0x1;
	p0 =	seq.s32 s7, s2  }
0x1e: {  	s7 =	smul.u32 @!p0 $0xF7A, s2;
	p2 =	seq.s32 @!p0 s5, $0x0  }
0x1f: {  	s9 =	smul.u32 $0xF7A, s1;
	s8 =	simm.s32 @!p0 $0x1BF5;
	p2 =	por !p2, p0  }
0x20: {  	[sflag:s8] =	ssyncset.s32 @!p0 $0xFFFFF086;
	s6 =	sadd.s32 @!p0 s3, s7;
	s7 =	simm.s32 @!p0 $0x108  }
0x21: {  	s3 =	sadd.s32 s3, s9;
	s6 =	sadd.s32 @!p0 $0x88, s6;
	s7 =	simm.s32 @p2 $0x1082  }
0x22: {  	[simem:s7], [sflag:s8] =	dma.local @!p0 [hbm:s6], $0xF7A  }
0x23: {  	s9 =	sor.u32 $0xD0000000, s2;
	s6 =	simm.s32 $0x108;
	_ =	swait.ge @!p0 [sflag:s8], $0x0  }
0x24: {  	s3 =	sadd.s32 $0x88, s3;
	s6 =	simm.s32 @!p1 $0x1082;
	[sflag:s4] =	ssyncset.s32 $0xFFFFF086  }
0x25: {  	[simem:s6], [sflag:s4] =	dma.local [hbm:s3], $0xF7A  }
0x26: {  	[smem:$0x3F9B] =	sst s1;
	(tag) =	ssettag s2;
	_ =	strace s9  }
0x27: {  	s1 =	sld [smem:$0x3FAB]  }
0x28: {  	s2 =	sld [smem:$0x3FAC]  }
0x29: {  	s4 =	sld [smem:$0x3FAE]  }
0x2a: {  	p0 =	seq.s32 s5, $0x0;
	s5 =	sld [smem:$0x3FAF]  }
0x2b: {  	s6 =	sld [smem:$0x3FB0]  }
0x2c: {  	s7 =	sld [smem:$0x3FB1]  }
0x2d: {  	s3 =	simm.s32 $0x108;
	s8 =	sld [smem:$0x3FB2]  }
0x2e: {  	s3 =	simm.s32 @!p0 $0x1082;
	s9 =	sld [smem:$0x3FB3]  }
0x2f: {  	lr =	sadd.s32 s0, s3;
	s0 =	sld [smem:$0x3FAA]  }
0x30: {  	s3 =	sld [smem:$0x3FAD]  }
0x31: {  	[smem:$0x3FB6] =	sst s10  }
0x32: {  	s10 =	sld [smem:$0x3FB4];
	_ =	sdelay $0x3  }
0x33: {  	p0 =	seq.s32 s10, $0x1;
	s10 =	sld [smem:$0x3FB6];
	_ =	sdelay $0x3  }
0x34: {  	[smem:$0x3FB6] =	sst s10  }
0x35: {  	s10 =	sld [smem:$0x3FB5];
	_ =	sdelay $0x3  }
0x36: {  	p1 =	seq.s32 s10, $0x1;
	s10 =	sld [smem:$0x3FB6];
	_ =	sdelay $0x3  }
0x37: {  	[smem:$0x3FB6] =	sst s10  }
0x38: {  	s10 =	sld [smem:$0x3FB7]  }
0x39: {  	_ = 	snop;
	(pc) =	sbr.ind lr, $3  }
0x3a: {  	_ = 	snop  }
0x3b: {  	_ = 	snop  }
0x3c: {  	p2 =	seq.s32 s10, $0x1;
	s10 =	sld [smem:$0x3FB6]  }
0x3d: {  	_ =	shalt  }
0x3e: {  	_ =	shalt  }
0x3f: {  	_ =	shalt  }
0x40: {  	_ =	shalt  }
0x41: {  	_ =	shalt  }
0x42: {  	_ =	shalt  }
0x43: {  	_ =	shalt  }
0x44: {  	_ =	shalt  }
0x45: {  	_ =	shalt  }
0x46: {  	_ =	shalt  }
0x47: {  	_ =	shalt  }
0x48: {  	_ =	shalt  }
0x49: {  	_ =	shalt  }
0x4a: {  	_ =	shalt  }
0x4b: {  	_ =	shalt  }
0x4c: {  	_ =	shalt  }
0x4d: {  	_ =	shalt  }
0x4e: {  	_ =	shalt  }
0x4f: {  	_ =	shalt  }
0x50: {  	_ =	shalt  }
0x51: {  	_ =	shalt  }
0x52: {  	_ =	shalt  }
0x53: {  	_ =	shalt  }
0x54: {  	_ =	shalt  }
0x55: {  	_ =	shalt  }
0x56: {  	_ =	shalt  }
0x57: {  	_ =	shalt  }
0x58: {  	_ =	shalt  }
0x59: {  	_ =	shalt  }
0x5a: {  	_ =	shalt  }
0x5b: {  	_ =	shalt  }
0x5c: {  	_ =	shalt  }
0x5d: {  	_ =	shalt  }
0x5e: {  	_ =	shalt  }
0x5f: {  	_ =	shalt  }
0x60: {  	_ =	shalt  }
0x61: {  	_ =	shalt  }
0x62: {  	_ =	shalt  }
0x63: {  	_ =	shalt  }
0x64: {  	_ =	shalt  }
0x65: {  	_ =	shalt  }
0x66: {  	_ =	shalt  }
0x67: {  	_ =	shalt  }
0x68: {  	_ =	shalt  }
0x69: {  	_ =	shalt  }
0x6a: {  	_ =	shalt  }
0x6b: {  	_ =	shalt  }
0x6c: {  	_ =	shalt  }
0x6d: {  	_ =	shalt  }
0x6e: {  	_ =	shalt  }
0x6f: {  	_ =	shalt  }
0x70: {  	_ =	shalt  }
0x71: {  	_ =	shalt  }
0x72: {  	_ =	shalt  }
0x73: {  	_ =	shalt  }
0x74: {  	_ =	shalt  }
0x75: {  	_ =	shalt  }
0x76: {  	_ =	shalt  }
0x77: {  	_ =	shalt  }
0x78: {  	_ =	shalt  }
0x79: {  	_ =	shalt  }
0x7a: {  	_ =	shalt  }
0x7b: {  	_ =	shalt  }
0x7c: {  	_ =	shalt  }
0x7d: {  	_ =	shalt  }
0x7e: {  	_ =	shalt  }
0x7f: {  	_ =	shalt  }
0x80: {  	_ =	shalt  }
0x81: {  	_ =	shalt  }
0x82: {  	_ =	shalt  }
0x83: {  	_ =	shalt  }
0x84: {  	_ =	shalt  }
0x85: {  	_ =	shalt  }
0x86: {  	_ =	shalt  }
0x87: {  	_ =	shalt  }
.Lfunc_end0:
.L_simem_size_0:
called_computation.2_lowered:
.L_overlay_start_0:
0x88: {  	s2 =	sld [smem:$0x3FD9]  }
0x89: {  	s3 =	sld [smem:$0x3FFE];
	_ =	sdelay $0x1  }
0x8a: {  	s1 =	srdreg.scid  }
0x8b: {  	s0 =	sand.u32 $0x1, s1  }
0x8c: {  	s17 =	sshll.u32 s0, $0xA;
	s2 =	sadd.s32 s3, s2  }
0x8d: {  	s2 =	sadd.s32 s2, s17  }
0x8e: {  	[smem:$0x3FC2] =	sst s2  }
0x8f: {  	_ = 	snop  }
0x90: {  	s2 =	sld [smem:$0x3FD0];
	(tm) =	ssettm $0x1  }
0x91: {  	s18 =	sld [smem:$0x3FFB];
	_ =	sdelay $0x3  }
0x92: {  	_ =	strace s18  }
0x93: {  	s3 =	sld [smem:$0x3FFC];
	_ =	sdelay $0x3  }
0x94: {  	_ =	strace s3  }
0x95: {  	s3 =	sld [smem:$0x3FFD];
	_ =	sdelay $0x3  }
0x96: {  	_ =	strace s3  }
0x97: {  	_ =	strace $0x8FFFFFFF  }
0x98: {  	s19 =	sld [smem:$0x3FDB];
	_ =	sdelay $0x1  }
0x99: {  	s4 =	simm.s32 $_scs_section_size  }
0x9a: {  	s5 =	simm.s32 $_size__tile_overlayer_lowered;
	s6 =	simm.s32 $_tile_overlayer_lowered  }
0x9b: {  	s22 =	simm.s32 $0x1BFF;
	s21 =	sshll.u32 s6, $0x1;
	s3 =	sadd.s32 s4, s19  }
0x9c: {  	s7 =	simm.s32 $0x0;
	s20 =	sshll.u32 s5, $0x1;
	s5 =	sadd.s32 s21, s3  }
0x9d: {  	[timem:s7], [sflag:s22] =	dma.local [hbm:s5], s20  }
0x9e: {  	_ =	swait.ge [sflag:s22], s20  }
0x9f: {  	s4 =	ssub.s32 $0x0, s20;
	[sflag:s22] =	ssyncset.done $0x0  }
0xa0: {  	[sflag:s22] =	ssyncadd.s32 s4;
	_ =	sdelay $0x1  }
0xa1: {  	s23 =	simm.s32 $0x1B8B  }
0xa2: {  	_ =	swait.ge [sflag:s23], $0x1  }
0xa3: {  	[sflag:s23] =	ssyncset.done $0x0  }
0xa4: {  	s25 =	simm.s32 $0x1B8E;
	s24 =	sld [smem:$0x3FFE];
	[sflag:s23] =	ssyncadd.s32 $0xFFFFFFFF  }
0xa5: {  	s26 =	simm.s32 $execute0_lowered;
	[smem:$0x3FD2] =	sst s25  }
0xa6: {  	s5 =	sshll.u32 s26, $0x1;
	_ =	strace $0x8000004C;
	[dreg:$0x1] =	wrdreg $0xFFFFFFFF  }
0xa7: {  	s28 =	simm.s32 $_size_execute0_lowered;
	s3 =	sadd.s32 s3, s5;
	[dreg:$0x0] =	wrdreg $0x0  }
0xa8: {  	s5 =	sshll.u32 s28, $0x1;
	[dreg:$0x2] =	wrdreg s3  }
0xa9: {  	[dreg:$0x3] =	wrdreg s5  }
0xaa: {  	[dreg:$0x4] =	wrdreg $0xC0  }
0xab: {  	_ =	task [dreg:s7], $0x5FFFF  }
0xac: {  	[dreg:$0x1] =	wrdreg $0xFFFFFFFF  }
0xad: {  	[dreg:$0x0] =	wrdreg $0x60  }
0xae: {  	[dreg:$0x2] =	wrdreg s24  }
0xaf: {  	[dreg:$0x3] =	wrdreg s2  }
0xb0: {  	[dreg:$0x4] =	wrdreg $0x16F300  }
0xb1: {  	[dreg:$0x5] =	wrdreg $0x9  }
0xb2: {  	_ =	task.clear_ibuf [dreg:s7], $0x6FFFF;
	_ =	strace $0x9000004C  }
0xb3: {  	s29 =	simm.s32 $0x9;
	_ =	strace $0x8000004E  }
0xb4: {  	_ =	swait.ge [sflag:s29], $0x1  }
0xb5: {  	[sflag:s29] =	ssyncadd.s32 $0xFFFFFFFF  }
0xb6: {  	_ =	strace $0x9000004E  }
0xb7: {  	_ =	sfence  }
0xb8: {  	s30 =	sld [smem:$0x0];
	_ =	sdelay $0x2  }
0xb9: {  	s31 =	sshll.u32 s1, $0xD;
	s1 =	sshrl.u32 s1, $0x2  }
0xba: {  	s3 =	sand.u32 $0x4000, s31;
	s1 =	sadd.s32 s1, s30  }
0xbb: {  	s0 =	sor.u32 s3, s0;
	s1 =	sshll.u32 s1, $0x11  }
0xbc: {  	s0 =	sor.u32 s1, s0  }
0xbd: {  	s0 =	sadd.s32 $0x8F2B, s0  }
0xbe: {  	[sflag:s0] =	ssyncadd.remote.s32 $0x1  }
0xbf: {  	_ =	sfence.sel $0xFFFF  }
0xc0: {  	[dreg:$0x0] =	wrdreg $0xFFFFFFFF;
	(pc) =	sbr.abs _section_cstart, $3  }
0xc1: {  	[dreg:$0x1] =	wrdreg $0xFFFFFFFF  }
0xc2: {  	_ =	task.clear_ibuf [dreg:s7], $0x2FFFF;
	_ =	strace $0x9FFFFFFF  }
0xc3: {  	(tm) =	ssettm $0x7FFFFFFF  }
tec
execute0_lowered:
.L_overlay_start_1:
0x0: {  	(tag) =	ssettag $0x1  }
0x1: {  	s0 =	rddreg [dreg:$0x0]  }
0x2: {  	s1 =	rddreg [dreg:$0x1]  }
0x3: {  	s2 =	rddreg [dreg:$0x2]  }
0x4: {  	s3 =	srdreg.scid;
	s4 =	stileid.u32  }
0x5: {  	s7 =	simm.s32 $0x0;
	s13 =	simm.s32 $0x50;
	s14 =	simm.s32 $0x2  }
0x6: {  	s15 =	simm.s32 $0x4;
	s3 =	sand.u32 $0x1, s3;
	s5 =	smul.u32 $0x2710, s4  }
0x7: {  	s4 =	sshll.u32 s4, $0x1;
	[smem:$0x7FF] =	sst s7;
	s6 =	smul.u32 $0x27100, s3  }
0x8: {  	s4 =	sor.u32 s3, s4;
	_ =	strace $0x8000004D;
	s3 =	ssub.s32 $0x2, s3  }
0x9: {  	s28 =	smul.u32 $0x4E2, s4;
	s4 =	sadd.s32 $0xB600, s0;
	s29 =	sshrl.u32 s3, $0x1  }
0xa: {  	s6 =	sadd.s32 s5, s6;
	s3 =	ssub.s32 s3, s29;
	s5 =	sadd.s32 s5, s2  }
0xb: {  	s6 =	sshrl.u32 s6, $0x3;
	[dreg:$0x4] =	wrdreg s5;
	s1 =	sadd.s32 s1, s28  }
0xc: {  	s8 =	sadd.s32 s28, s0;
	s31 =	smax.u32 s3, $0x1;
	[dreg:$0x6] =	wrdreg s1  }
0xd: {  	s0 =	sadd.s32 s6, s0;
	s30 =	sadd.s32 $0x1800, s8;
	[dreg:$0x8] =	wrdreg s31  }
0xe: {  	s5 =	simm.s32 $0x1;
	[dreg:$0x5] =	wrdreg s30;
	s0 =	sadd.s32 $0x10600, s0  }
0xf: {  	v0 =	vimm.f32 $0.0e+00;
	s3 =	simm.s32 $0x3;
	s1 =	simm.s32 $0x0;
	[dreg:$0x7] =	wrdreg s0  }
.LBB2_1:
0x10: {  	[dreg:$0x9] =	wrdreg s1;
	s19 =	simm.s32 $0x40;
	s21 =	simm.s32 $0x0  }
.LBB2_2:
0x11: {  	p0 =	sne.s32 s19, $0x9C00;
	[tilespmem:s21+$0x14820] =	vst v0;
	s21 =	smov.u32 s19;
	s19 =	sadd.s32 $0x40, s19  }
.Ltmp0:
0x12: {  	(pc) =	sbr.rel @p0 .LBB2_2-.Ltmp0, $2  }
0x13: {  	_ =	sdelay $0x2  }
0x14: {  	s21 =	sshra.s32 s21, $0x2  }
0x15: {  	[tilespmem:s21+$0x14820] =	vst v0;
	s1 =	rddreg [dreg:$0x4];
	s0 =	simm.s32 $0x14820;
	s8 =	simm.s32 $0x5  }
0x16: {  	[spmem:s1] =	stream.linear.scatter [tilespmem:s0], [sflag:$0x5], $0x2710, $0x38;
	[tilespmem:$0x19640] =	vst v63  }
0x17: {  	_ =	swait.ge [sflag:s8], $0x2710  }
0x18: {  	[sflag:s8] =	ssyncset.done $0x0  }
0x19: {  	[sflag:s8] =	ssyncadd.s32 $0xFFFFD8F0  }
0x1a: {  	[bflag:$0x0] =	sbarrier.arrive $0xFFFF  }
0x1b: {  	s9 =	simm.s32 $0x0;
	s23 =	rddreg [dreg:$0x5]  }
0x1c: {  	[tilespmem:s9], [sflag:$0x5] =	stream.linear.gather [hbm4b:s23+s9], $0x2710, $0x38;
	[tilespmem:$0x19640] =	vst v63  }
0x1d: {  	_ =	swait.ge [sflag:s8], $0x2710  }
0x1e: {  	[sflag:s8] =	ssyncset.done $0x0  }
0x1f: {  	s28 =	simm.s32 $0x2710;
	s10 =	rddreg [dreg:$0x6];
	[sflag:s8] =	ssyncadd.s32 $0xFFFFD8F0  }
0x20: {  	[tilespmem:s28], [sflag:$0x5] =	stream.linear.gather [hbm4b:s10+s9], $0x2710, $0x38;
	[tilespmem:$0x19640] =	vst v63  }
0x21: {  	_ =	swait.ge [sflag:s8], $0x2710  }
0x22: {  	[sflag:s8] =	ssyncset.done $0x0  }
0x23: {  	s11 =	simm.s32 $0x4E20;
	[sflag:s8] =	ssyncadd.s32 $0xFFFFD8F0  }
0x24: {  	[tilespmem:s11], [sflag:$0x1] =	stream.indirect.gather [hbm4b:s4+s13], $0x10, s9, s13, $0xb8;
	[tilespmem:$0x19640] =	vst v63  }
0x25: {  	s12 =	simm.s32 $0x5320  }
0x26: {  	[tilespmem:s12], [sflag:$0x1] =	stream.indirect.gather [hbm4b:s4+s13], $0x10, s13, s13, $0xb8;
	[tilespmem:$0x19640] =	vst v63  }
0x27: {  	s16 =	simm.s32 $0xA0;
	s17 =	simm.s32 $0x5820  }
0x28: {  	[tilespmem:s17], [sflag:$0x1] =	stream.indirect.gather [hbm4b:s4+s13], $0x10, s16, s13, $0xb8;
	[tilespmem:$0x19640] =	vst v63  }
0x29: {  	s18 =	simm.s32 $0xF0;
	s19 =	simm.s32 $0x5D20  }
0x2a: {  	[tilespmem:s19], [sflag:$0x1] =	stream.indirect.gather [hbm4b:s4+s13], $0x10, s18, s13, $0xb8;
	[tilespmem:$0x19640] =	vst v63  }
0x2b: {  	s20 =	simm.s32 $0x140;
	s21 =	simm.s32 $0x6220  }
0x2c: {  	[tilespmem:s21], [sflag:$0x1] =	stream.indirect.gather [hbm4b:s4+s13], $0x10, s20, s13, $0xb8;
	[tilespmem:$0x19640] =	vst v63  }
0x2d: {  	s22 =	simm.s32 $0x190;
	s23 =	simm.s32 $0x6720  }
0x2e: {  	[tilespmem:s23], [sflag:$0x1] =	stream.indirect.gather [hbm4b:s4+s13], $0x10, s22, s13, $0xb8;
	[tilespmem:$0x19640] =	vst v63  }
0x2f: {  	s24 =	simm.s32 $0x1E0;
	s25 =	simm.s32 $0x6C20  }
0x30: {  	[tilespmem:s25], [sflag:$0x1] =	stream.indirect.gather [hbm4b:s4+s13], $0x10, s24, s13, $0xb8;
	[tilespmem:$0x19640] =	vst v63  }
0x31: {  	s26 =	simm.s32 $0x230;
	s29 =	simm.s32 $0x7120  }
0x32: {  	[tilespmem:s29], [sflag:$0x1] =	stream.indirect.gather [hbm4b:s4+s13], $0x10, s26, s13, $0xb8;
	[tilespmem:$0x19640] =	vst v63  }
0x33: {  	s30 =	simm.s32 $0x280;
	s31 =	simm.s32 $0x7620  }
0x34: {  	[tilespmem:s31], [sflag:$0x1] =	stream.indirect.gather [hbm4b:s4+s13], $0x10, s30, s13, $0xb8;
	[tilespmem:$0x19640] =	vst v63  }
0x35: {  	s6 =	simm.s32 $0x7B20;
	s1 =	simm.s32 $0x2D0  }
0x36: {  	[tilespmem:s6], [sflag:$0x1] =	stream.indirect.gather [hbm4b:s4+s13], $0x10, s1, s13, $0xb8;
	[tilespmem:$0x19640] =	vst v63  }
0x37: {  	s7 =	simm.s32 $0x320;
	s8 =	simm.s32 $0x8020  }
0x38: {  	[tilespmem:s8], [sflag:$0x1] =	stream.indirect.gather [hbm4b:s4+s13], $0x10, s7, s13, $0xb8;
	[tilespmem:$0x19640] =	vst v63  }
0x39: {  	s10 =	simm.s32 $0x8520;
	s9 =	simm.s32 $0x370  }
0x3a: {  	[tilespmem:s10], [sflag:$0x1] =	stream.indirect.gather [hbm4b:s4+s13], $0x10, s9, s13, $0xb8;
	[tilespmem:$0x19640] =	vst v63  }
0x3b: {  	s11 =	simm.s32 $0x3C0;
	s12 =	simm.s32 $0x8A20  }
0x3c: {  	[tilespmem:s12], [sflag:$0x1] =	stream.indirect.gather [hbm4b:s4+s13], $0x10, s11, s13, $0xb8;
	[tilespmem:$0x19640] =	vst v63  }
0x3d: {  	s16 =	simm.s32 $0x410;
	s17 =	simm.s32 $0x8F20  }
0x3e: {  	[tilespmem:s17], [sflag:$0x1] =	stream.indirect.gather [hbm4b:s4+s13], $0x10, s16, s13, $0xb8;
	[tilespmem:$0x19640] =	vst v63  }
0x3f: {  	s18 =	simm.s32 $0x460;
	s19 =	simm.s32 $0x9420  }
0x40: {  	[tilespmem:s19], [sflag:$0x1] =	stream.indirect.gather [hbm4b:s4+s13], $0x10, s18, s13, $0xb8;
	[tilespmem:$0x19640] =	vst v63  }
0x41: {  	s20 =	simm.s32 $0x4B0;
	s21 =	simm.s32 $0x9920  }
0x42: {  	[tilespmem:s21], [sflag:$0x1] =	stream.indirect.gather [hbm4b:s4+s13], $0x10, s20, s13, $0xb8;
	[tilespmem:$0x19640] =	vst v63  }
0x43: {  	s22 =	simm.s32 $0x500;
	s23 =	simm.s32 $0x9E20  }
0x44: {  	[tilespmem:s23], [sflag:$0x1] =	stream.indirect.gather [hbm4b:s4+s13], $0x10, s22, s13, $0xb8;
	[tilespmem:$0x19640] =	vst v63  }
0x45: {  	s24 =	simm.s32 $0x550;
	s25 =	simm.s32 $0xA320  }
0x46: {  	[tilespmem:s25], [sflag:$0x1] =	stream.indirect.gather [hbm4b:s4+s13], $0x10, s24, s13, $0xb8;
	[tilespmem:$0x19640] =	vst v63  }
0x47: {  	s26 =	simm.s32 $0x5A0;
	s29 =	simm.s32 $0xA820  }
0x48: {  	[tilespmem:s29], [sflag:$0x1] =	stream.indirect.gather [hbm4b:s4+s13], $0x10, s26, s13, $0xb8;
	[tilespmem:$0x19640] =	vst v63  }
0x49: {  	s30 =	simm.s32 $0x5F0;
	s31 =	simm.s32 $0xAD20  }
0x4a: {  	[tilespmem:s31], [sflag:$0x1] =	stream.indirect.gather [hbm4b:s4+s13], $0x10, s30, s13, $0xb8;
	[tilespmem:$0x19640] =	vst v63  }
0x4b: {  	s1 =	simm.s32 $0x640;
	s6 =	simm.s32 $0xB220  }
0x4c: {  	[tilespmem:s6], [sflag:$0x1] =	stream.indirect.gather [hbm4b:s4+s13], $0x10, s1, s13, $0xb8;
	[tilespmem:$0x19640] =	vst v63  }
0x4d: {  	s7 =	simm.s32 $0x690;
	s8 =	simm.s32 $0xB720  }
0x4e: {  	[tilespmem:s8], [sflag:$0x1] =	stream.indirect.gather [hbm4b:s4+s13], $0x10, s7, s13, $0xb8;
	[tilespmem:$0x19640] =	vst v63  }
0x4f: {  	s9 =	simm.s32 $0x6E0;
	s10 =	simm.s32 $0xBC20  }
0x50: {  	[tilespmem:s10], [sflag:$0x1] =	stream.indirect.gather [hbm4b:s4+s13], $0x10, s9, s13, $0xb8;
	[tilespmem:$0x19640] =	vst v63  }
0x51: {  	s11 =	simm.s32 $0x730;
	s12 =	simm.s32 $0xC120  }
0x52: {  	[tilespmem:s12], [sflag:$0x1] =	stream.indirect.gather [hbm4b:s4+s13], $0x10, s11, s13, $0xb8;
	[tilespmem:$0x19640] =	vst v63  }
0x53: {  	s16 =	simm.s32 $0x780;
	s17 =	simm.s32 $0xC620  }
0x54: {  	[tilespmem:s17], [sflag:$0x1] =	stream.indirect.gather [hbm4b:s4+s13], $0x10, s16, s13, $0xb8;
	[tilespmem:$0x19640] =	vst v63  }
0x55: {  	s18 =	simm.s32 $0x7D0;
	s19 =	simm.s32 $0xCB20  }
0x56: {  	[tilespmem:s19], [sflag:$0x2] =	stream.indirect.gather [hbm4b:s4+s13], $0x10, s18, s13, $0xb8;
	[tilespmem:$0x19640] =	vst v63  }
0x57: {  	s20 =	simm.s32 $0x820;
	s21 =	simm.s32 $0xD020  }
0x58: {  	[tilespmem:s21], [sflag:$0x2] =	stream.indirect.gather [hbm4b:s4+s13], $0x10, s20, s13, $0xb8;
	[tilespmem:$0x19640] =	vst v63  }
0x59: {  	s22 =	simm.s32 $0x870;
	s23 =	simm.s32 $0xD520  }
0x5a: {  	[tilespmem:s23], [sflag:$0x2] =	stream.indirect.gather [hbm4b:s4+s13], $0x10, s22, s13, $0xb8;
	[tilespmem:$0x19640] =	vst v63  }
0x5b: {  	s24 =	simm.s32 $0x8C0;
	s25 =	simm.s32 $0xDA20  }
0x5c: {  	[tilespmem:s25], [sflag:$0x2] =	stream.indirect.gather [hbm4b:s4+s13], $0x10, s24, s13, $0xb8;
	[tilespmem:$0x19640] =	vst v63  }
0x5d: {  	s26 =	simm.s32 $0x910;
	s29 =	simm.s32 $0xDF20  }
0x5e: {  	[tilespmem:s29], [sflag:$0x2] =	stream.indirect.gather [hbm4b:s4+s13], $0x10, s26, s13, $0xb8;
	[tilespmem:$0x19640] =	vst v63  }
0x5f: {  	s30 =	simm.s32 $0x960;
	s31 =	simm.s32 $0xE420  }
0x60: {  	[tilespmem:s31], [sflag:$0x2] =	stream.indirect.gather [hbm4b:s4+s13], $0x10, s30, s13, $0xb8;
	[tilespmem:$0x19640] =	vst v63  }
0x61: {  	s1 =	simm.s32 $0x9B0;
	s6 =	simm.s32 $0xE920  }
0x62: {  	[tilespmem:s6], [sflag:$0x2] =	stream.indirect.gather [hbm4b:s4+s13], $0x10, s1, s13, $0xb8;
	[tilespmem:$0x19640] =	vst v63  }
0x63: {  	s7 =	simm.s32 $0xA00;
	s8 =	simm.s32 $0xEE20  }
0x64: {  	[tilespmem:s8], [sflag:$0x2] =	stream.indirect.gather [hbm4b:s4+s13], $0x10, s7, s13, $0xb8;
	[tilespmem:$0x19640] =	vst v63  }
0x65: {  	s9 =	simm.s32 $0xA50;
	s10 =	simm.s32 $0xF320  }
0x66: {  	[tilespmem:s10], [sflag:$0x2] =	stream.indirect.gather [hbm4b:s4+s13], $0x10, s9, s13, $0xb8;
	[tilespmem:$0x19640] =	vst v63  }
0x67: {  	s11 =	simm.s32 $0xAA0;
	s12 =	simm.s32 $0xF820  }
0x68: {  	[tilespmem:s12], [sflag:$0x2] =	stream.indirect.gather [hbm4b:s4+s13], $0x10, s11, s13, $0xb8;
	[tilespmem:$0x19640] =	vst v63  }
0x69: {  	s16 =	simm.s32 $0xAF0;
	s17 =	simm.s32 $0xFD20  }
0x6a: {  	[tilespmem:s17], [sflag:$0x2] =	stream.indirect.gather [hbm4b:s4+s13], $0x10, s16, s13, $0xb8;
	[tilespmem:$0x19640] =	vst v63  }
0x6b: {  	s18 =	simm.s32 $0xB40;
	s19 =	simm.s32 $0x10220  }
0x6c: {  	[tilespmem:s19], [sflag:$0x2] =	stream.indirect.gather [hbm4b:s4+s13], $0x10, s18, s13, $0xb8;
	[tilespmem:$0x19640] =	vst v63  }
0x6d: {  	s20 =	simm.s32 $0xB90;
	s21 =	simm.s32 $0x10720  }
0x6e: {  	[tilespmem:s21], [sflag:$0x2] =	stream.indirect.gather [hbm4b:s4+s13], $0x10, s20, s13, $0xb8;
	[tilespmem:$0x19640] =	vst v63  }
0x6f: {  	s22 =	simm.s32 $0xBE0;
	s23 =	simm.s32 $0x10C20  }
0x70: {  	[tilespmem:s23], [sflag:$0x2] =	stream.indirect.gather [hbm4b:s4+s13], $0x10, s22, s13, $0xb8;
	[tilespmem:$0x19640] =	vst v63  }
0x71: {  	s24 =	simm.s32 $0xC30;
	s25 =	simm.s32 $0x11120  }
0x72: {  	[tilespmem:s25], [sflag:$0x2] =	stream.indirect.gather [hbm4b:s4+s13], $0x10, s24, s13, $0xb8;
	[tilespmem:$0x19640] =	vst v63  }
0x73: {  	s26 =	simm.s32 $0xC80;
	s29 =	simm.s32 $0x11620  }
0x74: {  	[tilespmem:s29], [sflag:$0x2] =	stream.indirect.gather [hbm4b:s4+s13], $0x10, s26, s13, $0xb8;
	[tilespmem:$0x19640] =	vst v63  }
0x75: {  	s30 =	simm.s32 $0xCD0;
	s31 =	simm.s32 $0x11B20  }
0x76: {  	[tilespmem:s31], [sflag:$0x2] =	stream.indirect.gather [hbm4b:s4+s13], $0x10, s30, s13, $0xb8;
	[tilespmem:$0x19640] =	vst v63  }
0x77: {  	s6 =	simm.s32 $0xD20;
	s7 =	simm.s32 $0x12020  }
0x78: {  	[tilespmem:s7], [sflag:$0x2] =	stream.indirect.gather [hbm4b:s4+s13], $0x10, s6, s13, $0xb8;
	[tilespmem:$0x19640] =	vst v63  }
0x79: {  	s8 =	simm.s32 $0xD70;
	s9 =	simm.s32 $0x12520  }
0x7a: {  	[tilespmem:s9], [sflag:$0x2] =	stream.indirect.gather [hbm4b:s4+s13], $0x10, s8, s13, $0xb8;
	[tilespmem:$0x19640] =	vst v63  }
0x7b: {  	s10 =	simm.s32 $0xDC0;
	s11 =	simm.s32 $0x12A20  }
0x7c: {  	[tilespmem:s11], [sflag:$0x2] =	stream.indirect.gather [hbm4b:s4+s13], $0x10, s10, s13, $0xb8;
	[tilespmem:$0x19640] =	vst v63  }
0x7d: {  	s12 =	simm.s32 $0xE10;
	s16 =	simm.s32 $0x12F20  }
0x7e: {  	[tilespmem:s16], [sflag:$0x2] =	stream.indirect.gather [hbm4b:s4+s13], $0x10, s12, s13, $0xb8;
	[tilespmem:$0x19640] =	vst v63  }
0x7f: {  	s17 =	simm.s32 $0xE60;
	s18 =	simm.s32 $0x13420  }
0x80: {  	[tilespmem:s18], [sflag:$0x2] =	stream.indirect.gather [hbm4b:s4+s13], $0x10, s17, s13, $0xb8;
	[tilespmem:$0x19640] =	vst v63  }
0x81: {  	s19 =	simm.s32 $0xEB0;
	s20 =	simm.s32 $0x13920  }
0x82: {  	[tilespmem:s20], [sflag:$0x2] =	stream.indirect.gather [hbm4b:s4+s13], $0x10, s19, s13, $0xb8;
	[tilespmem:$0x19640] =	vst v63  }
0x83: {  	s21 =	simm.s32 $0xF00;
	s22 =	simm.s32 $0x13E20  }
0x84: {  	[tilespmem:s22], [sflag:$0x2] =	stream.indirect.gather [hbm4b:s4+s13], $0x10, s21, s13, $0xb8;
	[tilespmem:$0x19640] =	vst v63  }
0x85: {  	s23 =	simm.s32 $0xF50;
	s24 =	simm.s32 $0x14320  }
0x86: {  	[tilespmem:s24], [sflag:$0x2] =	stream.indirect.gather [hbm4b:s4+s13], $0x10, s23, s13, $0xb8;
	[tilespmem:$0x19640] =	vst v63  }
0x87: {  	_ =	swait.ge [sflag:s5], $0x2710  }
0x88: {  	[sflag:s5] =	ssyncset.done $0x0  }
0x89: {  	[sflag:s5] =	ssyncadd.s32 $0xFFFFD8F0  }
0x8a: {  	_ =	swait.ge [sflag:s5], $0x2710  }
0x8b: {  	[sflag:s5] =	ssyncset.done $0x0  }
0x8c: {  	[sflag:s5] =	ssyncadd.s32 $0xFFFFD8F0  }
0x8d: {  	_ =	swait.ge [sflag:s5], $0x2710  }
0x8e: {  	[sflag:s5] =	ssyncset.done $0x0  }
0x8f: {  	[sflag:s5] =	ssyncadd.s32 $0xFFFFD8F0  }
0x90: {  	_ =	swait.ge [sflag:s5], $0x7D0  }
0x91: {  	[sflag:s5] =	ssyncset.done $0x0  }
0x92: {  	s25 =	simm.s32 $0x4E20;
	[sflag:s5] =	ssyncadd.s32 $0xFFFFF830  }
0x93: {  	[spmem:s2] =	stream.indirect.scatter.add.f32 [tilespmem:s25], [sflag:$0x3], $0x10, s28, s13, $0xb8;
	[tilespmem:$0x19640] =	vst v63  }
0x94: {  	s26 =	simm.s32 $0x2760;
	s25 =	simm.s32 $0x5320  }
0x95: {  	[spmem:s2] =	stream.indirect.scatter.add.f32 [tilespmem:s25], [sflag:$0x3], $0x10, s26, s13, $0xb8;
	[tilespmem:$0x19640] =	vst v63  }
0x96: {  	s16 =	simm.s32 $0x5820;
	s28 =	simm.s32 $0x27B0  }
0x97: {  	[spmem:s2] =	stream.indirect.scatter.add.f32 [tilespmem:s16], [sflag:$0x3], $0x10, s28, s13, $0xb8;
	[tilespmem:$0x19640] =	vst v63  }
0x98: {  	s29 =	simm.s32 $0x2800;
	s20 =	simm.s32 $0x5D20  }
0x99: {  	[spmem:s2] =	stream.indirect.scatter.add.f32 [tilespmem:s20], [sflag:$0x3], $0x10, s29, s13, $0xb8;
	[tilespmem:$0x19640] =	vst v63  }
0x9a: {  	s30 =	simm.s32 $0x2850;
	s24 =	simm.s32 $0x6220  }
0x9b: {  	[spmem:s2] =	stream.indirect.scatter.add.f32 [tilespmem:s24], [sflag:$0x3], $0x10, s30, s13, $0xb8;
	[tilespmem:$0x19640] =	vst v63  }
0x9c: {  	s31 =	simm.s32 $0x28A0;
	s29 =	simm.s32 $0x6720  }
0x9d: {  	[spmem:s2] =	stream.indirect.scatter.add.f32 [tilespmem:s29], [sflag:$0x3], $0x10, s31, s13, $0xb8;
	[tilespmem:$0x19640] =	vst v63  }
0x9e: {  	s1 =	simm.s32 $0x28F0;
	s6 =	simm.s32 $0x6C20  }
0x9f: {  	[spmem:s2] =	stream.indirect.scatter.add.f32 [tilespmem:s6], [sflag:$0x3], $0x10, s1, s13, $0xb8;
	[tilespmem:$0x19640] =	vst v63  }
0xa0: {  	s7 =	simm.s32 $0x2940;
	s22 =	simm.s32 $0x7120  }
0xa1: {  	[spmem:s2] =	stream.indirect.scatter.add.f32 [tilespmem:s22], [sflag:$0x3], $0x10, s7, s13, $0xb8;
	[tilespmem:$0x19640] =	vst v63  }
0xa2: {  	s8 =	simm.s32 $0x2990;
	s28 =	simm.s32 $0x7620  }
0xa3: {  	[spmem:s2] =	stream.indirect.scatter.add.f32 [tilespmem:s28], [sflag:$0x3], $0x10, s8, s13, $0xb8;
	[tilespmem:$0x19640] =	vst v63  }
0xa4: {  	s9 =	simm.s32 $0x29E0;
	s26 =	simm.s32 $0x7B20  }
0xa5: {  	[spmem:s2] =	stream.indirect.scatter.add.f32 [tilespmem:s26], [sflag:$0x3], $0x10, s9, s13, $0xb8;
	[tilespmem:$0x19640] =	vst v63  }
0xa6: {  	s10 =	simm.s32 $0x2A30;
	s18 =	simm.s32 $0x8020  }
0xa7: {  	[spmem:s2] =	stream.indirect.scatter.add.f32 [tilespmem:s18], [sflag:$0x3], $0x10, s10, s13, $0xb8;
	[tilespmem:$0x19640] =	vst v63  }
0xa8: {  	s11 =	simm.s32 $0x2A80;
	s12 =	simm.s32 $0x8520  }
0xa9: {  	[spmem:s2] =	stream.indirect.scatter.add.f32 [tilespmem:s12], [sflag:$0x3], $0x10, s11, s13, $0xb8;
	[tilespmem:$0x19640] =	vst v63  }
0xaa: {  	s17 =	simm.s32 $0x2AD0;
	s7 =	simm.s32 $0x8A20  }
0xab: {  	[spmem:s2] =	stream.indirect.scatter.add.f32 [tilespmem:s7], [sflag:$0x3], $0x10, s17, s13, $0xb8;
	[tilespmem:$0x19640] =	vst v63  }
0xac: {  	s19 =	simm.s32 $0x2B20;
	s8 =	simm.s32 $0x8F20  }
0xad: {  	[spmem:s2] =	stream.indirect.scatter.add.f32 [tilespmem:s8], [sflag:$0x3], $0x10, s19, s13, $0xb8;
	[tilespmem:$0x19640] =	vst v63  }
0xae: {  	s21 =	simm.s32 $0x2B70;
	s9 =	simm.s32 $0x9420  }
0xaf: {  	[spmem:s2] =	stream.indirect.scatter.add.f32 [tilespmem:s9], [sflag:$0x3], $0x10, s21, s13, $0xb8;
	[tilespmem:$0x19640] =	vst v63  }
0xb0: {  	s23 =	simm.s32 $0x2BC0;
	s10 =	simm.s32 $0x9920  }
0xb1: {  	[spmem:s2] =	stream.indirect.scatter.add.f32 [tilespmem:s10], [sflag:$0x3], $0x10, s23, s13, $0xb8;
	[tilespmem:$0x19640] =	vst v63  }
0xb2: {  	s30 =	simm.s32 $0x2C10;
	s11 =	simm.s32 $0x9E20  }
0xb3: {  	[spmem:s2] =	stream.indirect.scatter.add.f32 [tilespmem:s11], [sflag:$0x3], $0x10, s30, s13, $0xb8;
	[tilespmem:$0x19640] =	vst v63  }
0xb4: {  	s31 =	simm.s32 $0x2C60;
	s19 =	simm.s32 $0xA320  }
0xb5: {  	[spmem:s2] =	stream.indirect.scatter.add.f32 [tilespmem:s19], [sflag:$0x3], $0x10, s31, s13, $0xb8;
	[tilespmem:$0x19640] =	vst v63  }
0xb6: {  	s1 =	simm.s32 $0x2CB0;
	s21 =	simm.s32 $0xA820  }
0xb7: {  	[spmem:s2] =	stream.indirect.scatter.add.f32 [tilespmem:s21], [sflag:$0x3], $0x10, s1, s13, $0xb8;
	[tilespmem:$0x19640] =	vst v63  }
0xb8: {  	s17 =	simm.s32 $0x2D00;
	s23 =	simm.s32 $0xAD20  }
0xb9: {  	[spmem:s2] =	stream.indirect.scatter.add.f32 [tilespmem:s23], [sflag:$0x3], $0x10, s17, s13, $0xb8;
	[tilespmem:$0x19640] =	vst v63  }
0xba: {  	s30 =	simm.s32 $0x2D50;
	s17 =	simm.s32 $0xB220  }
0xbb: {  	[spmem:s2] =	stream.indirect.scatter.add.f32 [tilespmem:s17], [sflag:$0x3], $0x10, s30, s13, $0xb8;
	[tilespmem:$0x19640] =	vst v63  }
0xbc: {  	s31 =	simm.s32 $0x2DA0;
	s30 =	simm.s32 $0xB720  }
0xbd: {  	[spmem:s2] =	stream.indirect.scatter.add.f32 [tilespmem:s30], [sflag:$0x3], $0x10, s31, s13, $0xb8;
	[tilespmem:$0x19640] =	vst v63  }
0xbe: {  	s1 =	simm.s32 $0x2DF0;
	s31 =	simm.s32 $0xBC20  }
0xbf: {  	[spmem:s2] =	stream.indirect.scatter.add.f32 [tilespmem:s31], [sflag:$0x3], $0x10, s1, s13, $0xb8;
	[tilespmem:$0x19640] =	vst v63  }
0xc0: {  	s0 =	simm.s32 $0x2E40;
	s1 =	simm.s32 $0xC120  }
0xc1: {  	[spmem:s2] =	stream.indirect.scatter.add.f32 [tilespmem:s1], [sflag:$0x3], $0x10, s0, s13, $0xb8;
	[tilespmem:$0x19640] =	vst v63  }
0xc2: {  	s0 =	simm.s32 $0x2E90;
	s1 =	simm.s32 $0xC620  }
0xc3: {  	[spmem:s2] =	stream.indirect.scatter.add.f32 [tilespmem:s1], [sflag:$0x3], $0x10, s0, s13, $0xb8;
	[tilespmem:$0x19640] =	vst v63  }
0xc4: {  	_ =	swait.ge [sflag:s3], $0x2710  }
0xc5: {  	[sflag:s3] =	ssyncset.done $0x0  }
0xc6: {  	[sflag:s3] =	ssyncadd.s32 $0xFFFFD8F0  }
0xc7: {  	_ =	swait.ge [sflag:s3], $0x2710  }
0xc8: {  	[sflag:s3] =	ssyncset.done $0x0  }
0xc9: {  	[sflag:s3] =	ssyncadd.s32 $0xFFFFD8F0  }
0xca: {  	_ =	swait.ge [sflag:s3], $0x2710  }
0xcb: {  	[sflag:s3] =	ssyncset.done $0x0  }
0xcc: {  	[sflag:s3] =	ssyncadd.s32 $0xFFFFD8F0  }
0xcd: {  	_ =	swait.ge [sflag:s3], $0x7D0  }
0xce: {  	[sflag:s3] =	ssyncset.done $0x0  }
0xcf: {  	s0 =	simm.s32 $0xFA0;
	s1 =	simm.s32 $0x4E20;
	[sflag:s3] =	ssyncadd.s32 $0xFFFFF830  }
0xd0: {  	[tilespmem:s1], [sflag:$0x1] =	stream.indirect.gather [hbm4b:s4+s13], $0x10, s0, s13, $0xb8;
	[tilespmem:$0x19640] =	vst v63  }
0xd1: {  	s1 =	simm.s32 $0xFF0  }
0xd2: {  	[tilespmem:s25], [sflag:$0x1] =	stream.indirect.gather [hbm4b:s4+s13], $0x10, s1, s13, $0xb8;
	[tilespmem:$0x19640] =	vst v63  }
0xd3: {  	s1 =	simm.s32 $0x1040  }
0xd4: {  	[tilespmem:s16], [sflag:$0x1] =	stream.indirect.gather [hbm4b:s4+s13], $0x10, s1, s13, $0xb8;
	[tilespmem:$0x19640] =	vst v63  }
0xd5: {  	s25 =	simm.s32 $0x1090  }
0xd6: {  	[tilespmem:s20], [sflag:$0x1] =	stream.indirect.gather [hbm4b:s4+s13], $0x10, s25, s13, $0xb8;
	[tilespmem:$0x19640] =	vst v63  }
0xd7: {  	s1 =	simm.s32 $0x10E0  }
0xd8: {  	[tilespmem:s24], [sflag:$0x1] =	stream.indirect.gather [hbm4b:s4+s13], $0x10, s1, s13, $0xb8;
	[tilespmem:$0x19640] =	vst v63  }
0xd9: {  	s16 =	simm.s32 $0x1130  }
0xda: {  	[tilespmem:s29], [sflag:$0x1] =	stream.indirect.gather [hbm4b:s4+s13], $0x10, s16, s13, $0xb8;
	[tilespmem:$0x19640] =	vst v63  }
0xdb: {  	s20 =	simm.s32 $0x1180  }
0xdc: {  	[tilespmem:s6], [sflag:$0x1] =	stream.indirect.gather [hbm4b:s4+s13], $0x10, s20, s13, $0xb8;
	[tilespmem:$0x19640] =	vst v63  }
0xdd: {  	s24 =	simm.s32 $0x11D0  }
0xde: {  	[tilespmem:s22], [sflag:$0x1] =	stream.indirect.gather [hbm4b:s4+s13], $0x10, s24, s13, $0xb8;
	[tilespmem:$0x19640] =	vst v63  }
0xdf: {  	s25 =	simm.s32 $0x1220  }
0xe0: {  	[tilespmem:s28], [sflag:$0x1] =	stream.indirect.gather [hbm4b:s4+s13], $0x10, s25, s13, $0xb8;
	[tilespmem:$0x19640] =	vst v63  }
0xe1: {  	s28 =	simm.s32 $0x1270  }
0xe2: {  	[tilespmem:s26], [sflag:$0x1] =	stream.indirect.gather [hbm4b:s4+s13], $0x10, s28, s13, $0xb8;
	[tilespmem:$0x19640] =	vst v63  }
0xe3: {  	s29 =	simm.s32 $0x12C0  }
0xe4: {  	[tilespmem:s18], [sflag:$0x1] =	stream.indirect.gather [hbm4b:s4+s13], $0x10, s29, s13, $0xb8;
	[tilespmem:$0x19640] =	vst v63  }
0xe5: {  	s1 =	simm.s32 $0x1310  }
0xe6: {  	[tilespmem:s12], [sflag:$0x1] =	stream.indirect.gather [hbm4b:s4+s13], $0x10, s1, s13, $0xb8;
	[tilespmem:$0x19640] =	vst v63  }
0xe7: {  	s6 =	simm.s32 $0x1360  }
0xe8: {  	[tilespmem:s7], [sflag:$0x1] =	stream.indirect.gather [hbm4b:s4+s13], $0x10, s6, s13, $0xb8;
	[tilespmem:$0x19640] =	vst v63  }
0xe9: {  	s7 =	simm.s32 $0x13B0  }
0xea: {  	[tilespmem:s8], [sflag:$0x1] =	stream.indirect.gather [hbm4b:s4+s13], $0x10, s7, s13, $0xb8;
	[tilespmem:$0x19640] =	vst v63  }
0xeb: {  	s8 =	simm.s32 $0x1400  }
0xec: {  	[tilespmem:s9], [sflag:$0x1] =	stream.indirect.gather [hbm4b:s4+s13], $0x10, s8, s13, $0xb8;
	[tilespmem:$0x19640] =	vst v63  }
0xed: {  	s12 =	simm.s32 $0x1450  }
0xee: {  	[tilespmem:s10], [sflag:$0x1] =	stream.indirect.gather [hbm4b:s4+s13], $0x10, s12, s13, $0xb8;
	[tilespmem:$0x19640] =	vst v63  }
0xef: {  	s16 =	simm.s32 $0x14A0  }
0xf0: {  	[tilespmem:s11], [sflag:$0x1] =	stream.indirect.gather [hbm4b:s4+s13], $0x10, s16, s13, $0xb8;
	[tilespmem:$0x19640] =	vst v63  }
0xf1: {  	s18 =	simm.s32 $0x14F0  }
0xf2: {  	[tilespmem:s19], [sflag:$0x1] =	stream.indirect.gather [hbm4b:s4+s13], $0x10, s18, s13, $0xb8;
	[tilespmem:$0x19640] =	vst v63  }
0xf3: {  	s20 =	simm.s32 $0x1540  }
0xf4: {  	[tilespmem:s21], [sflag:$0x1] =	stream.indirect.gather [hbm4b:s4+s13], $0x10, s20, s13, $0xb8;
	[tilespmem:$0x19640] =	vst v63  }
0xf5: {  	s22 =	simm.s32 $0x1590  }
0xf6: {  	[tilespmem:s23], [sflag:$0x1] =	stream.indirect.gather [hbm4b:s4+s13], $0x10, s22, s13, $0xb8;
	[tilespmem:$0x19640] =	vst v63  }
0xf7: {  	s24 =	simm.s32 $0x15E0  }
0xf8: {  	[tilespmem:s17], [sflag:$0x1] =	stream.indirect.gather [hbm4b:s4+s13], $0x10, s24, s13, $0xb8;
	[tilespmem:$0x19640] =	vst v63  }
0xf9: {  	s25 =	simm.s32 $0x1630  }
0xfa: {  	[tilespmem:s30], [sflag:$0x1] =	stream.indirect.gather [hbm4b:s4+s13], $0x10, s25, s13, $0xb8;
	[tilespmem:$0x19640] =	vst v63  }
0xfb: {  	s26 =	simm.s32 $0x1680  }
0xfc: {  	[tilespmem:s31], [sflag:$0x1] =	stream.indirect.gather [hbm4b:s4+s13], $0x10, s26, s13, $0xb8;
	[tilespmem:$0x19640] =	vst v63  }
0xfd: {  	s28 =	simm.s32 $0x16D0;
	s29 =	simm.s32 $0xC120  }
0xfe: {  	[tilespmem:s29], [sflag:$0x1] =	stream.indirect.gather [hbm4b:s4+s13], $0x10, s28, s13, $0xb8;
	[tilespmem:$0x19640] =	vst v63  }
0xff: {  	s30 =	simm.s32 $0x1720;
	s31 =	simm.s32 $0xC620  }
0x100: {  	[tilespmem:s31], [sflag:$0x1] =	stream.indirect.gather [hbm4b:s4+s13], $0x10, s30, s13, $0xb8;
	[tilespmem:$0x19640] =	vst v63  }
0x101: {  	_ =	swait.ge [sflag:s14], $0x2710  }
0x102: {  	[sflag:s14] =	ssyncset.done $0x0  }
0x103: {  	[sflag:s14] =	ssyncadd.s32 $0xFFFFD8F0  }
0x104: {  	_ =	swait.ge [sflag:s14], $0x2710  }
0x105: {  	[sflag:s14] =	ssyncset.done $0x0  }
0x106: {  	[sflag:s14] =	ssyncadd.s32 $0xFFFFD8F0  }
0x107: {  	_ =	swait.ge [sflag:s14], $0x2710  }
0x108: {  	[sflag:s14] =	ssyncset.done $0x0  }
0x109: {  	[sflag:s14] =	ssyncadd.s32 $0xFFFFD8F0  }
0x10a: {  	_ =	swait.ge [sflag:s14], $0x7D0  }
0x10b: {  	[sflag:s14] =	ssyncset.done $0x0  }
0x10c: {  	s1 =	simm.s32 $0x2EE0;
	s6 =	simm.s32 $0xCB20;
	[sflag:s14] =	ssyncadd.s32 $0xFFFFF830  }
0x10d: {  	[spmem:s2] =	stream.indirect.scatter.add.f32 [tilespmem:s6], [sflag:$0x4], $0x10, s1, s13, $0xb8;
	[tilespmem:$0x19640] =	vst v63  }
0x10e: {  	s7 =	simm.s32 $0x2F30;
	s6 =	simm.s32 $0xD020  }
0x10f: {  	[spmem:s2] =	stream.indirect.scatter.add.f32 [tilespmem:s6], [sflag:$0x4], $0x10, s7, s13, $0xb8;
	[tilespmem:$0x19640] =	vst v63  }
0x110: {  	s8 =	simm.s32 $0x2F80;
	s7 =	simm.s32 $0xD520  }
0x111: {  	[spmem:s2] =	stream.indirect.scatter.add.f32 [tilespmem:s7], [sflag:$0x4], $0x10, s8, s13, $0xb8;
	[tilespmem:$0x19640] =	vst v63  }
0x112: {  	s9 =	simm.s32 $0x2FD0;
	s8 =	simm.s32 $0xDA20  }
0x113: {  	[spmem:s2] =	stream.indirect.scatter.add.f32 [tilespmem:s8], [sflag:$0x4], $0x10, s9, s13, $0xb8;
	[tilespmem:$0x19640] =	vst v63  }
0x114: {  	s10 =	simm.s32 $0x3020;
	s9 =	simm.s32 $0xDF20  }
0x115: {  	[spmem:s2] =	stream.indirect.scatter.add.f32 [tilespmem:s9], [sflag:$0x4], $0x10, s10, s13, $0xb8;
	[tilespmem:$0x19640] =	vst v63  }
0x116: {  	s11 =	simm.s32 $0x3070;
	s10 =	simm.s32 $0xE420  }
0x117: {  	[spmem:s2] =	stream.indirect.scatter.add.f32 [tilespmem:s10], [sflag:$0x4], $0x10, s11, s13, $0xb8;
	[tilespmem:$0x19640] =	vst v63  }
0x118: {  	s12 =	simm.s32 $0x30C0;
	s11 =	simm.s32 $0xE920  }
0x119: {  	[spmem:s2] =	stream.indirect.scatter.add.f32 [tilespmem:s11], [sflag:$0x4], $0x10, s12, s13, $0xb8;
	[tilespmem:$0x19640] =	vst v63  }
0x11a: {  	s16 =	simm.s32 $0x3110;
	s12 =	simm.s32 $0xEE20  }
0x11b: {  	[spmem:s2] =	stream.indirect.scatter.add.f32 [tilespmem:s12], [sflag:$0x4], $0x10, s16, s13, $0xb8;
	[tilespmem:$0x19640] =	vst v63  }
0x11c: {  	s17 =	simm.s32 $0x3160;
	s16 =	simm.s32 $0xF320  }
0x11d: {  	[spmem:s2] =	stream.indirect.scatter.add.f32 [tilespmem:s16], [sflag:$0x4], $0x10, s17, s13, $0xb8;
	[tilespmem:$0x19640] =	vst v63  }
0x11e: {  	s18 =	simm.s32 $0x31B0;
	s17 =	simm.s32 $0xF820  }
0x11f: {  	[spmem:s2] =	stream.indirect.scatter.add.f32 [tilespmem:s17], [sflag:$0x4], $0x10, s18, s13, $0xb8;
	[tilespmem:$0x19640] =	vst v63  }
0x120: {  	s19 =	simm.s32 $0x3200;
	s18 =	simm.s32 $0xFD20  }
0x121: {  	[spmem:s2] =	stream.indirect.scatter.add.f32 [tilespmem:s18], [sflag:$0x4], $0x10, s19, s13, $0xb8;
	[tilespmem:$0x19640] =	vst v63  }
0x122: {  	s20 =	simm.s32 $0x3250;
	s19 =	simm.s32 $0x10220  }
0x123: {  	[spmem:s2] =	stream.indirect.scatter.add.f32 [tilespmem:s19], [sflag:$0x4], $0x10, s20, s13, $0xb8;
	[tilespmem:$0x19640] =	vst v63  }
0x124: {  	s21 =	simm.s32 $0x32A0;
	s20 =	simm.s32 $0x10720  }
0x125: {  	[spmem:s2] =	stream.indirect.scatter.add.f32 [tilespmem:s20], [sflag:$0x4], $0x10, s21, s13, $0xb8;
	[tilespmem:$0x19640] =	vst v63  }
0x126: {  	s22 =	simm.s32 $0x32F0;
	s21 =	simm.s32 $0x10C20  }
0x127: {  	[spmem:s2] =	stream.indirect.scatter.add.f32 [tilespmem:s21], [sflag:$0x4], $0x10, s22, s13, $0xb8;
	[tilespmem:$0x19640] =	vst v63  }
0x128: {  	s23 =	simm.s32 $0x3340;
	s22 =	simm.s32 $0x11120  }
0x129: {  	[spmem:s2] =	stream.indirect.scatter.add.f32 [tilespmem:s22], [sflag:$0x4], $0x10, s23, s13, $0xb8;
	[tilespmem:$0x19640] =	vst v63  }
0x12a: {  	s24 =	simm.s32 $0x3390;
	s23 =	simm.s32 $0x11620  }
0x12b: {  	[spmem:s2] =	stream.indirect.scatter.add.f32 [tilespmem:s23], [sflag:$0x4], $0x10, s24, s13, $0xb8;
	[tilespmem:$0x19640] =	vst v63  }
0x12c: {  	s25 =	simm.s32 $0x33E0;
	s24 =	simm.s32 $0x11B20  }
0x12d: {  	[spmem:s2] =	stream.indirect.scatter.add.f32 [tilespmem:s24], [sflag:$0x4], $0x10, s25, s13, $0xb8;
	[tilespmem:$0x19640] =	vst v63  }
0x12e: {  	s26 =	simm.s32 $0x3430;
	s25 =	simm.s32 $0x12020  }
0x12f: {  	[spmem:s2] =	stream.indirect.scatter.add.f32 [tilespmem:s25], [sflag:$0x4], $0x10, s26, s13, $0xb8;
	[tilespmem:$0x19640] =	vst v63  }
0x130: {  	s28 =	simm.s32 $0x3480;
	s26 =	simm.s32 $0x12520  }
0x131: {  	[spmem:s2] =	stream.indirect.scatter.add.f32 [tilespmem:s26], [sflag:$0x4], $0x10, s28, s13, $0xb8;
	[tilespmem:$0x19640] =	vst v63  }
0x132: {  	s29 =	simm.s32 $0x34D0;
	s28 =	simm.s32 $0x12A20  }
0x133: {  	[spmem:s2] =	stream.indirect.scatter.add.f32 [tilespmem:s28], [sflag:$0x4], $0x10, s29, s13, $0xb8;
	[tilespmem:$0x19640] =	vst v63  }
0x134: {  	s30 =	simm.s32 $0x3520;
	s29 =	simm.s32 $0x12F20  }
0x135: {  	[spmem:s2] =	stream.indirect.scatter.add.f32 [tilespmem:s29], [sflag:$0x4], $0x10, s30, s13, $0xb8;
	[tilespmem:$0x19640] =	vst v63  }
0x136: {  	s31 =	simm.s32 $0x3570;
	s30 =	simm.s32 $0x13420  }
0x137: {  	[spmem:s2] =	stream.indirect.scatter.add.f32 [tilespmem:s30], [sflag:$0x4], $0x10, s31, s13, $0xb8;
	[tilespmem:$0x19640] =	vst v63  }
0x138: {  	s1 =	simm.s32 $0x35C0;
	s31 =	simm.s32 $0x13920  }
0x139: {  	[spmem:s2] =	stream.indirect.scatter.add.f32 [tilespmem:s31], [sflag:$0x4], $0x10, s1, s13, $0xb8;
	[tilespmem:$0x19640] =	vst v63  }
0x13a: {  	s0 =	simm.s32 $0x3610;
	s1 =	simm.s32 $0x13E20  }
0x13b: {  	[spmem:s2] =	stream.indirect.scatter.add.f32 [tilespmem:s1], [sflag:$0x4], $0x10, s0, s13, $0xb8;
	[tilespmem:$0x19640] =	vst v63  }
0x13c: {  	s0 =	simm.s32 $0x3660;
	s1 =	simm.s32 $0x14320  }
0x13d: {  	[spmem:s2] =	stream.indirect.scatter.add.f32 [tilespmem:s1], [sflag:$0x4], $0x10, s0, s13, $0xb8;
	[tilespmem:$0x19640] =	vst v63  }
0x13e: {  	_ =	swait.ge [sflag:s15], $0x2710  }
0x13f: {  	[sflag:s15] =	ssyncset.done $0x0  }
0x140: {  	[sflag:s15] =	ssyncadd.s32 $0xFFFFD8F0  }
0x141: {  	_ =	swait.ge [sflag:s15], $0x2710  }
0x142: {  	[sflag:s15] =	ssyncset.done $0x0  }
0x143: {  	[sflag:s15] =	ssyncadd.s32 $0xFFFFD8F0  }
0x144: {  	_ =	swait.ge [sflag:s15], $0x2710  }
0x145: {  	[sflag:s15] =	ssyncset.done $0x0  }
0x146: {  	[sflag:s15] =	ssyncadd.s32 $0xFFFFD8F0  }
0x147: {  	_ =	swait.ge [sflag:s15], $0x7D0  }
0x148: {  	[sflag:s15] =	ssyncset.done $0x0  }
0x149: {  	s0 =	simm.s32 $0x1770;
	s1 =	simm.s32 $0xCB20;
	[sflag:s15] =	ssyncadd.s32 $0xFFFFF830  }
0x14a: {  	[tilespmem:s1], [sflag:$0x2] =	stream.indirect.gather [hbm4b:s4+s13], $0x10, s0, s13, $0xb8;
	[tilespmem:$0x19640] =	vst v63  }
0x14b: {  	s1 =	simm.s32 $0x17C0  }
0x14c: {  	[tilespmem:s6], [sflag:$0x2] =	stream.indirect.gather [hbm4b:s4+s13], $0x10, s1, s13, $0xb8;
	[tilespmem:$0x19640] =	vst v63  }
0x14d: {  	s6 =	simm.s32 $0x1810  }
0x14e: {  	[tilespmem:s7], [sflag:$0x2] =	stream.indirect.gather [hbm4b:s4+s13], $0x10, s6, s13, $0xb8;
	[tilespmem:$0x19640] =	vst v63  }
0x14f: {  	s7 =	simm.s32 $0x1860  }
0x150: {  	[tilespmem:s8], [sflag:$0x2] =	stream.indirect.gather [hbm4b:s4+s13], $0x10, s7, s13, $0xb8;
	[tilespmem:$0x19640] =	vst v63  }
0x151: {  	s8 =	simm.s32 $0x18B0  }
0x152: {  	[tilespmem:s9], [sflag:$0x2] =	stream.indirect.gather [hbm4b:s4+s13], $0x10, s8, s13, $0xb8;
	[tilespmem:$0x19640] =	vst v63  }
0x153: {  	s9 =	simm.s32 $0x1900  }
0x154: {  	[tilespmem:s10], [sflag:$0x2] =	stream.indirect.gather [hbm4b:s4+s13], $0x10, s9, s13, $0xb8;
	[tilespmem:$0x19640] =	vst v63  }
0x155: {  	s10 =	simm.s32 $0x1950  }
0x156: {  	[tilespmem:s11], [sflag:$0x2] =	stream.indirect.gather [hbm4b:s4+s13], $0x10, s10, s13, $0xb8;
	[tilespmem:$0x19640] =	vst v63  }
0x157: {  	s1 =	simm.s32 $0x19A0  }
0x158: {  	[tilespmem:s12], [sflag:$0x2] =	stream.indirect.gather [hbm4b:s4+s13], $0x10, s1, s13, $0xb8;
	[tilespmem:$0x19640] =	vst v63  }
0x159: {  	s6 =	simm.s32 $0x19F0  }
0x15a: {  	[tilespmem:s16], [sflag:$0x2] =	stream.indirect.gather [hbm4b:s4+s13], $0x10, s6, s13, $0xb8;
	[tilespmem:$0x19640] =	vst v63  }
0x15b: {  	s7 =	simm.s32 $0x1A40  }
0x15c: {  	[tilespmem:s17], [sflag:$0x2] =	stream.indirect.gather [hbm4b:s4+s13], $0x10, s7, s13, $0xb8;
	[tilespmem:$0x19640] =	vst v63  }
0x15d: {  	s8 =	simm.s32 $0x1A90  }
0x15e: {  	[tilespmem:s18], [sflag:$0x2] =	stream.indirect.gather [hbm4b:s4+s13], $0x10, s8, s13, $0xb8;
	[tilespmem:$0x19640] =	vst v63  }
0x15f: {  	s9 =	simm.s32 $0x1AE0  }
0x160: {  	[tilespmem:s19], [sflag:$0x2] =	stream.indirect.gather [hbm4b:s4+s13], $0x10, s9, s13, $0xb8;
	[tilespmem:$0x19640] =	vst v63  }
0x161: {  	s10 =	simm.s32 $0x1B30  }
0x162: {  	[tilespmem:s20], [sflag:$0x2] =	stream.indirect.gather [hbm4b:s4+s13], $0x10, s10, s13, $0xb8;
	[tilespmem:$0x19640] =	vst v63  }
0x163: {  	s11 =	simm.s32 $0x1B80  }
0x164: {  	[tilespmem:s21], [sflag:$0x2] =	stream.indirect.gather [hbm4b:s4+s13], $0x10, s11, s13, $0xb8;
	[tilespmem:$0x19640] =	vst v63  }
0x165: {  	s12 =	simm.s32 $0x1BD0  }
0x166: {  	[tilespmem:s22], [sflag:$0x2] =	stream.indirect.gather [hbm4b:s4+s13], $0x10, s12, s13, $0xb8;
	[tilespmem:$0x19640] =	vst v63  }
0x167: {  	s16 =	simm.s32 $0x1C20  }
0x168: {  	[tilespmem:s23], [sflag:$0x2] =	stream.indirect.gather [hbm4b:s4+s13], $0x10, s16, s13, $0xb8;
	[tilespmem:$0x19640] =	vst v63  }
0x169: {  	s17 =	simm.s32 $0x1C70  }
0x16a: {  	[tilespmem:s24], [sflag:$0x2] =	stream.indirect.gather [hbm4b:s4+s13], $0x10, s17, s13, $0xb8;
	[tilespmem:$0x19640] =	vst v63  }
0x16b: {  	s18 =	simm.s32 $0x1CC0  }
0x16c: {  	[tilespmem:s25], [sflag:$0x2] =	stream.indirect.gather [hbm4b:s4+s13], $0x10, s18, s13, $0xb8;
	[tilespmem:$0x19640] =	vst v63  }
0x16d: {  	s19 =	simm.s32 $0x1D10  }
0x16e: {  	[tilespmem:s26], [sflag:$0x2] =	stream.indirect.gather [hbm4b:s4+s13], $0x10, s19, s13, $0xb8;
	[tilespmem:$0x19640] =	vst v63  }
0x16f: {  	s20 =	simm.s32 $0x1D60  }
0x170: {  	[tilespmem:s28], [sflag:$0x2] =	stream.indirect.gather [hbm4b:s4+s13], $0x10, s20, s13, $0xb8;
	[tilespmem:$0x19640] =	vst v63  }
0x171: {  	s21 =	simm.s32 $0x1DB0  }
0x172: {  	[tilespmem:s29], [sflag:$0x2] =	stream.indirect.gather [hbm4b:s4+s13], $0x10, s21, s13, $0xb8;
	[tilespmem:$0x19640] =	vst v63  }
0x173: {  	s22 =	simm.s32 $0x1E00  }
0x174: {  	[tilespmem:s30], [sflag:$0x2] =	stream.indirect.gather [hbm4b:s4+s13], $0x10, s22, s13, $0xb8;
	[tilespmem:$0x19640] =	vst v63  }
0x175: {  	s23 =	simm.s32 $0x1E50  }
0x176: {  	[tilespmem:s31], [sflag:$0x2] =	stream.indirect.gather [hbm4b:s4+s13], $0x10, s23, s13, $0xb8;
	[tilespmem:$0x19640] =	vst v63  }
0x177: {  	s24 =	simm.s32 $0x1EA0;
	s25 =	simm.s32 $0x13E20  }
0x178: {  	[tilespmem:s25], [sflag:$0x2] =	stream.indirect.gather [hbm4b:s4+s13], $0x10, s24, s13, $0xb8;
	[tilespmem:$0x19640] =	vst v63  }
0x179: {  	s26 =	simm.s32 $0x1EF0;
	s28 =	simm.s32 $0x14320  }
0x17a: {  	[tilespmem:s28], [sflag:$0x2] =	stream.indirect.gather [hbm4b:s4+s13], $0x10, s26, s13, $0xb8;
	[tilespmem:$0x19640] =	vst v63  }
0x17b: {  	_ =	swait.ge [sflag:s5], $0x2710  }
0x17c: {  	[sflag:s5] =	ssyncset.done $0x0  }
0x17d: {  	[sflag:s5] =	ssyncadd.s32 $0xFFFFD8F0  }
0x17e: {  	_ =	swait.ge [sflag:s5], $0x2710  }
0x17f: {  	[sflag:s5] =	ssyncset.done $0x0  }
0x180: {  	[sflag:s5] =	ssyncadd.s32 $0xFFFFD8F0  }
0x181: {  	_ =	swait.ge [sflag:s5], $0x2710  }
0x182: {  	[sflag:s5] =	ssyncset.done $0x0  }
0x183: {  	[sflag:s5] =	ssyncadd.s32 $0xFFFFD8F0  }
0x184: {  	_ =	swait.ge [sflag:s5], $0x7D0  }
0x185: {  	[sflag:s5] =	ssyncset.done $0x0  }
0x186: {  	s29 =	simm.s32 $0x36B0;
	s30 =	simm.s32 $0x4E20;
	[sflag:s5] =	ssyncadd.s32 $0xFFFFF830  }
0x187: {  	[spmem:s2] =	stream.indirect.scatter.add.f32 [tilespmem:s30], [sflag:$0x3], $0x10, s29, s13, $0xb8;
	[tilespmem:$0x19640] =	vst v63  }
0x188: {  	s31 =	simm.s32 $0x3700;
	s26 =	simm.s32 $0x5320  }
0x189: {  	[spmem:s2] =	stream.indirect.scatter.add.f32 [tilespmem:s26], [sflag:$0x3], $0x10, s31, s13, $0xb8;
	[tilespmem:$0x19640] =	vst v63  }
0x18a: {  	s1 =	simm.s32 $0x3750;
	s18 =	simm.s32 $0x5820  }
0x18b: {  	[spmem:s2] =	stream.indirect.scatter.add.f32 [tilespmem:s18], [sflag:$0x3], $0x10, s1, s13, $0xb8;
	[tilespmem:$0x19640] =	vst v63  }
0x18c: {  	s6 =	simm.s32 $0x37A0;
	s22 =	simm.s32 $0x5D20  }
0x18d: {  	[spmem:s2] =	stream.indirect.scatter.add.f32 [tilespmem:s22], [sflag:$0x3], $0x10, s6, s13, $0xb8;
	[tilespmem:$0x19640] =	vst v63  }
0x18e: {  	s7 =	simm.s32 $0x37F0;
	s8 =	simm.s32 $0x6220  }
0x18f: {  	[spmem:s2] =	stream.indirect.scatter.add.f32 [tilespmem:s8], [sflag:$0x3], $0x10, s7, s13, $0xb8;
	[tilespmem:$0x19640] =	vst v63  }
0x190: {  	s9 =	simm.s32 $0x3840;
	s6 =	simm.s32 $0x6720  }
0x191: {  	[spmem:s2] =	stream.indirect.scatter.add.f32 [tilespmem:s6], [sflag:$0x3], $0x10, s9, s13, $0xb8;
	[tilespmem:$0x19640] =	vst v63  }
0x192: {  	s10 =	simm.s32 $0x3890;
	s7 =	simm.s32 $0x6C20  }
0x193: {  	[spmem:s2] =	stream.indirect.scatter.add.f32 [tilespmem:s7], [sflag:$0x3], $0x10, s10, s13, $0xb8;
	[tilespmem:$0x19640] =	vst v63  }
0x194: {  	s11 =	simm.s32 $0x38E0;
	s25 =	simm.s32 $0x7120  }
0x195: {  	[spmem:s2] =	stream.indirect.scatter.add.f32 [tilespmem:s25], [sflag:$0x3], $0x10, s11, s13, $0xb8;
	[tilespmem:$0x19640] =	vst v63  }
0x196: {  	s12 =	simm.s32 $0x3930;
	s31 =	simm.s32 $0x7620  }
0x197: {  	[spmem:s2] =	stream.indirect.scatter.add.f32 [tilespmem:s31], [sflag:$0x3], $0x10, s12, s13, $0xb8;
	[tilespmem:$0x19640] =	vst v63  }
0x198: {  	s16 =	simm.s32 $0x3980;
	s28 =	simm.s32 $0x7B20  }
0x199: {  	[spmem:s2] =	stream.indirect.scatter.add.f32 [tilespmem:s28], [sflag:$0x3], $0x10, s16, s13, $0xb8;
	[tilespmem:$0x19640] =	vst v63  }
0x19a: {  	s17 =	simm.s32 $0x39D0;
	s20 =	simm.s32 $0x8020  }
0x19b: {  	[spmem:s2] =	stream.indirect.scatter.add.f32 [tilespmem:s20], [sflag:$0x3], $0x10, s17, s13, $0xb8;
	[tilespmem:$0x19640] =	vst v63  }
0x19c: {  	s19 =	simm.s32 $0x3A20;
	s16 =	simm.s32 $0x8520  }
0x19d: {  	[spmem:s2] =	stream.indirect.scatter.add.f32 [tilespmem:s16], [sflag:$0x3], $0x10, s19, s13, $0xb8;
	[tilespmem:$0x19640] =	vst v63  }
0x19e: {  	s21 =	simm.s32 $0x3A70;
	s8 =	simm.s32 $0x8A20  }
0x19f: {  	[spmem:s2] =	stream.indirect.scatter.add.f32 [tilespmem:s8], [sflag:$0x3], $0x10, s21, s13, $0xb8;
	[tilespmem:$0x19640] =	vst v63  }
0x1a0: {  	s23 =	simm.s32 $0x3AC0;
	s9 =	simm.s32 $0x8F20  }
0x1a1: {  	[spmem:s2] =	stream.indirect.scatter.add.f32 [tilespmem:s9], [sflag:$0x3], $0x10, s23, s13, $0xb8;
	[tilespmem:$0x19640] =	vst v63  }
0x1a2: {  	s24 =	simm.s32 $0x3B10;
	s10 =	simm.s32 $0x9420  }
0x1a3: {  	[spmem:s2] =	stream.indirect.scatter.add.f32 [tilespmem:s10], [sflag:$0x3], $0x10, s24, s13, $0xb8;
	[tilespmem:$0x19640] =	vst v63  }
0x1a4: {  	s29 =	simm.s32 $0x3B60;
	s11 =	simm.s32 $0x9920  }
0x1a5: {  	[spmem:s2] =	stream.indirect.scatter.add.f32 [tilespmem:s11], [sflag:$0x3], $0x10, s29, s13, $0xb8;
	[tilespmem:$0x19640] =	vst v63  }
0x1a6: {  	s1 =	simm.s32 $0x3BB0;
	s12 =	simm.s32 $0x9E20  }
0x1a7: {  	[spmem:s2] =	stream.indirect.scatter.add.f32 [tilespmem:s12], [sflag:$0x3], $0x10, s1, s13, $0xb8;
	[tilespmem:$0x19640] =	vst v63  }
0x1a8: {  	s17 =	simm.s32 $0x3C00;
	s21 =	simm.s32 $0xA320  }
0x1a9: {  	[spmem:s2] =	stream.indirect.scatter.add.f32 [tilespmem:s21], [sflag:$0x3], $0x10, s17, s13, $0xb8;
	[tilespmem:$0x19640] =	vst v63  }
0x1aa: {  	s19 =	simm.s32 $0x3C50;
	s23 =	simm.s32 $0xA820  }
0x1ab: {  	[spmem:s2] =	stream.indirect.scatter.add.f32 [tilespmem:s23], [sflag:$0x3], $0x10, s19, s13, $0xb8;
	[tilespmem:$0x19640] =	vst v63  }
0x1ac: {  	s24 =	simm.s32 $0x3CA0;
	s29 =	simm.s32 $0xAD20  }
0x1ad: {  	[spmem:s2] =	stream.indirect.scatter.add.f32 [tilespmem:s29], [sflag:$0x3], $0x10, s24, s13, $0xb8;
	[tilespmem:$0x19640] =	vst v63  }
0x1ae: {  	s1 =	simm.s32 $0x3CF0;
	s24 =	simm.s32 $0xB220  }
0x1af: {  	[spmem:s2] =	stream.indirect.scatter.add.f32 [tilespmem:s24], [sflag:$0x3], $0x10, s1, s13, $0xb8;
	[tilespmem:$0x19640] =	vst v63  }
0x1b0: {  	s17 =	simm.s32 $0x3D40;
	s29 =	simm.s32 $0xB720  }
0x1b1: {  	[spmem:s2] =	stream.indirect.scatter.add.f32 [tilespmem:s29], [sflag:$0x3], $0x10, s17, s13, $0xb8;
	[tilespmem:$0x19640] =	vst v63  }
0x1b2: {  	s19 =	simm.s32 $0x3D90;
	s17 =	simm.s32 $0xBC20  }
0x1b3: {  	[spmem:s2] =	stream.indirect.scatter.add.f32 [tilespmem:s17], [sflag:$0x3], $0x10, s19, s13, $0xb8;
	[tilespmem:$0x19640] =	vst v63  }
0x1b4: {  	s1 =	simm.s32 $0x3DE0;
	s19 =	simm.s32 $0xC120  }
0x1b5: {  	[spmem:s2] =	stream.indirect.scatter.add.f32 [tilespmem:s19], [sflag:$0x3], $0x10, s1, s13, $0xb8;
	[tilespmem:$0x19640] =	vst v63  }
0x1b6: {  	s0 =	simm.s32 $0x3E30;
	s1 =	simm.s32 $0xC620  }
0x1b7: {  	[spmem:s2] =	stream.indirect.scatter.add.f32 [tilespmem:s1], [sflag:$0x3], $0x10, s0, s13, $0xb8;
	[tilespmem:$0x19640] =	vst v63  }
0x1b8: {  	_ =	swait.ge [sflag:s3], $0x2710  }
0x1b9: {  	[sflag:s3] =	ssyncset.done $0x0  }
0x1ba: {  	[sflag:s3] =	ssyncadd.s32 $0xFFFFD8F0  }
0x1bb: {  	_ =	swait.ge [sflag:s3], $0x2710  }
0x1bc: {  	[sflag:s3] =	ssyncset.done $0x0  }
0x1bd: {  	[sflag:s3] =	ssyncadd.s32 $0xFFFFD8F0  }
0x1be: {  	_ =	swait.ge [sflag:s3], $0x2710  }
0x1bf: {  	[sflag:s3] =	ssyncset.done $0x0  }
0x1c0: {  	[sflag:s3] =	ssyncadd.s32 $0xFFFFD8F0  }
0x1c1: {  	_ =	swait.ge [sflag:s3], $0x7D0  }
0x1c2: {  	[sflag:s3] =	ssyncset.done $0x0  }
0x1c3: {  	s1 =	simm.s32 $0x1F40;
	[sflag:s3] =	ssyncadd.s32 $0xFFFFF830  }
0x1c4: {  	[tilespmem:s30], [sflag:$0x1] =	stream.indirect.gather [hbm4b:s4+s13], $0x10, s1, s13, $0xb8;
	[tilespmem:$0x19640] =	vst v63  }
0x1c5: {  	s30 =	simm.s32 $0x1F90  }
0x1c6: {  	[tilespmem:s26], [sflag:$0x1] =	stream.indirect.gather [hbm4b:s4+s13], $0x10, s30, s13, $0xb8;
	[tilespmem:$0x19640] =	vst v63  }
0x1c7: {  	s1 =	simm.s32 $0x1FE0  }
0x1c8: {  	[tilespmem:s18], [sflag:$0x1] =	stream.indirect.gather [hbm4b:s4+s13], $0x10, s1, s13, $0xb8;
	[tilespmem:$0x19640] =	vst v63  }
0x1c9: {  	s30 =	simm.s32 $0x2030  }
0x1ca: {  	[tilespmem:s22], [sflag:$0x1] =	stream.indirect.gather [hbm4b:s4+s13], $0x10, s30, s13, $0xb8;
	[tilespmem:$0x19640] =	vst v63  }
0x1cb: {  	s1 =	simm.s32 $0x2080;
	s30 =	simm.s32 $0x6220  }
0x1cc: {  	[tilespmem:s30], [sflag:$0x1] =	stream.indirect.gather [hbm4b:s4+s13], $0x10, s1, s13, $0xb8;
	[tilespmem:$0x19640] =	vst v63  }
0x1cd: {  	s30 =	simm.s32 $0x20D0  }
0x1ce: {  	[tilespmem:s6], [sflag:$0x1] =	stream.indirect.gather [hbm4b:s4+s13], $0x10, s30, s13, $0xb8;
	[tilespmem:$0x19640] =	vst v63  }
0x1cf: {  	s30 =	simm.s32 $0x2120  }
0x1d0: {  	[tilespmem:s7], [sflag:$0x1] =	stream.indirect.gather [hbm4b:s4+s13], $0x10, s30, s13, $0xb8;
	[tilespmem:$0x19640] =	vst v63  }
0x1d1: {  	s30 =	simm.s32 $0x2170  }
0x1d2: {  	[tilespmem:s25], [sflag:$0x1] =	stream.indirect.gather [hbm4b:s4+s13], $0x10, s30, s13, $0xb8;
	[tilespmem:$0x19640] =	vst v63  }
0x1d3: {  	s30 =	simm.s32 $0x21C0  }
0x1d4: {  	[tilespmem:s31], [sflag:$0x1] =	stream.indirect.gather [hbm4b:s4+s13], $0x10, s30, s13, $0xb8;
	[tilespmem:$0x19640] =	vst v63  }
0x1d5: {  	s31 =	simm.s32 $0x2210  }
0x1d6: {  	[tilespmem:s28], [sflag:$0x1] =	stream.indirect.gather [hbm4b:s4+s13], $0x10, s31, s13, $0xb8;
	[tilespmem:$0x19640] =	vst v63  }
0x1d7: {  	s31 =	simm.s32 $0x2260  }
0x1d8: {  	[tilespmem:s20], [sflag:$0x1] =	stream.indirect.gather [hbm4b:s4+s13], $0x10, s31, s13, $0xb8;
	[tilespmem:$0x19640] =	vst v63  }
0x1d9: {  	s31 =	simm.s32 $0x22B0  }
0x1da: {  	[tilespmem:s16], [sflag:$0x1] =	stream.indirect.gather [hbm4b:s4+s13], $0x10, s31, s13, $0xb8;
	[tilespmem:$0x19640] =	vst v63  }
0x1db: {  	s31 =	simm.s32 $0x2300  }
0x1dc: {  	[tilespmem:s8], [sflag:$0x1] =	stream.indirect.gather [hbm4b:s4+s13], $0x10, s31, s13, $0xb8;
	[tilespmem:$0x19640] =	vst v63  }
0x1dd: {  	s31 =	simm.s32 $0x2350  }
0x1de: {  	[tilespmem:s9], [sflag:$0x1] =	stream.indirect.gather [hbm4b:s4+s13], $0x10, s31, s13, $0xb8;
	[tilespmem:$0x19640] =	vst v63  }
0x1df: {  	s31 =	simm.s32 $0x23A0  }
0x1e0: {  	[tilespmem:s10], [sflag:$0x1] =	stream.indirect.gather [hbm4b:s4+s13], $0x10, s31, s13, $0xb8;
	[tilespmem:$0x19640] =	vst v63  }
0x1e1: {  	s31 =	simm.s32 $0x23F0  }
0x1e2: {  	[tilespmem:s11], [sflag:$0x1] =	stream.indirect.gather [hbm4b:s4+s13], $0x10, s31, s13, $0xb8;
	[tilespmem:$0x19640] =	vst v63  }
0x1e3: {  	s31 =	simm.s32 $0x2440  }
0x1e4: {  	[tilespmem:s12], [sflag:$0x1] =	stream.indirect.gather [hbm4b:s4+s13], $0x10, s31, s13, $0xb8;
	[tilespmem:$0x19640] =	vst v63  }
0x1e5: {  	s31 =	simm.s32 $0x2490  }
0x1e6: {  	[tilespmem:s21], [sflag:$0x1] =	stream.indirect.gather [hbm4b:s4+s13], $0x10, s31, s13, $0xb8;
	[tilespmem:$0x19640] =	vst v63  }
0x1e7: {  	s21 =	simm.s32 $0x24E0  }
0x1e8: {  	[tilespmem:s23], [sflag:$0x1] =	stream.indirect.gather [hbm4b:s4+s13], $0x10, s21, s13, $0xb8;
	[tilespmem:$0x19640] =	vst v63  }
0x1e9: {  	s0 =	simm.s32 $0x2530;
	s23 =	simm.s32 $0xAD20  }
0x1ea: {  	[tilespmem:s23], [sflag:$0x1] =	stream.indirect.gather [hbm4b:s4+s13], $0x10, s0, s13, $0xb8;
	[tilespmem:$0x19640] =	vst v63  }
0x1eb: {  	s0 =	simm.s32 $0x2580  }
0x1ec: {  	[tilespmem:s24], [sflag:$0x1] =	stream.indirect.gather [hbm4b:s4+s13], $0x10, s0, s13, $0xb8;
	[tilespmem:$0x19640] =	vst v63  }
0x1ed: {  	s0 =	simm.s32 $0x25D0  }
0x1ee: {  	[tilespmem:s29], [sflag:$0x1] =	stream.indirect.gather [hbm4b:s4+s13], $0x10, s0, s13, $0xb8;
	[tilespmem:$0x19640] =	vst v63  }
0x1ef: {  	s0 =	simm.s32 $0x2620  }
0x1f0: {  	[tilespmem:s17], [sflag:$0x1] =	stream.indirect.gather [hbm4b:s4+s13], $0x10, s0, s13, $0xb8;
	[tilespmem:$0x19640] =	vst v63  }
0x1f1: {  	s0 =	simm.s32 $0x2670  }
0x1f2: {  	[tilespmem:s19], [sflag:$0x1] =	stream.indirect.gather [hbm4b:s4+s13], $0x10, s0, s13, $0xb8;
	[tilespmem:$0x19640] =	vst v63  }
0x1f3: {  	s0 =	simm.s32 $0x26C0;
	s19 =	simm.s32 $0xC620  }
0x1f4: {  	[tilespmem:s19], [sflag:$0x1] =	stream.indirect.gather [hbm4b:s4+s13], $0x10, s0, s13, $0xb8;
	[tilespmem:$0x19640] =	vst v63  }
0x1f5: {  	_ =	swait.ge [sflag:s14], $0x2710  }
0x1f6: {  	[sflag:s14] =	ssyncset.done $0x0  }
0x1f7: {  	[sflag:s14] =	ssyncadd.s32 $0xFFFFD8F0  }
0x1f8: {  	_ =	swait.ge [sflag:s14], $0x2710  }
0x1f9: {  	[sflag:s14] =	ssyncset.done $0x0  }
0x1fa: {  	[sflag:s14] =	ssyncadd.s32 $0xFFFFD8F0  }
0x1fb: {  	_ =	swait.ge [sflag:s14], $0x2710  }
0x1fc: {  	[sflag:s14] =	ssyncset.done $0x0  }
0x1fd: {  	[sflag:s14] =	ssyncadd.s32 $0xFFFFD8F0  }
0x1fe: {  	_ =	swait.ge [sflag:s14], $0x7D0  }
0x1ff: {  	[sflag:s14] =	ssyncset.done $0x0  }
0x200: {  	s0 =	simm.s32 $0x3E80;
	s19 =	simm.s32 $0xCB20;
	[sflag:s14] =	ssyncadd.s32 $0xFFFFF830  }
0x201: {  	[spmem:s2] =	stream.indirect.scatter.add.f32 [tilespmem:s19], [sflag:$0x4], $0x10, s0, s13, $0xb8;
	[tilespmem:$0x19640] =	vst v63  }
0x202: {  	s0 =	simm.s32 $0x3ED0;
	s19 =	simm.s32 $0xD020  }
0x203: {  	[spmem:s2] =	stream.indirect.scatter.add.f32 [tilespmem:s19], [sflag:$0x4], $0x10, s0, s13, $0xb8;
	[tilespmem:$0x19640] =	vst v63  }
0x204: {  	s0 =	simm.s32 $0x3F20;
	s19 =	simm.s32 $0xD520  }
0x205: {  	[spmem:s2] =	stream.indirect.scatter.add.f32 [tilespmem:s19], [sflag:$0x4], $0x10, s0, s13, $0xb8;
	[tilespmem:$0x19640] =	vst v63  }
0x206: {  	s0 =	simm.s32 $0x3F70;
	s19 =	simm.s32 $0xDA20  }
0x207: {  	[spmem:s2] =	stream.indirect.scatter.add.f32 [tilespmem:s19], [sflag:$0x4], $0x10, s0, s13, $0xb8;
	[tilespmem:$0x19640] =	vst v63  }
0x208: {  	s0 =	simm.s32 $0x3FC0;
	s19 =	simm.s32 $0xDF20  }
0x209: {  	[spmem:s2] =	stream.indirect.scatter.add.f32 [tilespmem:s19], [sflag:$0x4], $0x10, s0, s13, $0xb8;
	[tilespmem:$0x19640] =	vst v63  }
0x20a: {  	s0 =	simm.s32 $0x4010;
	s19 =	simm.s32 $0xE420  }
0x20b: {  	[spmem:s2] =	stream.indirect.scatter.add.f32 [tilespmem:s19], [sflag:$0x4], $0x10, s0, s13, $0xb8;
	[tilespmem:$0x19640] =	vst v63  }
0x20c: {  	s0 =	simm.s32 $0x4060;
	s19 =	simm.s32 $0xE920  }
0x20d: {  	[spmem:s2] =	stream.indirect.scatter.add.f32 [tilespmem:s19], [sflag:$0x4], $0x10, s0, s13, $0xb8;
	[tilespmem:$0x19640] =	vst v63  }
0x20e: {  	s0 =	simm.s32 $0x40B0;
	s19 =	simm.s32 $0xEE20  }
0x20f: {  	[spmem:s2] =	stream.indirect.scatter.add.f32 [tilespmem:s19], [sflag:$0x4], $0x10, s0, s13, $0xb8;
	[tilespmem:$0x19640] =	vst v63  }
0x210: {  	s0 =	simm.s32 $0x4100;
	s19 =	simm.s32 $0xF320  }
0x211: {  	[spmem:s2] =	stream.indirect.scatter.add.f32 [tilespmem:s19], [sflag:$0x4], $0x10, s0, s13, $0xb8;
	[tilespmem:$0x19640] =	vst v63  }
0x212: {  	s0 =	simm.s32 $0x4150;
	s19 =	simm.s32 $0xF820  }
0x213: {  	[spmem:s2] =	stream.indirect.scatter.add.f32 [tilespmem:s19], [sflag:$0x4], $0x10, s0, s13, $0xb8;
	[tilespmem:$0x19640] =	vst v63  }
0x214: {  	s0 =	simm.s32 $0x41A0;
	s19 =	simm.s32 $0xFD20  }
0x215: {  	[spmem:s2] =	stream.indirect.scatter.add.f32 [tilespmem:s19], [sflag:$0x4], $0x10, s0, s13, $0xb8;
	[tilespmem:$0x19640] =	vst v63  }
0x216: {  	s0 =	simm.s32 $0x41F0;
	s19 =	simm.s32 $0x10220  }
0x217: {  	[spmem:s2] =	stream.indirect.scatter.add.f32 [tilespmem:s19], [sflag:$0x4], $0x10, s0, s13, $0xb8;
	[tilespmem:$0x19640] =	vst v63  }
0x218: {  	s0 =	simm.s32 $0x4240;
	s19 =	simm.s32 $0x10720  }
0x219: {  	[spmem:s2] =	stream.indirect.scatter.add.f32 [tilespmem:s19], [sflag:$0x4], $0x10, s0, s13, $0xb8;
	[tilespmem:$0x19640] =	vst v63  }
0x21a: {  	s0 =	simm.s32 $0x4290;
	s19 =	simm.s32 $0x10C20  }
0x21b: {  	[spmem:s2] =	stream.indirect.scatter.add.f32 [tilespmem:s19], [sflag:$0x4], $0x10, s0, s13, $0xb8;
	[tilespmem:$0x19640] =	vst v63  }
0x21c: {  	s0 =	simm.s32 $0x42E0;
	s19 =	simm.s32 $0x11120  }
0x21d: {  	[spmem:s2] =	stream.indirect.scatter.add.f32 [tilespmem:s19], [sflag:$0x4], $0x10, s0, s13, $0xb8;
	[tilespmem:$0x19640] =	vst v63  }
0x21e: {  	s0 =	simm.s32 $0x4330;
	s19 =	simm.s32 $0x11620  }
0x21f: {  	[spmem:s2] =	stream.indirect.scatter.add.f32 [tilespmem:s19], [sflag:$0x4], $0x10, s0, s13, $0xb8;
	[tilespmem:$0x19640] =	vst v63  }
0x220: {  	s0 =	simm.s32 $0x4380;
	s19 =	simm.s32 $0x11B20  }
0x221: {  	[spmem:s2] =	stream.indirect.scatter.add.f32 [tilespmem:s19], [sflag:$0x4], $0x10, s0, s13, $0xb8;
	[tilespmem:$0x19640] =	vst v63  }
0x222: {  	s0 =	simm.s32 $0x43D0;
	s19 =	simm.s32 $0x12020  }
0x223: {  	[spmem:s2] =	stream.indirect.scatter.add.f32 [tilespmem:s19], [sflag:$0x4], $0x10, s0, s13, $0xb8;
	[tilespmem:$0x19640] =	vst v63  }
0x224: {  	s0 =	simm.s32 $0x4420;
	s19 =	simm.s32 $0x12520  }
0x225: {  	[spmem:s2] =	stream.indirect.scatter.add.f32 [tilespmem:s19], [sflag:$0x4], $0x10, s0, s13, $0xb8;
	[tilespmem:$0x19640] =	vst v63  }
0x226: {  	s0 =	simm.s32 $0x4470;
	s19 =	simm.s32 $0x12A20  }
0x227: {  	[spmem:s2] =	stream.indirect.scatter.add.f32 [tilespmem:s19], [sflag:$0x4], $0x10, s0, s13, $0xb8;
	[tilespmem:$0x19640] =	vst v63  }
0x228: {  	s0 =	simm.s32 $0x44C0;
	s19 =	simm.s32 $0x12F20  }
0x229: {  	[spmem:s2] =	stream.indirect.scatter.add.f32 [tilespmem:s19], [sflag:$0x4], $0x10, s0, s13, $0xb8;
	[tilespmem:$0x19640] =	vst v63  }
0x22a: {  	s0 =	simm.s32 $0x4510;
	s19 =	simm.s32 $0x13420  }
0x22b: {  	[spmem:s2] =	stream.indirect.scatter.add.f32 [tilespmem:s19], [sflag:$0x4], $0x10, s0, s13, $0xb8;
	[tilespmem:$0x19640] =	vst v63  }
0x22c: {  	s0 =	simm.s32 $0x4560;
	s19 =	simm.s32 $0x13920  }
0x22d: {  	[spmem:s2] =	stream.indirect.scatter.add.f32 [tilespmem:s19], [sflag:$0x4], $0x10, s0, s13, $0xb8;
	[tilespmem:$0x19640] =	vst v63  }
0x22e: {  	s0 =	simm.s32 $0x45B0;
	s19 =	simm.s32 $0x13E20  }
0x22f: {  	[spmem:s2] =	stream.indirect.scatter.add.f32 [tilespmem:s19], [sflag:$0x4], $0x10, s0, s13, $0xb8;
	[tilespmem:$0x19640] =	vst v63  }
0x230: {  	s0 =	simm.s32 $0x4600;
	s19 =	simm.s32 $0x14320  }
0x231: {  	[spmem:s2] =	stream.indirect.scatter.add.f32 [tilespmem:s19], [sflag:$0x4], $0x10, s0, s13, $0xb8;
	[tilespmem:$0x19640] =	vst v63  }
0x232: {  	_ =	swait.ge [sflag:s15], $0x2710  }
0x233: {  	[sflag:s15] =	ssyncset.done $0x0  }
0x234: {  	[sflag:s15] =	ssyncadd.s32 $0xFFFFD8F0  }
0x235: {  	_ =	swait.ge [sflag:s15], $0x2710  }
0x236: {  	[sflag:s15] =	ssyncset.done $0x0  }
0x237: {  	[sflag:s15] =	ssyncadd.s32 $0xFFFFD8F0  }
0x238: {  	_ =	swait.ge [sflag:s15], $0x2710  }
0x239: {  	[sflag:s15] =	ssyncset.done $0x0  }
0x23a: {  	[sflag:s15] =	ssyncadd.s32 $0xFFFFD8F0  }
0x23b: {  	_ =	swait.ge [sflag:s15], $0x7D0  }
0x23c: {  	[sflag:s15] =	ssyncset.done $0x0  }
0x23d: {  	[sflag:s15] =	ssyncadd.s32 $0xFFFFF830  }
0x23e: {  	_ =	swait.ge [sflag:s5], $0x2710  }
0x23f: {  	[sflag:s5] =	ssyncset.done $0x0  }
0x240: {  	[sflag:s5] =	ssyncadd.s32 $0xFFFFD8F0  }
0x241: {  	_ =	swait.ge [sflag:s5], $0x2710  }
0x242: {  	[sflag:s5] =	ssyncset.done $0x0  }
0x243: {  	[sflag:s5] =	ssyncadd.s32 $0xFFFFD8F0  }
0x244: {  	_ =	swait.ge [sflag:s5], $0x2710  }
0x245: {  	[sflag:s5] =	ssyncset.done $0x0  }
0x246: {  	[sflag:s5] =	ssyncadd.s32 $0xFFFFD8F0  }
0x247: {  	_ =	swait.ge [sflag:s5], $0x7D0  }
0x248: {  	[sflag:s5] =	ssyncset.done $0x0  }
0x249: {  	s0 =	simm.s32 $0x4650;
	s19 =	simm.s32 $0x4E20;
	[sflag:s5] =	ssyncadd.s32 $0xFFFFF830  }
0x24a: {  	[spmem:s2] =	stream.indirect.scatter.add.f32 [tilespmem:s19], [sflag:$0x3], $0x10, s0, s13, $0xb8;
	[tilespmem:$0x19640] =	vst v63  }
0x24b: {  	s26 =	simm.s32 $0x5320;
	s19 =	simm.s32 $0x46A0  }
0x24c: {  	[spmem:s2] =	stream.indirect.scatter.add.f32 [tilespmem:s26], [sflag:$0x3], $0x10, s19, s13, $0xb8;
	[tilespmem:$0x19640] =	vst v63  }
0x24d: {  	s18 =	simm.s32 $0x5820;
	s26 =	simm.s32 $0x46F0  }
0x24e: {  	[spmem:s2] =	stream.indirect.scatter.add.f32 [tilespmem:s18], [sflag:$0x3], $0x10, s26, s13, $0xb8;
	[tilespmem:$0x19640] =	vst v63  }
0x24f: {  	s22 =	simm.s32 $0x5D20;
	s19 =	simm.s32 $0x4740  }
0x250: {  	[spmem:s2] =	stream.indirect.scatter.add.f32 [tilespmem:s22], [sflag:$0x3], $0x10, s19, s13, $0xb8;
	[tilespmem:$0x19640] =	vst v63  }
0x251: {  	s1 =	simm.s32 $0x6220;
	s26 =	simm.s32 $0x4790  }
0x252: {  	[spmem:s2] =	stream.indirect.scatter.add.f32 [tilespmem:s1], [sflag:$0x3], $0x10, s26, s13, $0xb8;
	[tilespmem:$0x19640] =	vst v63  }
0x253: {  	s6 =	simm.s32 $0x6720;
	s1 =	simm.s32 $0x47E0  }
0x254: {  	[spmem:s2] =	stream.indirect.scatter.add.f32 [tilespmem:s6], [sflag:$0x3], $0x10, s1, s13, $0xb8;
	[tilespmem:$0x19640] =	vst v63  }
0x255: {  	s7 =	simm.s32 $0x6C20;
	s18 =	simm.s32 $0x4830  }
0x256: {  	[spmem:s2] =	stream.indirect.scatter.add.f32 [tilespmem:s7], [sflag:$0x3], $0x10, s18, s13, $0xb8;
	[tilespmem:$0x19640] =	vst v63  }
0x257: {  	s25 =	simm.s32 $0x7120;
	s19 =	simm.s32 $0x4880  }
0x258: {  	[spmem:s2] =	stream.indirect.scatter.add.f32 [tilespmem:s25], [sflag:$0x3], $0x10, s19, s13, $0xb8;
	[tilespmem:$0x19640] =	vst v63  }
0x259: {  	s30 =	simm.s32 $0x7620;
	s22 =	simm.s32 $0x48D0  }
0x25a: {  	[spmem:s2] =	stream.indirect.scatter.add.f32 [tilespmem:s30], [sflag:$0x3], $0x10, s22, s13, $0xb8;
	[tilespmem:$0x19640] =	vst v63  }
0x25b: {  	s28 =	simm.s32 $0x7B20;
	s25 =	simm.s32 $0x4920  }
0x25c: {  	[spmem:s2] =	stream.indirect.scatter.add.f32 [tilespmem:s28], [sflag:$0x3], $0x10, s25, s13, $0xb8;
	[tilespmem:$0x19640] =	vst v63  }
0x25d: {  	s20 =	simm.s32 $0x8020;
	s26 =	simm.s32 $0x4970  }
0x25e: {  	[spmem:s2] =	stream.indirect.scatter.add.f32 [tilespmem:s20], [sflag:$0x3], $0x10, s26, s13, $0xb8;
	[tilespmem:$0x19640] =	vst v63  }
0x25f: {  	s16 =	simm.s32 $0x8520;
	s28 =	simm.s32 $0x49C0  }
0x260: {  	[spmem:s2] =	stream.indirect.scatter.add.f32 [tilespmem:s16], [sflag:$0x3], $0x10, s28, s13, $0xb8;
	[tilespmem:$0x19640] =	vst v63  }
0x261: {  	s8 =	simm.s32 $0x8A20;
	s30 =	simm.s32 $0x4A10  }
0x262: {  	[spmem:s2] =	stream.indirect.scatter.add.f32 [tilespmem:s8], [sflag:$0x3], $0x10, s30, s13, $0xb8;
	[tilespmem:$0x19640] =	vst v63  }
0x263: {  	s9 =	simm.s32 $0x8F20;
	s1 =	simm.s32 $0x4A60  }
0x264: {  	[spmem:s2] =	stream.indirect.scatter.add.f32 [tilespmem:s9], [sflag:$0x3], $0x10, s1, s13, $0xb8;
	[tilespmem:$0x19640] =	vst v63  }
0x265: {  	s10 =	simm.s32 $0x9420;
	s6 =	simm.s32 $0x4AB0  }
0x266: {  	[spmem:s2] =	stream.indirect.scatter.add.f32 [tilespmem:s10], [sflag:$0x3], $0x10, s6, s13, $0xb8;
	[tilespmem:$0x19640] =	vst v63  }
0x267: {  	s11 =	simm.s32 $0x9920;
	s7 =	simm.s32 $0x4B00  }
0x268: {  	[spmem:s2] =	stream.indirect.scatter.add.f32 [tilespmem:s11], [sflag:$0x3], $0x10, s7, s13, $0xb8;
	[tilespmem:$0x19640] =	vst v63  }
0x269: {  	s12 =	simm.s32 $0x9E20;
	s8 =	simm.s32 $0x4B50  }
0x26a: {  	[spmem:s2] =	stream.indirect.scatter.add.f32 [tilespmem:s12], [sflag:$0x3], $0x10, s8, s13, $0xb8;
	[tilespmem:$0x19640] =	vst v63  }
0x26b: {  	s31 =	simm.s32 $0xA320;
	s9 =	simm.s32 $0x4BA0  }
0x26c: {  	[spmem:s2] =	stream.indirect.scatter.add.f32 [tilespmem:s31], [sflag:$0x3], $0x10, s9, s13, $0xb8;
	[tilespmem:$0x19640] =	vst v63  }
0x26d: {  	s21 =	simm.s32 $0xA820;
	s10 =	simm.s32 $0x4BF0  }
0x26e: {  	[spmem:s2] =	stream.indirect.scatter.add.f32 [tilespmem:s21], [sflag:$0x3], $0x10, s10, s13, $0xb8;
	[tilespmem:$0x19640] =	vst v63  }
0x26f: {  	s23 =	simm.s32 $0xAD20;
	s11 =	simm.s32 $0x4C40  }
0x270: {  	[spmem:s2] =	stream.indirect.scatter.add.f32 [tilespmem:s23], [sflag:$0x3], $0x10, s11, s13, $0xb8;
	[tilespmem:$0x19640] =	vst v63  }
0x271: {  	s24 =	simm.s32 $0xB220;
	s12 =	simm.s32 $0x4C90  }
0x272: {  	[spmem:s2] =	stream.indirect.scatter.add.f32 [tilespmem:s24], [sflag:$0x3], $0x10, s12, s13, $0xb8;
	[tilespmem:$0x19640] =	vst v63  }
0x273: {  	s29 =	simm.s32 $0xB720;
	s16 =	simm.s32 $0x4CE0  }
0x274: {  	[spmem:s2] =	stream.indirect.scatter.add.f32 [tilespmem:s29], [sflag:$0x3], $0x10, s16, s13, $0xb8;
	[tilespmem:$0x19640] =	vst v63  }
0x275: {  	s17 =	simm.s32 $0xBC20;
	s18 =	simm.s32 $0x4D30  }
0x276: {  	[spmem:s2] =	stream.indirect.scatter.add.f32 [tilespmem:s17], [sflag:$0x3], $0x10, s18, s13, $0xb8;
	[tilespmem:$0x19640] =	vst v63  }
0x277: {  	s19 =	simm.s32 $0x4D80;
	s20 =	simm.s32 $0xC120  }
0x278: {  	[spmem:s2] =	stream.indirect.scatter.add.f32 [tilespmem:s20], [sflag:$0x3], $0x10, s19, s13, $0xb8;
	[tilespmem:$0x19640] =	vst v63  }
0x279: {  	s22 =	simm.s32 $0xC620;
	s21 =	simm.s32 $0x4DD0  }
0x27a: {  	[spmem:s2] =	stream.indirect.scatter.add.f32 [tilespmem:s22], [sflag:$0x3], $0x10, s21, s13, $0xb8;
	[tilespmem:$0x19640] =	vst v63  }
0x27b: {  	_ =	swait.ge [sflag:s3], $0x2710  }
0x27c: {  	[sflag:s3] =	ssyncset.done $0x0  }
0x27d: {  	[sflag:s3] =	ssyncadd.s32 $0xFFFFD8F0  }
0x27e: {  	_ =	swait.ge [sflag:s3], $0x2710  }
0x27f: {  	[sflag:s3] =	ssyncset.done $0x0  }
0x280: {  	[sflag:s3] =	ssyncadd.s32 $0xFFFFD8F0  }
0x281: {  	_ =	swait.ge [sflag:s3], $0x2710  }
0x282: {  	[sflag:s3] =	ssyncset.done $0x0  }
0x283: {  	[sflag:s3] =	ssyncadd.s32 $0xFFFFD8F0  }
0x284: {  	_ =	swait.ge [sflag:s3], $0x7D0  }
0x285: {  	[sflag:s3] =	ssyncset.done $0x0  }
0x286: {  	[sflag:s3] =	ssyncadd.s32 $0xFFFFF830  }
0x287: {  	[bflag:$0x0] =	sbarrier.arrive $0xFFFF  }
0x288: {  	s25 =	simm.s32 $0x5;
	s23 =	simm.s32 $0x14820;
	s24 =	rddreg [dreg:$0x4]  }
0x289: {  	[tilespmem:s23], [sflag:$0x5] =	stream.linear.gather [spmem:s24], $0x2710, $0x38;
	[tilespmem:$0x19640] =	vst v63  }
0x28a: {  	_ =	swait.ge [sflag:s25], $0x2710  }
0x28b: {  	[sflag:s25] =	ssyncset.done $0x0  }
0x28c: {  	s28 =	simm.s32 $0x0;
	s26 =	rddreg [dreg:$0x7];
	[sflag:s25] =	ssyncadd.s32 $0xFFFFD8F0  }
0x28d: {  	[hbm4b:s26+s28] =	stream.linear.scatter [tilespmem:s23], [sflag:$0x5], $0x2710, $0x38;
	[tilespmem:$0x19640] =	vst v63  }
0x28e: {  	_ =	swait.ge [sflag:s25], $0x2710  }
0x28f: {  	s29 =	rddreg [dreg:$0x9]  }
0x290: {  	s31 =	rddreg [dreg:$0x8];
	s1 =	sadd.s32 $0x1, s29  }
0x291: {  	p0 =	sne.s32 s1, s31  }
.Ltmp1:
0x292: {  	_ = 	snop;
	(pc) =	sbr.rel @p0 .LBB2_1-.Ltmp1, $3  }
0x293: {  	_ =	sdelay $0x1  }
0x294: {  	s30 =	simm.s32 $0x5;
	[sflag:s25] =	ssyncset.done $0x0  }
0x295: {  	[sflag:s30] =	ssyncadd.s32 $0xFFFFD8F0  }
0x296: {  	_ =	sfence.sel $0x180000  }
0x297: {  	[bflag:$0x0] =	sbarrier.arrive $0xFFFF  }
0x298: {  	_ =	strace $0x9000004D  }
0x299: {  	s0 =	stileid.u32;
	[bflag:$0x2] =	sbarrier.arrive $0xFFFF  }
0x29a: {  	p0 =	sne.s32 s0, $0x0;
	s0 =	rddreg [dreg:$0x3]  }
0x29b: {  	s0 =	sadd.s32 @!p0 $0x100000, s0  }
0x29c: {  	[sflag:s0] =	ssyncadd.tile.s32 @!p0 $0x1;
	_ =	shalt  }
.Lfunc_end2:
_tile_overlayer_lowered:
.L_overlay_start_2:
0x29d: {  	(tag) =	ssettag $0x2  }
0x29e: {  	s0 =	rddreg [dreg:$0x0];
	s2 =	stileid.u32  }
0x29f: {  	s1 =	rddreg [dreg:$0x1];
	p0 =	sne.s32 s2, $0x0  }
0x2a0: {  	s3 =	rddreg [dreg:$0x2];
	[bflag:$0x3] =	sbarrier.arrive $0xFFFF;
	s2 =	simm.s32 @!p0 $0x1C05  }
0x2a1: {  	[timem:s3], [sflag:s2] =	dma.local @!p0 [hbm:s0], s1  }
0x2a2: {  	s0 =	simm.s32 @!p0 $0x5  }
0x2a3: {  	_ =	swait.ge @!p0 [sflag:s0], s1  }
0x2a4: {  	s1 =	ssub.s32 @!p0 $0x0, s1;
	[sflag:s0] =	ssyncset.done @!p0 $0x0  }
0x2a5: {  	[sflag:s0] =	ssyncadd.s32 @!p0 s1  }
0x2a6: {  	[bflag:$0x3] =	sbarrier.arrive $0xFFFF  }
0x2a7: {  	_ =	shalt  }

// kernel: kernel.8.cloned.1.call-start
scs
__scs_entry_jumppad:
0x0: {  	(pc) =	sbr.rel $0x88, $3  }
0x1: {  	(tag) =	ssettag $0x0;
	lr =	simm.s32 $0x1  }
0x2: {  	[smem:$0x3F9B] =	sst lr;
	_ =	strace $0xD0000000  }
0x3: {  	_ = 	snop  }
0x4: {  	_ = 	snop  }
0x5: {  	_ = 	snop  }
0x6: {  	_ = 	snop  }
0x7: {  	_ = 	snop  }
__scs_overlays_trampoline_lowered:
0x8: {  	[smem:$0x3FAA] =	sst s0  }
0x9: {  	[smem:$0x3FAB] =	sst s1  }
0xa: {  	[smem:$0x3FAC] =	sst s2  }
0xb: {  	[smem:$0x3FAD] =	sst s3  }
0xc: {  	[smem:$0x3FAE] =	sst s4  }
0xd: {  	[smem:$0x3FAF] =	sst s5  }
0xe: {  	[smem:$0x3FB0] =	sst s6  }
0xf: {  	[smem:$0x3FB1] =	sst s7  }
0x10: {  	[smem:$0x3FB2] =	sst s8  }
0x11: {  	[smem:$0x3FB3] =	sst s9;
	s0 =	simm.s32 @!p0 $0x0  }
0x12: {  	s1 =	sld [smem:$0x3F99];
	s0 =	simm.s32 @p0 $0x1  }
0x13: {  	[smem:$0x3FB4] =	sst s0;
	s0 =	simm.s32 @!p1 $0x0  }
0x14: {  	s2 =	sld [smem:$0x3F98];
	s0 =	simm.s32 @p1 $0x1  }
0x15: {  	[smem:$0x3FB5] =	sst s0;
	s0 =	simm.s32 @!p2 $0x0  }
0x16: {  	s3 =	sld [smem:$0x3FDB];
	s0 =	simm.s32 @p2 $0x1  }
0x17: {  	s4 =	simm.s32 $0x1BF5;
	[smem:$0x3FB7] =	sst s0  }
0x18: {  	s0 =	sld [smem:$0x3F9A];
	_ =	swait.ge [sflag:s4], $0x0  }
0x19: {  	s7 =	sld [smem:$0x3F9B]  }
0x1a: {  	s8 =	sadd.s32 $0xFFFFE003, lr  }
0x1b: {  	s9 =	sadd.s32 $0xFFFFFEF7, lr;
	s5 =	simm.s32 $0xFFFFFFFF;
	p2 =	slt.u32 s8, $0xFFFFF086  }
0x1c: {  	p1 =	slt.u32 s9, $0xF7A;
	s5 =	simm.s32 @!p2 $0x0  }
0x1d: {  	s5 =	simm.s32 @p1 $0x1;
	p0 =	seq.s32 s7, s2  }
0x1e: {  	s7 =	smul.u32 @!p0 $0xF7A, s2;
	p2 =	seq.s32 @!p0 s5, $0x0  }
0x1f: {  	s9 =	smul.u32 $0xF7A, s1;
	s8 =	simm.s32 @!p0 $0x1BF5;
	p2 =	por !p2, p0  }
0x20: {  	[sflag:s8] =	ssyncset.s32 @!p0 $0xFFFFF086;
	s6 =	sadd.s32 @!p0 s3, s7;
	s7 =	simm.s32 @!p0 $0x108  }
0x21: {  	s3 =	sadd.s32 s3, s9;
	s6 =	sadd.s32 @!p0 $0x88, s6;
	s7 =	simm.s32 @p2 $0x1082  }
0x22: {  	[simem:s7], [sflag:s8] =	dma.local @!p0 [hbm:s6], $0xF7A  }
0x23: {  	s9 =	sor.u32 $0xD0000000, s2;
	s6 =	simm.s32 $0x108;
	_ =	swait.ge @!p0 [sflag:s8], $0x0  }
0x24: {  	s3 =	sadd.s32 $0x88, s3;
	s6 =	simm.s32 @!p1 $0x1082;
	[sflag:s4] =	ssyncset.s32 $0xFFFFF086  }
0x25: {  	[simem:s6], [sflag:s4] =	dma.local [hbm:s3], $0xF7A  }
0x26: {  	[smem:$0x3F9B] =	sst s1;
	(tag) =	ssettag s2;
	_ =	strace s9  }
0x27: {  	s1 =	sld [smem:$0x3FAB]  }
0x28: {  	s2 =	sld [smem:$0x3FAC]  }
0x29: {  	s4 =	sld [smem:$0x3FAE]  }
0x2a: {  	p0 =	seq.s32 s5, $0x0;
	s5 =	sld [smem:$0x3FAF]  }
0x2b: {  	s6 =	sld [smem:$0x3FB0]  }
0x2c: {  	s7 =	sld [smem:$0x3FB1]  }
0x2d: {  	s3 =	simm.s32 $0x108;
	s8 =	sld [smem:$0x3FB2]  }
0x2e: {  	s3 =	simm.s32 @!p0 $0x1082;
	s9 =	sld [smem:$0x3FB3]  }
0x2f: {  	lr =	sadd.s32 s0, s3;
	s0 =	sld [smem:$0x3FAA]  }
0x30: {  	s3 =	sld [smem:$0x3FAD]  }
0x31: {  	[smem:$0x3FB6] =	sst s10  }
0x32: {  	s10 =	sld [smem:$0x3FB4];
	_ =	sdelay $0x3  }
0x33: {  	p0 =	seq.s32 s10, $0x1;
	s10 =	sld [smem:$0x3FB6];
	_ =	sdelay $0x3  }
0x34: {  	[smem:$0x3FB6] =	sst s10  }
0x35: {  	s10 =	sld [smem:$0x3FB5];
	_ =	sdelay $0x3  }
0x36: {  	p1 =	seq.s32 s10, $0x1;
	s10 =	sld [smem:$0x3FB6];
	_ =	sdelay $0x3  }
0x37: {  	[smem:$0x3FB6] =	sst s10  }
0x38: {  	s10 =	sld [smem:$0x3FB7]  }
0x39: {  	_ = 	snop;
	(pc) =	sbr.ind lr, $3  }
0x3a: {  	_ = 	snop  }
0x3b: {  	_ = 	snop  }
0x3c: {  	p2 =	seq.s32 s10, $0x1;
	s10 =	sld [smem:$0x3FB6]  }
0x3d: {  	_ =	shalt  }
0x3e: {  	_ =	shalt  }
0x3f: {  	_ =	shalt  }
0x40: {  	_ =	shalt  }
0x41: {  	_ =	shalt  }
0x42: {  	_ =	shalt  }
0x43: {  	_ =	shalt  }
0x44: {  	_ =	shalt  }
0x45: {  	_ =	shalt  }
0x46: {  	_ =	shalt  }
0x47: {  	_ =	shalt  }
0x48: {  	_ =	shalt  }
0x49: {  	_ =	shalt  }
0x4a: {  	_ =	shalt  }
0x4b: {  	_ =	shalt  }
0x4c: {  	_ =	shalt  }
0x4d: {  	_ =	shalt  }
0x4e: {  	_ =	shalt  }
0x4f: {  	_ =	shalt  }
0x50: {  	_ =	shalt  }
0x51: {  	_ =	shalt  }
0x52: {  	_ =	shalt  }
0x53: {  	_ =	shalt  }
0x54: {  	_ =	shalt  }
0x55: {  	_ =	shalt  }
0x56: {  	_ =	shalt  }
0x57: {  	_ =	shalt  }
0x58: {  	_ =	shalt  }
0x59: {  	_ =	shalt  }
0x5a: {  	_ =	shalt  }
0x5b: {  	_ =	shalt  }
0x5c: {  	_ =	shalt  }
0x5d: {  	_ =	shalt  }
0x5e: {  	_ =	shalt  }
0x5f: {  	_ =	shalt  }
0x60: {  	_ =	shalt  }
0x61: {  	_ =	shalt  }
0x62: {  	_ =	shalt  }
0x63: {  	_ =	shalt  }
0x64: {  	_ =	shalt  }
0x65: {  	_ =	shalt  }
0x66: {  	_ =	shalt  }
0x67: {  	_ =	shalt  }
0x68: {  	_ =	shalt  }
0x69: {  	_ =	shalt  }
0x6a: {  	_ =	shalt  }
0x6b: {  	_ =	shalt  }
0x6c: {  	_ =	shalt  }
0x6d: {  	_ =	shalt  }
0x6e: {  	_ =	shalt  }
0x6f: {  	_ =	shalt  }
0x70: {  	_ =	shalt  }
0x71: {  	_ =	shalt  }
0x72: {  	_ =	shalt  }
0x73: {  	_ =	shalt  }
0x74: {  	_ =	shalt  }
0x75: {  	_ =	shalt  }
0x76: {  	_ =	shalt  }
0x77: {  	_ =	shalt  }
0x78: {  	_ =	shalt  }
0x79: {  	_ =	shalt  }
0x7a: {  	_ =	shalt  }
0x7b: {  	_ =	shalt  }
0x7c: {  	_ =	shalt  }
0x7d: {  	_ =	shalt  }
0x7e: {  	_ =	shalt  }
0x7f: {  	_ =	shalt  }
0x80: {  	_ =	shalt  }
0x81: {  	_ =	shalt  }
0x82: {  	_ =	shalt  }
0x83: {  	_ =	shalt  }
0x84: {  	_ =	shalt  }
0x85: {  	_ =	shalt  }
0x86: {  	_ =	shalt  }
0x87: {  	_ =	shalt  }
.Lfunc_end0:
.L_simem_size_0:
called_computation_lowered:
.L_overlay_start_0:
0x88: {  	s2 =	sld [smem:$0x3FD9]  }
0x89: {  	s3 =	sld [smem:$0x3FFE];
	_ =	sdelay $0x1  }
0x8a: {  	s1 =	srdreg.scid  }
0x8b: {  	s0 =	sand.u32 $0x1, s1  }
0x8c: {  	s16 =	sshll.u32 s0, $0xA;
	s2 =	sadd.s32 s3, s2  }
0x8d: {  	s2 =	sadd.s32 s2, s16  }
0x8e: {  	[smem:$0x3FC2] =	sst s2  }
0x8f: {  	_ = 	snop  }
0x90: {  	(tm) =	ssettm $0x1  }
0x91: {  	s17 =	sld [smem:$0x3FFB];
	_ =	sdelay $0x3  }
0x92: {  	_ =	strace s17  }
0x93: {  	s2 =	sld [smem:$0x3FFC];
	_ =	sdelay $0x3  }
0x94: {  	_ =	strace s2  }
0x95: {  	s2 =	sld [smem:$0x3FFD];
	_ =	sdelay $0x3  }
0x96: {  	_ =	strace s2  }
0x97: {  	_ =	strace $0x8FFFFFFF  }
0x98: {  	s18 =	sld [smem:$0x3FDB];
	_ =	sdelay $0x1  }
0x99: {  	s19 =	simm.s32 $_scs_section_size  }
0x9a: {  	s4 =	simm.s32 $_size__tile_overlayer_lowered;
	s5 =	simm.s32 $_tile_overlayer_lowered  }
0x9b: {  	s22 =	simm.s32 $0x1BFF;
	s21 =	sshll.u32 s5, $0x1;
	s2 =	sadd.s32 s19, s18  }
0x9c: {  	s6 =	simm.s32 $0x0;
	s20 =	sshll.u32 s4, $0x1;
	s4 =	sadd.s32 s21, s2  }
0x9d: {  	[timem:s6], [sflag:s22] =	dma.local [hbm:s4], s20  }
0x9e: {  	_ =	swait.ge [sflag:s22], s20  }
0x9f: {  	s3 =	ssub.s32 $0x0, s20;
	[sflag:s22] =	ssyncset.done $0x0  }
0xa0: {  	[sflag:s22] =	ssyncadd.s32 s3;
	_ =	sdelay $0x1  }
0xa1: {  	s23 =	simm.s32 $0x1B8B  }
0xa2: {  	_ =	swait.ge [sflag:s23], $0x1  }
0xa3: {  	[sflag:s23] =	ssyncset.done $0x0  }
0xa4: {  	s25 =	simm.s32 $0x1B8E;
	s24 =	sld [smem:$0x3FFE];
	[sflag:s23] =	ssyncadd.s32 $0xFFFFFFFF  }
0xa5: {  	s26 =	simm.s32 $execute0_lowered;
	[smem:$0x3FD2] =	sst s25  }
0xa6: {  	s4 =	sshll.u32 s26, $0x1;
	_ =	strace $0x80000046;
	[dreg:$0x1] =	wrdreg $0xFFFFFFFF  }
0xa7: {  	s28 =	simm.s32 $_size_execute0_lowered;
	s2 =	sadd.s32 s2, s4;
	[dreg:$0x0] =	wrdreg $0x0  }
0xa8: {  	s4 =	sshll.u32 s28, $0x1;
	[dreg:$0x2] =	wrdreg s2  }
0xa9: {  	[dreg:$0x3] =	wrdreg s4  }
0xaa: {  	[dreg:$0x4] =	wrdreg $0xC0  }
0xab: {  	_ =	task [dreg:s6], $0x5FFFF  }
0xac: {  	[dreg:$0x1] =	wrdreg $0xFFFFFFFF  }
0xad: {  	[dreg:$0x0] =	wrdreg $0x60  }
0xae: {  	[dreg:$0x2] =	wrdreg s24  }
0xaf: {  	[dreg:$0x3] =	wrdreg $0x29E00  }
0xb0: {  	[dreg:$0x4] =	wrdreg $0x9  }
0xb1: {  	_ =	task.clear_ibuf [dreg:s6], $0x5FFFF;
	_ =	strace $0x90000046  }
0xb2: {  	s29 =	simm.s32 $0x9;
	_ =	strace $0x80000048  }
0xb3: {  	_ =	swait.ge [sflag:s29], $0x1  }
0xb4: {  	[sflag:s29] =	ssyncadd.s32 $0xFFFFFFFF  }
0xb5: {  	_ =	strace $0x90000048  }
0xb6: {  	_ =	sfence  }
0xb7: {  	s30 =	sld [smem:$0x0];
	_ =	sdelay $0x2  }
0xb8: {  	s31 =	sshll.u32 s1, $0xD;
	s1 =	sshrl.u32 s1, $0x2  }
0xb9: {  	s3 =	sand.u32 $0x4000, s31;
	s1 =	sadd.s32 s1, s30  }
0xba: {  	s0 =	sor.u32 s3, s0;
	s1 =	sshll.u32 s1, $0x11  }
0xbb: {  	s0 =	sor.u32 s1, s0  }
0xbc: {  	s0 =	sadd.s32 $0x8F2B, s0  }
0xbd: {  	[sflag:s0] =	ssyncadd.remote.s32 $0x1  }
0xbe: {  	_ =	sfence.sel $0xFFFF  }
0xbf: {  	[dreg:$0x0] =	wrdreg $0xFFFFFFFF;
	(pc) =	sbr.abs _section_cstart, $3  }
0xc0: {  	[dreg:$0x1] =	wrdreg $0xFFFFFFFF  }
0xc1: {  	_ =	task.clear_ibuf [dreg:s6], $0x2FFFF;
	_ =	strace $0x9FFFFFFF  }
0xc2: {  	(tm) =	ssettm $0x7FFFFFFF  }
0xc3: {  	_ =	shalt  }
tec
execute0_lowered:
.L_overlay_start_1:
0x0: {  	(tag) =	ssettag $0x1  }
0x1: {  	s4 =	rddreg [dreg:$0x0]  }
0x2: {  	s2 =	rddreg [dreg:$0x1]  }
0x3: {  	s0 =	rddreg [dreg:$0x2];
	s3 =	srdreg.scid  }
0x4: {  	s1 =	stileid.u32;
	s10 =	simm.s32 $0x50;
	s11 =	simm.s32 $0x2710  }
0x5: {  	s12 =	simm.s32 $0x1;
	s5 =	sand.u32 $0x1, s3;
	s7 =	smul.u32 $0x280, s1  }
0x6: {  	s6 =	sshll.u32 s1, $0x1;
	s3 =	simm.s32 $0x0;
	s8 =	smul.u32 $0x2800, s5  }
0x7: {  	s13 =	simm.s32 $0x0;
	s6 =	sor.u32 s5, s6;
	[smem:$0x7FF] =	sst s3  }
0x8: {  	s5 =	ssub.s32 $0x2, s5;
	s6 =	smul.u32 $0x4E2, s6;
	s8 =	sadd.s32 s7, s8  }
0x9: {  	_ =	strace $0x80000047;
	s9 =	sshrl.u32 s5, $0x1;
	s8 =	sshrl.u32 s8, $0x3  }
0xa: {  	s9 =	ssub.s32 s5, s9;
	s6 =	sadd.s32 s6, s4;
	s8 =	sadd.s32 s8, s4  }
0xb: {  	s4 =	sadd.s32 s7, s2;
	s5 =	sadd.s32 $0x1800, s6;
	s7 =	smax.u32 s9, $0x1  }
0xc: {  	v0 =	vimm.f32 $0.0e+00;
	v1 =	vimm.f32 $1.000000000e+00;
	s9 =	simm.s32 $0x2;
	s6 =	sadd.s32 $0xB600, s8;
	s8 =	simm.s32 $0x2760  }
.LBB2_1:
0xd: {  	[tilespmem:$0x2760] =	vst v0  }
0xe: {  	[tilespmem:$0x2770] =	vst v0  }
0xf: {  	[tilespmem:$0x2780] =	vst v0  }
0x10: {  	[tilespmem:$0x2790] =	vst v0  }
0x11: {  	[tilespmem:$0x27A0] =	vst v0  }
0x12: {  	[tilespmem:$0x27B0] =	vst v0  }
0x13: {  	[tilespmem:$0x27C0] =	vst v0  }
0x14: {  	[tilespmem:$0x27D0] =	vst v0  }
0x15: {  	[tilespmem:$0x27E0] =	vst v0  }
0x16: {  	[tilespmem:$0x27F0] =	vst v0  }
0x17: {  	[tilespmem:$0x2800] =	vst v0  }
0x18: {  	[tilespmem:$0x2810] =	vst v0  }
0x19: {  	[tilespmem:$0x2820] =	vst v0  }
0x1a: {  	[tilespmem:$0x2830] =	vst v0  }
0x1b: {  	[tilespmem:$0x2840] =	vst v0  }
0x1c: {  	[tilespmem:$0x2850] =	vst v0  }
0x1d: {  	[tilespmem:$0x2860] =	vst v0  }
0x1e: {  	[tilespmem:$0x2870] =	vst v0  }
0x1f: {  	[tilespmem:$0x2880] =	vst v0  }
0x20: {  	[tilespmem:$0x2890] =	vst v0  }
0x21: {  	[tilespmem:$0x28A0] =	vst v0  }
0x22: {  	[tilespmem:$0x28B0] =	vst v0  }
0x23: {  	[tilespmem:$0x28C0] =	vst v0  }
0x24: {  	[tilespmem:$0x28D0] =	vst v0  }
0x25: {  	[tilespmem:$0x28E0] =	vst v0  }
0x26: {  	[tilespmem:$0x28F0] =	vst v0  }
0x27: {  	[tilespmem:$0x2900] =	vst v0  }
0x28: {  	[tilespmem:$0x2910] =	vst v0  }
0x29: {  	[tilespmem:$0x2920] =	vst v0  }
0x2a: {  	[tilespmem:$0x2930] =	vst v0  }
0x2b: {  	[tilespmem:$0x2940] =	vst v0  }
0x2c: {  	[tilespmem:$0x2950] =	vst v0  }
0x2d: {  	[tilespmem:$0x2960] =	vst v0  }
0x2e: {  	[tilespmem:$0x2970] =	vst v0  }
0x2f: {  	[tilespmem:$0x2980] =	vst v0  }
0x30: {  	[tilespmem:$0x2990] =	vst v0  }
0x31: {  	[tilespmem:$0x29A0] =	vst v0  }
0x32: {  	[tilespmem:$0x29B0] =	vst v0  }
0x33: {  	[tilespmem:$0x29C0] =	vst v0  }
0x34: {  	[tilespmem:$0x29D0] =	vst v0  }
0x35: {  	[tilespmem:$0x2710] =	vst v1  }
0x36: {  	[tilespmem:$0x2720] =	vst v1  }
0x37: {  	[tilespmem:$0x2730] =	vst v1  }
0x38: {  	[tilespmem:$0x2740] =	vst v1  }
0x39: {  	[tilespmem:$0x2750] =	vst v1  }
0x3a: {  	[spmem:s4] =	stream.linear.scatter [tilespmem:s8], [sflag:$0x2], $0x280, $0x38;
	[tilespmem:$0x2C60] =	vst v63  }
0x3b: {  	_ =	swait.ge [sflag:s9], $0x280  }
0x3c: {  	[sflag:s9] =	ssyncset.done $0x0  }
0x3d: {  	[sflag:s9] =	ssyncadd.s32 $0xFFFFFD80  }
0x3e: {  	[bflag:$0x0] =	sbarrier.arrive $0xFFFF  }
0x3f: {  	[tilespmem:s3], [sflag:$0x2] =	stream.linear.gather [hbm4b:s5+s3], $0x2710, $0x38;
	[tilespmem:$0x2C60] =	vst v63  }
0x40: {  	_ =	swait.ge [sflag:s9], $0x2710  }
0x41: {  	[sflag:s9] =	ssyncset.done $0x0  }
0x42: {  	s14 =	simm.s32 $0x140;
	s15 =	simm.s32 $0x0;
	[sflag:s9] =	ssyncadd.s32 $0xFFFFD8F0  }
.LBB2_2:
0x43: {  	[spmem:s2] =	stream.indirect.scatter.add.f32 [tilespmem:s11], [sflag:$0x1], $0x1, s15, s10, $0xb8;
	[tilespmem:$0x2C60] =	vst v63  }
0x44: {  	s15 =	smov.u32 s14;
	p0 =	sne.s32 s14, $0x9B00  }
.Ltmp0:
0x45: {  	s14 =	sadd.s32 $0x140, s14;
	(pc) =	sbr.rel @p0 .LBB2_2-.Ltmp0, $2  }
0x46: {  	_ =	sdelay $0x2  }
0x47: {  	s15 =	sshra.s32 s15, $0x2  }
0x48: {  	[spmem:s2] =	stream.indirect.scatter.add.f32 [tilespmem:s11], [sflag:$0x1], $0x1, s15, s10, $0xb8;
	[tilespmem:$0x2C60] =	vst v63  }
0x49: {  	_ =	swait.ge [sflag:s12], $0x280  }
0x4a: {  	[sflag:s12] =	ssyncset.done $0x0  }
0x4b: {  	[sflag:s12] =	ssyncadd.s32 $0xFFFFFD80  }
0x4c: {  	_ =	swait.ge [sflag:s12], $0x280  }
0x4d: {  	[sflag:s12] =	ssyncset.done $0x0  }
0x4e: {  	[sflag:s12] =	ssyncadd.s32 $0xFFFFFD80  }
0x4f: {  	_ =	swait.ge [sflag:s12], $0x280  }
0x50: {  	[sflag:s12] =	ssyncset.done $0x0  }
0x51: {  	[sflag:s12] =	ssyncadd.s32 $0xFFFFFD80  }
0x52: {  	_ =	swait.ge [sflag:s12], $0x280  }
0x53: {  	[sflag:s12] =	ssyncset.done $0x0  }
0x54: {  	[sflag:s12] =	ssyncadd.s32 $0xFFFFFD80  }
0x55: {  	_ =	swait.ge [sflag:s12], $0x280  }
0x56: {  	[sflag:s12] =	ssyncset.done $0x0  }
0x57: {  	[sflag:s12] =	ssyncadd.s32 $0xFFFFFD80  }
0x58: {  	_ =	swait.ge [sflag:s12], $0x280  }
0x59: {  	[sflag:s12] =	ssyncset.done $0x0  }
0x5a: {  	[sflag:s12] =	ssyncadd.s32 $0xFFFFFD80  }
0x5b: {  	_ =	swait.ge [sflag:s12], $0x280  }
0x5c: {  	[sflag:s12] =	ssyncset.done $0x0  }
0x5d: {  	[sflag:s12] =	ssyncadd.s32 $0xFFFFFD80  }
0x5e: {  	_ =	swait.ge [sflag:s12], $0x280  }
0x5f: {  	[sflag:s12] =	ssyncset.done $0x0  }
0x60: {  	[sflag:s12] =	ssyncadd.s32 $0xFFFFFD80  }
0x61: {  	_ =	swait.ge [sflag:s12], $0x280  }
0x62: {  	[sflag:s12] =	ssyncset.done $0x0  }
0x63: {  	[sflag:s12] =	ssyncadd.s32 $0xFFFFFD80  }
0x64: {  	_ =	swait.ge [sflag:s12], $0x280  }
0x65: {  	[sflag:s12] =	ssyncset.done $0x0  }
0x66: {  	[sflag:s12] =	ssyncadd.s32 $0xFFFFFD80  }
0x67: {  	_ =	swait.ge [sflag:s12], $0x280  }
0x68: {  	[sflag:s12] =	ssyncset.done $0x0  }
0x69: {  	[sflag:s12] =	ssyncadd.s32 $0xFFFFFD80  }
0x6a: {  	_ =	swait.ge [sflag:s12], $0x280  }
0x6b: {  	[sflag:s12] =	ssyncset.done $0x0  }
0x6c: {  	[sflag:s12] =	ssyncadd.s32 $0xFFFFFD80  }
0x6d: {  	_ =	swait.ge [sflag:s12], $0x280  }
0x6e: {  	[sflag:s12] =	ssyncset.done $0x0  }
0x6f: {  	[sflag:s12] =	ssyncadd.s32 $0xFFFFFD80  }
0x70: {  	_ =	swait.ge [sflag:s12], $0x280  }
0x71: {  	[sflag:s12] =	ssyncset.done $0x0  }
0x72: {  	[sflag:s12] =	ssyncadd.s32 $0xFFFFFD80  }
0x73: {  	_ =	swait.ge [sflag:s12], $0x280  }
0x74: {  	[sflag:s12] =	ssyncset.done $0x0  }
0x75: {  	[sflag:s12] =	ssyncadd.s32 $0xFFFFFD80  }
0x76: {  	_ =	swait.ge [sflag:s12], $0x190  }
0x77: {  	[sflag:s12] =	ssyncset.done $0x0  }
0x78: {  	[sflag:s12] =	ssyncadd.s32 $0xFFFFFE70  }
0x79: {  	[bflag:$0x0] =	sbarrier.arrive $0xFFFF  }
0x7a: {  	[tilespmem:s8], [sflag:$0x2] =	stream.linear.gather [spmem:s4], $0x280, $0x38;
	[tilespmem:$0x2C60] =	vst v63  }
0x7b: {  	s13 =	sadd.s32 $0x1, s13;
	_ =	swait.ge [sflag:s9], $0x280  }
0x7c: {  	p0 =	sne.s32 s13, s7;
	[sflag:s9] =	ssyncset.done $0x0  }
.Ltmp1:
0x7d: {  	[sflag:s9] =	ssyncadd.s32 $0xFFFFFD80;
	(pc) =	sbr.rel @p0 .LBB2_1-.Ltmp1, $4  }
0x7e: {  	[hbm4b:s6+s3] =	stream.linear.scatter [tilespmem:s8], [sflag:$0x2], $0x280, $0x38;
	[tilespmem:$0x2C60] =	vst v63  }
0x7f: {  	_ =	swait.ge [sflag:s9], $0x280  }
0x80: {  	[sflag:s9] =	ssyncset.done $0x0  }
0x81: {  	[sflag:s9] =	ssyncadd.s32 $0xFFFFFD80  }
0x82: {  	_ =	sfence.sel $0x180000  }
0x83: {  	[bflag:$0x0] =	sbarrier.arrive $0xFFFF  }
0x84: {  	p0 =	sne.s32 s1, $0x0;
	_ =	strace $0x90000047  }
0x85: {  	s0 =	sadd.s32 @!p0 $0x100000, s0;
	[bflag:$0x2] =	sbarrier.arrive $0xFFFF  }
0x86: {  	[sflag:s0] =	ssyncadd.tile.s32 @!p0 $0x1;
	_ =	shalt  }
.Lfunc_end2:
_tile_overlayer_lowered:
.L_overlay_start_2:
0x87: {  	(tag) =	ssettag $0x2  }
0x88: {  	s0 =	rddreg [dreg:$0x0];
	s2 =	stileid.u32  }
0x89: {  	s1 =	rddreg [dreg:$0x1];
	p0 =	sne.s32 s2, $0x0  }
0x8a: {  	s3 =	rddreg [dreg:$0x2];
	[bflag:$0x3] =	sbarrier.arrive $0xFFFF;
	s2 =	simm.s32 @!p0 $0x1C02  }
0x8b: {  	[timem:s3], [sflag:s2] =	dma.local @!p0 [hbm:s0], s1  }
0x8c: {  	s0 =	simm.s32 @!p0 $0x2  }
0x8d: {  	_ =	swait.ge @!p0 [sflag:s0], s1  }
0x8e: {  	s1 =	ssub.s32 @!p0 $0x0, s1;
	[sflag:s0] =	ssyncset.done @!p0 $0x0  }
0x8f: {  	[sflag:s0] =	ssyncadd.s32 @!p0 s1  }
0x90: {  	[bflag:$0x3] =	sbarrier.arrive $0xFFFF  }
0x91: {  	_ =	shalt  }

</sc_bundles>
